<compile_context>
chip_gen: v7x
topology: tpu7x:2x2x1
jax: 0.10.2.dev20260603
libtpu: 0.0.44.dev20260713+nightly
codegen_flags: <defaults>
</compile_context>

<pallas_src>
import functools

import jax
import jax.numpy as jnp
from jax import lax
from jax.experimental import pallas as pl
from jax.experimental.pallas import tpu as pltpu
from jax.experimental.pallas import tpu_sc as plsc

N = 10000
NP = 10240
E = 320000
D = 128
NC = 2
NS = 16
NW = NC * NS
EPT = E // NW
CH = 80
NCHUNK = EPT // CH
RPT = NP // NS
_f32 = jnp.float32
_i32 = jnp.int32

_MESH = plsc.VectorSubcoreMesh(
    core_axis_name="c", subcore_axis_name="s", num_cores=NC, num_subcores=NS
)




@functools.partial(
    pl.kernel,
    out_type=jax.ShapeDtypeStruct((NC, NP, D), _f32),
    mesh=_MESH,
    scratch_types=[
        pltpu.VMEM_SHARED((NP, D), _f32),
        pltpu.VMEM((NCHUNK, CH), _i32),
        pltpu.VMEM((2, CH), _i32),
        pltpu.VMEM((2, CH), _i32),
        pltpu.VMEM((CH, D), _f32),
        pltpu.VMEM((CH, D), _f32),
        pltpu.SemaphoreType.DMA,
    ],
)
def _prop_sc(t_hbm, pidx_hbm, out_hbm, acc, pidx, st0, st1, gb0, gb1, sm0):
    c = lax.axis_index("c")
    s = lax.axis_index("s")
    wid = c * NS + s

    def _zrow(i, carry):
        for j in range(D // 16):
            gb0[i, pl.ds(j * 16, 16)] = jnp.zeros((16,), _f32)
        return carry

    lax.fori_loop(0, CH, _zrow, 0)
    for r in range(RPT // CH):
        pltpu.sync_copy(gb0, acc.at[pl.ds(s * RPT + r * CH, CH)])
    pltpu.sync_copy(pidx_hbm.at[wid], pidx)
    plsc.subcore_barrier()

    def _unpack(k, st):
        for j in range(CH // 16):
            w = pidx[k, pl.ds(j * 16, 16)]
            st[0, pl.ds(j * 16, 16)] = w & jnp.int32(0xFFFF)
            st[1, pl.ds(j * 16, 16)] = lax.shift_right_logical(w, 16)

    def _issue(st, buf):
        pltpu.async_copy(t_hbm.at[st.at[0]], buf, sm0)

    def _drain(st, buf):
        pltpu.make_async_copy(t_hbm.at[st.at[0]], buf, sm0).wait()

    def _scat(st, buf):
        pltpu.sync_copy(buf, acc.at[st.at[1]], add=True)

    _unpack(0, st0)
    _issue(st0, gb0)

    def _pair(i, carry):
        _drain(st0, gb0)
        _unpack(2 * i + 1, st1)
        _issue(st1, gb1)
        _scat(st0, gb0)
        _drain(st1, gb1)
        _unpack(2 * i + 2, st0)
        _issue(st0, gb0)
        _scat(st1, gb1)
        return carry

    lax.fori_loop(0, (NCHUNK - 1) // 2, _pair, 0)
    _drain(st0, gb0)
    _scat(st0, gb0)
    plsc.subcore_barrier()
    pltpu.sync_copy(acc.at[pl.ds(s * RPT, RPT)], out_hbm.at[c, pl.ds(s * RPT, RPT)])


@functools.partial(
    pl.kernel,
    out_type=jax.ShapeDtypeStruct((NC, NP, D), _f32),
    mesh=_MESH,
    scratch_types=[
        pltpu.VMEM_SHARED((NP, D), _f32),
        pltpu.VMEM((NCHUNK, CH), _i32),
        pltpu.VMEM((CH, D), _f32),
    ],
)
def _deg_sc(col_hbm, out_hbm, acc, cidx, gbuf):
    c = lax.axis_index("c")
    s = lax.axis_index("s")
    wid = c * NS + s

    def _fill(val):
        def _row(i, carry):
            for j in range(D // 16):
                gbuf[i, pl.ds(j * 16, 16)] = jnp.full((16,), val, _f32)
            return carry
        lax.fori_loop(0, CH, _row, 0)

    _fill(0.0)
    for r in range(RPT // CH):
        pltpu.sync_copy(gbuf, acc.at[pl.ds(s * RPT + r * CH, CH)])
    _fill(1.0)
    pltpu.sync_copy(col_hbm.at[wid], cidx)
    plsc.subcore_barrier()

    def _edge_chunk(k, carry):
        pltpu.sync_copy(gbuf, acc.at[cidx.at[k]], add=True)
        return carry

    lax.fori_loop(0, NCHUNK, _edge_chunk, 0)
    plsc.subcore_barrier()
    pltpu.sync_copy(acc.at[pl.ds(s * RPT, RPT)], out_hbm.at[c, pl.ds(s * RPT, RPT)])




def _pre_body(p_ref, x_ref, t0_ref, dis_ref, dinv_ref):
    deg = 1.0 + p_ref[0, 0:N, 0:1] + p_ref[1, 0:N, 0:1]
    dis = lax.rsqrt(deg)
    dis_ref[...] = dis
    dinv_ref[...] = 1.0 / deg
    t0_ref[...] = x_ref[...] * dis


_pre_tc = pl.pallas_call(
    _pre_body,
    out_shape=(
        jax.ShapeDtypeStruct((N, D), _f32),
        jax.ShapeDtypeStruct((N, 1), _f32),
        jax.ShapeDtypeStruct((N, 1), _f32),
    ),
)


def _mid_body(p_ref, t_ref, dinv_ref, o_ref):
    o_ref[...] = dinv_ref[...] * (p_ref[0, 0:N] + p_ref[1, 0:N] + t_ref[...])


_mid_tc = pl.pallas_call(_mid_body, out_shape=jax.ShapeDtypeStruct((N, D), _f32))


def _mm_body(relu_scale, p_ref, t_ref, dis_ref, w_ref, b_ref, o_ref):
    u = dis_ref[...] * (p_ref[0, 0:N] + p_ref[1, 0:N] + t_ref[...])
    y = jnp.dot(u, w_ref[...], preferred_element_type=_f32) + b_ref[...]
    if relu_scale:
        o_ref[...] = dis_ref[...] * jnp.maximum(y, 0.0)
    else:
        o_ref[...] = y


_mm_relu_tc = pl.pallas_call(
    functools.partial(_mm_body, True), out_shape=jax.ShapeDtypeStruct((N, D), _f32)
)
_mm_plain_tc = pl.pallas_call(
    functools.partial(_mm_body, False), out_shape=jax.ShapeDtypeStruct((N, D), _f32)
)


def kernel(x, edge_index, W1, b1, W2, b2):
    row = edge_index[0].astype(_i32)
    col = edge_index[1].astype(_i32)
    col3 = col.reshape(NW, NCHUNK, CH)
    pidx3 = (row | (col << 16)).reshape(NW, NCHUNK, CH)
    degp = _deg_sc(col3)
    t0, dis, dinv = _pre_tc(degp, x)
    a = _prop_sc(t0, pidx3)
    t1 = _mid_tc(a, t0, dinv)
    a = _prop_sc(t1, pidx3)
    v0 = _mm_relu_tc(a, t1, dis, W1, b1.reshape(1, D))
    a = _prop_sc(v0, pidx3)
    v1 = _mid_tc(a, v0, dinv)
    a = _prop_sc(v1, pidx3)
    return _mm_plain_tc(a, v1, dis, W2, b2.reshape(1, D))

# --- scband reference (transcript-rebuilt; emitter-appended) ---
"""Pipeline reference for scband-sgc-7327214207518 (READ-ONLY COPY).

The authoritative reference and input builder live on the scoring server;
editing this copy changes nothing except your own understanding.
"""

import jax, jax.numpy as jnp
import numpy as np

N_NODES = 10000
N_EDGES = 320000
D_IN = 128
D_HID = 128
K = 2


def _gcn_norm(edge_index, num_nodes):
    # PyG gcn_norm with add_self_loops=True, fill_value=1.0
    row, col = edge_index[0], edge_index[1]
    loop = jnp.arange(num_nodes, dtype=edge_index.dtype)
    row = jnp.concatenate([row, loop])
    col = jnp.concatenate([col, loop])
    edge_weight = jnp.ones(row.shape[0], dtype=jnp.float32)
    deg = jnp.zeros(num_nodes, dtype=jnp.float32).at[col].add(edge_weight)
    deg_inv_sqrt = jnp.where(deg > 0, deg ** -0.5, 0.0)
    norm = deg_inv_sqrt[row] * edge_weight * deg_inv_sqrt[col]
    return row, col, norm


def _sgconv(x, row, col, norm, W, b, K):
    # x_out = (D^-1/2 (A+I) D^-1/2)^K x, then linear
    num_nodes = x.shape[0]
    for _ in range(K):
        msg = norm[:, None] * x[row]
        x = jnp.zeros_like(x).at[col].add(msg)
    return x @ W + b


def setup_inputs(seed: int = 0) -> dict:
    key = jax.random.key(seed)
    k1, k2, k3, k4, k5 = jax.random.split(key, 5)
    x = jax.random.normal(k1, (N_NODES, D_IN), dtype=jnp.float32)
    edge_index = jax.random.randint(k2, (2, N_EDGES), 0, N_NODES, dtype=jnp.int64)
    W1 = jax.random.normal(k3, (D_IN, D_HID), dtype=jnp.float32) * (1.0 / np.sqrt(D_IN))
    b1 = jnp.zeros((D_HID,), dtype=jnp.float32)
    W2 = jax.random.normal(k4, (D_HID, D_HID), dtype=jnp.float32) * (1.0 / np.sqrt(D_HID))
    b2 = jnp.zeros((D_HID,), dtype=jnp.float32)
    return {"x": x, "edge_index": edge_index, "W1": W1, "b1": b1, "W2": W2, "b2": b2}


def reference(x, edge_index, W1, b1, W2, b2):
    row, col, norm = _gcn_norm(edge_index, x.shape[0])
    h = _sgconv(x, row, col, norm, W1, b1, K)
    h = jax.nn.relu(h)
    h = _sgconv(h, row, col, norm, W2, b2, K)
    return h

if __name__ == "__main__":
    import jax
    _d = setup_inputs()
    print(jax.jit(kernel)(*tuple(_d.values())))

</pallas_src>

<mosaic_0001>
#map = affine_map<(d0, d1) -> (0, 0, 0)>
module attributes {stable_mosaic.version = 14 : i64} {
  func.func @_deg_sc(%arg0: i32, %arg1: i32, %arg2: memref<32x125x80xi32, #tpu.memory_space<hbm>>, %arg3: memref<2x10240x128xf32, #tpu.memory_space<hbm>>, %arg4: memref<10240x128xf32, #tpu.memory_space<vmem_shared>>, %arg5: memref<125x80xi32, #tpu.memory_space<vmem>>, %arg6: memref<80x128xf32, #tpu.memory_space<vmem>>) attributes {dimension_semantics = [#tpu.dimension_semantics<core_parallel>, #tpu.dimension_semantics<subcore_parallel>], iteration_bounds = array<i64: 2, 16>, scalar_prefetch = 0 : i64, scratch_operands = 3 : i64, tpu.core_type = #tpu.core_type<sc_vector_subcore>, window_params = [{transform_indices = #map}, {transform_indices = #map}]} {
    %mul3A = arith.constant 16 : i32
    %mul3A_0 = arith.muli %arg0, %mul3A : i32
    %add3A = arith.addi %mul3A_0, %arg1 : i32
    %scan3A = arith.constant 0 : i32
    %scan3A_1 = arith.constant 0 : i32
    %scan3A_2 = arith.constant 80 : i32
    %scan3A_3 = arith.addi %scan3A_1, %scan3A_2 : i32
    %scan3A_4 = arith.constant 1 : i32
    scf.for %scan3A_55 = %scan3A_1 to %scan3A_3 step %scan3A_4  : i32 {
      %broadcast_in_dim3A = arith.constant 0.000000e+00 : f32
      %broadcast_in_dim3A_56 = vector.broadcast %broadcast_in_dim3A : f32 to vector<16xf32>
      %swap3A = arith.index_cast %scan3A_55 : i32 to index
      %swap3A_57 = arith.constant 0 : index
      %swap3A_58 = tpu.vector_load %arg6[%swap3A, %swap3A_57] {strides = array<i32>} : memref<80x128xf32, #tpu.memory_space<vmem>>, vector<1x16xf32>,
      %swap3A_59 = vector.shape_cast %swap3A_58 : vector<1x16xf32> to vector<16xf32>
      %swap3A_60 = vector.shape_cast %broadcast_in_dim3A_56 : vector<16xf32> to vector<1x16xf32>
      tpu.vector_store %arg6[%swap3A, %swap3A_57], %swap3A_60 {strides = array<i32>} : memref<80x128xf32, #tpu.memory_space<vmem>>, vector<1x16xf32>,
      %broadcast_in_dim3A_61 = arith.constant 0.000000e+00 : f32
      %broadcast_in_dim3A_62 = vector.broadcast %broadcast_in_dim3A_61 : f32 to vector<16xf32>
      %swap3A_63 = arith.index_cast %scan3A_55 : i32 to index
      %swap3A_64 = arith.constant 16 : index
      %swap3A_65 = tpu.vector_load %arg6[%swap3A_63, %swap3A_64] {strides = array<i32>} : memref<80x128xf32, #tpu.memory_space<vmem>>, vector<1x16xf32>,
      %swap3A_66 = vector.shape_cast %swap3A_65 : vector<1x16xf32> to vector<16xf32>
      %swap3A_67 = vector.shape_cast %broadcast_in_dim3A_62 : vector<16xf32> to vector<1x16xf32>
      tpu.vector_store %arg6[%swap3A_63, %swap3A_64], %swap3A_67 {strides = array<i32>} : memref<80x128xf32, #tpu.memory_space<vmem>>, vector<1x16xf32>,
      %broadcast_in_dim3A_68 = arith.constant 0.000000e+00 : f32
      %broadcast_in_dim3A_69 = vector.broadcast %broadcast_in_dim3A_68 : f32 to vector<16xf32>
      %swap3A_70 = arith.index_cast %scan3A_55 : i32 to index
      %swap3A_71 = arith.constant 32 : index
      %swap3A_72 = tpu.vector_load %arg6[%swap3A_70, %swap3A_71] {strides = array<i32>} : memref<80x128xf32, #tpu.memory_space<vmem>>, vector<1x16xf32>,
      %swap3A_73 = vector.shape_cast %swap3A_72 : vector<1x16xf32> to vector<16xf32>
      %swap3A_74 = vector.shape_cast %broadcast_in_dim3A_69 : vector<16xf32> to vector<1x16xf32>
      tpu.vector_store %arg6[%swap3A_70, %swap3A_71], %swap3A_74 {strides = array<i32>} : memref<80x128xf32, #tpu.memory_space<vmem>>, vector<1x16xf32>,
      %broadcast_in_dim3A_75 = arith.constant 0.000000e+00 : f32
      %broadcast_in_dim3A_76 = vector.broadcast %broadcast_in_dim3A_75 : f32 to vector<16xf32>
      %swap3A_77 = arith.index_cast %scan3A_55 : i32 to index
      %swap3A_78 = arith.constant 48 : index
      %swap3A_79 = tpu.vector_load %arg6[%swap3A_77, %swap3A_78] {strides = array<i32>} : memref<80x128xf32, #tpu.memory_space<vmem>>, vector<1x16xf32>,
      %swap3A_80 = vector.shape_cast %swap3A_79 : vector<1x16xf32> to vector<16xf32>
      %swap3A_81 = vector.shape_cast %broadcast_in_dim3A_76 : vector<16xf32> to vector<1x16xf32>
      tpu.vector_store %arg6[%swap3A_77, %swap3A_78], %swap3A_81 {strides = array<i32>} : memref<80x128xf32, #tpu.memory_space<vmem>>, vector<1x16xf32>,
      %broadcast_in_dim3A_82 = arith.constant 0.000000e+00 : f32
      %broadcast_in_dim3A_83 = vector.broadcast %broadcast_in_dim3A_82 : f32 to vector<16xf32>
      %swap3A_84 = arith.index_cast %scan3A_55 : i32 to index
      %swap3A_85 = arith.constant 64 : index
      %swap3A_86 = tpu.vector_load %arg6[%swap3A_84, %swap3A_85] {strides = array<i32>} : memref<80x128xf32, #tpu.memory_space<vmem>>, vector<1x16xf32>,
      %swap3A_87 = vector.shape_cast %swap3A_86 : vector<1x16xf32> to vector<16xf32>
      %swap3A_88 = vector.shape_cast %broadcast_in_dim3A_83 : vector<16xf32> to vector<1x16xf32>
      tpu.vector_store %arg6[%swap3A_84, %swap3A_85], %swap3A_88 {strides = array<i32>} : memref<80x128xf32, #tpu.memory_space<vmem>>, vector<1x16xf32>,
      %broadcast_in_dim3A_89 = arith.constant 0.000000e+00 : f32
      %broadcast_in_dim3A_90 = vector.broadcast %broadcast_in_dim3A_89 : f32 to vector<16xf32>
      %swap3A_91 = arith.index_cast %scan3A_55 : i32 to index
      %swap3A_92 = arith.constant 80 : index
      %swap3A_93 = tpu.vector_load %arg6[%swap3A_91, %swap3A_92] {strides = array<i32>} : memref<80x128xf32, #tpu.memory_space<vmem>>, vector<1x16xf32>,
      %swap3A_94 = vector.shape_cast %swap3A_93 : vector<1x16xf32> to vector<16xf32>
      %swap3A_95 = vector.shape_cast %broadcast_in_dim3A_90 : vector<16xf32> to vector<1x16xf32>
      tpu.vector_store %arg6[%swap3A_91, %swap3A_92], %swap3A_95 {strides = array<i32>} : memref<80x128xf32, #tpu.memory_space<vmem>>, vector<1x16xf32>,
      %broadcast_in_dim3A_96 = arith.constant 0.000000e+00 : f32
      %broadcast_in_dim3A_97 = vector.broadcast %broadcast_in_dim3A_96 : f32 to vector<16xf32>
      %swap3A_98 = arith.index_cast %scan3A_55 : i32 to index
      %swap3A_99 = arith.constant 96 : index
      %swap3A_100 = tpu.vector_load %arg6[%swap3A_98, %swap3A_99] {strides = array<i32>} : memref<80x128xf32, #tpu.memory_space<vmem>>, vector<1x16xf32>,
      %swap3A_101 = vector.shape_cast %swap3A_100 : vector<1x16xf32> to vector<16xf32>
      %swap3A_102 = vector.shape_cast %broadcast_in_dim3A_97 : vector<16xf32> to vector<1x16xf32>
      tpu.vector_store %arg6[%swap3A_98, %swap3A_99], %swap3A_102 {strides = array<i32>} : memref<80x128xf32, #tpu.memory_space<vmem>>, vector<1x16xf32>,
      %broadcast_in_dim3A_103 = arith.constant 0.000000e+00 : f32
      %broadcast_in_dim3A_104 = vector.broadcast %broadcast_in_dim3A_103 : f32 to vector<16xf32>
      %swap3A_105 = arith.index_cast %scan3A_55 : i32 to index
      %swap3A_106 = arith.constant 112 : index
      %swap3A_107 = tpu.vector_load %arg6[%swap3A_105, %swap3A_106] {strides = array<i32>} : memref<80x128xf32, #tpu.memory_space<vmem>>, vector<1x16xf32>,
      %swap3A_108 = vector.shape_cast %swap3A_107 : vector<1x16xf32> to vector<16xf32>
      %swap3A_109 = vector.shape_cast %broadcast_in_dim3A_104 : vector<16xf32> to vector<1x16xf32>
      tpu.vector_store %arg6[%swap3A_105, %swap3A_106], %swap3A_109 {strides = array<i32>} : memref<80x128xf32, #tpu.memory_space<vmem>>, vector<1x16xf32>,
    }
    %scan3A_5 = arith.constant 80 : i32
    %mul3A_6 = arith.constant 640 : i32
    %mul3A_7 = arith.muli %arg1, %mul3A_6 : i32
    %add3A_8 = arith.constant 0 : i32
    %add3A_9 = arith.addi %mul3A_7, %add3A_8 : i32
    "tpu.region"() ({
      %run_scoped3A = tpu.sem_alloc : memref<!tpu.dma_semaphore, #tpu.memory_space<semaphore_mem>>
      %dma_start3A = arith.constant 0 : i32
      %dma_start3A_55 = tpu.memref_slice %arg4[%add3A_9, %dma_start3A] : memref<10240x128xf32, #tpu.memory_space<vmem_shared>> -> memref<80x128xf32, #tpu.memory_space<vmem_shared>>
      %dma_start3A_56 = arith.constant 0 : i32
      %dma_start3A_57 = tpu.memref_slice %arg4[%add3A_9, %dma_start3A_56] : memref<10240x128xf32, #tpu.memory_space<vmem_shared>> -> memref<80x128xf32, #tpu.memory_space<vmem_shared>>
      tpu.enqueue_dma source(%arg6 : memref<80x128xf32, #tpu.memory_space<vmem>>) target(%dma_start3A_57 : memref<80x128xf32, #tpu.memory_space<vmem_shared>>) target_semaphore(%run_scoped3A : memref<!tpu.dma_semaphore, #tpu.memory_space<semaphore_mem>>)
      %dma_wait3A = arith.constant 0 : i32
      %dma_wait3A_58 = tpu.memref_slice %arg4[%add3A_9, %dma_wait3A] : memref<10240x128xf32, #tpu.memory_space<vmem_shared>> -> memref<80x128xf32, #tpu.memory_space<vmem_shared>>
      %dma_wait3A_59 = arith.constant 0 : i32
      %dma_wait3A_60 = tpu.memref_slice %arg4[%add3A_9, %dma_wait3A_59] : memref<10240x128xf32, #tpu.memory_space<vmem_shared>> -> memref<80x128xf32, #tpu.memory_space<vmem_shared>>
      tpu.wait_dma2 semaphore(%run_scoped3A : memref<!tpu.dma_semaphore, #tpu.memory_space<semaphore_mem>>) src(%arg6 : memref<80x128xf32, #tpu.memory_space<vmem>>) dst(%dma_wait3A_60 : memref<80x128xf32, #tpu.memory_space<vmem_shared>>)
      tpu.yield
    }) : () -> ()
    %mul3A_10 = arith.constant 640 : i32
    %mul3A_11 = arith.muli %arg1, %mul3A_10 : i32
    %add3A_12 = arith.constant 80 : i32
    %add3A_13 = arith.addi %mul3A_11, %add3A_12 : i32
    "tpu.region"() ({
      %run_scoped3A = tpu.sem_alloc : memref<!tpu.dma_semaphore, #tpu.memory_space<semaphore_mem>>
      %dma_start3A = arith.constant 0 : i32
      %dma_start3A_55 = tpu.memref_slice %arg4[%add3A_13, %dma_start3A] : memref<10240x128xf32, #tpu.memory_space<vmem_shared>> -> memref<80x128xf32, #tpu.memory_space<vmem_shared>>
      %dma_start3A_56 = arith.constant 0 : i32
      %dma_start3A_57 = tpu.memref_slice %arg4[%add3A_13, %dma_start3A_56] : memref<10240x128xf32, #tpu.memory_space<vmem_shared>> -> memref<80x128xf32, #tpu.memory_space<vmem_shared>>
      tpu.enqueue_dma source(%arg6 : memref<80x128xf32, #tpu.memory_space<vmem>>) target(%dma_start3A_57 : memref<80x128xf32, #tpu.memory_space<vmem_shared>>) target_semaphore(%run_scoped3A : memref<!tpu.dma_semaphore, #tpu.memory_space<semaphore_mem>>)
      %dma_wait3A = arith.constant 0 : i32
      %dma_wait3A_58 = tpu.memref_slice %arg4[%add3A_13, %dma_wait3A] : memref<10240x128xf32, #tpu.memory_space<vmem_shared>> -> memref<80x128xf32, #tpu.memory_space<vmem_shared>>
      %dma_wait3A_59 = arith.constant 0 : i32
      %dma_wait3A_60 = tpu.memref_slice %arg4[%add3A_13, %dma_wait3A_59] : memref<10240x128xf32, #tpu.memory_space<vmem_shared>> -> memref<80x128xf32, #tpu.memory_space<vmem_shared>>
      tpu.wait_dma2 semaphore(%run_scoped3A : memref<!tpu.dma_semaphore, #tpu.memory_space<semaphore_mem>>) src(%arg6 : memref<80x128xf32, #tpu.memory_space<vmem>>) dst(%dma_wait3A_60 : memref<80x128xf32, #tpu.memory_space<vmem_shared>>)
      tpu.yield
    }) : () -> ()
    %mul3A_14 = arith.constant 640 : i32
    %mul3A_15 = arith.muli %arg1, %mul3A_14 : i32
    %add3A_16 = arith.constant 160 : i32
    %add3A_17 = arith.addi %mul3A_15, %add3A_16 : i32
    "tpu.region"() ({
      %run_scoped3A = tpu.sem_alloc : memref<!tpu.dma_semaphore, #tpu.memory_space<semaphore_mem>>
      %dma_start3A = arith.constant 0 : i32
      %dma_start3A_55 = tpu.memref_slice %arg4[%add3A_17, %dma_start3A] : memref<10240x128xf32, #tpu.memory_space<vmem_shared>> -> memref<80x128xf32, #tpu.memory_space<vmem_shared>>
      %dma_start3A_56 = arith.constant 0 : i32
      %dma_start3A_57 = tpu.memref_slice %arg4[%add3A_17, %dma_start3A_56] : memref<10240x128xf32, #tpu.memory_space<vmem_shared>> -> memref<80x128xf32, #tpu.memory_space<vmem_shared>>
      tpu.enqueue_dma source(%arg6 : memref<80x128xf32, #tpu.memory_space<vmem>>) target(%dma_start3A_57 : memref<80x128xf32, #tpu.memory_space<vmem_shared>>) target_semaphore(%run_scoped3A : memref<!tpu.dma_semaphore, #tpu.memory_space<semaphore_mem>>)
      %dma_wait3A = arith.constant 0 : i32
      %dma_wait3A_58 = tpu.memref_slice %arg4[%add3A_17, %dma_wait3A] : memref<10240x128xf32, #tpu.memory_space<vmem_shared>> -> memref<80x128xf32, #tpu.memory_space<vmem_shared>>
      %dma_wait3A_59 = arith.constant 0 : i32
      %dma_wait3A_60 = tpu.memref_slice %arg4[%add3A_17, %dma_wait3A_59] : memref<10240x128xf32, #tpu.memory_space<vmem_shared>> -> memref<80x128xf32, #tpu.memory_space<vmem_shared>>
      tpu.wait_dma2 semaphore(%run_scoped3A : memref<!tpu.dma_semaphore, #tpu.memory_space<semaphore_mem>>) src(%arg6 : memref<80x128xf32, #tpu.memory_space<vmem>>) dst(%dma_wait3A_60 : memref<80x128xf32, #tpu.memory_space<vmem_shared>>)
      tpu.yield
    }) : () -> ()
    %mul3A_18 = arith.constant 640 : i32
    %mul3A_19 = arith.muli %arg1, %mul3A_18 : i32
    %add3A_20 = arith.constant 240 : i32
    %add3A_21 = arith.addi %mul3A_19, %add3A_20 : i32
    "tpu.region"() ({
      %run_scoped3A = tpu.sem_alloc : memref<!tpu.dma_semaphore, #tpu.memory_space<semaphore_mem>>
      %dma_start3A = arith.constant 0 : i32
      %dma_start3A_55 = tpu.memref_slice %arg4[%add3A_21, %dma_start3A] : memref<10240x128xf32, #tpu.memory_space<vmem_shared>> -> memref<80x128xf32, #tpu.memory_space<vmem_shared>>
      %dma_start3A_56 = arith.constant 0 : i32
      %dma_start3A_57 = tpu.memref_slice %arg4[%add3A_21, %dma_start3A_56] : memref<10240x128xf32, #tpu.memory_space<vmem_shared>> -> memref<80x128xf32, #tpu.memory_space<vmem_shared>>
      tpu.enqueue_dma source(%arg6 : memref<80x128xf32, #tpu.memory_space<vmem>>) target(%dma_start3A_57 : memref<80x128xf32, #tpu.memory_space<vmem_shared>>) target_semaphore(%run_scoped3A : memref<!tpu.dma_semaphore, #tpu.memory_space<semaphore_mem>>)
      %dma_wait3A = arith.constant 0 : i32
      %dma_wait3A_58 = tpu.memref_slice %arg4[%add3A_21, %dma_wait3A] : memref<10240x128xf32, #tpu.memory_space<vmem_shared>> -> memref<80x128xf32, #tpu.memory_space<vmem_shared>>
      %dma_wait3A_59 = arith.constant 0 : i32
      %dma_wait3A_60 = tpu.memref_slice %arg4[%add3A_21, %dma_wait3A_59] : memref<10240x128xf32, #tpu.memory_space<vmem_shared>> -> memref<80x128xf32, #tpu.memory_space<vmem_shared>>
      tpu.wait_dma2 semaphore(%run_scoped3A : memref<!tpu.dma_semaphore, #tpu.memory_space<semaphore_mem>>) src(%arg6 : memref<80x128xf32, #tpu.memory_space<vmem>>) dst(%dma_wait3A_60 : memref<80x128xf32, #tpu.memory_space<vmem_shared>>)
      tpu.yield
    }) : () -> ()
    %mul3A_22 = arith.constant 640 : i32
    %mul3A_23 = arith.muli %arg1, %mul3A_22 : i32
    %add3A_24 = arith.constant 320 : i32
    %add3A_25 = arith.addi %mul3A_23, %add3A_24 : i32
    "tpu.region"() ({
      %run_scoped3A = tpu.sem_alloc : memref<!tpu.dma_semaphore, #tpu.memory_space<semaphore_mem>>
      %dma_start3A = arith.constant 0 : i32
      %dma_start3A_55 = tpu.memref_slice %arg4[%add3A_25, %dma_start3A] : memref<10240x128xf32, #tpu.memory_space<vmem_shared>> -> memref<80x128xf32, #tpu.memory_space<vmem_shared>>
      %dma_start3A_56 = arith.constant 0 : i32
      %dma_start3A_57 = tpu.memref_slice %arg4[%add3A_25, %dma_start3A_56] : memref<10240x128xf32, #tpu.memory_space<vmem_shared>> -> memref<80x128xf32, #tpu.memory_space<vmem_shared>>
      tpu.enqueue_dma source(%arg6 : memref<80x128xf32, #tpu.memory_space<vmem>>) target(%dma_start3A_57 : memref<80x128xf32, #tpu.memory_space<vmem_shared>>) target_semaphore(%run_scoped3A : memref<!tpu.dma_semaphore, #tpu.memory_space<semaphore_mem>>)
      %dma_wait3A = arith.constant 0 : i32
      %dma_wait3A_58 = tpu.memref_slice %arg4[%add3A_25, %dma_wait3A] : memref<10240x128xf32, #tpu.memory_space<vmem_shared>> -> memref<80x128xf32, #tpu.memory_space<vmem_shared>>
      %dma_wait3A_59 = arith.constant 0 : i32
      %dma_wait3A_60 = tpu.memref_slice %arg4[%add3A_25, %dma_wait3A_59] : memref<10240x128xf32, #tpu.memory_space<vmem_shared>> -> memref<80x128xf32, #tpu.memory_space<vmem_shared>>
      tpu.wait_dma2 semaphore(%run_scoped3A : memref<!tpu.dma_semaphore, #tpu.memory_space<semaphore_mem>>) src(%arg6 : memref<80x128xf32, #tpu.memory_space<vmem>>) dst(%dma_wait3A_60 : memref<80x128xf32, #tpu.memory_space<vmem_shared>>)
      tpu.yield
    }) : () -> ()
    %mul3A_26 = arith.constant 640 : i32
    %mul3A_27 = arith.muli %arg1, %mul3A_26 : i32
    %add3A_28 = arith.constant 400 : i32
    %add3A_29 = arith.addi %mul3A_27, %add3A_28 : i32
    "tpu.region"() ({
      %run_scoped3A = tpu.sem_alloc : memref<!tpu.dma_semaphore, #tpu.memory_space<semaphore_mem>>
      %dma_start3A = arith.constant 0 : i32
      %dma_start3A_55 = tpu.memref_slice %arg4[%add3A_29, %dma_start3A] : memref<10240x128xf32, #tpu.memory_space<vmem_shared>> -> memref<80x128xf32, #tpu.memory_space<vmem_shared>>
      %dma_start3A_56 = arith.constant 0 : i32
      %dma_start3A_57 = tpu.memref_slice %arg4[%add3A_29, %dma_start3A_56] : memref<10240x128xf32, #tpu.memory_space<vmem_shared>> -> memref<80x128xf32, #tpu.memory_space<vmem_shared>>
      tpu.enqueue_dma source(%arg6 : memref<80x128xf32, #tpu.memory_space<vmem>>) target(%dma_start3A_57 : memref<80x128xf32, #tpu.memory_space<vmem_shared>>) target_semaphore(%run_scoped3A : memref<!tpu.dma_semaphore, #tpu.memory_space<semaphore_mem>>)
      %dma_wait3A = arith.constant 0 : i32
      %dma_wait3A_58 = tpu.memref_slice %arg4[%add3A_29, %dma_wait3A] : memref<10240x128xf32, #tpu.memory_space<vmem_shared>> -> memref<80x128xf32, #tpu.memory_space<vmem_shared>>
      %dma_wait3A_59 = arith.constant 0 : i32
      %dma_wait3A_60 = tpu.memref_slice %arg4[%add3A_29, %dma_wait3A_59] : memref<10240x128xf32, #tpu.memory_space<vmem_shared>> -> memref<80x128xf32, #tpu.memory_space<vmem_shared>>
      tpu.wait_dma2 semaphore(%run_scoped3A : memref<!tpu.dma_semaphore, #tpu.memory_space<semaphore_mem>>) src(%arg6 : memref<80x128xf32, #tpu.memory_space<vmem>>) dst(%dma_wait3A_60 : memref<80x128xf32, #tpu.memory_space<vmem_shared>>)
      tpu.yield
    }) : () -> ()
    %mul3A_30 = arith.constant 640 : i32
    %mul3A_31 = arith.muli %arg1, %mul3A_30 : i32
    %add3A_32 = arith.constant 480 : i32
    %add3A_33 = arith.addi %mul3A_31, %add3A_32 : i32
    "tpu.region"() ({
      %run_scoped3A = tpu.sem_alloc : memref<!tpu.dma_semaphore, #tpu.memory_space<semaphore_mem>>
      %dma_start3A = arith.constant 0 : i32
      %dma_start3A_55 = tpu.memref_slice %arg4[%add3A_33, %dma_start3A] : memref<10240x128xf32, #tpu.memory_space<vmem_shared>> -> memref<80x128xf32, #tpu.memory_space<vmem_shared>>
      %dma_start3A_56 = arith.constant 0 : i32
      %dma_start3A_57 = tpu.memref_slice %arg4[%add3A_33, %dma_start3A_56] : memref<10240x128xf32, #tpu.memory_space<vmem_shared>> -> memref<80x128xf32, #tpu.memory_space<vmem_shared>>
      tpu.enqueue_dma source(%arg6 : memref<80x128xf32, #tpu.memory_space<vmem>>) target(%dma_start3A_57 : memref<80x128xf32, #tpu.memory_space<vmem_shared>>) target_semaphore(%run_scoped3A : memref<!tpu.dma_semaphore, #tpu.memory_space<semaphore_mem>>)
      %dma_wait3A = arith.constant 0 : i32
      %dma_wait3A_58 = tpu.memref_slice %arg4[%add3A_33, %dma_wait3A] : memref<10240x128xf32, #tpu.memory_space<vmem_shared>> -> memref<80x128xf32, #tpu.memory_space<vmem_shared>>
      %dma_wait3A_59 = arith.constant 0 : i32
      %dma_wait3A_60 = tpu.memref_slice %arg4[%add3A_33, %dma_wait3A_59] : memref<10240x128xf32, #tpu.memory_space<vmem_shared>> -> memref<80x128xf32, #tpu.memory_space<vmem_shared>>
      tpu.wait_dma2 semaphore(%run_scoped3A : memref<!tpu.dma_semaphore, #tpu.memory_space<semaphore_mem>>) src(%arg6 : memref<80x128xf32, #tpu.memory_space<vmem>>) dst(%dma_wait3A_60 : memref<80x128xf32, #tpu.memory_space<vmem_shared>>)
      tpu.yield
    }) : () -> ()
    %mul3A_34 = arith.constant 640 : i32
    %mul3A_35 = arith.muli %arg1, %mul3A_34 : i32
    %add3A_36 = arith.constant 560 : i32
    %add3A_37 = arith.addi %mul3A_35, %add3A_36 : i32
    "tpu.region"() ({
      %run_scoped3A = tpu.sem_alloc : memref<!tpu.dma_semaphore, #tpu.memory_space<semaphore_mem>>
      %dma_start3A = arith.constant 0 : i32
      %dma_start3A_55 = tpu.memref_slice %arg4[%add3A_37, %dma_start3A] : memref<10240x128xf32, #tpu.memory_space<vmem_shared>> -> memref<80x128xf32, #tpu.memory_space<vmem_shared>>
      %dma_start3A_56 = arith.constant 0 : i32
      %dma_start3A_57 = tpu.memref_slice %arg4[%add3A_37, %dma_start3A_56] : memref<10240x128xf32, #tpu.memory_space<vmem_shared>> -> memref<80x128xf32, #tpu.memory_space<vmem_shared>>
      tpu.enqueue_dma source(%arg6 : memref<80x128xf32, #tpu.memory_space<vmem>>) target(%dma_start3A_57 : memref<80x128xf32, #tpu.memory_space<vmem_shared>>) target_semaphore(%run_scoped3A : memref<!tpu.dma_semaphore, #tpu.memory_space<semaphore_mem>>)
      %dma_wait3A = arith.constant 0 : i32
      %dma_wait3A_58 = tpu.memref_slice %arg4[%add3A_37, %dma_wait3A] : memref<10240x128xf32, #tpu.memory_space<vmem_shared>> -> memref<80x128xf32, #tpu.memory_space<vmem_shared>>
      %dma_wait3A_59 = arith.constant 0 : i32
      %dma_wait3A_60 = tpu.memref_slice %arg4[%add3A_37, %dma_wait3A_59] : memref<10240x128xf32, #tpu.memory_space<vmem_shared>> -> memref<80x128xf32, #tpu.memory_space<vmem_shared>>
      tpu.wait_dma2 semaphore(%run_scoped3A : memref<!tpu.dma_semaphore, #tpu.memory_space<semaphore_mem>>) src(%arg6 : memref<80x128xf32, #tpu.memory_space<vmem>>) dst(%dma_wait3A_60 : memref<80x128xf32, #tpu.memory_space<vmem_shared>>)
      tpu.yield
    }) : () -> ()
    %scan3A_38 = arith.constant 0 : i32
    %scan3A_39 = arith.constant 0 : i32
    %scan3A_40 = arith.constant 80 : i32
    %scan3A_41 = arith.addi %scan3A_39, %scan3A_40 : i32
    %scan3A_42 = arith.constant 1 : i32
    scf.for %scan3A_55 = %scan3A_39 to %scan3A_41 step %scan3A_42  : i32 {
      %broadcast_in_dim3A = arith.constant 1.000000e+00 : f32
      %broadcast_in_dim3A_56 = vector.broadcast %broadcast_in_dim3A : f32 to vector<16xf32>
      %swap3A = arith.index_cast %scan3A_55 : i32 to index
      %swap3A_57 = arith.constant 0 : index
      %swap3A_58 = tpu.vector_load %arg6[%swap3A, %swap3A_57] {strides = array<i32>} : memref<80x128xf32, #tpu.memory_space<vmem>>, vector<1x16xf32>,
      %swap3A_59 = vector.shape_cast %swap3A_58 : vector<1x16xf32> to vector<16xf32>
      %swap3A_60 = vector.shape_cast %broadcast_in_dim3A_56 : vector<16xf32> to vector<1x16xf32>
      tpu.vector_store %arg6[%swap3A, %swap3A_57], %swap3A_60 {strides = array<i32>} : memref<80x128xf32, #tpu.memory_space<vmem>>, vector<1x16xf32>,
      %broadcast_in_dim3A_61 = arith.constant 1.000000e+00 : f32
      %broadcast_in_dim3A_62 = vector.broadcast %broadcast_in_dim3A_61 : f32 to vector<16xf32>
      %swap3A_63 = arith.index_cast %scan3A_55 : i32 to index
      %swap3A_64 = arith.constant 16 : index
      %swap3A_65 = tpu.vector_load %arg6[%swap3A_63, %swap3A_64] {strides = array<i32>} : memref<80x128xf32, #tpu.memory_space<vmem>>, vector<1x16xf32>,
      %swap3A_66 = vector.shape_cast %swap3A_65 : vector<1x16xf32> to vector<16xf32>
      %swap3A_67 = vector.shape_cast %broadcast_in_dim3A_62 : vector<16xf32> to vector<1x16xf32>
      tpu.vector_store %arg6[%swap3A_63, %swap3A_64], %swap3A_67 {strides = array<i32>} : memref<80x128xf32, #tpu.memory_space<vmem>>, vector<1x16xf32>,
      %broadcast_in_dim3A_68 = arith.constant 1.000000e+00 : f32
      %broadcast_in_dim3A_69 = vector.broadcast %broadcast_in_dim3A_68 : f32 to vector<16xf32>
      %swap3A_70 = arith.index_cast %scan3A_55 : i32 to index
      %swap3A_71 = arith.constant 32 : index
      %swap3A_72 = tpu.vector_load %arg6[%swap3A_70, %swap3A_71] {strides = array<i32>} : memref<80x128xf32, #tpu.memory_space<vmem>>, vector<1x16xf32>,
      %swap3A_73 = vector.shape_cast %swap3A_72 : vector<1x16xf32> to vector<16xf32>
      %swap3A_74 = vector.shape_cast %broadcast_in_dim3A_69 : vector<16xf32> to vector<1x16xf32>
      tpu.vector_store %arg6[%swap3A_70, %swap3A_71], %swap3A_74 {strides = array<i32>} : memref<80x128xf32, #tpu.memory_space<vmem>>, vector<1x16xf32>,
      %broadcast_in_dim3A_75 = arith.constant 1.000000e+00 : f32
      %broadcast_in_dim3A_76 = vector.broadcast %broadcast_in_dim3A_75 : f32 to vector<16xf32>
      %swap3A_77 = arith.index_cast %scan3A_55 : i32 to index
      %swap3A_78 = arith.constant 48 : index
      %swap3A_79 = tpu.vector_load %arg6[%swap3A_77, %swap3A_78] {strides = array<i32>} : memref<80x128xf32, #tpu.memory_space<vmem>>, vector<1x16xf32>,
      %swap3A_80 = vector.shape_cast %swap3A_79 : vector<1x16xf32> to vector<16xf32>
      %swap3A_81 = vector.shape_cast %broadcast_in_dim3A_76 : vector<16xf32> to vector<1x16xf32>
      tpu.vector_store %arg6[%swap3A_77, %swap3A_78], %swap3A_81 {strides = array<i32>} : memref<80x128xf32, #tpu.memory_space<vmem>>, vector<1x16xf32>,
      %broadcast_in_dim3A_82 = arith.constant 1.000000e+00 : f32
      %broadcast_in_dim3A_83 = vector.broadcast %broadcast_in_dim3A_82 : f32 to vector<16xf32>
      %swap3A_84 = arith.index_cast %scan3A_55 : i32 to index
      %swap3A_85 = arith.constant 64 : index
      %swap3A_86 = tpu.vector_load %arg6[%swap3A_84, %swap3A_85] {strides = array<i32>} : memref<80x128xf32, #tpu.memory_space<vmem>>, vector<1x16xf32>,
      %swap3A_87 = vector.shape_cast %swap3A_86 : vector<1x16xf32> to vector<16xf32>
      %swap3A_88 = vector.shape_cast %broadcast_in_dim3A_83 : vector<16xf32> to vector<1x16xf32>
      tpu.vector_store %arg6[%swap3A_84, %swap3A_85], %swap3A_88 {strides = array<i32>} : memref<80x128xf32, #tpu.memory_space<vmem>>, vector<1x16xf32>,
      %broadcast_in_dim3A_89 = arith.constant 1.000000e+00 : f32
      %broadcast_in_dim3A_90 = vector.broadcast %broadcast_in_dim3A_89 : f32 to vector<16xf32>
      %swap3A_91 = arith.index_cast %scan3A_55 : i32 to index
      %swap3A_92 = arith.constant 80 : index
      %swap3A_93 = tpu.vector_load %arg6[%swap3A_91, %swap3A_92] {strides = array<i32>} : memref<80x128xf32, #tpu.memory_space<vmem>>, vector<1x16xf32>,
      %swap3A_94 = vector.shape_cast %swap3A_93 : vector<1x16xf32> to vector<16xf32>
      %swap3A_95 = vector.shape_cast %broadcast_in_dim3A_90 : vector<16xf32> to vector<1x16xf32>
      tpu.vector_store %arg6[%swap3A_91, %swap3A_92], %swap3A_95 {strides = array<i32>} : memref<80x128xf32, #tpu.memory_space<vmem>>, vector<1x16xf32>,
      %broadcast_in_dim3A_96 = arith.constant 1.000000e+00 : f32
      %broadcast_in_dim3A_97 = vector.broadcast %broadcast_in_dim3A_96 : f32 to vector<16xf32>
      %swap3A_98 = arith.index_cast %scan3A_55 : i32 to index
      %swap3A_99 = arith.constant 96 : index
      %swap3A_100 = tpu.vector_load %arg6[%swap3A_98, %swap3A_99] {strides = array<i32>} : memref<80x128xf32, #tpu.memory_space<vmem>>, vector<1x16xf32>,
      %swap3A_101 = vector.shape_cast %swap3A_100 : vector<1x16xf32> to vector<16xf32>
      %swap3A_102 = vector.shape_cast %broadcast_in_dim3A_97 : vector<16xf32> to vector<1x16xf32>
      tpu.vector_store %arg6[%swap3A_98, %swap3A_99], %swap3A_102 {strides = array<i32>} : memref<80x128xf32, #tpu.memory_space<vmem>>, vector<1x16xf32>,
      %broadcast_in_dim3A_103 = arith.constant 1.000000e+00 : f32
      %broadcast_in_dim3A_104 = vector.broadcast %broadcast_in_dim3A_103 : f32 to vector<16xf32>
      %swap3A_105 = arith.index_cast %scan3A_55 : i32 to index
      %swap3A_106 = arith.constant 112 : index
      %swap3A_107 = tpu.vector_load %arg6[%swap3A_105, %swap3A_106] {strides = array<i32>} : memref<80x128xf32, #tpu.memory_space<vmem>>, vector<1x16xf32>,
      %swap3A_108 = vector.shape_cast %swap3A_107 : vector<1x16xf32> to vector<16xf32>
      %swap3A_109 = vector.shape_cast %broadcast_in_dim3A_104 : vector<16xf32> to vector<1x16xf32>
      tpu.vector_store %arg6[%swap3A_105, %swap3A_106], %swap3A_109 {strides = array<i32>} : memref<80x128xf32, #tpu.memory_space<vmem>>, vector<1x16xf32>,
    }
    %scan3A_43 = arith.constant 80 : i32
    "tpu.region"() ({
      %run_scoped3A = tpu.sem_alloc : memref<!tpu.dma_semaphore, #tpu.memory_space<semaphore_mem>>
      %dma_start3A = arith.constant 0 : i32
      %dma_start3A_55 = arith.constant 0 : i32
      %dma_start3A_56 = tpu.memref_slice %arg2[%add3A, %dma_start3A, %dma_start3A_55] : memref<32x125x80xi32, #tpu.memory_space<hbm>> -> memref<1x125x80xi32, #tpu.memory_space<hbm>>
      %dma_start3A_57 = tpu.memref_squeeze %dma_start3A_56 : memref<1x125x80xi32, #tpu.memory_space<hbm>> -> memref<125x80xi32, #tpu.memory_space<hbm>>
      %dma_start3A_58 = arith.constant 0 : i32
      %dma_start3A_59 = arith.constant 0 : i32
      %dma_start3A_60 = tpu.memref_slice %arg2[%add3A, %dma_start3A_58, %dma_start3A_59] : memref<32x125x80xi32, #tpu.memory_space<hbm>> -> memref<1x125x80xi32, #tpu.memory_space<hbm>>
      %dma_start3A_61 = tpu.memref_squeeze %dma_start3A_60 : memref<1x125x80xi32, #tpu.memory_space<hbm>> -> memref<125x80xi32, #tpu.memory_space<hbm>>
      tpu.enqueue_dma source(%dma_start3A_61 : memref<125x80xi32, #tpu.memory_space<hbm>>) target(%arg5 : memref<125x80xi32, #tpu.memory_space<vmem>>) target_semaphore(%run_scoped3A : memref<!tpu.dma_semaphore, #tpu.memory_space<semaphore_mem>>)
      %dma_wait3A = arith.constant 0 : i32
      %dma_wait3A_62 = arith.constant 0 : i32
      %dma_wait3A_63 = tpu.memref_slice %arg2[%add3A, %dma_wait3A, %dma_wait3A_62] : memref<32x125x80xi32, #tpu.memory_space<hbm>> -> memref<1x125x80xi32, #tpu.memory_space<hbm>>
      %dma_wait3A_64 = tpu.memref_squeeze %dma_wait3A_63 : memref<1x125x80xi32, #tpu.memory_space<hbm>> -> memref<125x80xi32, #tpu.memory_space<hbm>>
      %dma_wait3A_65 = arith.constant 0 : i32
      %dma_wait3A_66 = arith.constant 0 : i32
      %dma_wait3A_67 = tpu.memref_slice %arg2[%add3A, %dma_wait3A_65, %dma_wait3A_66] : memref<32x125x80xi32, #tpu.memory_space<hbm>> -> memref<1x125x80xi32, #tpu.memory_space<hbm>>
      %dma_wait3A_68 = tpu.memref_squeeze %dma_wait3A_67 : memref<1x125x80xi32, #tpu.memory_space<hbm>> -> memref<125x80xi32, #tpu.memory_space<hbm>>
      tpu.wait_dma2 semaphore(%run_scoped3A : memref<!tpu.dma_semaphore, #tpu.memory_space<semaphore_mem>>) src(%dma_wait3A_68 : memref<125x80xi32, #tpu.memory_space<hbm>>) dst(%arg5 : memref<125x80xi32, #tpu.memory_space<vmem>>)
      tpu.yield
    }) : () -> ()
    %barrier3A = arith.constant 0 : index
    tpu.barrier barrier_id(%barrier3A)
    %scan3A_44 = arith.constant 0 : i32
    %scan3A_45 = arith.constant 0 : i32
    %scan3A_46 = arith.constant 125 : i32
    %scan3A_47 = arith.addi %scan3A_45, %scan3A_46 : i32
    %scan3A_48 = arith.constant 1 : i32
    scf.for %scan3A_55 = %scan3A_45 to %scan3A_47 step %scan3A_48  : i32 {
      "tpu.region"() ({
        %run_scoped3A = tpu.sem_alloc : memref<!tpu.dma_semaphore, #tpu.memory_space<semaphore_mem>>
        %dma_start3A = arith.constant 0 : i32
        %dma_start3A_56 = tpu.memref_slice %arg5[%scan3A_55, %dma_start3A] : memref<125x80xi32, #tpu.memory_space<vmem>> -> memref<1x80xi32, #tpu.memory_space<vmem>>
        %dma_start3A_57 = tpu.memref_squeeze %dma_start3A_56 : memref<1x80xi32, #tpu.memory_space<vmem>> -> memref<80xi32, #tpu.memory_space<vmem>>
        %dma_start3A_58 = arith.constant 0 : i32
        %dma_start3A_59 = arith.constant 0 : i32
        %dma_start3A_60 = tpu.memref_slice %arg4[%dma_start3A_58, %dma_start3A_59] : memref<10240x128xf32, #tpu.memory_space<vmem_shared>> -> memref<10240x128xf32, #tpu.memory_space<vmem_shared>>
        tpu.enqueue_indirect_dma source(%arg6 : memref<80x128xf32, #tpu.memory_space<vmem>>) target(%dma_start3A_60 : memref<10240x128xf32, #tpu.memory_space<vmem_shared>>) offsets(%dma_start3A_57 : memref<80xi32, #tpu.memory_space<vmem>>) semaphore(%run_scoped3A : memref<!tpu.dma_semaphore, #tpu.memory_space<semaphore_mem>>) {add = true}
        %dma_wait3A = arith.constant 0 : i32
        %dma_wait3A_61 = tpu.memref_slice %arg5[%scan3A_55, %dma_wait3A] : memref<125x80xi32, #tpu.memory_space<vmem>> -> memref<1x80xi32, #tpu.memory_space<vmem>>
        %dma_wait3A_62 = tpu.memref_squeeze %dma_wait3A_61 : memref<1x80xi32, #tpu.memory_space<vmem>> -> memref<80xi32, #tpu.memory_space<vmem>>
        %dma_wait3A_63 = arith.constant 0 : i32
        %dma_wait3A_64 = arith.constant 0 : i32
        %dma_wait3A_65 = tpu.memref_slice %arg4[%dma_wait3A_63, %dma_wait3A_64] : memref<10240x128xf32, #tpu.memory_space<vmem_shared>> -> memref<10240x128xf32, #tpu.memory_space<vmem_shared>>
        tpu.wait_indirect_dma semaphore(%run_scoped3A : memref<!tpu.dma_semaphore, #tpu.memory_space<semaphore_mem>>) src(%arg6 : memref<80x128xf32, #tpu.memory_space<vmem>>) dst(%dma_wait3A_65 : memref<10240x128xf32, #tpu.memory_space<vmem_shared>>)
        tpu.yield
      }) : () -> ()
    }
    %scan3A_49 = arith.constant 125 : i32
    %barrier3A_50 = arith.constant 0 : index
    tpu.barrier barrier_id(%barrier3A_50)
    %mul3A_51 = arith.constant 640 : i32
    %mul3A_52 = arith.muli %arg1, %mul3A_51 : i32
    %mul3A_53 = arith.constant 640 : i32
    %mul3A_54 = arith.muli %arg1, %mul3A_53 : i32
    "tpu.region"() ({
      %run_scoped3A = tpu.sem_alloc : memref<!tpu.dma_semaphore, #tpu.memory_space<semaphore_mem>>
      %dma_start3A = arith.constant 0 : i32
      %dma_start3A_55 = tpu.memref_slice %arg3[%arg0, %mul3A_54, %dma_start3A] : memref<2x10240x128xf32, #tpu.memory_space<hbm>> -> memref<1x640x128xf32, #tpu.memory_space<hbm>>
      %dma_start3A_56 = tpu.memref_squeeze %dma_start3A_55 : memref<1x640x128xf32, #tpu.memory_space<hbm>> -> memref<640x128xf32, #tpu.memory_space<hbm>>
      %dma_start3A_57 = arith.constant 0 : i32
      %dma_start3A_58 = tpu.memref_slice %arg4[%mul3A_52, %dma_start3A_57] : memref<10240x128xf32, #tpu.memory_space<vmem_shared>> -> memref<640x128xf32, #tpu.memory_space<vmem_shared>>
      tpu.enqueue_dma source(%dma_start3A_58 : memref<640x128xf32, #tpu.memory_space<vmem_shared>>) target(%dma_start3A_56 : memref<640x128xf32, #tpu.memory_space<hbm>>) target_semaphore(%run_scoped3A : memref<!tpu.dma_semaphore, #tpu.memory_space<semaphore_mem>>)
      %dma_wait3A = arith.constant 0 : i32
      %dma_wait3A_59 = tpu.memref_slice %arg3[%arg0, %mul3A_54, %dma_wait3A] : memref<2x10240x128xf32, #tpu.memory_space<hbm>> -> memref<1x640x128xf32, #tpu.memory_space<hbm>>
      %dma_wait3A_60 = tpu.memref_squeeze %dma_wait3A_59 : memref<1x640x128xf32, #tpu.memory_space<hbm>> -> memref<640x128xf32, #tpu.memory_space<hbm>>
      %dma_wait3A_61 = arith.constant 0 : i32
      %dma_wait3A_62 = tpu.memref_slice %arg4[%mul3A_52, %dma_wait3A_61] : memref<10240x128xf32, #tpu.memory_space<vmem_shared>> -> memref<640x128xf32, #tpu.memory_space<vmem_shared>>
      tpu.wait_dma2 semaphore(%run_scoped3A : memref<!tpu.dma_semaphore, #tpu.memory_space<semaphore_mem>>) src(%dma_wait3A_62 : memref<640x128xf32, #tpu.memory_space<vmem_shared>>) dst(%dma_wait3A_60 : memref<640x128xf32, #tpu.memory_space<hbm>>)
      tpu.yield
    }) : () -> ()
    return
  }
}

#map = affine_map<(d0, d1) -> (0, 0)>
#map1 = affine_map<(d0, d1) -> (0, 0, 0)>
module attributes {stable_mosaic.version = 14 : i64} {
  func.func @_prop_sc(%arg0: i32, %arg1: i32, %arg2: memref<10000x128xf32, #tpu.memory_space<hbm>>, %arg3: memref<32x125x80xi32, #tpu.memory_space<hbm>>, %arg4: memref<2x10240x128xf32, #tpu.memory_space<hbm>>, %arg5: memref<10240x128xf32, #tpu.memory_space<vmem_shared>>, %arg6: memref<125x80xi32, #tpu.memory_space<vmem>>, %arg7: memref<2x80xi32, #tpu.memory_space<vmem>>, %arg8: memref<2x80xi32, #tpu.memory_space<vmem>>, %arg9: memref<80x128xf32, #tpu.memory_space<vmem>>, %arg10: memref<80x128xf32, #tpu.memory_space<vmem>>, %arg11: memref<!tpu.dma_semaphore, #tpu.memory_space<semaphore_mem>>) attributes {dimension_semantics = [#tpu.dimension_semantics<core_parallel>, #tpu.dimension_semantics<subcore_parallel>], iteration_bounds = array<i64: 2, 16>, scalar_prefetch = 0 : i64, scratch_operands = 7 : i64, tpu.core_type = #tpu.core_type<sc_vector_subcore>, window_params = [{transform_indices = #map}, {transform_indices = #map1}, {transform_indices = #map1}]} {
    %mul3A = arith.constant 16 : i32
    %mul3A_0 = arith.muli %arg0, %mul3A : i32
    %add3A = arith.addi %mul3A_0, %arg1 : i32
    %scan3A = arith.constant 0 : i32
    %scan3A_1 = arith.constant 0 : i32
    %scan3A_2 = arith.constant 80 : i32
    %scan3A_3 = arith.addi %scan3A_1, %scan3A_2 : i32
    %scan3A_4 = arith.constant 1 : i32
    scf.for %scan3A_172 = %scan3A_1 to %scan3A_3 step %scan3A_4  : i32 {
      %broadcast_in_dim3A = arith.constant 0.000000e+00 : f32
      %broadcast_in_dim3A_173 = vector.broadcast %broadcast_in_dim3A : f32 to vector<16xf32>
      %swap3A_174 = arith.index_cast %scan3A_172 : i32 to index
      %swap3A_175 = arith.constant 0 : index
      %swap3A_176 = tpu.vector_load %arg9[%swap3A_174, %swap3A_175] {strides = array<i32>} : memref<80x128xf32, #tpu.memory_space<vmem>>, vector<1x16xf32>,
      %swap3A_177 = vector.shape_cast %swap3A_176 : vector<1x16xf32> to vector<16xf32>
      %swap3A_178 = vector.shape_cast %broadcast_in_dim3A_173 : vector<16xf32> to vector<1x16xf32>
      tpu.vector_store %arg9[%swap3A_174, %swap3A_175], %swap3A_178 {strides = array<i32>} : memref<80x128xf32, #tpu.memory_space<vmem>>, vector<1x16xf32>,
      %broadcast_in_dim3A_179 = arith.constant 0.000000e+00 : f32
      %broadcast_in_dim3A_180 = vector.broadcast %broadcast_in_dim3A_179 : f32 to vector<16xf32>
      %swap3A_181 = arith.index_cast %scan3A_172 : i32 to index
      %swap3A_182 = arith.constant 16 : index
      %swap3A_183 = tpu.vector_load %arg9[%swap3A_181, %swap3A_182] {strides = array<i32>} : memref<80x128xf32, #tpu.memory_space<vmem>>, vector<1x16xf32>,
      %swap3A_184 = vector.shape_cast %swap3A_183 : vector<1x16xf32> to vector<16xf32>
      %swap3A_185 = vector.shape_cast %broadcast_in_dim3A_180 : vector<16xf32> to vector<1x16xf32>
      tpu.vector_store %arg9[%swap3A_181, %swap3A_182], %swap3A_185 {strides = array<i32>} : memref<80x128xf32, #tpu.memory_space<vmem>>, vector<1x16xf32>,
      %broadcast_in_dim3A_186 = arith.constant 0.000000e+00 : f32
      %broadcast_in_dim3A_187 = vector.broadcast %broadcast_in_dim3A_186 : f32 to vector<16xf32>
      %swap3A_188 = arith.index_cast %scan3A_172 : i32 to index
      %swap3A_189 = arith.constant 32 : index
      %swap3A_190 = tpu.vector_load %arg9[%swap3A_188, %swap3A_189] {strides = array<i32>} : memref<80x128xf32, #tpu.memory_space<vmem>>, vector<1x16xf32>,
      %swap3A_191 = vector.shape_cast %swap3A_190 : vector<1x16xf32> to vector<16xf32>
      %swap3A_192 = vector.shape_cast %broadcast_in_dim3A_187 : vector<16xf32> to vector<1x16xf32>
      tpu.vector_store %arg9[%swap3A_188, %swap3A_189], %swap3A_192 {strides = array<i32>} : memref<80x128xf32, #tpu.memory_space<vmem>>, vector<1x16xf32>,
      %broadcast_in_dim3A_193 = arith.constant 0.000000e+00 : f32
      %broadcast_in_dim3A_194 = vector.broadcast %broadcast_in_dim3A_193 : f32 to vector<16xf32>
      %swap3A_195 = arith.index_cast %scan3A_172 : i32 to index
      %swap3A_196 = arith.constant 48 : index
      %swap3A_197 = tpu.vector_load %arg9[%swap3A_195, %swap3A_196] {strides = array<i32>} : memref<80x128xf32, #tpu.memory_space<vmem>>, vector<1x16xf32>,
      %swap3A_198 = vector.shape_cast %swap3A_197 : vector<1x16xf32> to vector<16xf32>
      %swap3A_199 = vector.shape_cast %broadcast_in_dim3A_194 : vector<16xf32> to vector<1x16xf32>
      tpu.vector_store %arg9[%swap3A_195, %swap3A_196], %swap3A_199 {strides = array<i32>} : memref<80x128xf32, #tpu.memory_space<vmem>>, vector<1x16xf32>,
      %broadcast_in_dim3A_200 = arith.constant 0.000000e+00 : f32
      %broadcast_in_dim3A_201 = vector.broadcast %broadcast_in_dim3A_200 : f32 to vector<16xf32>
      %swap3A_202 = arith.index_cast %scan3A_172 : i32 to index
      %swap3A_203 = arith.constant 64 : index
      %swap3A_204 = tpu.vector_load %arg9[%swap3A_202, %swap3A_203] {strides = array<i32>} : memref<80x128xf32, #tpu.memory_space<vmem>>, vector<1x16xf32>,
      %swap3A_205 = vector.shape_cast %swap3A_204 : vector<1x16xf32> to vector<16xf32>
      %swap3A_206 = vector.shape_cast %broadcast_in_dim3A_201 : vector<16xf32> to vector<1x16xf32>
      tpu.vector_store %arg9[%swap3A_202, %swap3A_203], %swap3A_206 {strides = array<i32>} : memref<80x128xf32, #tpu.memory_space<vmem>>, vector<1x16xf32>,
      %broadcast_in_dim3A_207 = arith.constant 0.000000e+00 : f32
      %broadcast_in_dim3A_208 = vector.broadcast %broadcast_in_dim3A_207 : f32 to vector<16xf32>
      %swap3A_209 = arith.index_cast %scan3A_172 : i32 to index
      %swap3A_210 = arith.constant 80 : index
      %swap3A_211 = tpu.vector_load %arg9[%swap3A_209, %swap3A_210] {strides = array<i32>} : memref<80x128xf32, #tpu.memory_space<vmem>>, vector<1x16xf32>,
      %swap3A_212 = vector.shape_cast %swap3A_211 : vector<1x16xf32> to vector<16xf32>
      %swap3A_213 = vector.shape_cast %broadcast_in_dim3A_208 : vector<16xf32> to vector<1x16xf32>
      tpu.vector_store %arg9[%swap3A_209, %swap3A_210], %swap3A_213 {strides = array<i32>} : memref<80x128xf32, #tpu.memory_space<vmem>>, vector<1x16xf32>,
      %broadcast_in_dim3A_214 = arith.constant 0.000000e+00 : f32
      %broadcast_in_dim3A_215 = vector.broadcast %broadcast_in_dim3A_214 : f32 to vector<16xf32>
      %swap3A_216 = arith.index_cast %scan3A_172 : i32 to index
      %swap3A_217 = arith.constant 96 : index
      %swap3A_218 = tpu.vector_load %arg9[%swap3A_216, %swap3A_217] {strides = array<i32>} : memref<80x128xf32, #tpu.memory_space<vmem>>, vector<1x16xf32>,
      %swap3A_219 = vector.shape_cast %swap3A_218 : vector<1x16xf32> to vector<16xf32>
      %swap3A_220 = vector.shape_cast %broadcast_in_dim3A_215 : vector<16xf32> to vector<1x16xf32>
      tpu.vector_store %arg9[%swap3A_216, %swap3A_217], %swap3A_220 {strides = array<i32>} : memref<80x128xf32, #tpu.memory_space<vmem>>, vector<1x16xf32>,
      %broadcast_in_dim3A_221 = arith.constant 0.000000e+00 : f32
      %broadcast_in_dim3A_222 = vector.broadcast %broadcast_in_dim3A_221 : f32 to vector<16xf32>
      %swap3A_223 = arith.index_cast %scan3A_172 : i32 to index
      %swap3A_224 = arith.constant 112 : index
      %swap3A_225 = tpu.vector_load %arg9[%swap3A_223, %swap3A_224] {strides = array<i32>} : memref<80x128xf32, #tpu.memory_space<vmem>>, vector<1x16xf32>,
      %swap3A_226 = vector.shape_cast %swap3A_225 : vector<1x16xf32> to vector<16xf32>
      %swap3A_227 = vector.shape_cast %broadcast_in_dim3A_222 : vector<16xf32> to vector<1x16xf32>
      tpu.vector_store %arg9[%swap3A_223, %swap3A_224], %swap3A_227 {strides = array<i32>} : memref<80x128xf32, #tpu.memory_space<vmem>>, vector<1x16xf32>,
    }
    %scan3A_5 = arith.constant 80 : i32
    %mul3A_6 = arith.constant 640 : i32
    %mul3A_7 = arith.muli %arg1, %mul3A_6 : i32
    %add3A_8 = arith.constant 0 : i32
    %add3A_9 = arith.addi %mul3A_7, %add3A_8 : i32
    "tpu.region"() ({
      %run_scoped3A_172 = tpu.sem_alloc : memref<!tpu.dma_semaphore, #tpu.memory_space<semaphore_mem>>
      %dma_start3A_173 = arith.constant 0 : i32
      %dma_start3A_174 = tpu.memref_slice %arg5[%add3A_9, %dma_start3A_173] : memref<10240x128xf32, #tpu.memory_space<vmem_shared>> -> memref<80x128xf32, #tpu.memory_space<vmem_shared>>
      %dma_start3A_175 = arith.constant 0 : i32
      %dma_start3A_176 = tpu.memref_slice %arg5[%add3A_9, %dma_start3A_175] : memref<10240x128xf32, #tpu.memory_space<vmem_shared>> -> memref<80x128xf32, #tpu.memory_space<vmem_shared>>
      tpu.enqueue_dma source(%arg9 : memref<80x128xf32, #tpu.memory_space<vmem>>) target(%dma_start3A_176 : memref<80x128xf32, #tpu.memory_space<vmem_shared>>) target_semaphore(%run_scoped3A_172 : memref<!tpu.dma_semaphore, #tpu.memory_space<semaphore_mem>>)
      %dma_wait3A_177 = arith.constant 0 : i32
      %dma_wait3A_178 = tpu.memref_slice %arg5[%add3A_9, %dma_wait3A_177] : memref<10240x128xf32, #tpu.memory_space<vmem_shared>> -> memref<80x128xf32, #tpu.memory_space<vmem_shared>>
      %dma_wait3A_179 = arith.constant 0 : i32
      %dma_wait3A_180 = tpu.memref_slice %arg5[%add3A_9, %dma_wait3A_179] : memref<10240x128xf32, #tpu.memory_space<vmem_shared>> -> memref<80x128xf32, #tpu.memory_space<vmem_shared>>
      tpu.wait_dma2 semaphore(%run_scoped3A_172 : memref<!tpu.dma_semaphore, #tpu.memory_space<semaphore_mem>>) src(%arg9 : memref<80x128xf32, #tpu.memory_space<vmem>>) dst(%dma_wait3A_180 : memref<80x128xf32, #tpu.memory_space<vmem_shared>>)
      tpu.yield
    }) : () -> ()
    %mul3A_10 = arith.constant 640 : i32
    %mul3A_11 = arith.muli %arg1, %mul3A_10 : i32
    %add3A_12 = arith.constant 80 : i32
    %add3A_13 = arith.addi %mul3A_11, %add3A_12 : i32
    "tpu.region"() ({
      %run_scoped3A_172 = tpu.sem_alloc : memref<!tpu.dma_semaphore, #tpu.memory_space<semaphore_mem>>
      %dma_start3A_173 = arith.constant 0 : i32
      %dma_start3A_174 = tpu.memref_slice %arg5[%add3A_13, %dma_start3A_173] : memref<10240x128xf32, #tpu.memory_space<vmem_shared>> -> memref<80x128xf32, #tpu.memory_space<vmem_shared>>
      %dma_start3A_175 = arith.constant 0 : i32
      %dma_start3A_176 = tpu.memref_slice %arg5[%add3A_13, %dma_start3A_175] : memref<10240x128xf32, #tpu.memory_space<vmem_shared>> -> memref<80x128xf32, #tpu.memory_space<vmem_shared>>
      tpu.enqueue_dma source(%arg9 : memref<80x128xf32, #tpu.memory_space<vmem>>) target(%dma_start3A_176 : memref<80x128xf32, #tpu.memory_space<vmem_shared>>) target_semaphore(%run_scoped3A_172 : memref<!tpu.dma_semaphore, #tpu.memory_space<semaphore_mem>>)
      %dma_wait3A_177 = arith.constant 0 : i32
      %dma_wait3A_178 = tpu.memref_slice %arg5[%add3A_13, %dma_wait3A_177] : memref<10240x128xf32, #tpu.memory_space<vmem_shared>> -> memref<80x128xf32, #tpu.memory_space<vmem_shared>>
      %dma_wait3A_179 = arith.constant 0 : i32
      %dma_wait3A_180 = tpu.memref_slice %arg5[%add3A_13, %dma_wait3A_179] : memref<10240x128xf32, #tpu.memory_space<vmem_shared>> -> memref<80x128xf32, #tpu.memory_space<vmem_shared>>
      tpu.wait_dma2 semaphore(%run_scoped3A_172 : memref<!tpu.dma_semaphore, #tpu.memory_space<semaphore_mem>>) src(%arg9 : memref<80x128xf32, #tpu.memory_space<vmem>>) dst(%dma_wait3A_180 : memref<80x128xf32, #tpu.memory_space<vmem_shared>>)
      tpu.yield
    }) : () -> ()
    %mul3A_14 = arith.constant 640 : i32
    %mul3A_15 = arith.muli %arg1, %mul3A_14 : i32
    %add3A_16 = arith.constant 160 : i32
    %add3A_17 = arith.addi %mul3A_15, %add3A_16 : i32
    "tpu.region"() ({
      %run_scoped3A_172 = tpu.sem_alloc : memref<!tpu.dma_semaphore, #tpu.memory_space<semaphore_mem>>
      %dma_start3A_173 = arith.constant 0 : i32
      %dma_start3A_174 = tpu.memref_slice %arg5[%add3A_17, %dma_start3A_173] : memref<10240x128xf32, #tpu.memory_space<vmem_shared>> -> memref<80x128xf32, #tpu.memory_space<vmem_shared>>
      %dma_start3A_175 = arith.constant 0 : i32
      %dma_start3A_176 = tpu.memref_slice %arg5[%add3A_17, %dma_start3A_175] : memref<10240x128xf32, #tpu.memory_space<vmem_shared>> -> memref<80x128xf32, #tpu.memory_space<vmem_shared>>
      tpu.enqueue_dma source(%arg9 : memref<80x128xf32, #tpu.memory_space<vmem>>) target(%dma_start3A_176 : memref<80x128xf32, #tpu.memory_space<vmem_shared>>) target_semaphore(%run_scoped3A_172 : memref<!tpu.dma_semaphore, #tpu.memory_space<semaphore_mem>>)
      %dma_wait3A_177 = arith.constant 0 : i32
      %dma_wait3A_178 = tpu.memref_slice %arg5[%add3A_17, %dma_wait3A_177] : memref<10240x128xf32, #tpu.memory_space<vmem_shared>> -> memref<80x128xf32, #tpu.memory_space<vmem_shared>>
      %dma_wait3A_179 = arith.constant 0 : i32
      %dma_wait3A_180 = tpu.memref_slice %arg5[%add3A_17, %dma_wait3A_179] : memref<10240x128xf32, #tpu.memory_space<vmem_shared>> -> memref<80x128xf32, #tpu.memory_space<vmem_shared>>
      tpu.wait_dma2 semaphore(%run_scoped3A_172 : memref<!tpu.dma_semaphore, #tpu.memory_space<semaphore_mem>>) src(%arg9 : memref<80x128xf32, #tpu.memory_space<vmem>>) dst(%dma_wait3A_180 : memref<80x128xf32, #tpu.memory_space<vmem_shared>>)
      tpu.yield
    }) : () -> ()
    %mul3A_18 = arith.constant 640 : i32
    %mul3A_19 = arith.muli %arg1, %mul3A_18 : i32
    %add3A_20 = arith.constant 240 : i32
    %add3A_21 = arith.addi %mul3A_19, %add3A_20 : i32
    "tpu.region"() ({
      %run_scoped3A_172 = tpu.sem_alloc : memref<!tpu.dma_semaphore, #tpu.memory_space<semaphore_mem>>
      %dma_start3A_173 = arith.constant 0 : i32
      %dma_start3A_174 = tpu.memref_slice %arg5[%add3A_21, %dma_start3A_173] : memref<10240x128xf32, #tpu.memory_space<vmem_shared>> -> memref<80x128xf32, #tpu.memory_space<vmem_shared>>
      %dma_start3A_175 = arith.constant 0 : i32
      %dma_start3A_176 = tpu.memref_slice %arg5[%add3A_21, %dma_start3A_175] : memref<10240x128xf32, #tpu.memory_space<vmem_shared>> -> memref<80x128xf32, #tpu.memory_space<vmem_shared>>
      tpu.enqueue_dma source(%arg9 : memref<80x128xf32, #tpu.memory_space<vmem>>) target(%dma_start3A_176 : memref<80x128xf32, #tpu.memory_space<vmem_shared>>) target_semaphore(%run_scoped3A_172 : memref<!tpu.dma_semaphore, #tpu.memory_space<semaphore_mem>>)
      %dma_wait3A_177 = arith.constant 0 : i32
      %dma_wait3A_178 = tpu.memref_slice %arg5[%add3A_21, %dma_wait3A_177] : memref<10240x128xf32, #tpu.memory_space<vmem_shared>> -> memref<80x128xf32, #tpu.memory_space<vmem_shared>>
      %dma_wait3A_179 = arith.constant 0 : i32
      %dma_wait3A_180 = tpu.memref_slice %arg5[%add3A_21, %dma_wait3A_179] : memref<10240x128xf32, #tpu.memory_space<vmem_shared>> -> memref<80x128xf32, #tpu.memory_space<vmem_shared>>
      tpu.wait_dma2 semaphore(%run_scoped3A_172 : memref<!tpu.dma_semaphore, #tpu.memory_space<semaphore_mem>>) src(%arg9 : memref<80x128xf32, #tpu.memory_space<vmem>>) dst(%dma_wait3A_180 : memref<80x128xf32, #tpu.memory_space<vmem_shared>>)
      tpu.yield
    }) : () -> ()
    %mul3A_22 = arith.constant 640 : i32
    %mul3A_23 = arith.muli %arg1, %mul3A_22 : i32
    %add3A_24 = arith.constant 320 : i32
    %add3A_25 = arith.addi %mul3A_23, %add3A_24 : i32
    "tpu.region"() ({
      %run_scoped3A_172 = tpu.sem_alloc : memref<!tpu.dma_semaphore, #tpu.memory_space<semaphore_mem>>
      %dma_start3A_173 = arith.constant 0 : i32
      %dma_start3A_174 = tpu.memref_slice %arg5[%add3A_25, %dma_start3A_173] : memref<10240x128xf32, #tpu.memory_space<vmem_shared>> -> memref<80x128xf32, #tpu.memory_space<vmem_shared>>
      %dma_start3A_175 = arith.constant 0 : i32
      %dma_start3A_176 = tpu.memref_slice %arg5[%add3A_25, %dma_start3A_175] : memref<10240x128xf32, #tpu.memory_space<vmem_shared>> -> memref<80x128xf32, #tpu.memory_space<vmem_shared>>
      tpu.enqueue_dma source(%arg9 : memref<80x128xf32, #tpu.memory_space<vmem>>) target(%dma_start3A_176 : memref<80x128xf32, #tpu.memory_space<vmem_shared>>) target_semaphore(%run_scoped3A_172 : memref<!tpu.dma_semaphore, #tpu.memory_space<semaphore_mem>>)
      %dma_wait3A_177 = arith.constant 0 : i32
      %dma_wait3A_178 = tpu.memref_slice %arg5[%add3A_25, %dma_wait3A_177] : memref<10240x128xf32, #tpu.memory_space<vmem_shared>> -> memref<80x128xf32, #tpu.memory_space<vmem_shared>>
      %dma_wait3A_179 = arith.constant 0 : i32
      %dma_wait3A_180 = tpu.memref_slice %arg5[%add3A_25, %dma_wait3A_179] : memref<10240x128xf32, #tpu.memory_space<vmem_shared>> -> memref<80x128xf32, #tpu.memory_space<vmem_shared>>
      tpu.wait_dma2 semaphore(%run_scoped3A_172 : memref<!tpu.dma_semaphore, #tpu.memory_space<semaphore_mem>>) src(%arg9 : memref<80x128xf32, #tpu.memory_space<vmem>>) dst(%dma_wait3A_180 : memref<80x128xf32, #tpu.memory_space<vmem_shared>>)
      tpu.yield
    }) : () -> ()
    %mul3A_26 = arith.constant 640 : i32
    %mul3A_27 = arith.muli %arg1, %mul3A_26 : i32
    %add3A_28 = arith.constant 400 : i32
    %add3A_29 = arith.addi %mul3A_27, %add3A_28 : i32
    "tpu.region"() ({
      %run_scoped3A_172 = tpu.sem_alloc : memref<!tpu.dma_semaphore, #tpu.memory_space<semaphore_mem>>
      %dma_start3A_173 = arith.constant 0 : i32
      %dma_start3A_174 = tpu.memref_slice %arg5[%add3A_29, %dma_start3A_173] : memref<10240x128xf32, #tpu.memory_space<vmem_shared>> -> memref<80x128xf32, #tpu.memory_space<vmem_shared>>
      %dma_start3A_175 = arith.constant 0 : i32
      %dma_start3A_176 = tpu.memref_slice %arg5[%add3A_29, %dma_start3A_175] : memref<10240x128xf32, #tpu.memory_space<vmem_shared>> -> memref<80x128xf32, #tpu.memory_space<vmem_shared>>
      tpu.enqueue_dma source(%arg9 : memref<80x128xf32, #tpu.memory_space<vmem>>) target(%dma_start3A_176 : memref<80x128xf32, #tpu.memory_space<vmem_shared>>) target_semaphore(%run_scoped3A_172 : memref<!tpu.dma_semaphore, #tpu.memory_space<semaphore_mem>>)
      %dma_wait3A_177 = arith.constant 0 : i32
      %dma_wait3A_178 = tpu.memref_slice %arg5[%add3A_29, %dma_wait3A_177] : memref<10240x128xf32, #tpu.memory_space<vmem_shared>> -> memref<80x128xf32, #tpu.memory_space<vmem_shared>>
      %dma_wait3A_179 = arith.constant 0 : i32
      %dma_wait3A_180 = tpu.memref_slice %arg5[%add3A_29, %dma_wait3A_179] : memref<10240x128xf32, #tpu.memory_space<vmem_shared>> -> memref<80x128xf32, #tpu.memory_space<vmem_shared>>
      tpu.wait_dma2 semaphore(%run_scoped3A_172 : memref<!tpu.dma_semaphore, #tpu.memory_space<semaphore_mem>>) src(%arg9 : memref<80x128xf32, #tpu.memory_space<vmem>>) dst(%dma_wait3A_180 : memref<80x128xf32, #tpu.memory_space<vmem_shared>>)
      tpu.yield
    }) : () -> ()
    %mul3A_30 = arith.constant 640 : i32
    %mul3A_31 = arith.muli %arg1, %mul3A_30 : i32
    %add3A_32 = arith.constant 480 : i32
    %add3A_33 = arith.addi %mul3A_31, %add3A_32 : i32
    "tpu.region"() ({
      %run_scoped3A_172 = tpu.sem_alloc : memref<!tpu.dma_semaphore, #tpu.memory_space<semaphore_mem>>
      %dma_start3A_173 = arith.constant 0 : i32
      %dma_start3A_174 = tpu.memref_slice %arg5[%add3A_33, %dma_start3A_173] : memref<10240x128xf32, #tpu.memory_space<vmem_shared>> -> memref<80x128xf32, #tpu.memory_space<vmem_shared>>
      %dma_start3A_175 = arith.constant 0 : i32
      %dma_start3A_176 = tpu.memref_slice %arg5[%add3A_33, %dma_start3A_175] : memref<10240x128xf32, #tpu.memory_space<vmem_shared>> -> memref<80x128xf32, #tpu.memory_space<vmem_shared>>
      tpu.enqueue_dma source(%arg9 : memref<80x128xf32, #tpu.memory_space<vmem>>) target(%dma_start3A_176 : memref<80x128xf32, #tpu.memory_space<vmem_shared>>) target_semaphore(%run_scoped3A_172 : memref<!tpu.dma_semaphore, #tpu.memory_space<semaphore_mem>>)
      %dma_wait3A_177 = arith.constant 0 : i32
      %dma_wait3A_178 = tpu.memref_slice %arg5[%add3A_33, %dma_wait3A_177] : memref<10240x128xf32, #tpu.memory_space<vmem_shared>> -> memref<80x128xf32, #tpu.memory_space<vmem_shared>>
      %dma_wait3A_179 = arith.constant 0 : i32
      %dma_wait3A_180 = tpu.memref_slice %arg5[%add3A_33, %dma_wait3A_179] : memref<10240x128xf32, #tpu.memory_space<vmem_shared>> -> memref<80x128xf32, #tpu.memory_space<vmem_shared>>
      tpu.wait_dma2 semaphore(%run_scoped3A_172 : memref<!tpu.dma_semaphore, #tpu.memory_space<semaphore_mem>>) src(%arg9 : memref<80x128xf32, #tpu.memory_space<vmem>>) dst(%dma_wait3A_180 : memref<80x128xf32, #tpu.memory_space<vmem_shared>>)
      tpu.yield
    }) : () -> ()
    %mul3A_34 = arith.constant 640 : i32
    %mul3A_35 = arith.muli %arg1, %mul3A_34 : i32
    %add3A_36 = arith.constant 560 : i32
    %add3A_37 = arith.addi %mul3A_35, %add3A_36 : i32
    "tpu.region"() ({
      %run_scoped3A_172 = tpu.sem_alloc : memref<!tpu.dma_semaphore, #tpu.memory_space<semaphore_mem>>
      %dma_start3A_173 = arith.constant 0 : i32
      %dma_start3A_174 = tpu.memref_slice %arg5[%add3A_37, %dma_start3A_173] : memref<10240x128xf32, #tpu.memory_space<vmem_shared>> -> memref<80x128xf32, #tpu.memory_space<vmem_shared>>
      %dma_start3A_175 = arith.constant 0 : i32
      %dma_start3A_176 = tpu.memref_slice %arg5[%add3A_37, %dma_start3A_175] : memref<10240x128xf32, #tpu.memory_space<vmem_shared>> -> memref<80x128xf32, #tpu.memory_space<vmem_shared>>
      tpu.enqueue_dma source(%arg9 : memref<80x128xf32, #tpu.memory_space<vmem>>) target(%dma_start3A_176 : memref<80x128xf32, #tpu.memory_space<vmem_shared>>) target_semaphore(%run_scoped3A_172 : memref<!tpu.dma_semaphore, #tpu.memory_space<semaphore_mem>>)
      %dma_wait3A_177 = arith.constant 0 : i32
      %dma_wait3A_178 = tpu.memref_slice %arg5[%add3A_37, %dma_wait3A_177] : memref<10240x128xf32, #tpu.memory_space<vmem_shared>> -> memref<80x128xf32, #tpu.memory_space<vmem_shared>>
      %dma_wait3A_179 = arith.constant 0 : i32
      %dma_wait3A_180 = tpu.memref_slice %arg5[%add3A_37, %dma_wait3A_179] : memref<10240x128xf32, #tpu.memory_space<vmem_shared>> -> memref<80x128xf32, #tpu.memory_space<vmem_shared>>
      tpu.wait_dma2 semaphore(%run_scoped3A_172 : memref<!tpu.dma_semaphore, #tpu.memory_space<semaphore_mem>>) src(%arg9 : memref<80x128xf32, #tpu.memory_space<vmem>>) dst(%dma_wait3A_180 : memref<80x128xf32, #tpu.memory_space<vmem_shared>>)
      tpu.yield
    }) : () -> ()
    "tpu.region"() ({
      %run_scoped3A_172 = tpu.sem_alloc : memref<!tpu.dma_semaphore, #tpu.memory_space<semaphore_mem>>
      %dma_start3A_173 = arith.constant 0 : i32
      %dma_start3A_174 = arith.constant 0 : i32
      %dma_start3A_175 = tpu.memref_slice %arg3[%add3A, %dma_start3A_173, %dma_start3A_174] : memref<32x125x80xi32, #tpu.memory_space<hbm>> -> memref<1x125x80xi32, #tpu.memory_space<hbm>>
      %dma_start3A_176 = tpu.memref_squeeze %dma_start3A_175 : memref<1x125x80xi32, #tpu.memory_space<hbm>> -> memref<125x80xi32, #tpu.memory_space<hbm>>
      %dma_start3A_177 = arith.constant 0 : i32
      %dma_start3A_178 = arith.constant 0 : i32
      %dma_start3A_179 = tpu.memref_slice %arg3[%add3A, %dma_start3A_177, %dma_start3A_178] : memref<32x125x80xi32, #tpu.memory_space<hbm>> -> memref<1x125x80xi32, #tpu.memory_space<hbm>>
      %dma_start3A_180 = tpu.memref_squeeze %dma_start3A_179 : memref<1x125x80xi32, #tpu.memory_space<hbm>> -> memref<125x80xi32, #tpu.memory_space<hbm>>
      tpu.enqueue_dma source(%dma_start3A_180 : memref<125x80xi32, #tpu.memory_space<hbm>>) target(%arg6 : memref<125x80xi32, #tpu.memory_space<vmem>>) target_semaphore(%run_scoped3A_172 : memref<!tpu.dma_semaphore, #tpu.memory_space<semaphore_mem>>)
      %dma_wait3A_181 = arith.constant 0 : i32
      %dma_wait3A_182 = arith.constant 0 : i32
      %dma_wait3A_183 = tpu.memref_slice %arg3[%add3A, %dma_wait3A_181, %dma_wait3A_182] : memref<32x125x80xi32, #tpu.memory_space<hbm>> -> memref<1x125x80xi32, #tpu.memory_space<hbm>>
      %dma_wait3A_184 = tpu.memref_squeeze %dma_wait3A_183 : memref<1x125x80xi32, #tpu.memory_space<hbm>> -> memref<125x80xi32, #tpu.memory_space<hbm>>
      %dma_wait3A_185 = arith.constant 0 : i32
      %dma_wait3A_186 = arith.constant 0 : i32
      %dma_wait3A_187 = tpu.memref_slice %arg3[%add3A, %dma_wait3A_185, %dma_wait3A_186] : memref<32x125x80xi32, #tpu.memory_space<hbm>> -> memref<1x125x80xi32, #tpu.memory_space<hbm>>
      %dma_wait3A_188 = tpu.memref_squeeze %dma_wait3A_187 : memref<1x125x80xi32, #tpu.memory_space<hbm>> -> memref<125x80xi32, #tpu.memory_space<hbm>>
      tpu.wait_dma2 semaphore(%run_scoped3A_172 : memref<!tpu.dma_semaphore, #tpu.memory_space<semaphore_mem>>) src(%dma_wait3A_188 : memref<125x80xi32, #tpu.memory_space<hbm>>) dst(%arg6 : memref<125x80xi32, #tpu.memory_space<vmem>>)
      tpu.yield
    }) : () -> ()
    %barrier3A = arith.constant 0 : index
    tpu.barrier barrier_id(%barrier3A)
    %get3A = arith.constant 0 : i32
    %get3A_38 = arith.index_cast %get3A : i32 to index
    %get3A_39 = arith.constant 0 : index
    %get3A_40 = tpu.vector_load %arg6[%get3A_38, %get3A_39] {strides = array<i32>} : memref<125x80xi32, #tpu.memory_space<vmem>>, vector<1x16xi32>,
    %get3A_41 = vector.shape_cast %get3A_40 : vector<1x16xi32> to vector<16xi32>
    %and3A = arith.constant 65535 : i32
    %and3A_42 = vector.broadcast %and3A : i32 to vector<16xi32>
    %and3A_43 = arith.andi %get3A_41, %and3A_42 : vector<16xi32>
    %swap3A = arith.constant 0 : i32
    %swap3A_44 = arith.index_cast %swap3A : i32 to index
    %swap3A_45 = arith.constant 0 : index
    %swap3A_46 = tpu.vector_load %arg7[%swap3A_44, %swap3A_45] {strides = array<i32>} : memref<2x80xi32, #tpu.memory_space<vmem>>, vector<1x16xi32>,
    %swap3A_47 = vector.shape_cast %swap3A_46 : vector<1x16xi32> to vector<16xi32>
    %swap3A_48 = vector.shape_cast %and3A_43 : vector<16xi32> to vector<1x16xi32>
    tpu.vector_store %arg7[%swap3A_44, %swap3A_45], %swap3A_48 {strides = array<i32>} : memref<2x80xi32, #tpu.memory_space<vmem>>, vector<1x16xi32>,
    %shift_right_logical3A = arith.constant 16 : i32
    %shift_right_logical3A_49 = vector.broadcast %shift_right_logical3A : i32 to vector<16xi32>
    %shift_right_logical3A_50 = arith.shrui %get3A_41, %shift_right_logical3A_49 : vector<16xi32>
    %swap3A_51 = arith.constant 1 : i32
    %swap3A_52 = arith.index_cast %swap3A_51 : i32 to index
    %swap3A_53 = arith.constant 0 : index
    %swap3A_54 = tpu.vector_load %arg7[%swap3A_52, %swap3A_53] {strides = array<i32>} : memref<2x80xi32, #tpu.memory_space<vmem>>, vector<1x16xi32>,
    %swap3A_55 = vector.shape_cast %swap3A_54 : vector<1x16xi32> to vector<16xi32>
    %swap3A_56 = vector.shape_cast %shift_right_logical3A_50 : vector<16xi32> to vector<1x16xi32>
    tpu.vector_store %arg7[%swap3A_52, %swap3A_53], %swap3A_56 {strides = array<i32>} : memref<2x80xi32, #tpu.memory_space<vmem>>, vector<1x16xi32>,
    %get3A_57 = arith.constant 0 : i32
    %get3A_58 = arith.index_cast %get3A_57 : i32 to index
    %get3A_59 = arith.constant 16 : index
    %get3A_60 = tpu.vector_load %arg6[%get3A_58, %get3A_59] {strides = array<i32>} : memref<125x80xi32, #tpu.memory_space<vmem>>, vector<1x16xi32>,
    %get3A_61 = vector.shape_cast %get3A_60 : vector<1x16xi32> to vector<16xi32>
    %and3A_62 = arith.constant 65535 : i32
    %and3A_63 = vector.broadcast %and3A_62 : i32 to vector<16xi32>
    %and3A_64 = arith.andi %get3A_61, %and3A_63 : vector<16xi32>
    %swap3A_65 = arith.constant 0 : i32
    %swap3A_66 = arith.index_cast %swap3A_65 : i32 to index
    %swap3A_67 = arith.constant 16 : index
    %swap3A_68 = tpu.vector_load %arg7[%swap3A_66, %swap3A_67] {strides = array<i32>} : memref<2x80xi32, #tpu.memory_space<vmem>>, vector<1x16xi32>,
    %swap3A_69 = vector.shape_cast %swap3A_68 : vector<1x16xi32> to vector<16xi32>
    %swap3A_70 = vector.shape_cast %and3A_64 : vector<16xi32> to vector<1x16xi32>
    tpu.vector_store %arg7[%swap3A_66, %swap3A_67], %swap3A_70 {strides = array<i32>} : memref<2x80xi32, #tpu.memory_space<vmem>>, vector<1x16xi32>,
    %shift_right_logical3A_71 = arith.constant 16 : i32
    %shift_right_logical3A_72 = vector.broadcast %shift_right_logical3A_71 : i32 to vector<16xi32>
    %shift_right_logical3A_73 = arith.shrui %get3A_61, %shift_right_logical3A_72 : vector<16xi32>
    %swap3A_74 = arith.constant 1 : i32
    %swap3A_75 = arith.index_cast %swap3A_74 : i32 to index
    %swap3A_76 = arith.constant 16 : index
    %swap3A_77 = tpu.vector_load %arg7[%swap3A_75, %swap3A_76] {strides = array<i32>} : memref<2x80xi32, #tpu.memory_space<vmem>>, vector<1x16xi32>,
    %swap3A_78 = vector.shape_cast %swap3A_77 : vector<1x16xi32> to vector<16xi32>
    %swap3A_79 = vector.shape_cast %shift_right_logical3A_73 : vector<16xi32> to vector<1x16xi32>
    tpu.vector_store %arg7[%swap3A_75, %swap3A_76], %swap3A_79 {strides = array<i32>} : memref<2x80xi32, #tpu.memory_space<vmem>>, vector<1x16xi32>,
    %get3A_80 = arith.constant 0 : i32
    %get3A_81 = arith.index_cast %get3A_80 : i32 to index
    %get3A_82 = arith.constant 32 : index
    %get3A_83 = tpu.vector_load %arg6[%get3A_81, %get3A_82] {strides = array<i32>} : memref<125x80xi32, #tpu.memory_space<vmem>>, vector<1x16xi32>,
    %get3A_84 = vector.shape_cast %get3A_83 : vector<1x16xi32> to vector<16xi32>
    %and3A_85 = arith.constant 65535 : i32
    %and3A_86 = vector.broadcast %and3A_85 : i32 to vector<16xi32>
    %and3A_87 = arith.andi %get3A_84, %and3A_86 : vector<16xi32>
    %swap3A_88 = arith.constant 0 : i32
    %swap3A_89 = arith.index_cast %swap3A_88 : i32 to index
    %swap3A_90 = arith.constant 32 : index
    %swap3A_91 = tpu.vector_load %arg7[%swap3A_89, %swap3A_90] {strides = array<i32>} : memref<2x80xi32, #tpu.memory_space<vmem>>, vector<1x16xi32>,
    %swap3A_92 = vector.shape_cast %swap3A_91 : vector<1x16xi32> to vector<16xi32>
    %swap3A_93 = vector.shape_cast %and3A_87 : vector<16xi32> to vector<1x16xi32>
    tpu.vector_store %arg7[%swap3A_89, %swap3A_90], %swap3A_93 {strides = array<i32>} : memref<2x80xi32, #tpu.memory_space<vmem>>, vector<1x16xi32>,
    %shift_right_logical3A_94 = arith.constant 16 : i32
    %shift_right_logical3A_95 = vector.broadcast %shift_right_logical3A_94 : i32 to vector<16xi32>
    %shift_right_logical3A_96 = arith.shrui %get3A_84, %shift_right_logical3A_95 : vector<16xi32>
    %swap3A_97 = arith.constant 1 : i32
    %swap3A_98 = arith.index_cast %swap3A_97 : i32 to index
    %swap3A_99 = arith.constant 32 : index
    %swap3A_100 = tpu.vector_load %arg7[%swap3A_98, %swap3A_99] {strides = array<i32>} : memref<2x80xi32, #tpu.memory_space<vmem>>, vector<1x16xi32>,
    %swap3A_101 = vector.shape_cast %swap3A_100 : vector<1x16xi32> to vector<16xi32>
    %swap3A_102 = vector.shape_cast %shift_right_logical3A_96 : vector<16xi32> to vector<1x16xi32>
    tpu.vector_store %arg7[%swap3A_98, %swap3A_99], %swap3A_102 {strides = array<i32>} : memref<2x80xi32, #tpu.memory_space<vmem>>, vector<1x16xi32>,
    %get3A_103 = arith.constant 0 : i32
    %get3A_104 = arith.index_cast %get3A_103 : i32 to index
    %get3A_105 = arith.constant 48 : index
    %get3A_106 = tpu.vector_load %arg6[%get3A_104, %get3A_105] {strides = array<i32>} : memref<125x80xi32, #tpu.memory_space<vmem>>, vector<1x16xi32>,
    %get3A_107 = vector.shape_cast %get3A_106 : vector<1x16xi32> to vector<16xi32>
    %and3A_108 = arith.constant 65535 : i32
    %and3A_109 = vector.broadcast %and3A_108 : i32 to vector<16xi32>
    %and3A_110 = arith.andi %get3A_107, %and3A_109 : vector<16xi32>
    %swap3A_111 = arith.constant 0 : i32
    %swap3A_112 = arith.index_cast %swap3A_111 : i32 to index
    %swap3A_113 = arith.constant 48 : index
    %swap3A_114 = tpu.vector_load %arg7[%swap3A_112, %swap3A_113] {strides = array<i32>} : memref<2x80xi32, #tpu.memory_space<vmem>>, vector<1x16xi32>,
    %swap3A_115 = vector.shape_cast %swap3A_114 : vector<1x16xi32> to vector<16xi32>
    %swap3A_116 = vector.shape_cast %and3A_110 : vector<16xi32> to vector<1x16xi32>
    tpu.vector_store %arg7[%swap3A_112, %swap3A_113], %swap3A_116 {strides = array<i32>} : memref<2x80xi32, #tpu.memory_space<vmem>>, vector<1x16xi32>,
    %shift_right_logical3A_117 = arith.constant 16 : i32
    %shift_right_logical3A_118 = vector.broadcast %shift_right_logical3A_117 : i32 to vector<16xi32>
    %shift_right_logical3A_119 = arith.shrui %get3A_107, %shift_right_logical3A_118 : vector<16xi32>
    %swap3A_120 = arith.constant 1 : i32
    %swap3A_121 = arith.index_cast %swap3A_120 : i32 to index
    %swap3A_122 = arith.constant 48 : index
    %swap3A_123 = tpu.vector_load %arg7[%swap3A_121, %swap3A_122] {strides = array<i32>} : memref<2x80xi32, #tpu.memory_space<vmem>>, vector<1x16xi32>,
    %swap3A_124 = vector.shape_cast %swap3A_123 : vector<1x16xi32> to vector<16xi32>
    %swap3A_125 = vector.shape_cast %shift_right_logical3A_119 : vector<16xi32> to vector<1x16xi32>
    tpu.vector_store %arg7[%swap3A_121, %swap3A_122], %swap3A_125 {strides = array<i32>} : memref<2x80xi32, #tpu.memory_space<vmem>>, vector<1x16xi32>,
    %get3A_126 = arith.constant 0 : i32
    %get3A_127 = arith.index_cast %get3A_126 : i32 to index
    %get3A_128 = arith.constant 64 : index
    %get3A_129 = tpu.vector_load %arg6[%get3A_127, %get3A_128] {strides = array<i32>} : memref<125x80xi32, #tpu.memory_space<vmem>>, vector<1x16xi32>,
    %get3A_130 = vector.shape_cast %get3A_129 : vector<1x16xi32> to vector<16xi32>
    %and3A_131 = arith.constant 65535 : i32
    %and3A_132 = vector.broadcast %and3A_131 : i32 to vector<16xi32>
    %and3A_133 = arith.andi %get3A_130, %and3A_132 : vector<16xi32>
    %swap3A_134 = arith.constant 0 : i32
    %swap3A_135 = arith.index_cast %swap3A_134 : i32 to index
    %swap3A_136 = arith.constant 64 : index
    %swap3A_137 = tpu.vector_load %arg7[%swap3A_135, %swap3A_136] {strides = array<i32>} : memref<2x80xi32, #tpu.memory_space<vmem>>, vector<1x16xi32>,
    %swap3A_138 = vector.shape_cast %swap3A_137 : vector<1x16xi32> to vector<16xi32>
    %swap3A_139 = vector.shape_cast %and3A_133 : vector<16xi32> to vector<1x16xi32>
    tpu.vector_store %arg7[%swap3A_135, %swap3A_136], %swap3A_139 {strides = array<i32>} : memref<2x80xi32, #tpu.memory_space<vmem>>, vector<1x16xi32>,
    %shift_right_logical3A_140 = arith.constant 16 : i32
    %shift_right_logical3A_141 = vector.broadcast %shift_right_logical3A_140 : i32 to vector<16xi32>
    %shift_right_logical3A_142 = arith.shrui %get3A_130, %shift_right_logical3A_141 : vector<16xi32>
    %swap3A_143 = arith.constant 1 : i32
    %swap3A_144 = arith.index_cast %swap3A_143 : i32 to index
    %swap3A_145 = arith.constant 64 : index
    %swap3A_146 = tpu.vector_load %arg7[%swap3A_144, %swap3A_145] {strides = array<i32>} : memref<2x80xi32, #tpu.memory_space<vmem>>, vector<1x16xi32>,
    %swap3A_147 = vector.shape_cast %swap3A_146 : vector<1x16xi32> to vector<16xi32>
    %swap3A_148 = vector.shape_cast %shift_right_logical3A_142 : vector<16xi32> to vector<1x16xi32>
    tpu.vector_store %arg7[%swap3A_144, %swap3A_145], %swap3A_148 {strides = array<i32>} : memref<2x80xi32, #tpu.memory_space<vmem>>, vector<1x16xi32>,
    %dma_start3A = arith.constant 0 : i32
    %dma_start3A_149 = arith.constant 0 : i32
    %dma_start3A_150 = tpu.memref_slice %arg7[%dma_start3A, %dma_start3A_149] : memref<2x80xi32, #tpu.memory_space<vmem>> -> memref<1x80xi32, #tpu.memory_space<vmem>>
    %dma_start3A_151 = tpu.memref_squeeze %dma_start3A_150 : memref<1x80xi32, #tpu.memory_space<vmem>> -> memref<80xi32, #tpu.memory_space<vmem>>
    %dma_start3A_152 = arith.constant 0 : i32
    %dma_start3A_153 = arith.constant 0 : i32
    %dma_start3A_154 = tpu.memref_slice %arg2[%dma_start3A_152, %dma_start3A_153] : memref<10000x128xf32, #tpu.memory_space<hbm>> -> memref<10000x128xf32, #tpu.memory_space<hbm>>
    tpu.enqueue_indirect_dma source(%dma_start3A_154 : memref<10000x128xf32, #tpu.memory_space<hbm>>) target(%arg9 : memref<80x128xf32, #tpu.memory_space<vmem>>) offsets(%dma_start3A_151 : memref<80xi32, #tpu.memory_space<vmem>>) semaphore(%arg11 : memref<!tpu.dma_semaphore, #tpu.memory_space<semaphore_mem>>)
    %scan3A_155 = arith.constant 0 : i32
    %scan3A_156 = arith.constant 0 : i32
    %scan3A_157 = arith.constant 62 : i32
    %scan3A_158 = arith.addi %scan3A_156, %scan3A_157 : i32
    %scan3A_159 = arith.constant 1 : i32
    scf.for %scan3A_172 = %scan3A_156 to %scan3A_158 step %scan3A_159  : i32 {
      %dma_wait3A_173 = arith.constant 0 : i32
      %dma_wait3A_174 = arith.constant 0 : i32
      %dma_wait3A_175 = tpu.memref_slice %arg7[%dma_wait3A_173, %dma_wait3A_174] : memref<2x80xi32, #tpu.memory_space<vmem>> -> memref<1x80xi32, #tpu.memory_space<vmem>>
      %dma_wait3A_176 = tpu.memref_squeeze %dma_wait3A_175 : memref<1x80xi32, #tpu.memory_space<vmem>> -> memref<80xi32, #tpu.memory_space<vmem>>
      %dma_wait3A_177 = arith.constant 0 : i32
      %dma_wait3A_178 = arith.constant 0 : i32
      %dma_wait3A_179 = tpu.memref_slice %arg2[%dma_wait3A_177, %dma_wait3A_178] : memref<10000x128xf32, #tpu.memory_space<hbm>> -> memref<10000x128xf32, #tpu.memory_space<hbm>>
      tpu.wait_indirect_dma semaphore(%arg11 : memref<!tpu.dma_semaphore, #tpu.memory_space<semaphore_mem>>) src(%dma_wait3A_179 : memref<10000x128xf32, #tpu.memory_space<hbm>>) dst(%arg9 : memref<80x128xf32, #tpu.memory_space<vmem>>)
      %mul3A_180 = arith.constant 2 : i32
      %mul3A_181 = arith.muli %mul3A_180, %scan3A_172 : i32
      %add3A_182 = arith.constant 1 : i32
      %add3A_183 = arith.addi %mul3A_181, %add3A_182 : i32
      %get3A_184 = arith.index_cast %add3A_183 : i32 to index
      %get3A_185 = arith.constant 0 : index
      %get3A_186 = tpu.vector_load %arg6[%get3A_184, %get3A_185] {strides = array<i32>} : memref<125x80xi32, #tpu.memory_space<vmem>>, vector<1x16xi32>,
      %get3A_187 = vector.shape_cast %get3A_186 : vector<1x16xi32> to vector<16xi32>
      %and3A_188 = arith.constant 65535 : i32
      %and3A_189 = vector.broadcast %and3A_188 : i32 to vector<16xi32>
      %and3A_190 = arith.andi %get3A_187, %and3A_189 : vector<16xi32>
      %swap3A_191 = arith.constant 0 : i32
      %swap3A_192 = arith.index_cast %swap3A_191 : i32 to index
      %swap3A_193 = arith.constant 0 : index
      %swap3A_194 = tpu.vector_load %arg8[%swap3A_192, %swap3A_193] {strides = array<i32>} : memref<2x80xi32, #tpu.memory_space<vmem>>, vector<1x16xi32>,
      %swap3A_195 = vector.shape_cast %swap3A_194 : vector<1x16xi32> to vector<16xi32>
      %swap3A_196 = vector.shape_cast %and3A_190 : vector<16xi32> to vector<1x16xi32>
      tpu.vector_store %arg8[%swap3A_192, %swap3A_193], %swap3A_196 {strides = array<i32>} : memref<2x80xi32, #tpu.memory_space<vmem>>, vector<1x16xi32>,
      %shift_right_logical3A_197 = arith.constant 16 : i32
      %shift_right_logical3A_198 = vector.broadcast %shift_right_logical3A_197 : i32 to vector<16xi32>
      %shift_right_logical3A_199 = arith.shrui %get3A_187, %shift_right_logical3A_198 : vector<16xi32>
      %swap3A_200 = arith.constant 1 : i32
      %swap3A_201 = arith.index_cast %swap3A_200 : i32 to index
      %swap3A_202 = arith.constant 0 : index
      %swap3A_203 = tpu.vector_load %arg8[%swap3A_201, %swap3A_202] {strides = array<i32>} : memref<2x80xi32, #tpu.memory_space<vmem>>, vector<1x16xi32>,
      %swap3A_204 = vector.shape_cast %swap3A_203 : vector<1x16xi32> to vector<16xi32>
      %swap3A_205 = vector.shape_cast %shift_right_logical3A_199 : vector<16xi32> to vector<1x16xi32>
      tpu.vector_store %arg8[%swap3A_201, %swap3A_202], %swap3A_205 {strides = array<i32>} : memref<2x80xi32, #tpu.memory_space<vmem>>, vector<1x16xi32>,
      %get3A_206 = arith.index_cast %add3A_183 : i32 to index
      %get3A_207 = arith.constant 16 : index
      %get3A_208 = tpu.vector_load %arg6[%get3A_206, %get3A_207] {strides = array<i32>} : memref<125x80xi32, #tpu.memory_space<vmem>>, vector<1x16xi32>,
      %get3A_209 = vector.shape_cast %get3A_208 : vector<1x16xi32> to vector<16xi32>
      %and3A_210 = arith.constant 65535 : i32
      %and3A_211 = vector.broadcast %and3A_210 : i32 to vector<16xi32>
      %and3A_212 = arith.andi %get3A_209, %and3A_211 : vector<16xi32>
      %swap3A_213 = arith.constant 0 : i32
      %swap3A_214 = arith.index_cast %swap3A_213 : i32 to index
      %swap3A_215 = arith.constant 16 : index
      %swap3A_216 = tpu.vector_load %arg8[%swap3A_214, %swap3A_215] {strides = array<i32>} : memref<2x80xi32, #tpu.memory_space<vmem>>, vector<1x16xi32>,
      %swap3A_217 = vector.shape_cast %swap3A_216 : vector<1x16xi32> to vector<16xi32>
      %swap3A_218 = vector.shape_cast %and3A_212 : vector<16xi32> to vector<1x16xi32>
      tpu.vector_store %arg8[%swap3A_214, %swap3A_215], %swap3A_218 {strides = array<i32>} : memref<2x80xi32, #tpu.memory_space<vmem>>, vector<1x16xi32>,
      %shift_right_logical3A_219 = arith.constant 16 : i32
      %shift_right_logical3A_220 = vector.broadcast %shift_right_logical3A_219 : i32 to vector<16xi32>
      %shift_right_logical3A_221 = arith.shrui %get3A_209, %shift_right_logical3A_220 : vector<16xi32>
      %swap3A_222 = arith.constant 1 : i32
      %swap3A_223 = arith.index_cast %swap3A_222 : i32 to index
      %swap3A_224 = arith.constant 16 : index
      %swap3A_225 = tpu.vector_load %arg8[%swap3A_223, %swap3A_224] {strides = array<i32>} : memref<2x80xi32, #tpu.memory_space<vmem>>, vector<1x16xi32>,
      %swap3A_226 = vector.shape_cast %swap3A_225 : vector<1x16xi32> to vector<16xi32>
      %swap3A_227 = vector.shape_cast %shift_right_logical3A_221 : vector<16xi32> to vector<1x16xi32>
      tpu.vector_store %arg8[%swap3A_223, %swap3A_224], %swap3A_227 {strides = array<i32>} : memref<2x80xi32, #tpu.memory_space<vmem>>, vector<1x16xi32>,
      %get3A_228 = arith.index_cast %add3A_183 : i32 to index
      %get3A_229 = arith.constant 32 : index
      %get3A_230 = tpu.vector_load %arg6[%get3A_228, %get3A_229] {strides = array<i32>} : memref<125x80xi32, #tpu.memory_space<vmem>>, vector<1x16xi32>,
      %get3A_231 = vector.shape_cast %get3A_230 : vector<1x16xi32> to vector<16xi32>
      %and3A_232 = arith.constant 65535 : i32
      %and3A_233 = vector.broadcast %and3A_232 : i32 to vector<16xi32>
      %and3A_234 = arith.andi %get3A_231, %and3A_233 : vector<16xi32>
      %swap3A_235 = arith.constant 0 : i32
      %swap3A_236 = arith.index_cast %swap3A_235 : i32 to index
      %swap3A_237 = arith.constant 32 : index
      %swap3A_238 = tpu.vector_load %arg8[%swap3A_236, %swap3A_237] {strides = array<i32>} : memref<2x80xi32, #tpu.memory_space<vmem>>, vector<1x16xi32>,
      %swap3A_239 = vector.shape_cast %swap3A_238 : vector<1x16xi32> to vector<16xi32>
      %swap3A_240 = vector.shape_cast %and3A_234 : vector<16xi32> to vector<1x16xi32>
      tpu.vector_store %arg8[%swap3A_236, %swap3A_237], %swap3A_240 {strides = array<i32>} : memref<2x80xi32, #tpu.memory_space<vmem>>, vector<1x16xi32>,
      %shift_right_logical3A_241 = arith.constant 16 : i32
      %shift_right_logical3A_242 = vector.broadcast %shift_right_logical3A_241 : i32 to vector<16xi32>
      %shift_right_logical3A_243 = arith.shrui %get3A_231, %shift_right_logical3A_242 : vector<16xi32>
      %swap3A_244 = arith.constant 1 : i32
      %swap3A_245 = arith.index_cast %swap3A_244 : i32 to index
      %swap3A_246 = arith.constant 32 : index
      %swap3A_247 = tpu.vector_load %arg8[%swap3A_245, %swap3A_246] {strides = array<i32>} : memref<2x80xi32, #tpu.memory_space<vmem>>, vector<1x16xi32>,
      %swap3A_248 = vector.shape_cast %swap3A_247 : vector<1x16xi32> to vector<16xi32>
      %swap3A_249 = vector.shape_cast %shift_right_logical3A_243 : vector<16xi32> to vector<1x16xi32>
      tpu.vector_store %arg8[%swap3A_245, %swap3A_246], %swap3A_249 {strides = array<i32>} : memref<2x80xi32, #tpu.memory_space<vmem>>, vector<1x16xi32>,
      %get3A_250 = arith.index_cast %add3A_183 : i32 to index
      %get3A_251 = arith.constant 48 : index
      %get3A_252 = tpu.vector_load %arg6[%get3A_250, %get3A_251] {strides = array<i32>} : memref<125x80xi32, #tpu.memory_space<vmem>>, vector<1x16xi32>,
      %get3A_253 = vector.shape_cast %get3A_252 : vector<1x16xi32> to vector<16xi32>
      %and3A_254 = arith.constant 65535 : i32
      %and3A_255 = vector.broadcast %and3A_254 : i32 to vector<16xi32>
      %and3A_256 = arith.andi %get3A_253, %and3A_255 : vector<16xi32>
      %swap3A_257 = arith.constant 0 : i32
      %swap3A_258 = arith.index_cast %swap3A_257 : i32 to index
      %swap3A_259 = arith.constant 48 : index
      %swap3A_260 = tpu.vector_load %arg8[%swap3A_258, %swap3A_259] {strides = array<i32>} : memref<2x80xi32, #tpu.memory_space<vmem>>, vector<1x16xi32>,
      %swap3A_261 = vector.shape_cast %swap3A_260 : vector<1x16xi32> to vector<16xi32>
      %swap3A_262 = vector.shape_cast %and3A_256 : vector<16xi32> to vector<1x16xi32>
      tpu.vector_store %arg8[%swap3A_258, %swap3A_259], %swap3A_262 {strides = array<i32>} : memref<2x80xi32, #tpu.memory_space<vmem>>, vector<1x16xi32>,
      %shift_right_logical3A_263 = arith.constant 16 : i32
      %shift_right_logical3A_264 = vector.broadcast %shift_right_logical3A_263 : i32 to vector<16xi32>
      %shift_right_logical3A_265 = arith.shrui %get3A_253, %shift_right_logical3A_264 : vector<16xi32>
      %swap3A_266 = arith.constant 1 : i32
      %swap3A_267 = arith.index_cast %swap3A_266 : i32 to index
      %swap3A_268 = arith.constant 48 : index
      %swap3A_269 = tpu.vector_load %arg8[%swap3A_267, %swap3A_268] {strides = array<i32>} : memref<2x80xi32, #tpu.memory_space<vmem>>, vector<1x16xi32>,
      %swap3A_270 = vector.shape_cast %swap3A_269 : vector<1x16xi32> to vector<16xi32>
      %swap3A_271 = vector.shape_cast %shift_right_logical3A_265 : vector<16xi32> to vector<1x16xi32>
      tpu.vector_store %arg8[%swap3A_267, %swap3A_268], %swap3A_271 {strides = array<i32>} : memref<2x80xi32, #tpu.memory_space<vmem>>, vector<1x16xi32>,
      %get3A_272 = arith.index_cast %add3A_183 : i32 to index
      %get3A_273 = arith.constant 64 : index
      %get3A_274 = tpu.vector_load %arg6[%get3A_272, %get3A_273] {strides = array<i32>} : memref<125x80xi32, #tpu.memory_space<vmem>>, vector<1x16xi32>,
      %get3A_275 = vector.shape_cast %get3A_274 : vector<1x16xi32> to vector<16xi32>
      %and3A_276 = arith.constant 65535 : i32
      %and3A_277 = vector.broadcast %and3A_276 : i32 to vector<16xi32>
      %and3A_278 = arith.andi %get3A_275, %and3A_277 : vector<16xi32>
      %swap3A_279 = arith.constant 0 : i32
      %swap3A_280 = arith.index_cast %swap3A_279 : i32 to index
      %swap3A_281 = arith.constant 64 : index
      %swap3A_282 = tpu.vector_load %arg8[%swap3A_280, %swap3A_281] {strides = array<i32>} : memref<2x80xi32, #tpu.memory_space<vmem>>, vector<1x16xi32>,
      %swap3A_283 = vector.shape_cast %swap3A_282 : vector<1x16xi32> to vector<16xi32>
      %swap3A_284 = vector.shape_cast %and3A_278 : vector<16xi32> to vector<1x16xi32>
      tpu.vector_store %arg8[%swap3A_280, %swap3A_281], %swap3A_284 {strides = array<i32>} : memref<2x80xi32, #tpu.memory_space<vmem>>, vector<1x16xi32>,
      %shift_right_logical3A_285 = arith.constant 16 : i32
      %shift_right_logical3A_286 = vector.broadcast %shift_right_logical3A_285 : i32 to vector<16xi32>
      %shift_right_logical3A_287 = arith.shrui %get3A_275, %shift_right_logical3A_286 : vector<16xi32>
      %swap3A_288 = arith.constant 1 : i32
      %swap3A_289 = arith.index_cast %swap3A_288 : i32 to index
      %swap3A_290 = arith.constant 64 : index
      %swap3A_291 = tpu.vector_load %arg8[%swap3A_289, %swap3A_290] {strides = array<i32>} : memref<2x80xi32, #tpu.memory_space<vmem>>, vector<1x16xi32>,
      %swap3A_292 = vector.shape_cast %swap3A_291 : vector<1x16xi32> to vector<16xi32>
      %swap3A_293 = vector.shape_cast %shift_right_logical3A_287 : vector<16xi32> to vector<1x16xi32>
      tpu.vector_store %arg8[%swap3A_289, %swap3A_290], %swap3A_293 {strides = array<i32>} : memref<2x80xi32, #tpu.memory_space<vmem>>, vector<1x16xi32>,
      %dma_start3A_294 = arith.constant 0 : i32
      %dma_start3A_295 = arith.constant 0 : i32
      %dma_start3A_296 = tpu.memref_slice %arg8[%dma_start3A_294, %dma_start3A_295] : memref<2x80xi32, #tpu.memory_space<vmem>> -> memref<1x80xi32, #tpu.memory_space<vmem>>
      %dma_start3A_297 = tpu.memref_squeeze %dma_start3A_296 : memref<1x80xi32, #tpu.memory_space<vmem>> -> memref<80xi32, #tpu.memory_space<vmem>>
      %dma_start3A_298 = arith.constant 0 : i32
      %dma_start3A_299 = arith.constant 0 : i32
      %dma_start3A_300 = tpu.memref_slice %arg2[%dma_start3A_298, %dma_start3A_299] : memref<10000x128xf32, #tpu.memory_space<hbm>> -> memref<10000x128xf32, #tpu.memory_space<hbm>>
      tpu.enqueue_indirect_dma source(%dma_start3A_300 : memref<10000x128xf32, #tpu.memory_space<hbm>>) target(%arg10 : memref<80x128xf32, #tpu.memory_space<vmem>>) offsets(%dma_start3A_297 : memref<80xi32, #tpu.memory_space<vmem>>) semaphore(%arg11 : memref<!tpu.dma_semaphore, #tpu.memory_space<semaphore_mem>>)
      %run_scoped3A_301 = arith.constant 1 : i32
      "tpu.region"() ({
        %run_scoped3A_431 = tpu.sem_alloc : memref<!tpu.dma_semaphore, #tpu.memory_space<semaphore_mem>>
        %dma_start3A_432 = arith.constant 0 : i32
        %dma_start3A_433 = tpu.memref_slice %arg7[%run_scoped3A_301, %dma_start3A_432] : memref<2x80xi32, #tpu.memory_space<vmem>> -> memref<1x80xi32, #tpu.memory_space<vmem>>
        %dma_start3A_434 = tpu.memref_squeeze %dma_start3A_433 : memref<1x80xi32, #tpu.memory_space<vmem>> -> memref<80xi32, #tpu.memory_space<vmem>>
        %dma_start3A_435 = arith.constant 0 : i32
        %dma_start3A_436 = arith.constant 0 : i32
        %dma_start3A_437 = tpu.memref_slice %arg5[%dma_start3A_435, %dma_start3A_436] : memref<10240x128xf32, #tpu.memory_space<vmem_shared>> -> memref<10240x128xf32, #tpu.memory_space<vmem_shared>>
        tpu.enqueue_indirect_dma source(%arg9 : memref<80x128xf32, #tpu.memory_space<vmem>>) target(%dma_start3A_437 : memref<10240x128xf32, #tpu.memory_space<vmem_shared>>) offsets(%dma_start3A_434 : memref<80xi32, #tpu.memory_space<vmem>>) semaphore(%run_scoped3A_431 : memref<!tpu.dma_semaphore, #tpu.memory_space<semaphore_mem>>) {add = true}
        %dma_wait3A_438 = arith.constant 0 : i32
        %dma_wait3A_439 = tpu.memref_slice %arg7[%run_scoped3A_301, %dma_wait3A_438] : memref<2x80xi32, #tpu.memory_space<vmem>> -> memref<1x80xi32, #tpu.memory_space<vmem>>
        %dma_wait3A_440 = tpu.memref_squeeze %dma_wait3A_439 : memref<1x80xi32, #tpu.memory_space<vmem>> -> memref<80xi32, #tpu.memory_space<vmem>>
        %dma_wait3A_441 = arith.constant 0 : i32
        %dma_wait3A_442 = arith.constant 0 : i32
        %dma_wait3A_443 = tpu.memref_slice %arg5[%dma_wait3A_441, %dma_wait3A_442] : memref<10240x128xf32, #tpu.memory_space<vmem_shared>> -> memref<10240x128xf32, #tpu.memory_space<vmem_shared>>
        tpu.wait_indirect_dma semaphore(%run_scoped3A_431 : memref<!tpu.dma_semaphore, #tpu.memory_space<semaphore_mem>>) src(%arg9 : memref<80x128xf32, #tpu.memory_space<vmem>>) dst(%dma_wait3A_443 : memref<10240x128xf32, #tpu.memory_space<vmem_shared>>)
        tpu.yield
      }) : () -> ()
      %dma_wait3A_302 = arith.constant 0 : i32
      %dma_wait3A_303 = arith.constant 0 : i32
      %dma_wait3A_304 = tpu.memref_slice %arg8[%dma_wait3A_302, %dma_wait3A_303] : memref<2x80xi32, #tpu.memory_space<vmem>> -> memref<1x80xi32, #tpu.memory_space<vmem>>
      %dma_wait3A_305 = tpu.memref_squeeze %dma_wait3A_304 : memref<1x80xi32, #tpu.memory_space<vmem>> -> memref<80xi32, #tpu.memory_space<vmem>>
      %dma_wait3A_306 = arith.constant 0 : i32
      %dma_wait3A_307 = arith.constant 0 : i32
      %dma_wait3A_308 = tpu.memref_slice %arg2[%dma_wait3A_306, %dma_wait3A_307] : memref<10000x128xf32, #tpu.memory_space<hbm>> -> memref<10000x128xf32, #tpu.memory_space<hbm>>
      tpu.wait_indirect_dma semaphore(%arg11 : memref<!tpu.dma_semaphore, #tpu.memory_space<semaphore_mem>>) src(%dma_wait3A_308 : memref<10000x128xf32, #tpu.memory_space<hbm>>) dst(%arg10 : memref<80x128xf32, #tpu.memory_space<vmem>>)
      %mul3A_309 = arith.constant 2 : i32
      %mul3A_310 = arith.muli %mul3A_309, %scan3A_172 : i32
      %add3A_311 = arith.constant 2 : i32
      %add3A_312 = arith.addi %mul3A_310, %add3A_311 : i32
      %get3A_313 = arith.index_cast %add3A_312 : i32 to index
      %get3A_314 = arith.constant 0 : index
      %get3A_315 = tpu.vector_load %arg6[%get3A_313, %get3A_314] {strides = array<i32>} : memref<125x80xi32, #tpu.memory_space<vmem>>, vector<1x16xi32>,
      %get3A_316 = vector.shape_cast %get3A_315 : vector<1x16xi32> to vector<16xi32>
      %and3A_317 = arith.constant 65535 : i32
      %and3A_318 = vector.broadcast %and3A_317 : i32 to vector<16xi32>
      %and3A_319 = arith.andi %get3A_316, %and3A_318 : vector<16xi32>
      %swap3A_320 = arith.constant 0 : i32
      %swap3A_321 = arith.index_cast %swap3A_320 : i32 to index
      %swap3A_322 = arith.constant 0 : index
      %swap3A_323 = tpu.vector_load %arg7[%swap3A_321, %swap3A_322] {strides = array<i32>} : memref<2x80xi32, #tpu.memory_space<vmem>>, vector<1x16xi32>,
      %swap3A_324 = vector.shape_cast %swap3A_323 : vector<1x16xi32> to vector<16xi32>
      %swap3A_325 = vector.shape_cast %and3A_319 : vector<16xi32> to vector<1x16xi32>
      tpu.vector_store %arg7[%swap3A_321, %swap3A_322], %swap3A_325 {strides = array<i32>} : memref<2x80xi32, #tpu.memory_space<vmem>>, vector<1x16xi32>,
      %shift_right_logical3A_326 = arith.constant 16 : i32
      %shift_right_logical3A_327 = vector.broadcast %shift_right_logical3A_326 : i32 to vector<16xi32>
      %shift_right_logical3A_328 = arith.shrui %get3A_316, %shift_right_logical3A_327 : vector<16xi32>
      %swap3A_329 = arith.constant 1 : i32
      %swap3A_330 = arith.index_cast %swap3A_329 : i32 to index
      %swap3A_331 = arith.constant 0 : index
      %swap3A_332 = tpu.vector_load %arg7[%swap3A_330, %swap3A_331] {strides = array<i32>} : memref<2x80xi32, #tpu.memory_space<vmem>>, vector<1x16xi32>,
      %swap3A_333 = vector.shape_cast %swap3A_332 : vector<1x16xi32> to vector<16xi32>
      %swap3A_334 = vector.shape_cast %shift_right_logical3A_328 : vector<16xi32> to vector<1x16xi32>
      tpu.vector_store %arg7[%swap3A_330, %swap3A_331], %swap3A_334 {strides = array<i32>} : memref<2x80xi32, #tpu.memory_space<vmem>>, vector<1x16xi32>,
      %get3A_335 = arith.index_cast %add3A_312 : i32 to index
      %get3A_336 = arith.constant 16 : index
      %get3A_337 = tpu.vector_load %arg6[%get3A_335, %get3A_336] {strides = array<i32>} : memref<125x80xi32, #tpu.memory_space<vmem>>, vector<1x16xi32>,
      %get3A_338 = vector.shape_cast %get3A_337 : vector<1x16xi32> to vector<16xi32>
      %and3A_339 = arith.constant 65535 : i32
      %and3A_340 = vector.broadcast %and3A_339 : i32 to vector<16xi32>
      %and3A_341 = arith.andi %get3A_338, %and3A_340 : vector<16xi32>
      %swap3A_342 = arith.constant 0 : i32
      %swap3A_343 = arith.index_cast %swap3A_342 : i32 to index
      %swap3A_344 = arith.constant 16 : index
      %swap3A_345 = tpu.vector_load %arg7[%swap3A_343, %swap3A_344] {strides = array<i32>} : memref<2x80xi32, #tpu.memory_space<vmem>>, vector<1x16xi32>,
      %swap3A_346 = vector.shape_cast %swap3A_345 : vector<1x16xi32> to vector<16xi32>
      %swap3A_347 = vector.shape_cast %and3A_341 : vector<16xi32> to vector<1x16xi32>
      tpu.vector_store %arg7[%swap3A_343, %swap3A_344], %swap3A_347 {strides = array<i32>} : memref<2x80xi32, #tpu.memory_space<vmem>>, vector<1x16xi32>,
      %shift_right_logical3A_348 = arith.constant 16 : i32
      %shift_right_logical3A_349 = vector.broadcast %shift_right_logical3A_348 : i32 to vector<16xi32>
      %shift_right_logical3A_350 = arith.shrui %get3A_338, %shift_right_logical3A_349 : vector<16xi32>
      %swap3A_351 = arith.constant 1 : i32
      %swap3A_352 = arith.index_cast %swap3A_351 : i32 to index
      %swap3A_353 = arith.constant 16 : index
      %swap3A_354 = tpu.vector_load %arg7[%swap3A_352, %swap3A_353] {strides = array<i32>} : memref<2x80xi32, #tpu.memory_space<vmem>>, vector<1x16xi32>,
      %swap3A_355 = vector.shape_cast %swap3A_354 : vector<1x16xi32> to vector<16xi32>
      %swap3A_356 = vector.shape_cast %shift_right_logical3A_350 : vector<16xi32> to vector<1x16xi32>
      tpu.vector_store %arg7[%swap3A_352, %swap3A_353], %swap3A_356 {strides = array<i32>} : memref<2x80xi32, #tpu.memory_space<vmem>>, vector<1x16xi32>,
      %get3A_357 = arith.index_cast %add3A_312 : i32 to index
      %get3A_358 = arith.constant 32 : index
      %get3A_359 = tpu.vector_load %arg6[%get3A_357, %get3A_358] {strides = array<i32>} : memref<125x80xi32, #tpu.memory_space<vmem>>, vector<1x16xi32>,
      %get3A_360 = vector.shape_cast %get3A_359 : vector<1x16xi32> to vector<16xi32>
      %and3A_361 = arith.constant 65535 : i32
      %and3A_362 = vector.broadcast %and3A_361 : i32 to vector<16xi32>
      %and3A_363 = arith.andi %get3A_360, %and3A_362 : vector<16xi32>
      %swap3A_364 = arith.constant 0 : i32
      %swap3A_365 = arith.index_cast %swap3A_364 : i32 to index
      %swap3A_366 = arith.constant 32 : index
      %swap3A_367 = tpu.vector_load %arg7[%swap3A_365, %swap3A_366] {strides = array<i32>} : memref<2x80xi32, #tpu.memory_space<vmem>>, vector<1x16xi32>,
      %swap3A_368 = vector.shape_cast %swap3A_367 : vector<1x16xi32> to vector<16xi32>
      %swap3A_369 = vector.shape_cast %and3A_363 : vector<16xi32> to vector<1x16xi32>
      tpu.vector_store %arg7[%swap3A_365, %swap3A_366], %swap3A_369 {strides = array<i32>} : memref<2x80xi32, #tpu.memory_space<vmem>>, vector<1x16xi32>,
      %shift_right_logical3A_370 = arith.constant 16 : i32
      %shift_right_logical3A_371 = vector.broadcast %shift_right_logical3A_370 : i32 to vector<16xi32>
      %shift_right_logical3A_372 = arith.shrui %get3A_360, %shift_right_logical3A_371 : vector<16xi32>
      %swap3A_373 = arith.constant 1 : i32
      %swap3A_374 = arith.index_cast %swap3A_373 : i32 to index
      %swap3A_375 = arith.constant 32 : index
      %swap3A_376 = tpu.vector_load %arg7[%swap3A_374, %swap3A_375] {strides = array<i32>} : memref<2x80xi32, #tpu.memory_space<vmem>>, vector<1x16xi32>,
      %swap3A_377 = vector.shape_cast %swap3A_376 : vector<1x16xi32> to vector<16xi32>
      %swap3A_378 = vector.shape_cast %shift_right_logical3A_372 : vector<16xi32> to vector<1x16xi32>
      tpu.vector_store %arg7[%swap3A_374, %swap3A_375], %swap3A_378 {strides = array<i32>} : memref<2x80xi32, #tpu.memory_space<vmem>>, vector<1x16xi32>,
      %get3A_379 = arith.index_cast %add3A_312 : i32 to index
      %get3A_380 = arith.constant 48 : index
      %get3A_381 = tpu.vector_load %arg6[%get3A_379, %get3A_380] {strides = array<i32>} : memref<125x80xi32, #tpu.memory_space<vmem>>, vector<1x16xi32>,
      %get3A_382 = vector.shape_cast %get3A_381 : vector<1x16xi32> to vector<16xi32>
      %and3A_383 = arith.constant 65535 : i32
      %and3A_384 = vector.broadcast %and3A_383 : i32 to vector<16xi32>
      %and3A_385 = arith.andi %get3A_382, %and3A_384 : vector<16xi32>
      %swap3A_386 = arith.constant 0 : i32
      %swap3A_387 = arith.index_cast %swap3A_386 : i32 to index
      %swap3A_388 = arith.constant 48 : index
      %swap3A_389 = tpu.vector_load %arg7[%swap3A_387, %swap3A_388] {strides = array<i32>} : memref<2x80xi32, #tpu.memory_space<vmem>>, vector<1x16xi32>,
      %swap3A_390 = vector.shape_cast %swap3A_389 : vector<1x16xi32> to vector<16xi32>
      %swap3A_391 = vector.shape_cast %and3A_385 : vector<16xi32> to vector<1x16xi32>
      tpu.vector_store %arg7[%swap3A_387, %swap3A_388], %swap3A_391 {strides = array<i32>} : memref<2x80xi32, #tpu.memory_space<vmem>>, vector<1x16xi32>,
      %shift_right_logical3A_392 = arith.constant 16 : i32
      %shift_right_logical3A_393 = vector.broadcast %shift_right_logical3A_392 : i32 to vector<16xi32>
      %shift_right_logical3A_394 = arith.shrui %get3A_382, %shift_right_logical3A_393 : vector<16xi32>
      %swap3A_395 = arith.constant 1 : i32
      %swap3A_396 = arith.index_cast %swap3A_395 : i32 to index
      %swap3A_397 = arith.constant 48 : index
      %swap3A_398 = tpu.vector_load %arg7[%swap3A_396, %swap3A_397] {strides = array<i32>} : memref<2x80xi32, #tpu.memory_space<vmem>>, vector<1x16xi32>,
      %swap3A_399 = vector.shape_cast %swap3A_398 : vector<1x16xi32> to vector<16xi32>
      %swap3A_400 = vector.shape_cast %shift_right_logical3A_394 : vector<16xi32> to vector<1x16xi32>
      tpu.vector_store %arg7[%swap3A_396, %swap3A_397], %swap3A_400 {strides = array<i32>} : memref<2x80xi32, #tpu.memory_space<vmem>>, vector<1x16xi32>,
      %get3A_401 = arith.index_cast %add3A_312 : i32 to index
      %get3A_402 = arith.constant 64 : index
      %get3A_403 = tpu.vector_load %arg6[%get3A_401, %get3A_402] {strides = array<i32>} : memref<125x80xi32, #tpu.memory_space<vmem>>, vector<1x16xi32>,
      %get3A_404 = vector.shape_cast %get3A_403 : vector<1x16xi32> to vector<16xi32>
      %and3A_405 = arith.constant 65535 : i32
      %and3A_406 = vector.broadcast %and3A_405 : i32 to vector<16xi32>
      %and3A_407 = arith.andi %get3A_404, %and3A_406 : vector<16xi32>
      %swap3A_408 = arith.constant 0 : i32
      %swap3A_409 = arith.index_cast %swap3A_408 : i32 to index
      %swap3A_410 = arith.constant 64 : index
      %swap3A_411 = tpu.vector_load %arg7[%swap3A_409, %swap3A_410] {strides = array<i32>} : memref<2x80xi32, #tpu.memory_space<vmem>>, vector<1x16xi32>,
      %swap3A_412 = vector.shape_cast %swap3A_411 : vector<1x16xi32> to vector<16xi32>
      %swap3A_413 = vector.shape_cast %and3A_407 : vector<16xi32> to vector<1x16xi32>
      tpu.vector_store %arg7[%swap3A_409, %swap3A_410], %swap3A_413 {strides = array<i32>} : memref<2x80xi32, #tpu.memory_space<vmem>>, vector<1x16xi32>,
      %shift_right_logical3A_414 = arith.constant 16 : i32
      %shift_right_logical3A_415 = vector.broadcast %shift_right_logical3A_414 : i32 to vector<16xi32>
      %shift_right_logical3A_416 = arith.shrui %get3A_404, %shift_right_logical3A_415 : vector<16xi32>
      %swap3A_417 = arith.constant 1 : i32
      %swap3A_418 = arith.index_cast %swap3A_417 : i32 to index
      %swap3A_419 = arith.constant 64 : index
      %swap3A_420 = tpu.vector_load %arg7[%swap3A_418, %swap3A_419] {strides = array<i32>} : memref<2x80xi32, #tpu.memory_space<vmem>>, vector<1x16xi32>,
      %swap3A_421 = vector.shape_cast %swap3A_420 : vector<1x16xi32> to vector<16xi32>
      %swap3A_422 = vector.shape_cast %shift_right_logical3A_416 : vector<16xi32> to vector<1x16xi32>
      tpu.vector_store %arg7[%swap3A_418, %swap3A_419], %swap3A_422 {strides = array<i32>} : memref<2x80xi32, #tpu.memory_space<vmem>>, vector<1x16xi32>,
      %dma_start3A_423 = arith.constant 0 : i32
      %dma_start3A_424 = arith.constant 0 : i32
      %dma_start3A_425 = tpu.memref_slice %arg7[%dma_start3A_423, %dma_start3A_424] : memref<2x80xi32, #tpu.memory_space<vmem>> -> memref<1x80xi32, #tpu.memory_space<vmem>>
      %dma_start3A_426 = tpu.memref_squeeze %dma_start3A_425 : memref<1x80xi32, #tpu.memory_space<vmem>> -> memref<80xi32, #tpu.memory_space<vmem>>
      %dma_start3A_427 = arith.constant 0 : i32
      %dma_start3A_428 = arith.constant 0 : i32
      %dma_start3A_429 = tpu.memref_slice %arg2[%dma_start3A_427, %dma_start3A_428] : memref<10000x128xf32, #tpu.memory_space<hbm>> -> memref<10000x128xf32, #tpu.memory_space<hbm>>
      tpu.enqueue_indirect_dma source(%dma_start3A_429 : memref<10000x128xf32, #tpu.memory_space<hbm>>) target(%arg9 : memref<80x128xf32, #tpu.memory_space<vmem>>) offsets(%dma_start3A_426 : memref<80xi32, #tpu.memory_space<vmem>>) semaphore(%arg11 : memref<!tpu.dma_semaphore, #tpu.memory_space<semaphore_mem>>)
      %run_scoped3A_430 = arith.constant 1 : i32
      "tpu.region"() ({
        %run_scoped3A_431 = tpu.sem_alloc : memref<!tpu.dma_semaphore, #tpu.memory_space<semaphore_mem>>
        %dma_start3A_432 = arith.constant 0 : i32
        %dma_start3A_433 = tpu.memref_slice %arg8[%run_scoped3A_430, %dma_start3A_432] : memref<2x80xi32, #tpu.memory_space<vmem>> -> memref<1x80xi32, #tpu.memory_space<vmem>>
        %dma_start3A_434 = tpu.memref_squeeze %dma_start3A_433 : memref<1x80xi32, #tpu.memory_space<vmem>> -> memref<80xi32, #tpu.memory_space<vmem>>
        %dma_start3A_435 = arith.constant 0 : i32
        %dma_start3A_436 = arith.constant 0 : i32
        %dma_start3A_437 = tpu.memref_slice %arg5[%dma_start3A_435, %dma_start3A_436] : memref<10240x128xf32, #tpu.memory_space<vmem_shared>> -> memref<10240x128xf32, #tpu.memory_space<vmem_shared>>
        tpu.enqueue_indirect_dma source(%arg10 : memref<80x128xf32, #tpu.memory_space<vmem>>) target(%dma_start3A_437 : memref<10240x128xf32, #tpu.memory_space<vmem_shared>>) offsets(%dma_start3A_434 : memref<80xi32, #tpu.memory_space<vmem>>) semaphore(%run_scoped3A_431 : memref<!tpu.dma_semaphore, #tpu.memory_space<semaphore_mem>>) {add = true}
        %dma_wait3A_438 = arith.constant 0 : i32
        %dma_wait3A_439 = tpu.memref_slice %arg8[%run_scoped3A_430, %dma_wait3A_438] : memref<2x80xi32, #tpu.memory_space<vmem>> -> memref<1x80xi32, #tpu.memory_space<vmem>>
        %dma_wait3A_440 = tpu.memref_squeeze %dma_wait3A_439 : memref<1x80xi32, #tpu.memory_space<vmem>> -> memref<80xi32, #tpu.memory_space<vmem>>
        %dma_wait3A_441 = arith.constant 0 : i32
        %dma_wait3A_442 = arith.constant 0 : i32
        %dma_wait3A_443 = tpu.memref_slice %arg5[%dma_wait3A_441, %dma_wait3A_442] : memref<10240x128xf32, #tpu.memory_space<vmem_shared>> -> memref<10240x128xf32, #tpu.memory_space<vmem_shared>>
        tpu.wait_indirect_dma semaphore(%run_scoped3A_431 : memref<!tpu.dma_semaphore, #tpu.memory_space<semaphore_mem>>) src(%arg10 : memref<80x128xf32, #tpu.memory_space<vmem>>) dst(%dma_wait3A_443 : memref<10240x128xf32, #tpu.memory_space<vmem_shared>>)
        tpu.yield
      }) : () -> ()
    }
    %scan3A_160 = arith.constant 62 : i32
    %dma_wait3A = arith.constant 0 : i32
    %dma_wait3A_161 = arith.constant 0 : i32
    %dma_wait3A_162 = tpu.memref_slice %arg7[%dma_wait3A, %dma_wait3A_161] : memref<2x80xi32, #tpu.memory_space<vmem>> -> memref<1x80xi32, #tpu.memory_space<vmem>>
    %dma_wait3A_163 = tpu.memref_squeeze %dma_wait3A_162 : memref<1x80xi32, #tpu.memory_space<vmem>> -> memref<80xi32, #tpu.memory_space<vmem>>
    %dma_wait3A_164 = arith.constant 0 : i32
    %dma_wait3A_165 = arith.constant 0 : i32
    %dma_wait3A_166 = tpu.memref_slice %arg2[%dma_wait3A_164, %dma_wait3A_165] : memref<10000x128xf32, #tpu.memory_space<hbm>> -> memref<10000x128xf32, #tpu.memory_space<hbm>>
    tpu.wait_indirect_dma semaphore(%arg11 : memref<!tpu.dma_semaphore, #tpu.memory_space<semaphore_mem>>) src(%dma_wait3A_166 : memref<10000x128xf32, #tpu.memory_space<hbm>>) dst(%arg9 : memref<80x128xf32, #tpu.memory_space<vmem>>)
    %run_scoped3A = arith.constant 1 : i32
    "tpu.region"() ({
      %run_scoped3A_172 = tpu.sem_alloc : memref<!tpu.dma_semaphore, #tpu.memory_space<semaphore_mem>>
      %dma_start3A_173 = arith.constant 0 : i32
      %dma_start3A_174 = tpu.memref_slice %arg7[%run_scoped3A, %dma_start3A_173] : memref<2x80xi32, #tpu.memory_space<vmem>> -> memref<1x80xi32, #tpu.memory_space<vmem>>
      %dma_start3A_175 = tpu.memref_squeeze %dma_start3A_174 : memref<1x80xi32, #tpu.memory_space<vmem>> -> memref<80xi32, #tpu.memory_space<vmem>>
      %dma_start3A_176 = arith.constant 0 : i32
      %dma_start3A_177 = arith.constant 0 : i32
      %dma_start3A_178 = tpu.memref_slice %arg5[%dma_start3A_176, %dma_start3A_177] : memref<10240x128xf32, #tpu.memory_space<vmem_shared>> -> memref<10240x128xf32, #tpu.memory_space<vmem_shared>>
      tpu.enqueue_indirect_dma source(%arg9 : memref<80x128xf32, #tpu.memory_space<vmem>>) target(%dma_start3A_178 : memref<10240x128xf32, #tpu.memory_space<vmem_shared>>) offsets(%dma_start3A_175 : memref<80xi32, #tpu.memory_space<vmem>>) semaphore(%run_scoped3A_172 : memref<!tpu.dma_semaphore, #tpu.memory_space<semaphore_mem>>) {add = true}
      %dma_wait3A_179 = arith.constant 0 : i32
      %dma_wait3A_180 = tpu.memref_slice %arg7[%run_scoped3A, %dma_wait3A_179] : memref<2x80xi32, #tpu.memory_space<vmem>> -> memref<1x80xi32, #tpu.memory_space<vmem>>
      %dma_wait3A_181 = tpu.memref_squeeze %dma_wait3A_180 : memref<1x80xi32, #tpu.memory_space<vmem>> -> memref<80xi32, #tpu.memory_space<vmem>>
      %dma_wait3A_182 = arith.constant 0 : i32
      %dma_wait3A_183 = arith.constant 0 : i32
      %dma_wait3A_184 = tpu.memref_slice %arg5[%dma_wait3A_182, %dma_wait3A_183] : memref<10240x128xf32, #tpu.memory_space<vmem_shared>> -> memref<10240x128xf32, #tpu.memory_space<vmem_shared>>
      tpu.wait_indirect_dma semaphore(%run_scoped3A_172 : memref<!tpu.dma_semaphore, #tpu.memory_space<semaphore_mem>>) src(%arg9 : memref<80x128xf32, #tpu.memory_space<vmem>>) dst(%dma_wait3A_184 : memref<10240x128xf32, #tpu.memory_space<vmem_shared>>)
      tpu.yield
    }) : () -> ()
    %barrier3A_167 = arith.constant 0 : index
    tpu.barrier barrier_id(%barrier3A_167)
    %mul3A_168 = arith.constant 640 : i32
    %mul3A_169 = arith.muli %arg1, %mul3A_168 : i32
    %mul3A_170 = arith.constant 640 : i32
    %mul3A_171 = arith.muli %arg1, %mul3A_170 : i32
    "tpu.region"() ({
      %run_scoped3A_172 = tpu.sem_alloc : memref<!tpu.dma_semaphore, #tpu.memory_space<semaphore_mem>>
      %dma_start3A_173 = arith.constant 0 : i32
      %dma_start3A_174 = tpu.memref_slice %arg4[%arg0, %mul3A_171, %dma_start3A_173] : memref<2x10240x128xf32, #tpu.memory_space<hbm>> -> memref<1x640x128xf32, #tpu.memory_space<hbm>>
      %dma_start3A_175 = tpu.memref_squeeze %dma_start3A_174 : memref<1x640x128xf32, #tpu.memory_space<hbm>> -> memref<640x128xf32, #tpu.memory_space<hbm>>
      %dma_start3A_176 = arith.constant 0 : i32
      %dma_start3A_177 = tpu.memref_slice %arg5[%mul3A_169, %dma_start3A_176] : memref<10240x128xf32, #tpu.memory_space<vmem_shared>> -> memref<640x128xf32, #tpu.memory_space<vmem_shared>>
      tpu.enqueue_dma source(%dma_start3A_177 : memref<640x128xf32, #tpu.memory_space<vmem_shared>>) target(%dma_start3A_175 : memref<640x128xf32, #tpu.memory_space<hbm>>) target_semaphore(%run_scoped3A_172 : memref<!tpu.dma_semaphore, #tpu.memory_space<semaphore_mem>>)
      %dma_wait3A_178 = arith.constant 0 : i32
      %dma_wait3A_179 = tpu.memref_slice %arg4[%arg0, %mul3A_171, %dma_wait3A_178] : memref<2x10240x128xf32, #tpu.memory_space<hbm>> -> memref<1x640x128xf32, #tpu.memory_space<hbm>>
      %dma_wait3A_180 = tpu.memref_squeeze %dma_wait3A_179 : memref<1x640x128xf32, #tpu.memory_space<hbm>> -> memref<640x128xf32, #tpu.memory_space<hbm>>
      %dma_wait3A_181 = arith.constant 0 : i32
      %dma_wait3A_182 = tpu.memref_slice %arg5[%mul3A_169, %dma_wait3A_181] : memref<10240x128xf32, #tpu.memory_space<vmem_shared>> -> memref<640x128xf32, #tpu.memory_space<vmem_shared>>
      tpu.wait_dma2 semaphore(%run_scoped3A_172 : memref<!tpu.dma_semaphore, #tpu.memory_space<semaphore_mem>>) src(%dma_wait3A_182 : memref<640x128xf32, #tpu.memory_space<vmem_shared>>) dst(%dma_wait3A_180 : memref<640x128xf32, #tpu.memory_space<hbm>>)
      tpu.yield
    }) : () -> ()
    return
  }
}

#map = affine_map<(d0, d1) -> (0, 0)>
#map1 = affine_map<(d0, d1) -> (0, 0, 0)>
module attributes {stable_mosaic.version = 14 : i64} {
  func.func @_prop_sc(%arg0: i32, %arg1: i32, %arg2: memref<10000x128xf32, #tpu.memory_space<hbm>>, %arg3: memref<32x125x80xi32, #tpu.memory_space<hbm>>, %arg4: memref<2x10240x128xf32, #tpu.memory_space<hbm>>, %arg5: memref<10240x128xf32, #tpu.memory_space<vmem_shared>>, %arg6: memref<125x80xi32, #tpu.memory_space<vmem>>, %arg7: memref<2x80xi32, #tpu.memory_space<vmem>>, %arg8: memref<2x80xi32, #tpu.memory_space<vmem>>, %arg9: memref<80x128xf32, #tpu.memory_space<vmem>>, %arg10: memref<80x128xf32, #tpu.memory_space<vmem>>, %arg11: memref<!tpu.dma_semaphore, #tpu.memory_space<semaphore_mem>>) attributes {dimension_semantics = [#tpu.dimension_semantics<core_parallel>, #tpu.dimension_semantics<subcore_parallel>], iteration_bounds = array<i64: 2, 16>, scalar_prefetch = 0 : i64, scratch_operands = 7 : i64, tpu.core_type = #tpu.core_type<sc_vector_subcore>, window_params = [{transform_indices = #map}, {transform_indices = #map1}, {transform_indices = #map1}]} {
    %mul3A = arith.constant 16 : i32
    %mul3A_0 = arith.muli %arg0, %mul3A : i32
    %add3A = arith.addi %mul3A_0, %arg1 : i32
    %scan3A = arith.constant 0 : i32
    %scan3A_1 = arith.constant 0 : i32
    %scan3A_2 = arith.constant 80 : i32
    %scan3A_3 = arith.addi %scan3A_1, %scan3A_2 : i32
    %scan3A_4 = arith.constant 1 : i32
    scf.for %scan3A_172 = %scan3A_1 to %scan3A_3 step %scan3A_4  : i32 {
      %broadcast_in_dim3A = arith.constant 0.000000e+00 : f32
      %broadcast_in_dim3A_173 = vector.broadcast %broadcast_in_dim3A : f32 to vector<16xf32>
      %swap3A_174 = arith.index_cast %scan3A_172 : i32 to index
      %swap3A_175 = arith.constant 0 : index
      %swap3A_176 = tpu.vector_load %arg9[%swap3A_174, %swap3A_175] {strides = array<i32>} : memref<80x128xf32, #tpu.memory_space<vmem>>, vector<1x16xf32>,
      %swap3A_177 = vector.shape_cast %swap3A_176 : vector<1x16xf32> to vector<16xf32>
      %swap3A_178 = vector.shape_cast %broadcast_in_dim3A_173 : vector<16xf32> to vector<1x16xf32>
      tpu.vector_store %arg9[%swap3A_174, %swap3A_175], %swap3A_178 {strides = array<i32>} : memref<80x128xf32, #tpu.memory_space<vmem>>, vector<1x16xf32>,
      %broadcast_in_dim3A_179 = arith.constant 0.000000e+00 : f32
      %broadcast_in_dim3A_180 = vector.broadcast %broadcast_in_dim3A_179 : f32 to vector<16xf32>
      %swap3A_181 = arith.index_cast %scan3A_172 : i32 to index
      %swap3A_182 = arith.constant 16 : index
      %swap3A_183 = tpu.vector_load %arg9[%swap3A_181, %swap3A_182] {strides = array<i32>} : memref<80x128xf32, #tpu.memory_space<vmem>>, vector<1x16xf32>,
      %swap3A_184 = vector.shape_cast %swap3A_183 : vector<1x16xf32> to vector<16xf32>
      %swap3A_185 = vector.shape_cast %broadcast_in_dim3A_180 : vector<16xf32> to vector<1x16xf32>
      tpu.vector_store %arg9[%swap3A_181, %swap3A_182], %swap3A_185 {strides = array<i32>} : memref<80x128xf32, #tpu.memory_space<vmem>>, vector<1x16xf32>,
      %broadcast_in_dim3A_186 = arith.constant 0.000000e+00 : f32
      %broadcast_in_dim3A_187 = vector.broadcast %broadcast_in_dim3A_186 : f32 to vector<16xf32>
      %swap3A_188 = arith.index_cast %scan3A_172 : i32 to index
      %swap3A_189 = arith.constant 32 : index
      %swap3A_190 = tpu.vector_load %arg9[%swap3A_188, %swap3A_189] {strides = array<i32>} : memref<80x128xf32, #tpu.memory_space<vmem>>, vector<1x16xf32>,
      %swap3A_191 = vector.shape_cast %swap3A_190 : vector<1x16xf32> to vector<16xf32>
      %swap3A_192 = vector.shape_cast %broadcast_in_dim3A_187 : vector<16xf32> to vector<1x16xf32>
      tpu.vector_store %arg9[%swap3A_188, %swap3A_189], %swap3A_192 {strides = array<i32>} : memref<80x128xf32, #tpu.memory_space<vmem>>, vector<1x16xf32>,
      %broadcast_in_dim3A_193 = arith.constant 0.000000e+00 : f32
      %broadcast_in_dim3A_194 = vector.broadcast %broadcast_in_dim3A_193 : f32 to vector<16xf32>
      %swap3A_195 = arith.index_cast %scan3A_172 : i32 to index
      %swap3A_196 = arith.constant 48 : index
      %swap3A_197 = tpu.vector_load %arg9[%swap3A_195, %swap3A_196] {strides = array<i32>} : memref<80x128xf32, #tpu.memory_space<vmem>>, vector<1x16xf32>,
      %swap3A_198 = vector.shape_cast %swap3A_197 : vector<1x16xf32> to vector<16xf32>
      %swap3A_199 = vector.shape_cast %broadcast_in_dim3A_194 : vector<16xf32> to vector<1x16xf32>
      tpu.vector_store %arg9[%swap3A_195, %swap3A_196], %swap3A_199 {strides = array<i32>} : memref<80x128xf32, #tpu.memory_space<vmem>>, vector<1x16xf32>,
      %broadcast_in_dim3A_200 = arith.constant 0.000000e+00 : f32
      %broadcast_in_dim3A_201 = vector.broadcast %broadcast_in_dim3A_200 : f32 to vector<16xf32>
      %swap3A_202 = arith.index_cast %scan3A_172 : i32 to index
      %swap3A_203 = arith.constant 64 : index
      %swap3A_204 = tpu.vector_load %arg9[%swap3A_202, %swap3A_203] {strides = array<i32>} : memref<80x128xf32, #tpu.memory_space<vmem>>, vector<1x16xf32>,
      %swap3A_205 = vector.shape_cast %swap3A_204 : vector<1x16xf32> to vector<16xf32>
      %swap3A_206 = vector.shape_cast %broadcast_in_dim3A_201 : vector<16xf32> to vector<1x16xf32>
      tpu.vector_store %arg9[%swap3A_202, %swap3A_203], %swap3A_206 {strides = array<i32>} : memref<80x128xf32, #tpu.memory_space<vmem>>, vector<1x16xf32>,
      %broadcast_in_dim3A_207 = arith.constant 0.000000e+00 : f32
      %broadcast_in_dim3A_208 = vector.broadcast %broadcast_in_dim3A_207 : f32 to vector<16xf32>
      %swap3A_209 = arith.index_cast %scan3A_172 : i32 to index
      %swap3A_210 = arith.constant 80 : index
      %swap3A_211 = tpu.vector_load %arg9[%swap3A_209, %swap3A_210] {strides = array<i32>} : memref<80x128xf32, #tpu.memory_space<vmem>>, vector<1x16xf32>,
      %swap3A_212 = vector.shape_cast %swap3A_211 : vector<1x16xf32> to vector<16xf32>
      %swap3A_213 = vector.shape_cast %broadcast_in_dim3A_208 : vector<16xf32> to vector<1x16xf32>
      tpu.vector_store %arg9[%swap3A_209, %swap3A_210], %swap3A_213 {strides = array<i32>} : memref<80x128xf32, #tpu.memory_space<vmem>>, vector<1x16xf32>,
      %broadcast_in_dim3A_214 = arith.constant 0.000000e+00 : f32
      %broadcast_in_dim3A_215 = vector.broadcast %broadcast_in_dim3A_214 : f32 to vector<16xf32>
      %swap3A_216 = arith.index_cast %scan3A_172 : i32 to index
      %swap3A_217 = arith.constant 96 : index
      %swap3A_218 = tpu.vector_load %arg9[%swap3A_216, %swap3A_217] {strides = array<i32>} : memref<80x128xf32, #tpu.memory_space<vmem>>, vector<1x16xf32>,
      %swap3A_219 = vector.shape_cast %swap3A_218 : vector<1x16xf32> to vector<16xf32>
      %swap3A_220 = vector.shape_cast %broadcast_in_dim3A_215 : vector<16xf32> to vector<1x16xf32>
      tpu.vector_store %arg9[%swap3A_216, %swap3A_217], %swap3A_220 {strides = array<i32>} : memref<80x128xf32, #tpu.memory_space<vmem>>, vector<1x16xf32>,
      %broadcast_in_dim3A_221 = arith.constant 0.000000e+00 : f32
      %broadcast_in_dim3A_222 = vector.broadcast %broadcast_in_dim3A_221 : f32 to vector<16xf32>
      %swap3A_223 = arith.index_cast %scan3A_172 : i32 to index
      %swap3A_224 = arith.constant 112 : index
      %swap3A_225 = tpu.vector_load %arg9[%swap3A_223, %swap3A_224] {strides = array<i32>} : memref<80x128xf32, #tpu.memory_space<vmem>>, vector<1x16xf32>,
      %swap3A_226 = vector.shape_cast %swap3A_225 : vector<1x16xf32> to vector<16xf32>
      %swap3A_227 = vector.shape_cast %broadcast_in_dim3A_222 : vector<16xf32> to vector<1x16xf32>
      tpu.vector_store %arg9[%swap3A_223, %swap3A_224], %swap3A_227 {strides = array<i32>} : memref<80x128xf32, #tpu.memory_space<vmem>>, vector<1x16xf32>,
    }
    %scan3A_5 = arith.constant 80 : i32
    %mul3A_6 = arith.constant 640 : i32
    %mul3A_7 = arith.muli %arg1, %mul3A_6 : i32
    %add3A_8 = arith.constant 0 : i32
    %add3A_9 = arith.addi %mul3A_7, %add3A_8 : i32
    "tpu.region"() ({
      %run_scoped3A_172 = tpu.sem_alloc : memref<!tpu.dma_semaphore, #tpu.memory_space<semaphore_mem>>
      %dma_start3A_173 = arith.constant 0 : i32
      %dma_start3A_174 = tpu.memref_slice %arg5[%add3A_9, %dma_start3A_173] : memref<10240x128xf32, #tpu.memory_space<vmem_shared>> -> memref<80x128xf32, #tpu.memory_space<vmem_shared>>
      %dma_start3A_175 = arith.constant 0 : i32
      %dma_start3A_176 = tpu.memref_slice %arg5[%add3A_9, %dma_start3A_175] : memref<10240x128xf32, #tpu.memory_space<vmem_shared>> -> memref<80x128xf32, #tpu.memory_space<vmem_shared>>
      tpu.enqueue_dma source(%arg9 : memref<80x128xf32, #tpu.memory_space<vmem>>) target(%dma_start3A_176 : memref<80x128xf32, #tpu.memory_space<vmem_shared>>) target_semaphore(%run_scoped3A_172 : memref<!tpu.dma_semaphore, #tpu.memory_space<semaphore_mem>>)
      %dma_wait3A_177 = arith.constant 0 : i32
      %dma_wait3A_178 = tpu.memref_slice %arg5[%add3A_9, %dma_wait3A_177] : memref<10240x128xf32, #tpu.memory_space<vmem_shared>> -> memref<80x128xf32, #tpu.memory_space<vmem_shared>>
      %dma_wait3A_179 = arith.constant 0 : i32
      %dma_wait3A_180 = tpu.memref_slice %arg5[%add3A_9, %dma_wait3A_179] : memref<10240x128xf32, #tpu.memory_space<vmem_shared>> -> memref<80x128xf32, #tpu.memory_space<vmem_shared>>
      tpu.wait_dma2 semaphore(%run_scoped3A_172 : memref<!tpu.dma_semaphore, #tpu.memory_space<semaphore_mem>>) src(%arg9 : memref<80x128xf32, #tpu.memory_space<vmem>>) dst(%dma_wait3A_180 : memref<80x128xf32, #tpu.memory_space<vmem_shared>>)
      tpu.yield
    }) : () -> ()
    %mul3A_10 = arith.constant 640 : i32
    %mul3A_11 = arith.muli %arg1, %mul3A_10 : i32
    %add3A_12 = arith.constant 80 : i32
    %add3A_13 = arith.addi %mul3A_11, %add3A_12 : i32
    "tpu.region"() ({
      %run_scoped3A_172 = tpu.sem_alloc : memref<!tpu.dma_semaphore, #tpu.memory_space<semaphore_mem>>
      %dma_start3A_173 = arith.constant 0 : i32
      %dma_start3A_174 = tpu.memref_slice %arg5[%add3A_13, %dma_start3A_173] : memref<10240x128xf32, #tpu.memory_space<vmem_shared>> -> memref<80x128xf32, #tpu.memory_space<vmem_shared>>
      %dma_start3A_175 = arith.constant 0 : i32
      %dma_start3A_176 = tpu.memref_slice %arg5[%add3A_13, %dma_start3A_175] : memref<10240x128xf32, #tpu.memory_space<vmem_shared>> -> memref<80x128xf32, #tpu.memory_space<vmem_shared>>
      tpu.enqueue_dma source(%arg9 : memref<80x128xf32, #tpu.memory_space<vmem>>) target(%dma_start3A_176 : memref<80x128xf32, #tpu.memory_space<vmem_shared>>) target_semaphore(%run_scoped3A_172 : memref<!tpu.dma_semaphore, #tpu.memory_space<semaphore_mem>>)
      %dma_wait3A_177 = arith.constant 0 : i32
      %dma_wait3A_178 = tpu.memref_slice %arg5[%add3A_13, %dma_wait3A_177] : memref<10240x128xf32, #tpu.memory_space<vmem_shared>> -> memref<80x128xf32, #tpu.memory_space<vmem_shared>>
      %dma_wait3A_179 = arith.constant 0 : i32
      %dma_wait3A_180 = tpu.memref_slice %arg5[%add3A_13, %dma_wait3A_179] : memref<10240x128xf32, #tpu.memory_space<vmem_shared>> -> memref<80x128xf32, #tpu.memory_space<vmem_shared>>
      tpu.wait_dma2 semaphore(%run_scoped3A_172 : memref<!tpu.dma_semaphore, #tpu.memory_space<semaphore_mem>>) src(%arg9 : memref<80x128xf32, #tpu.memory_space<vmem>>) dst(%dma_wait3A_180 : memref<80x128xf32, #tpu.memory_space<vmem_shared>>)
      tpu.yield
    }) : () -> ()
    %mul3A_14 = arith.constant 640 : i32
    %mul3A_15 = arith.muli %arg1, %mul3A_14 : i32
    %add3A_16 = arith.constant 160 : i32
    %add3A_17 = arith.addi %mul3A_15, %add3A_16 : i32
    "tpu.region"() ({
      %run_scoped3A_172 = tpu.sem_alloc : memref<!tpu.dma_semaphore, #tpu.memory_space<semaphore_mem>>
      %dma_start3A_173 = arith.constant 0 : i32
      %dma_start3A_174 = tpu.memref_slice %arg5[%add3A_17, %dma_start3A_173] : memref<10240x128xf32, #tpu.memory_space<vmem_shared>> -> memref<80x128xf32, #tpu.memory_space<vmem_shared>>
      %dma_start3A_175 = arith.constant 0 : i32
      %dma_start3A_176 = tpu.memref_slice %arg5[%add3A_17, %dma_start3A_175] : memref<10240x128xf32, #tpu.memory_space<vmem_shared>> -> memref<80x128xf32, #tpu.memory_space<vmem_shared>>
      tpu.enqueue_dma source(%arg9 : memref<80x128xf32, #tpu.memory_space<vmem>>) target(%dma_start3A_176 : memref<80x128xf32, #tpu.memory_space<vmem_shared>>) target_semaphore(%run_scoped3A_172 : memref<!tpu.dma_semaphore, #tpu.memory_space<semaphore_mem>>)
      %dma_wait3A_177 = arith.constant 0 : i32
      %dma_wait3A_178 = tpu.memref_slice %arg5[%add3A_17, %dma_wait3A_177] : memref<10240x128xf32, #tpu.memory_space<vmem_shared>> -> memref<80x128xf32, #tpu.memory_space<vmem_shared>>
      %dma_wait3A_179 = arith.constant 0 : i32
      %dma_wait3A_180 = tpu.memref_slice %arg5[%add3A_17, %dma_wait3A_179] : memref<10240x128xf32, #tpu.memory_space<vmem_shared>> -> memref<80x128xf32, #tpu.memory_space<vmem_shared>>
      tpu.wait_dma2 semaphore(%run_scoped3A_172 : memref<!tpu.dma_semaphore, #tpu.memory_space<semaphore_mem>>) src(%arg9 : memref<80x128xf32, #tpu.memory_space<vmem>>) dst(%dma_wait3A_180 : memref<80x128xf32, #tpu.memory_space<vmem_shared>>)
      tpu.yield
    }) : () -> ()
    %mul3A_18 = arith.constant 640 : i32
    %mul3A_19 = arith.muli %arg1, %mul3A_18 : i32
    %add3A_20 = arith.constant 240 : i32
    %add3A_21 = arith.addi %mul3A_19, %add3A_20 : i32
    "tpu.region"() ({
      %run_scoped3A_172 = tpu.sem_alloc : memref<!tpu.dma_semaphore, #tpu.memory_space<semaphore_mem>>
      %dma_start3A_173 = arith.constant 0 : i32
      %dma_start3A_174 = tpu.memref_slice %arg5[%add3A_21, %dma_start3A_173] : memref<10240x128xf32, #tpu.memory_space<vmem_shared>> -> memref<80x128xf32, #tpu.memory_space<vmem_shared>>
      %dma_start3A_175 = arith.constant 0 : i32
      %dma_start3A_176 = tpu.memref_slice %arg5[%add3A_21, %dma_start3A_175] : memref<10240x128xf32, #tpu.memory_space<vmem_shared>> -> memref<80x128xf32, #tpu.memory_space<vmem_shared>>
      tpu.enqueue_dma source(%arg9 : memref<80x128xf32, #tpu.memory_space<vmem>>) target(%dma_start3A_176 : memref<80x128xf32, #tpu.memory_space<vmem_shared>>) target_semaphore(%run_scoped3A_172 : memref<!tpu.dma_semaphore, #tpu.memory_space<semaphore_mem>>)
      %dma_wait3A_177 = arith.constant 0 : i32
      %dma_wait3A_178 = tpu.memref_slice %arg5[%add3A_21, %dma_wait3A_177] : memref<10240x128xf32, #tpu.memory_space<vmem_shared>> -> memref<80x128xf32, #tpu.memory_space<vmem_shared>>
      %dma_wait3A_179 = arith.constant 0 : i32
      %dma_wait3A_180 = tpu.memref_slice %arg5[%add3A_21, %dma_wait3A_179] : memref<10240x128xf32, #tpu.memory_space<vmem_shared>> -> memref<80x128xf32, #tpu.memory_space<vmem_shared>>
      tpu.wait_dma2 semaphore(%run_scoped3A_172 : memref<!tpu.dma_semaphore, #tpu.memory_space<semaphore_mem>>) src(%arg9 : memref<80x128xf32, #tpu.memory_space<vmem>>) dst(%dma_wait3A_180 : memref<80x128xf32, #tpu.memory_space<vmem_shared>>)
      tpu.yield
    }) : () -> ()
    %mul3A_22 = arith.constant 640 : i32
    %mul3A_23 = arith.muli %arg1, %mul3A_22 : i32
    %add3A_24 = arith.constant 320 : i32
    %add3A_25 = arith.addi %mul3A_23, %add3A_24 : i32
    "tpu.region"() ({
      %run_scoped3A_172 = tpu.sem_alloc : memref<!tpu.dma_semaphore, #tpu.memory_space<semaphore_mem>>
      %dma_start3A_173 = arith.constant 0 : i32
      %dma_start3A_174 = tpu.memref_slice %arg5[%add3A_25, %dma_start3A_173] : memref<10240x128xf32, #tpu.memory_space<vmem_shared>> -> memref<80x128xf32, #tpu.memory_space<vmem_shared>>
      %dma_start3A_175 = arith.constant 0 : i32
      %dma_start3A_176 = tpu.memref_slice %arg5[%add3A_25, %dma_start3A_175] : memref<10240x128xf32, #tpu.memory_space<vmem_shared>> -> memref<80x128xf32, #tpu.memory_space<vmem_shared>>
      tpu.enqueue_dma source(%arg9 : memref<80x128xf32, #tpu.memory_space<vmem>>) target(%dma_start3A_176 : memref<80x128xf32, #tpu.memory_space<vmem_shared>>) target_semaphore(%run_scoped3A_172 : memref<!tpu.dma_semaphore, #tpu.memory_space<semaphore_mem>>)
      %dma_wait3A_177 = arith.constant 0 : i32
      %dma_wait3A_178 = tpu.memref_slice %arg5[%add3A_25, %dma_wait3A_177] : memref<10240x128xf32, #tpu.memory_space<vmem_shared>> -> memref<80x128xf32, #tpu.memory_space<vmem_shared>>
      %dma_wait3A_179 = arith.constant 0 : i32
      %dma_wait3A_180 = tpu.memref_slice %arg5[%add3A_25, %dma_wait3A_179] : memref<10240x128xf32, #tpu.memory_space<vmem_shared>> -> memref<80x128xf32, #tpu.memory_space<vmem_shared>>
      tpu.wait_dma2 semaphore(%run_scoped3A_172 : memref<!tpu.dma_semaphore, #tpu.memory_space<semaphore_mem>>) src(%arg9 : memref<80x128xf32, #tpu.memory_space<vmem>>) dst(%dma_wait3A_180 : memref<80x128xf32, #tpu.memory_space<vmem_shared>>)
      tpu.yield
    }) : () -> ()
    %mul3A_26 = arith.constant 640 : i32
    %mul3A_27 = arith.muli %arg1, %mul3A_26 : i32
    %add3A_28 = arith.constant 400 : i32
    %add3A_29 = arith.addi %mul3A_27, %add3A_28 : i32
    "tpu.region"() ({
      %run_scoped3A_172 = tpu.sem_alloc : memref<!tpu.dma_semaphore, #tpu.memory_space<semaphore_mem>>
      %dma_start3A_173 = arith.constant 0 : i32
      %dma_start3A_174 = tpu.memref_slice %arg5[%add3A_29, %dma_start3A_173] : memref<10240x128xf32, #tpu.memory_space<vmem_shared>> -> memref<80x128xf32, #tpu.memory_space<vmem_shared>>
      %dma_start3A_175 = arith.constant 0 : i32
      %dma_start3A_176 = tpu.memref_slice %arg5[%add3A_29, %dma_start3A_175] : memref<10240x128xf32, #tpu.memory_space<vmem_shared>> -> memref<80x128xf32, #tpu.memory_space<vmem_shared>>
      tpu.enqueue_dma source(%arg9 : memref<80x128xf32, #tpu.memory_space<vmem>>) target(%dma_start3A_176 : memref<80x128xf32, #tpu.memory_space<vmem_shared>>) target_semaphore(%run_scoped3A_172 : memref<!tpu.dma_semaphore, #tpu.memory_space<semaphore_mem>>)
      %dma_wait3A_177 = arith.constant 0 : i32
      %dma_wait3A_178 = tpu.memref_slice %arg5[%add3A_29, %dma_wait3A_177] : memref<10240x128xf32, #tpu.memory_space<vmem_shared>> -> memref<80x128xf32, #tpu.memory_space<vmem_shared>>
      %dma_wait3A_179 = arith.constant 0 : i32
      %dma_wait3A_180 = tpu.memref_slice %arg5[%add3A_29, %dma_wait3A_179] : memref<10240x128xf32, #tpu.memory_space<vmem_shared>> -> memref<80x128xf32, #tpu.memory_space<vmem_shared>>
      tpu.wait_dma2 semaphore(%run_scoped3A_172 : memref<!tpu.dma_semaphore, #tpu.memory_space<semaphore_mem>>) src(%arg9 : memref<80x128xf32, #tpu.memory_space<vmem>>) dst(%dma_wait3A_180 : memref<80x128xf32, #tpu.memory_space<vmem_shared>>)
      tpu.yield
    }) : () -> ()
    %mul3A_30 = arith.constant 640 : i32
    %mul3A_31 = arith.muli %arg1, %mul3A_30 : i32
    %add3A_32 = arith.constant 480 : i32
    %add3A_33 = arith.addi %mul3A_31, %add3A_32 : i32
    "tpu.region"() ({
      %run_scoped3A_172 = tpu.sem_alloc : memref<!tpu.dma_semaphore, #tpu.memory_space<semaphore_mem>>
      %dma_start3A_173 = arith.constant 0 : i32
      %dma_start3A_174 = tpu.memref_slice %arg5[%add3A_33, %dma_start3A_173] : memref<10240x128xf32, #tpu.memory_space<vmem_shared>> -> memref<80x128xf32, #tpu.memory_space<vmem_shared>>
      %dma_start3A_175 = arith.constant 0 : i32
      %dma_start3A_176 = tpu.memref_slice %arg5[%add3A_33, %dma_start3A_175] : memref<10240x128xf32, #tpu.memory_space<vmem_shared>> -> memref<80x128xf32, #tpu.memory_space<vmem_shared>>
      tpu.enqueue_dma source(%arg9 : memref<80x128xf32, #tpu.memory_space<vmem>>) target(%dma_start3A_176 : memref<80x128xf32, #tpu.memory_space<vmem_shared>>) target_semaphore(%run_scoped3A_172 : memref<!tpu.dma_semaphore, #tpu.memory_space<semaphore_mem>>)
      %dma_wait3A_177 = arith.constant 0 : i32
      %dma_wait3A_178 = tpu.memref_slice %arg5[%add3A_33, %dma_wait3A_177] : memref<10240x128xf32, #tpu.memory_space<vmem_shared>> -> memref<80x128xf32, #tpu.memory_space<vmem_shared>>
      %dma_wait3A_179 = arith.constant 0 : i32
      %dma_wait3A_180 = tpu.memref_slice %arg5[%add3A_33, %dma_wait3A_179] : memref<10240x128xf32, #tpu.memory_space<vmem_shared>> -> memref<80x128xf32, #tpu.memory_space<vmem_shared>>
      tpu.wait_dma2 semaphore(%run_scoped3A_172 : memref<!tpu.dma_semaphore, #tpu.memory_space<semaphore_mem>>) src(%arg9 : memref<80x128xf32, #tpu.memory_space<vmem>>) dst(%dma_wait3A_180 : memref<80x128xf32, #tpu.memory_space<vmem_shared>>)
      tpu.yield
    }) : () -> ()
    %mul3A_34 = arith.constant 640 : i32
    %mul3A_35 = arith.muli %arg1, %mul3A_34 : i32
    %add3A_36 = arith.constant 560 : i32
    %add3A_37 = arith.addi %mul3A_35, %add3A_36 : i32
    "tpu.region"() ({
      %run_scoped3A_172 = tpu.sem_alloc : memref<!tpu.dma_semaphore, #tpu.memory_space<semaphore_mem>>
      %dma_start3A_173 = arith.constant 0 : i32
      %dma_start3A_174 = tpu.memref_slice %arg5[%add3A_37, %dma_start3A_173] : memref<10240x128xf32, #tpu.memory_space<vmem_shared>> -> memref<80x128xf32, #tpu.memory_space<vmem_shared>>
      %dma_start3A_175 = arith.constant 0 : i32
      %dma_start3A_176 = tpu.memref_slice %arg5[%add3A_37, %dma_start3A_175] : memref<10240x128xf32, #tpu.memory_space<vmem_shared>> -> memref<80x128xf32, #tpu.memory_space<vmem_shared>>
      tpu.enqueue_dma source(%arg9 : memref<80x128xf32, #tpu.memory_space<vmem>>) target(%dma_start3A_176 : memref<80x128xf32, #tpu.memory_space<vmem_shared>>) target_semaphore(%run_scoped3A_172 : memref<!tpu.dma_semaphore, #tpu.memory_space<semaphore_mem>>)
      %dma_wait3A_177 = arith.constant 0 : i32
      %dma_wait3A_178 = tpu.memref_slice %arg5[%add3A_37, %dma_wait3A_177] : memref<10240x128xf32, #tpu.memory_space<vmem_shared>> -> memref<80x128xf32, #tpu.memory_space<vmem_shared>>
      %dma_wait3A_179 = arith.constant 0 : i32
      %dma_wait3A_180 = tpu.memref_slice %arg5[%add3A_37, %dma_wait3A_179] : memref<10240x128xf32, #tpu.memory_space<vmem_shared>> -> memref<80x128xf32, #tpu.memory_space<vmem_shared>>
      tpu.wait_dma2 semaphore(%run_scoped3A_172 : memref<!tpu.dma_semaphore, #tpu.memory_space<semaphore_mem>>) src(%arg9 : memref<80x128xf32, #tpu.memory_space<vmem>>) dst(%dma_wait3A_180 : memref<80x128xf32, #tpu.memory_space<vmem_shared>>)
      tpu.yield
    }) : () -> ()
    "tpu.region"() ({
      %run_scoped3A_172 = tpu.sem_alloc : memref<!tpu.dma_semaphore, #tpu.memory_space<semaphore_mem>>
      %dma_start3A_173 = arith.constant 0 : i32
      %dma_start3A_174 = arith.constant 0 : i32
      %dma_start3A_175 = tpu.memref_slice %arg3[%add3A, %dma_start3A_173, %dma_start3A_174] : memref<32x125x80xi32, #tpu.memory_space<hbm>> -> memref<1x125x80xi32, #tpu.memory_space<hbm>>
      %dma_start3A_176 = tpu.memref_squeeze %dma_start3A_175 : memref<1x125x80xi32, #tpu.memory_space<hbm>> -> memref<125x80xi32, #tpu.memory_space<hbm>>
      %dma_start3A_177 = arith.constant 0 : i32
      %dma_start3A_178 = arith.constant 0 : i32
      %dma_start3A_179 = tpu.memref_slice %arg3[%add3A, %dma_start3A_177, %dma_start3A_178] : memref<32x125x80xi32, #tpu.memory_space<hbm>> -> memref<1x125x80xi32, #tpu.memory_space<hbm>>
      %dma_start3A_180 = tpu.memref_squeeze %dma_start3A_179 : memref<1x125x80xi32, #tpu.memory_space<hbm>> -> memref<125x80xi32, #tpu.memory_space<hbm>>
      tpu.enqueue_dma source(%dma_start3A_180 : memref<125x80xi32, #tpu.memory_space<hbm>>) target(%arg6 : memref<125x80xi32, #tpu.memory_space<vmem>>) target_semaphore(%run_scoped3A_172 : memref<!tpu.dma_semaphore, #tpu.memory_space<semaphore_mem>>)
      %dma_wait3A_181 = arith.constant 0 : i32
      %dma_wait3A_182 = arith.constant 0 : i32
      %dma_wait3A_183 = tpu.memref_slice %arg3[%add3A, %dma_wait3A_181, %dma_wait3A_182] : memref<32x125x80xi32, #tpu.memory_space<hbm>> -> memref<1x125x80xi32, #tpu.memory_space<hbm>>
      %dma_wait3A_184 = tpu.memref_squeeze %dma_wait3A_183 : memref<1x125x80xi32, #tpu.memory_space<hbm>> -> memref<125x80xi32, #tpu.memory_space<hbm>>
      %dma_wait3A_185 = arith.constant 0 : i32
      %dma_wait3A_186 = arith.constant 0 : i32
      %dma_wait3A_187 = tpu.memref_slice %arg3[%add3A, %dma_wait3A_185, %dma_wait3A_186] : memref<32x125x80xi32, #tpu.memory_space<hbm>> -> memref<1x125x80xi32, #tpu.memory_space<hbm>>
      %dma_wait3A_188 = tpu.memref_squeeze %dma_wait3A_187 : memref<1x125x80xi32, #tpu.memory_space<hbm>> -> memref<125x80xi32, #tpu.memory_space<hbm>>
      tpu.wait_dma2 semaphore(%run_scoped3A_172 : memref<!tpu.dma_semaphore, #tpu.memory_space<semaphore_mem>>) src(%dma_wait3A_188 : memref<125x80xi32, #tpu.memory_space<hbm>>) dst(%arg6 : memref<125x80xi32, #tpu.memory_space<vmem>>)
      tpu.yield
    }) : () -> ()
    %barrier3A = arith.constant 0 : index
    tpu.barrier barrier_id(%barrier3A)
    %get3A = arith.constant 0 : i32
    %get3A_38 = arith.index_cast %get3A : i32 to index
    %get3A_39 = arith.constant 0 : index
    %get3A_40 = tpu.vector_load %arg6[%get3A_38, %get3A_39] {strides = array<i32>} : memref<125x80xi32, #tpu.memory_space<vmem>>, vector<1x16xi32>,
    %get3A_41 = vector.shape_cast %get3A_40 : vector<1x16xi32> to vector<16xi32>
    %and3A = arith.constant 65535 : i32
    %and3A_42 = vector.broadcast %and3A : i32 to vector<16xi32>
    %and3A_43 = arith.andi %get3A_41, %and3A_42 : vector<16xi32>
    %swap3A = arith.constant 0 : i32
    %swap3A_44 = arith.index_cast %swap3A : i32 to index
    %swap3A_45 = arith.constant 0 : index
    %swap3A_46 = tpu.vector_load %arg7[%swap3A_44, %swap3A_45] {strides = array<i32>} : memref<2x80xi32, #tpu.memory_space<vmem>>, vector<1x16xi32>,
    %swap3A_47 = vector.shape_cast %swap3A_46 : vector<1x16xi32> to vector<16xi32>
    %swap3A_48 = vector.shape_cast %and3A_43 : vector<16xi32> to vector<1x16xi32>
    tpu.vector_store %arg7[%swap3A_44, %swap3A_45], %swap3A_48 {strides = array<i32>} : memref<2x80xi32, #tpu.memory_space<vmem>>, vector<1x16xi32>,
    %shift_right_logical3A = arith.constant 16 : i32
    %shift_right_logical3A_49 = vector.broadcast %shift_right_logical3A : i32 to vector<16xi32>
    %shift_right_logical3A_50 = arith.shrui %get3A_41, %shift_right_logical3A_49 : vector<16xi32>
    %swap3A_51 = arith.constant 1 : i32
    %swap3A_52 = arith.index_cast %swap3A_51 : i32 to index
    %swap3A_53 = arith.constant 0 : index
    %swap3A_54 = tpu.vector_load %arg7[%swap3A_52, %swap3A_53] {strides = array<i32>} : memref<2x80xi32, #tpu.memory_space<vmem>>, vector<1x16xi32>,
    %swap3A_55 = vector.shape_cast %swap3A_54 : vector<1x16xi32> to vector<16xi32>
    %swap3A_56 = vector.shape_cast %shift_right_logical3A_50 : vector<16xi32> to vector<1x16xi32>
    tpu.vector_store %arg7[%swap3A_52, %swap3A_53], %swap3A_56 {strides = array<i32>} : memref<2x80xi32, #tpu.memory_space<vmem>>, vector<1x16xi32>,
    %get3A_57 = arith.constant 0 : i32
    %get3A_58 = arith.index_cast %get3A_57 : i32 to index
    %get3A_59 = arith.constant 16 : index
    %get3A_60 = tpu.vector_load %arg6[%get3A_58, %get3A_59] {strides = array<i32>} : memref<125x80xi32, #tpu.memory_space<vmem>>, vector<1x16xi32>,
    %get3A_61 = vector.shape_cast %get3A_60 : vector<1x16xi32> to vector<16xi32>
    %and3A_62 = arith.constant 65535 : i32
    %and3A_63 = vector.broadcast %and3A_62 : i32 to vector<16xi32>
    %and3A_64 = arith.andi %get3A_61, %and3A_63 : vector<16xi32>
    %swap3A_65 = arith.constant 0 : i32
    %swap3A_66 = arith.index_cast %swap3A_65 : i32 to index
    %swap3A_67 = arith.constant 16 : index
    %swap3A_68 = tpu.vector_load %arg7[%swap3A_66, %swap3A_67] {strides = array<i32>} : memref<2x80xi32, #tpu.memory_space<vmem>>, vector<1x16xi32>,
    %swap3A_69 = vector.shape_cast %swap3A_68 : vector<1x16xi32> to vector<16xi32>
    %swap3A_70 = vector.shape_cast %and3A_64 : vector<16xi32> to vector<1x16xi32>
    tpu.vector_store %arg7[%swap3A_66, %swap3A_67], %swap3A_70 {strides = array<i32>} : memref<2x80xi32, #tpu.memory_space<vmem>>, vector<1x16xi32>,
    %shift_right_logical3A_71 = arith.constant 16 : i32
    %shift_right_logical3A_72 = vector.broadcast %shift_right_logical3A_71 : i32 to vector<16xi32>
    %shift_right_logical3A_73 = arith.shrui %get3A_61, %shift_right_logical3A_72 : vector<16xi32>
    %swap3A_74 = arith.constant 1 : i32
    %swap3A_75 = arith.index_cast %swap3A_74 : i32 to index
    %swap3A_76 = arith.constant 16 : index
    %swap3A_77 = tpu.vector_load %arg7[%swap3A_75, %swap3A_76] {strides = array<i32>} : memref<2x80xi32, #tpu.memory_space<vmem>>, vector<1x16xi32>,
    %swap3A_78 = vector.shape_cast %swap3A_77 : vector<1x16xi32> to vector<16xi32>
    %swap3A_79 = vector.shape_cast %shift_right_logical3A_73 : vector<16xi32> to vector<1x16xi32>
    tpu.vector_store %arg7[%swap3A_75, %swap3A_76], %swap3A_79 {strides = array<i32>} : memref<2x80xi32, #tpu.memory_space<vmem>>, vector<1x16xi32>,
    %get3A_80 = arith.constant 0 : i32
    %get3A_81 = arith.index_cast %get3A_80 : i32 to index
    %get3A_82 = arith.constant 32 : index
    %get3A_83 = tpu.vector_load %arg6[%get3A_81, %get3A_82] {strides = array<i32>} : memref<125x80xi32, #tpu.memory_space<vmem>>, vector<1x16xi32>,
    %get3A_84 = vector.shape_cast %get3A_83 : vector<1x16xi32> to vector<16xi32>
    %and3A_85 = arith.constant 65535 : i32
    %and3A_86 = vector.broadcast %and3A_85 : i32 to vector<16xi32>
    %and3A_87 = arith.andi %get3A_84, %and3A_86 : vector<16xi32>
    %swap3A_88 = arith.constant 0 : i32
    %swap3A_89 = arith.index_cast %swap3A_88 : i32 to index
    %swap3A_90 = arith.constant 32 : index
    %swap3A_91 = tpu.vector_load %arg7[%swap3A_89, %swap3A_90] {strides = array<i32>} : memref<2x80xi32, #tpu.memory_space<vmem>>, vector<1x16xi32>,
    %swap3A_92 = vector.shape_cast %swap3A_91 : vector<1x16xi32> to vector<16xi32>
    %swap3A_93 = vector.shape_cast %and3A_87 : vector<16xi32> to vector<1x16xi32>
    tpu.vector_store %arg7[%swap3A_89, %swap3A_90], %swap3A_93 {strides = array<i32>} : memref<2x80xi32, #tpu.memory_space<vmem>>, vector<1x16xi32>,
    %shift_right_logical3A_94 = arith.constant 16 : i32
    %shift_right_logical3A_95 = vector.broadcast %shift_right_logical3A_94 : i32 to vector<16xi32>
    %shift_right_logical3A_96 = arith.shrui %get3A_84, %shift_right_logical3A_95 : vector<16xi32>
    %swap3A_97 = arith.constant 1 : i32
    %swap3A_98 = arith.index_cast %swap3A_97 : i32 to index
    %swap3A_99 = arith.constant 32 : index
    %swap3A_100 = tpu.vector_load %arg7[%swap3A_98, %swap3A_99] {strides = array<i32>} : memref<2x80xi32, #tpu.memory_space<vmem>>, vector<1x16xi32>,
    %swap3A_101 = vector.shape_cast %swap3A_100 : vector<1x16xi32> to vector<16xi32>
    %swap3A_102 = vector.shape_cast %shift_right_logical3A_96 : vector<16xi32> to vector<1x16xi32>
    tpu.vector_store %arg7[%swap3A_98, %swap3A_99], %swap3A_102 {strides = array<i32>} : memref<2x80xi32, #tpu.memory_space<vmem>>, vector<1x16xi32>,
    %get3A_103 = arith.constant 0 : i32
    %get3A_104 = arith.index_cast %get3A_103 : i32 to index
    %get3A_105 = arith.constant 48 : index
    %get3A_106 = tpu.vector_load %arg6[%get3A_104, %get3A_105] {strides = array<i32>} : memref<125x80xi32, #tpu.memory_space<vmem>>, vector<1x16xi32>,
    %get3A_107 = vector.shape_cast %get3A_106 : vector<1x16xi32> to vector<16xi32>
    %and3A_108 = arith.constant 65535 : i32
    %and3A_109 = vector.broadcast %and3A_108 : i32 to vector<16xi32>
    %and3A_110 = arith.andi %get3A_107, %and3A_109 : vector<16xi32>
    %swap3A_111 = arith.constant 0 : i32
    %swap3A_112 = arith.index_cast %swap3A_111 : i32 to index
    %swap3A_113 = arith.constant 48 : index
    %swap3A_114 = tpu.vector_load %arg7[%swap3A_112, %swap3A_113] {strides = array<i32>} : memref<2x80xi32, #tpu.memory_space<vmem>>, vector<1x16xi32>,
    %swap3A_115 = vector.shape_cast %swap3A_114 : vector<1x16xi32> to vector<16xi32>
    %swap3A_116 = vector.shape_cast %and3A_110 : vector<16xi32> to vector<1x16xi32>
    tpu.vector_store %arg7[%swap3A_112, %swap3A_113], %swap3A_116 {strides = array<i32>} : memref<2x80xi32, #tpu.memory_space<vmem>>, vector<1x16xi32>,
    %shift_right_logical3A_117 = arith.constant 16 : i32
    %shift_right_logical3A_118 = vector.broadcast %shift_right_logical3A_117 : i32 to vector<16xi32>
    %shift_right_logical3A_119 = arith.shrui %get3A_107, %shift_right_logical3A_118 : vector<16xi32>
    %swap3A_120 = arith.constant 1 : i32
    %swap3A_121 = arith.index_cast %swap3A_120 : i32 to index
    %swap3A_122 = arith.constant 48 : index
    %swap3A_123 = tpu.vector_load %arg7[%swap3A_121, %swap3A_122] {strides = array<i32>} : memref<2x80xi32, #tpu.memory_space<vmem>>, vector<1x16xi32>,
    %swap3A_124 = vector.shape_cast %swap3A_123 : vector<1x16xi32> to vector<16xi32>
    %swap3A_125 = vector.shape_cast %shift_right_logical3A_119 : vector<16xi32> to vector<1x16xi32>
    tpu.vector_store %arg7[%swap3A_121, %swap3A_122], %swap3A_125 {strides = array<i32>} : memref<2x80xi32, #tpu.memory_space<vmem>>, vector<1x16xi32>,
    %get3A_126 = arith.constant 0 : i32
    %get3A_127 = arith.index_cast %get3A_126 : i32 to index
    %get3A_128 = arith.constant 64 : index
    %get3A_129 = tpu.vector_load %arg6[%get3A_127, %get3A_128] {strides = array<i32>} : memref<125x80xi32, #tpu.memory_space<vmem>>, vector<1x16xi32>,
    %get3A_130 = vector.shape_cast %get3A_129 : vector<1x16xi32> to vector<16xi32>
    %and3A_131 = arith.constant 65535 : i32
    %and3A_132 = vector.broadcast %and3A_131 : i32 to vector<16xi32>
    %and3A_133 = arith.andi %get3A_130, %and3A_132 : vector<16xi32>
    %swap3A_134 = arith.constant 0 : i32
    %swap3A_135 = arith.index_cast %swap3A_134 : i32 to index
    %swap3A_136 = arith.constant 64 : index
    %swap3A_137 = tpu.vector_load %arg7[%swap3A_135, %swap3A_136] {strides = array<i32>} : memref<2x80xi32, #tpu.memory_space<vmem>>, vector<1x16xi32>,
    %swap3A_138 = vector.shape_cast %swap3A_137 : vector<1x16xi32> to vector<16xi32>
    %swap3A_139 = vector.shape_cast %and3A_133 : vector<16xi32> to vector<1x16xi32>
    tpu.vector_store %arg7[%swap3A_135, %swap3A_136], %swap3A_139 {strides = array<i32>} : memref<2x80xi32, #tpu.memory_space<vmem>>, vector<1x16xi32>,
    %shift_right_logical3A_140 = arith.constant 16 : i32
    %shift_right_logical3A_141 = vector.broadcast %shift_right_logical3A_140 : i32 to vector<16xi32>
    %shift_right_logical3A_142 = arith.shrui %get3A_130, %shift_right_logical3A_141 : vector<16xi32>
    %swap3A_143 = arith.constant 1 : i32
    %swap3A_144 = arith.index_cast %swap3A_143 : i32 to index
    %swap3A_145 = arith.constant 64 : index
    %swap3A_146 = tpu.vector_load %arg7[%swap3A_144, %swap3A_145] {strides = array<i32>} : memref<2x80xi32, #tpu.memory_space<vmem>>, vector<1x16xi32>,
    %swap3A_147 = vector.shape_cast %swap3A_146 : vector<1x16xi32> to vector<16xi32>
    %swap3A_148 = vector.shape_cast %shift_right_logical3A_142 : vector<16xi32> to vector<1x16xi32>
    tpu.vector_store %arg7[%swap3A_144, %swap3A_145], %swap3A_148 {strides = array<i32>} : memref<2x80xi32, #tpu.memory_space<vmem>>, vector<1x16xi32>,
    %dma_start3A = arith.constant 0 : i32
    %dma_start3A_149 = arith.constant 0 : i32
    %dma_start3A_150 = tpu.memref_slice %arg7[%dma_start3A, %dma_start3A_149] : memref<2x80xi32, #tpu.memory_space<vmem>> -> memref<1x80xi32, #tpu.memory_space<vmem>>
    %dma_start3A_151 = tpu.memref_squeeze %dma_start3A_150 : memref<1x80xi32, #tpu.memory_space<vmem>> -> memref<80xi32, #tpu.memory_space<vmem>>
    %dma_start3A_152 = arith.constant 0 : i32
    %dma_start3A_153 = arith.constant 0 : i32
    %dma_start3A_154 = tpu.memref_slice %arg2[%dma_start3A_152, %dma_start3A_153] : memref<10000x128xf32, #tpu.memory_space<hbm>> -> memref<10000x128xf32, #tpu.memory_space<hbm>>
    tpu.enqueue_indirect_dma source(%dma_start3A_154 : memref<10000x128xf32, #tpu.memory_space<hbm>>) target(%arg9 : memref<80x128xf32, #tpu.memory_space<vmem>>) offsets(%dma_start3A_151 : memref<80xi32, #tpu.memory_space<vmem>>) semaphore(%arg11 : memref<!tpu.dma_semaphore, #tpu.memory_space<semaphore_mem>>)
    %scan3A_155 = arith.constant 0 : i32
    %scan3A_156 = arith.constant 0 : i32
    %scan3A_157 = arith.constant 62 : i32
    %scan3A_158 = arith.addi %scan3A_156, %scan3A_157 : i32
    %scan3A_159 = arith.constant 1 : i32
    scf.for %scan3A_172 = %scan3A_156 to %scan3A_158 step %scan3A_159  : i32 {
      %dma_wait3A_173 = arith.constant 0 : i32
      %dma_wait3A_174 = arith.constant 0 : i32
      %dma_wait3A_175 = tpu.memref_slice %arg7[%dma_wait3A_173, %dma_wait3A_174] : memref<2x80xi32, #tpu.memory_space<vmem>> -> memref<1x80xi32, #tpu.memory_space<vmem>>
      %dma_wait3A_176 = tpu.memref_squeeze %dma_wait3A_175 : memref<1x80xi32, #tpu.memory_space<vmem>> -> memref<80xi32, #tpu.memory_space<vmem>>
      %dma_wait3A_177 = arith.constant 0 : i32
      %dma_wait3A_178 = arith.constant 0 : i32
      %dma_wait3A_179 = tpu.memref_slice %arg2[%dma_wait3A_177, %dma_wait3A_178] : memref<10000x128xf32, #tpu.memory_space<hbm>> -> memref<10000x128xf32, #tpu.memory_space<hbm>>
      tpu.wait_indirect_dma semaphore(%arg11 : memref<!tpu.dma_semaphore, #tpu.memory_space<semaphore_mem>>) src(%dma_wait3A_179 : memref<10000x128xf32, #tpu.memory_space<hbm>>) dst(%arg9 : memref<80x128xf32, #tpu.memory_space<vmem>>)
      %mul3A_180 = arith.constant 2 : i32
      %mul3A_181 = arith.muli %mul3A_180, %scan3A_172 : i32
      %add3A_182 = arith.constant 1 : i32
      %add3A_183 = arith.addi %mul3A_181, %add3A_182 : i32
      %get3A_184 = arith.index_cast %add3A_183 : i32 to index
      %get3A_185 = arith.constant 0 : index
      %get3A_186 = tpu.vector_load %arg6[%get3A_184, %get3A_185] {strides = array<i32>} : memref<125x80xi32, #tpu.memory_space<vmem>>, vector<1x16xi32>,
      %get3A_187 = vector.shape_cast %get3A_186 : vector<1x16xi32> to vector<16xi32>
      %and3A_188 = arith.constant 65535 : i32
      %and3A_189 = vector.broadcast %and3A_188 : i32 to vector<16xi32>
      %and3A_190 = arith.andi %get3A_187, %and3A_189 : vector<16xi32>
      %swap3A_191 = arith.constant 0 : i32
      %swap3A_192 = arith.index_cast %swap3A_191 : i32 to index
      %swap3A_193 = arith.constant 0 : index
      %swap3A_194 = tpu.vector_load %arg8[%swap3A_192, %swap3A_193] {strides = array<i32>} : memref<2x80xi32, #tpu.memory_space<vmem>>, vector<1x16xi32>,
      %swap3A_195 = vector.shape_cast %swap3A_194 : vector<1x16xi32> to vector<16xi32>
      %swap3A_196 = vector.shape_cast %and3A_190 : vector<16xi32> to vector<1x16xi32>
      tpu.vector_store %arg8[%swap3A_192, %swap3A_193], %swap3A_196 {strides = array<i32>} : memref<2x80xi32, #tpu.memory_space<vmem>>, vector<1x16xi32>,
      %shift_right_logical3A_197 = arith.constant 16 : i32
      %shift_right_logical3A_198 = vector.broadcast %shift_right_logical3A_197 : i32 to vector<16xi32>
      %shift_right_logical3A_199 = arith.shrui %get3A_187, %shift_right_logical3A_198 : vector<16xi32>
      %swap3A_200 = arith.constant 1 : i32
      %swap3A_201 = arith.index_cast %swap3A_200 : i32 to index
      %swap3A_202 = arith.constant 0 : index
      %swap3A_203 = tpu.vector_load %arg8[%swap3A_201, %swap3A_202] {strides = array<i32>} : memref<2x80xi32, #tpu.memory_space<vmem>>, vector<1x16xi32>,
      %swap3A_204 = vector.shape_cast %swap3A_203 : vector<1x16xi32> to vector<16xi32>
      %swap3A_205 = vector.shape_cast %shift_right_logical3A_199 : vector<16xi32> to vector<1x16xi32>
      tpu.vector_store %arg8[%swap3A_201, %swap3A_202], %swap3A_205 {strides = array<i32>} : memref<2x80xi32, #tpu.memory_space<vmem>>, vector<1x16xi32>,
      %get3A_206 = arith.index_cast %add3A_183 : i32 to index
      %get3A_207 = arith.constant 16 : index
      %get3A_208 = tpu.vector_load %arg6[%get3A_206, %get3A_207] {strides = array<i32>} : memref<125x80xi32, #tpu.memory_space<vmem>>, vector<1x16xi32>,
      %get3A_209 = vector.shape_cast %get3A_208 : vector<1x16xi32> to vector<16xi32>
      %and3A_210 = arith.constant 65535 : i32
      %and3A_211 = vector.broadcast %and3A_210 : i32 to vector<16xi32>
      %and3A_212 = arith.andi %get3A_209, %and3A_211 : vector<16xi32>
      %swap3A_213 = arith.constant 0 : i32
      %swap3A_214 = arith.index_cast %swap3A_213 : i32 to index
      %swap3A_215 = arith.constant 16 : index
      %swap3A_216 = tpu.vector_load %arg8[%swap3A_214, %swap3A_215] {strides = array<i32>} : memref<2x80xi32, #tpu.memory_space<vmem>>, vector<1x16xi32>,
      %swap3A_217 = vector.shape_cast %swap3A_216 : vector<1x16xi32> to vector<16xi32>
      %swap3A_218 = vector.shape_cast %and3A_212 : vector<16xi32> to vector<1x16xi32>
      tpu.vector_store %arg8[%swap3A_214, %swap3A_215], %swap3A_218 {strides = array<i32>} : memref<2x80xi32, #tpu.memory_space<vmem>>, vector<1x16xi32>,
      %shift_right_logical3A_219 = arith.constant 16 : i32
      %shift_right_logical3A_220 = vector.broadcast %shift_right_logical3A_219 : i32 to vector<16xi32>
      %shift_right_logical3A_221 = arith.shrui %get3A_209, %shift_right_logical3A_220 : vector<16xi32>
      %swap3A_222 = arith.constant 1 : i32
      %swap3A_223 = arith.index_cast %swap3A_222 : i32 to index
      %swap3A_224 = arith.constant 16 : index
      %swap3A_225 = tpu.vector_load %arg8[%swap3A_223, %swap3A_224] {strides = array<i32>} : memref<2x80xi32, #tpu.memory_space<vmem>>, vector<1x16xi32>,
      %swap3A_226 = vector.shape_cast %swap3A_225 : vector<1x16xi32> to vector<16xi32>
      %swap3A_227 = vector.shape_cast %shift_right_logical3A_221 : vector<16xi32> to vector<1x16xi32>
      tpu.vector_store %arg8[%swap3A_223, %swap3A_224], %swap3A_227 {strides = array<i32>} : memref<2x80xi32, #tpu.memory_space<vmem>>, vector<1x16xi32>,
      %get3A_228 = arith.index_cast %add3A_183 : i32 to index
      %get3A_229 = arith.constant 32 : index
      %get3A_230 = tpu.vector_load %arg6[%get3A_228, %get3A_229] {strides = array<i32>} : memref<125x80xi32, #tpu.memory_space<vmem>>, vector<1x16xi32>,
      %get3A_231 = vector.shape_cast %get3A_230 : vector<1x16xi32> to vector<16xi32>
      %and3A_232 = arith.constant 65535 : i32
      %and3A_233 = vector.broadcast %and3A_232 : i32 to vector<16xi32>
      %and3A_234 = arith.andi %get3A_231, %and3A_233 : vector<16xi32>
      %swap3A_235 = arith.constant 0 : i32
      %swap3A_236 = arith.index_cast %swap3A_235 : i32 to index
      %swap3A_237 = arith.constant 32 : index
      %swap3A_238 = tpu.vector_load %arg8[%swap3A_236, %swap3A_237] {strides = array<i32>} : memref<2x80xi32, #tpu.memory_space<vmem>>, vector<1x16xi32>,
      %swap3A_239 = vector.shape_cast %swap3A_238 : vector<1x16xi32> to vector<16xi32>
      %swap3A_240 = vector.shape_cast %and3A_234 : vector<16xi32> to vector<1x16xi32>
      tpu.vector_store %arg8[%swap3A_236, %swap3A_237], %swap3A_240 {strides = array<i32>} : memref<2x80xi32, #tpu.memory_space<vmem>>, vector<1x16xi32>,
      %shift_right_logical3A_241 = arith.constant 16 : i32
      %shift_right_logical3A_242 = vector.broadcast %shift_right_logical3A_241 : i32 to vector<16xi32>
      %shift_right_logical3A_243 = arith.shrui %get3A_231, %shift_right_logical3A_242 : vector<16xi32>
      %swap3A_244 = arith.constant 1 : i32
      %swap3A_245 = arith.index_cast %swap3A_244 : i32 to index
      %swap3A_246 = arith.constant 32 : index
      %swap3A_247 = tpu.vector_load %arg8[%swap3A_245, %swap3A_246] {strides = array<i32>} : memref<2x80xi32, #tpu.memory_space<vmem>>, vector<1x16xi32>,
      %swap3A_248 = vector.shape_cast %swap3A_247 : vector<1x16xi32> to vector<16xi32>
      %swap3A_249 = vector.shape_cast %shift_right_logical3A_243 : vector<16xi32> to vector<1x16xi32>
      tpu.vector_store %arg8[%swap3A_245, %swap3A_246], %swap3A_249 {strides = array<i32>} : memref<2x80xi32, #tpu.memory_space<vmem>>, vector<1x16xi32>,
      %get3A_250 = arith.index_cast %add3A_183 : i32 to index
      %get3A_251 = arith.constant 48 : index
      %get3A_252 = tpu.vector_load %arg6[%get3A_250, %get3A_251] {strides = array<i32>} : memref<125x80xi32, #tpu.memory_space<vmem>>, vector<1x16xi32>,
      %get3A_253 = vector.shape_cast %get3A_252 : vector<1x16xi32> to vector<16xi32>
      %and3A_254 = arith.constant 65535 : i32
      %and3A_255 = vector.broadcast %and3A_254 : i32 to vector<16xi32>
      %and3A_256 = arith.andi %get3A_253, %and3A_255 : vector<16xi32>
      %swap3A_257 = arith.constant 0 : i32
      %swap3A_258 = arith.index_cast %swap3A_257 : i32 to index
      %swap3A_259 = arith.constant 48 : index
      %swap3A_260 = tpu.vector_load %arg8[%swap3A_258, %swap3A_259] {strides = array<i32>} : memref<2x80xi32, #tpu.memory_space<vmem>>, vector<1x16xi32>,
      %swap3A_261 = vector.shape_cast %swap3A_260 : vector<1x16xi32> to vector<16xi32>
      %swap3A_262 = vector.shape_cast %and3A_256 : vector<16xi32> to vector<1x16xi32>
      tpu.vector_store %arg8[%swap3A_258, %swap3A_259], %swap3A_262 {strides = array<i32>} : memref<2x80xi32, #tpu.memory_space<vmem>>, vector<1x16xi32>,
      %shift_right_logical3A_263 = arith.constant 16 : i32
      %shift_right_logical3A_264 = vector.broadcast %shift_right_logical3A_263 : i32 to vector<16xi32>
      %shift_right_logical3A_265 = arith.shrui %get3A_253, %shift_right_logical3A_264 : vector<16xi32>
      %swap3A_266 = arith.constant 1 : i32
      %swap3A_267 = arith.index_cast %swap3A_266 : i32 to index
      %swap3A_268 = arith.constant 48 : index
      %swap3A_269 = tpu.vector_load %arg8[%swap3A_267, %swap3A_268] {strides = array<i32>} : memref<2x80xi32, #tpu.memory_space<vmem>>, vector<1x16xi32>,
      %swap3A_270 = vector.shape_cast %swap3A_269 : vector<1x16xi32> to vector<16xi32>
      %swap3A_271 = vector.shape_cast %shift_right_logical3A_265 : vector<16xi32> to vector<1x16xi32>
      tpu.vector_store %arg8[%swap3A_267, %swap3A_268], %swap3A_271 {strides = array<i32>} : memref<2x80xi32, #tpu.memory_space<vmem>>, vector<1x16xi32>,
      %get3A_272 = arith.index_cast %add3A_183 : i32 to index
      %get3A_273 = arith.constant 64 : index
      %get3A_274 = tpu.vector_load %arg6[%get3A_272, %get3A_273] {strides = array<i32>} : memref<125x80xi32, #tpu.memory_space<vmem>>, vector<1x16xi32>,
      %get3A_275 = vector.shape_cast %get3A_274 : vector<1x16xi32> to vector<16xi32>
      %and3A_276 = arith.constant 65535 : i32
      %and3A_277 = vector.broadcast %and3A_276 : i32 to vector<16xi32>
      %and3A_278 = arith.andi %get3A_275, %and3A_277 : vector<16xi32>
      %swap3A_279 = arith.constant 0 : i32
      %swap3A_280 = arith.index_cast %swap3A_279 : i32 to index
      %swap3A_281 = arith.constant 64 : index
      %swap3A_282 = tpu.vector_load %arg8[%swap3A_280, %swap3A_281] {strides = array<i32>} : memref<2x80xi32, #tpu.memory_space<vmem>>, vector<1x16xi32>,
      %swap3A_283 = vector.shape_cast %swap3A_282 : vector<1x16xi32> to vector<16xi32>
      %swap3A_284 = vector.shape_cast %and3A_278 : vector<16xi32> to vector<1x16xi32>
      tpu.vector_store %arg8[%swap3A_280, %swap3A_281], %swap3A_284 {strides = array<i32>} : memref<2x80xi32, #tpu.memory_space<vmem>>, vector<1x16xi32>,
      %shift_right_logical3A_285 = arith.constant 16 : i32
      %shift_right_logical3A_286 = vector.broadcast %shift_right_logical3A_285 : i32 to vector<16xi32>
      %shift_right_logical3A_287 = arith.shrui %get3A_275, %shift_right_logical3A_286 : vector<16xi32>
      %swap3A_288 = arith.constant 1 : i32
      %swap3A_289 = arith.index_cast %swap3A_288 : i32 to index
      %swap3A_290 = arith.constant 64 : index
      %swap3A_291 = tpu.vector_load %arg8[%swap3A_289, %swap3A_290] {strides = array<i32>} : memref<2x80xi32, #tpu.memory_space<vmem>>, vector<1x16xi32>,
      %swap3A_292 = vector.shape_cast %swap3A_291 : vector<1x16xi32> to vector<16xi32>
      %swap3A_293 = vector.shape_cast %shift_right_logical3A_287 : vector<16xi32> to vector<1x16xi32>
      tpu.vector_store %arg8[%swap3A_289, %swap3A_290], %swap3A_293 {strides = array<i32>} : memref<2x80xi32, #tpu.memory_space<vmem>>, vector<1x16xi32>,
      %dma_start3A_294 = arith.constant 0 : i32
      %dma_start3A_295 = arith.constant 0 : i32
      %dma_start3A_296 = tpu.memref_slice %arg8[%dma_start3A_294, %dma_start3A_295] : memref<2x80xi32, #tpu.memory_space<vmem>> -> memref<1x80xi32, #tpu.memory_space<vmem>>
      %dma_start3A_297 = tpu.memref_squeeze %dma_start3A_296 : memref<1x80xi32, #tpu.memory_space<vmem>> -> memref<80xi32, #tpu.memory_space<vmem>>
      %dma_start3A_298 = arith.constant 0 : i32
      %dma_start3A_299 = arith.constant 0 : i32
      %dma_start3A_300 = tpu.memref_slice %arg2[%dma_start3A_298, %dma_start3A_299] : memref<10000x128xf32, #tpu.memory_space<hbm>> -> memref<10000x128xf32, #tpu.memory_space<hbm>>
      tpu.enqueue_indirect_dma source(%dma_start3A_300 : memref<10000x128xf32, #tpu.memory_space<hbm>>) target(%arg10 : memref<80x128xf32, #tpu.memory_space<vmem>>) offsets(%dma_start3A_297 : memref<80xi32, #tpu.memory_space<vmem>>) semaphore(%arg11 : memref<!tpu.dma_semaphore, #tpu.memory_space<semaphore_mem>>)
      %run_scoped3A_301 = arith.constant 1 : i32
      "tpu.region"() ({
        %run_scoped3A_431 = tpu.sem_alloc : memref<!tpu.dma_semaphore, #tpu.memory_space<semaphore_mem>>
        %dma_start3A_432 = arith.constant 0 : i32
        %dma_start3A_433 = tpu.memref_slice %arg7[%run_scoped3A_301, %dma_start3A_432] : memref<2x80xi32, #tpu.memory_space<vmem>> -> memref<1x80xi32, #tpu.memory_space<vmem>>
        %dma_start3A_434 = tpu.memref_squeeze %dma_start3A_433 : memref<1x80xi32, #tpu.memory_space<vmem>> -> memref<80xi32, #tpu.memory_space<vmem>>
        %dma_start3A_435 = arith.constant 0 : i32
        %dma_start3A_436 = arith.constant 0 : i32
        %dma_start3A_437 = tpu.memref_slice %arg5[%dma_start3A_435, %dma_start3A_436] : memref<10240x128xf32, #tpu.memory_space<vmem_shared>> -> memref<10240x128xf32, #tpu.memory_space<vmem_shared>>
        tpu.enqueue_indirect_dma source(%arg9 : memref<80x128xf32, #tpu.memory_space<vmem>>) target(%dma_start3A_437 : memref<10240x128xf32, #tpu.memory_space<vmem_shared>>) offsets(%dma_start3A_434 : memref<80xi32, #tpu.memory_space<vmem>>) semaphore(%run_scoped3A_431 : memref<!tpu.dma_semaphore, #tpu.memory_space<semaphore_mem>>) {add = true}
        %dma_wait3A_438 = arith.constant 0 : i32
        %dma_wait3A_439 = tpu.memref_slice %arg7[%run_scoped3A_301, %dma_wait3A_438] : memref<2x80xi32, #tpu.memory_space<vmem>> -> memref<1x80xi32, #tpu.memory_space<vmem>>
        %dma_wait3A_440 = tpu.memref_squeeze %dma_wait3A_439 : memref<1x80xi32, #tpu.memory_space<vmem>> -> memref<80xi32, #tpu.memory_space<vmem>>
        %dma_wait3A_441 = arith.constant 0 : i32
        %dma_wait3A_442 = arith.constant 0 : i32
        %dma_wait3A_443 = tpu.memref_slice %arg5[%dma_wait3A_441, %dma_wait3A_442] : memref<10240x128xf32, #tpu.memory_space<vmem_shared>> -> memref<10240x128xf32, #tpu.memory_space<vmem_shared>>
        tpu.wait_indirect_dma semaphore(%run_scoped3A_431 : memref<!tpu.dma_semaphore, #tpu.memory_space<semaphore_mem>>) src(%arg9 : memref<80x128xf32, #tpu.memory_space<vmem>>) dst(%dma_wait3A_443 : memref<10240x128xf32, #tpu.memory_space<vmem_shared>>)
        tpu.yield
      }) : () -> ()
      %dma_wait3A_302 = arith.constant 0 : i32
      %dma_wait3A_303 = arith.constant 0 : i32
      %dma_wait3A_304 = tpu.memref_slice %arg8[%dma_wait3A_302, %dma_wait3A_303] : memref<2x80xi32, #tpu.memory_space<vmem>> -> memref<1x80xi32, #tpu.memory_space<vmem>>
      %dma_wait3A_305 = tpu.memref_squeeze %dma_wait3A_304 : memref<1x80xi32, #tpu.memory_space<vmem>> -> memref<80xi32, #tpu.memory_space<vmem>>
      %dma_wait3A_306 = arith.constant 0 : i32
      %dma_wait3A_307 = arith.constant 0 : i32
      %dma_wait3A_308 = tpu.memref_slice %arg2[%dma_wait3A_306, %dma_wait3A_307] : memref<10000x128xf32, #tpu.memory_space<hbm>> -> memref<10000x128xf32, #tpu.memory_space<hbm>>
      tpu.wait_indirect_dma semaphore(%arg11 : memref<!tpu.dma_semaphore, #tpu.memory_space<semaphore_mem>>) src(%dma_wait3A_308 : memref<10000x128xf32, #tpu.memory_space<hbm>>) dst(%arg10 : memref<80x128xf32, #tpu.memory_space<vmem>>)
      %mul3A_309 = arith.constant 2 : i32
      %mul3A_310 = arith.muli %mul3A_309, %scan3A_172 : i32
      %add3A_311 = arith.constant 2 : i32
      %add3A_312 = arith.addi %mul3A_310, %add3A_311 : i32
      %get3A_313 = arith.index_cast %add3A_312 : i32 to index
      %get3A_314 = arith.constant 0 : index
      %get3A_315 = tpu.vector_load %arg6[%get3A_313, %get3A_314] {strides = array<i32>} : memref<125x80xi32, #tpu.memory_space<vmem>>, vector<1x16xi32>,
      %get3A_316 = vector.shape_cast %get3A_315 : vector<1x16xi32> to vector<16xi32>
      %and3A_317 = arith.constant 65535 : i32
      %and3A_318 = vector.broadcast %and3A_317 : i32 to vector<16xi32>
      %and3A_319 = arith.andi %get3A_316, %and3A_318 : vector<16xi32>
      %swap3A_320 = arith.constant 0 : i32
      %swap3A_321 = arith.index_cast %swap3A_320 : i32 to index
      %swap3A_322 = arith.constant 0 : index
      %swap3A_323 = tpu.vector_load %arg7[%swap3A_321, %swap3A_322] {strides = array<i32>} : memref<2x80xi32, #tpu.memory_space<vmem>>, vector<1x16xi32>,
      %swap3A_324 = vector.shape_cast %swap3A_323 : vector<1x16xi32> to vector<16xi32>
      %swap3A_325 = vector.shape_cast %and3A_319 : vector<16xi32> to vector<1x16xi32>
      tpu.vector_store %arg7[%swap3A_321, %swap3A_322], %swap3A_325 {strides = array<i32>} : memref<2x80xi32, #tpu.memory_space<vmem>>, vector<1x16xi32>,
      %shift_right_logical3A_326 = arith.constant 16 : i32
      %shift_right_logical3A_327 = vector.broadcast %shift_right_logical3A_326 : i32 to vector<16xi32>
      %shift_right_logical3A_328 = arith.shrui %get3A_316, %shift_right_logical3A_327 : vector<16xi32>
      %swap3A_329 = arith.constant 1 : i32
      %swap3A_330 = arith.index_cast %swap3A_329 : i32 to index
      %swap3A_331 = arith.constant 0 : index
      %swap3A_332 = tpu.vector_load %arg7[%swap3A_330, %swap3A_331] {strides = array<i32>} : memref<2x80xi32, #tpu.memory_space<vmem>>, vector<1x16xi32>,
      %swap3A_333 = vector.shape_cast %swap3A_332 : vector<1x16xi32> to vector<16xi32>
      %swap3A_334 = vector.shape_cast %shift_right_logical3A_328 : vector<16xi32> to vector<1x16xi32>
      tpu.vector_store %arg7[%swap3A_330, %swap3A_331], %swap3A_334 {strides = array<i32>} : memref<2x80xi32, #tpu.memory_space<vmem>>, vector<1x16xi32>,
      %get3A_335 = arith.index_cast %add3A_312 : i32 to index
      %get3A_336 = arith.constant 16 : index
      %get3A_337 = tpu.vector_load %arg6[%get3A_335, %get3A_336] {strides = array<i32>} : memref<125x80xi32, #tpu.memory_space<vmem>>, vector<1x16xi32>,
      %get3A_338 = vector.shape_cast %get3A_337 : vector<1x16xi32> to vector<16xi32>
      %and3A_339 = arith.constant 65535 : i32
      %and3A_340 = vector.broadcast %and3A_339 : i32 to vector<16xi32>
      %and3A_341 = arith.andi %get3A_338, %and3A_340 : vector<16xi32>
      %swap3A_342 = arith.constant 0 : i32
      %swap3A_343 = arith.index_cast %swap3A_342 : i32 to index
      %swap3A_344 = arith.constant 16 : index
      %swap3A_345 = tpu.vector_load %arg7[%swap3A_343, %swap3A_344] {strides = array<i32>} : memref<2x80xi32, #tpu.memory_space<vmem>>, vector<1x16xi32>,
      %swap3A_346 = vector.shape_cast %swap3A_345 : vector<1x16xi32> to vector<16xi32>
      %swap3A_347 = vector.shape_cast %and3A_341 : vector<16xi32> to vector<1x16xi32>
      tpu.vector_store %arg7[%swap3A_343, %swap3A_344], %swap3A_347 {strides = array<i32>} : memref<2x80xi32, #tpu.memory_space<vmem>>, vector<1x16xi32>,
      %shift_right_logical3A_348 = arith.constant 16 : i32
      %shift_right_logical3A_349 = vector.broadcast %shift_right_logical3A_348 : i32 to vector<16xi32>
      %shift_right_logical3A_350 = arith.shrui %get3A_338, %shift_right_logical3A_349 : vector<16xi32>
      %swap3A_351 = arith.constant 1 : i32
      %swap3A_352 = arith.index_cast %swap3A_351 : i32 to index
      %swap3A_353 = arith.constant 16 : index
      %swap3A_354 = tpu.vector_load %arg7[%swap3A_352, %swap3A_353] {strides = array<i32>} : memref<2x80xi32, #tpu.memory_space<vmem>>, vector<1x16xi32>,
      %swap3A_355 = vector.shape_cast %swap3A_354 : vector<1x16xi32> to vector<16xi32>
      %swap3A_356 = vector.shape_cast %shift_right_logical3A_350 : vector<16xi32> to vector<1x16xi32>
      tpu.vector_store %arg7[%swap3A_352, %swap3A_353], %swap3A_356 {strides = array<i32>} : memref<2x80xi32, #tpu.memory_space<vmem>>, vector<1x16xi32>,
      %get3A_357 = arith.index_cast %add3A_312 : i32 to index
      %get3A_358 = arith.constant 32 : index
      %get3A_359 = tpu.vector_load %arg6[%get3A_357, %get3A_358] {strides = array<i32>} : memref<125x80xi32, #tpu.memory_space<vmem>>, vector<1x16xi32>,
      %get3A_360 = vector.shape_cast %get3A_359 : vector<1x16xi32> to vector<16xi32>
      %and3A_361 = arith.constant 65535 : i32
      %and3A_362 = vector.broadcast %and3A_361 : i32 to vector<16xi32>
      %and3A_363 = arith.andi %get3A_360, %and3A_362 : vector<16xi32>
      %swap3A_364 = arith.constant 0 : i32
      %swap3A_365 = arith.index_cast %swap3A_364 : i32 to index
      %swap3A_366 = arith.constant 32 : index
      %swap3A_367 = tpu.vector_load %arg7[%swap3A_365, %swap3A_366] {strides = array<i32>} : memref<2x80xi32, #tpu.memory_space<vmem>>, vector<1x16xi32>,
      %swap3A_368 = vector.shape_cast %swap3A_367 : vector<1x16xi32> to vector<16xi32>
      %swap3A_369 = vector.shape_cast %and3A_363 : vector<16xi32> to vector<1x16xi32>
      tpu.vector_store %arg7[%swap3A_365, %swap3A_366], %swap3A_369 {strides = array<i32>} : memref<2x80xi32, #tpu.memory_space<vmem>>, vector<1x16xi32>,
      %shift_right_logical3A_370 = arith.constant 16 : i32
      %shift_right_logical3A_371 = vector.broadcast %shift_right_logical3A_370 : i32 to vector<16xi32>
      %shift_right_logical3A_372 = arith.shrui %get3A_360, %shift_right_logical3A_371 : vector<16xi32>
      %swap3A_373 = arith.constant 1 : i32
      %swap3A_374 = arith.index_cast %swap3A_373 : i32 to index
      %swap3A_375 = arith.constant 32 : index
      %swap3A_376 = tpu.vector_load %arg7[%swap3A_374, %swap3A_375] {strides = array<i32>} : memref<2x80xi32, #tpu.memory_space<vmem>>, vector<1x16xi32>,
      %swap3A_377 = vector.shape_cast %swap3A_376 : vector<1x16xi32> to vector<16xi32>
      %swap3A_378 = vector.shape_cast %shift_right_logical3A_372 : vector<16xi32> to vector<1x16xi32>
      tpu.vector_store %arg7[%swap3A_374, %swap3A_375], %swap3A_378 {strides = array<i32>} : memref<2x80xi32, #tpu.memory_space<vmem>>, vector<1x16xi32>,
      %get3A_379 = arith.index_cast %add3A_312 : i32 to index
      %get3A_380 = arith.constant 48 : index
      %get3A_381 = tpu.vector_load %arg6[%get3A_379, %get3A_380] {strides = array<i32>} : memref<125x80xi32, #tpu.memory_space<vmem>>, vector<1x16xi32>,
      %get3A_382 = vector.shape_cast %get3A_381 : vector<1x16xi32> to vector<16xi32>
      %and3A_383 = arith.constant 65535 : i32
      %and3A_384 = vector.broadcast %and3A_383 : i32 to vector<16xi32>
      %and3A_385 = arith.andi %get3A_382, %and3A_384 : vector<16xi32>
      %swap3A_386 = arith.constant 0 : i32
      %swap3A_387 = arith.index_cast %swap3A_386 : i32 to index
      %swap3A_388 = arith.constant 48 : index
      %swap3A_389 = tpu.vector_load %arg7[%swap3A_387, %swap3A_388] {strides = array<i32>} : memref<2x80xi32, #tpu.memory_space<vmem>>, vector<1x16xi32>,
      %swap3A_390 = vector.shape_cast %swap3A_389 : vector<1x16xi32> to vector<16xi32>
      %swap3A_391 = vector.shape_cast %and3A_385 : vector<16xi32> to vector<1x16xi32>
      tpu.vector_store %arg7[%swap3A_387, %swap3A_388], %swap3A_391 {strides = array<i32>} : memref<2x80xi32, #tpu.memory_space<vmem>>, vector<1x16xi32>,
      %shift_right_logical3A_392 = arith.constant 16 : i32
      %shift_right_logical3A_393 = vector.broadcast %shift_right_logical3A_392 : i32 to vector<16xi32>
      %shift_right_logical3A_394 = arith.shrui %get3A_382, %shift_right_logical3A_393 : vector<16xi32>
      %swap3A_395 = arith.constant 1 : i32
      %swap3A_396 = arith.index_cast %swap3A_395 : i32 to index
      %swap3A_397 = arith.constant 48 : index
      %swap3A_398 = tpu.vector_load %arg7[%swap3A_396, %swap3A_397] {strides = array<i32>} : memref<2x80xi32, #tpu.memory_space<vmem>>, vector<1x16xi32>,
      %swap3A_399 = vector.shape_cast %swap3A_398 : vector<1x16xi32> to vector<16xi32>
      %swap3A_400 = vector.shape_cast %shift_right_logical3A_394 : vector<16xi32> to vector<1x16xi32>
      tpu.vector_store %arg7[%swap3A_396, %swap3A_397], %swap3A_400 {strides = array<i32>} : memref<2x80xi32, #tpu.memory_space<vmem>>, vector<1x16xi32>,
      %get3A_401 = arith.index_cast %add3A_312 : i32 to index
      %get3A_402 = arith.constant 64 : index
      %get3A_403 = tpu.vector_load %arg6[%get3A_401, %get3A_402] {strides = array<i32>} : memref<125x80xi32, #tpu.memory_space<vmem>>, vector<1x16xi32>,
      %get3A_404 = vector.shape_cast %get3A_403 : vector<1x16xi32> to vector<16xi32>
      %and3A_405 = arith.constant 65535 : i32
      %and3A_406 = vector.broadcast %and3A_405 : i32 to vector<16xi32>
      %and3A_407 = arith.andi %get3A_404, %and3A_406 : vector<16xi32>
      %swap3A_408 = arith.constant 0 : i32
      %swap3A_409 = arith.index_cast %swap3A_408 : i32 to index
      %swap3A_410 = arith.constant 64 : index
      %swap3A_411 = tpu.vector_load %arg7[%swap3A_409, %swap3A_410] {strides = array<i32>} : memref<2x80xi32, #tpu.memory_space<vmem>>, vector<1x16xi32>,
      %swap3A_412 = vector.shape_cast %swap3A_411 : vector<1x16xi32> to vector<16xi32>
      %swap3A_413 = vector.shape_cast %and3A_407 : vector<16xi32> to vector<1x16xi32>
      tpu.vector_store %arg7[%swap3A_409, %swap3A_410], %swap3A_413 {strides = array<i32>} : memref<2x80xi32, #tpu.memory_space<vmem>>, vector<1x16xi32>,
      %shift_right_logical3A_414 = arith.constant 16 : i32
      %shift_right_logical3A_415 = vector.broadcast %shift_right_logical3A_414 : i32 to vector<16xi32>
      %shift_right_logical3A_416 = arith.shrui %get3A_404, %shift_right_logical3A_415 : vector<16xi32>
      %swap3A_417 = arith.constant 1 : i32
      %swap3A_418 = arith.index_cast %swap3A_417 : i32 to index
      %swap3A_419 = arith.constant 64 : index
      %swap3A_420 = tpu.vector_load %arg7[%swap3A_418, %swap3A_419] {strides = array<i32>} : memref<2x80xi32, #tpu.memory_space<vmem>>, vector<1x16xi32>,
      %swap3A_421 = vector.shape_cast %swap3A_420 : vector<1x16xi32> to vector<16xi32>
      %swap3A_422 = vector.shape_cast %shift_right_logical3A_416 : vector<16xi32> to vector<1x16xi32>
      tpu.vector_store %arg7[%swap3A_418, %swap3A_419], %swap3A_422 {strides = array<i32>} : memref<2x80xi32, #tpu.memory_space<vmem>>, vector<1x16xi32>,
      %dma_start3A_423 = arith.constant 0 : i32
      %dma_start3A_424 = arith.constant 0 : i32
      %dma_start3A_425 = tpu.memref_slice %arg7[%dma_start3A_423, %dma_start3A_424] : memref<2x80xi32, #tpu.memory_space<vmem>> -> memref<1x80xi32, #tpu.memory_space<vmem>>
      %dma_start3A_426 = tpu.memref_squeeze %dma_start3A_425 : memref<1x80xi32, #tpu.memory_space<vmem>> -> memref<80xi32, #tpu.memory_space<vmem>>
      %dma_start3A_427 = arith.constant 0 : i32
      %dma_start3A_428 = arith.constant 0 : i32
      %dma_start3A_429 = tpu.memref_slice %arg2[%dma_start3A_427, %dma_start3A_428] : memref<10000x128xf32, #tpu.memory_space<hbm>> -> memref<10000x128xf32, #tpu.memory_space<hbm>>
      tpu.enqueue_indirect_dma source(%dma_start3A_429 : memref<10000x128xf32, #tpu.memory_space<hbm>>) target(%arg9 : memref<80x128xf32, #tpu.memory_space<vmem>>) offsets(%dma_start3A_426 : memref<80xi32, #tpu.memory_space<vmem>>) semaphore(%arg11 : memref<!tpu.dma_semaphore, #tpu.memory_space<semaphore_mem>>)
      %run_scoped3A_430 = arith.constant 1 : i32
      "tpu.region"() ({
        %run_scoped3A_431 = tpu.sem_alloc : memref<!tpu.dma_semaphore, #tpu.memory_space<semaphore_mem>>
        %dma_start3A_432 = arith.constant 0 : i32
        %dma_start3A_433 = tpu.memref_slice %arg8[%run_scoped3A_430, %dma_start3A_432] : memref<2x80xi32, #tpu.memory_space<vmem>> -> memref<1x80xi32, #tpu.memory_space<vmem>>
        %dma_start3A_434 = tpu.memref_squeeze %dma_start3A_433 : memref<1x80xi32, #tpu.memory_space<vmem>> -> memref<80xi32, #tpu.memory_space<vmem>>
        %dma_start3A_435 = arith.constant 0 : i32
        %dma_start3A_436 = arith.constant 0 : i32
        %dma_start3A_437 = tpu.memref_slice %arg5[%dma_start3A_435, %dma_start3A_436] : memref<10240x128xf32, #tpu.memory_space<vmem_shared>> -> memref<10240x128xf32, #tpu.memory_space<vmem_shared>>
        tpu.enqueue_indirect_dma source(%arg10 : memref<80x128xf32, #tpu.memory_space<vmem>>) target(%dma_start3A_437 : memref<10240x128xf32, #tpu.memory_space<vmem_shared>>) offsets(%dma_start3A_434 : memref<80xi32, #tpu.memory_space<vmem>>) semaphore(%run_scoped3A_431 : memref<!tpu.dma_semaphore, #tpu.memory_space<semaphore_mem>>) {add = true}
        %dma_wait3A_438 = arith.constant 0 : i32
        %dma_wait3A_439 = tpu.memref_slice %arg8[%run_scoped3A_430, %dma_wait3A_438] : memref<2x80xi32, #tpu.memory_space<vmem>> -> memref<1x80xi32, #tpu.memory_space<vmem>>
        %dma_wait3A_440 = tpu.memref_squeeze %dma_wait3A_439 : memref<1x80xi32, #tpu.memory_space<vmem>> -> memref<80xi32, #tpu.memory_space<vmem>>
        %dma_wait3A_441 = arith.constant 0 : i32
        %dma_wait3A_442 = arith.constant 0 : i32
        %dma_wait3A_443 = tpu.memref_slice %arg5[%dma_wait3A_441, %dma_wait3A_442] : memref<10240x128xf32, #tpu.memory_space<vmem_shared>> -> memref<10240x128xf32, #tpu.memory_space<vmem_shared>>
        tpu.wait_indirect_dma semaphore(%run_scoped3A_431 : memref<!tpu.dma_semaphore, #tpu.memory_space<semaphore_mem>>) src(%arg10 : memref<80x128xf32, #tpu.memory_space<vmem>>) dst(%dma_wait3A_443 : memref<10240x128xf32, #tpu.memory_space<vmem_shared>>)
        tpu.yield
      }) : () -> ()
    }
    %scan3A_160 = arith.constant 62 : i32
    %dma_wait3A = arith.constant 0 : i32
    %dma_wait3A_161 = arith.constant 0 : i32
    %dma_wait3A_162 = tpu.memref_slice %arg7[%dma_wait3A, %dma_wait3A_161] : memref<2x80xi32, #tpu.memory_space<vmem>> -> memref<1x80xi32, #tpu.memory_space<vmem>>
    %dma_wait3A_163 = tpu.memref_squeeze %dma_wait3A_162 : memref<1x80xi32, #tpu.memory_space<vmem>> -> memref<80xi32, #tpu.memory_space<vmem>>
    %dma_wait3A_164 = arith.constant 0 : i32
    %dma_wait3A_165 = arith.constant 0 : i32
    %dma_wait3A_166 = tpu.memref_slice %arg2[%dma_wait3A_164, %dma_wait3A_165] : memref<10000x128xf32, #tpu.memory_space<hbm>> -> memref<10000x128xf32, #tpu.memory_space<hbm>>
    tpu.wait_indirect_dma semaphore(%arg11 : memref<!tpu.dma_semaphore, #tpu.memory_space<semaphore_mem>>) src(%dma_wait3A_166 : memref<10000x128xf32, #tpu.memory_space<hbm>>) dst(%arg9 : memref<80x128xf32, #tpu.memory_space<vmem>>)
    %run_scoped3A = arith.constant 1 : i32
    "tpu.region"() ({
      %run_scoped3A_172 = tpu.sem_alloc : memref<!tpu.dma_semaphore, #tpu.memory_space<semaphore_mem>>
      %dma_start3A_173 = arith.constant 0 : i32
      %dma_start3A_174 = tpu.memref_slice %arg7[%run_scoped3A, %dma_start3A_173] : memref<2x80xi32, #tpu.memory_space<vmem>> -> memref<1x80xi32, #tpu.memory_space<vmem>>
      %dma_start3A_175 = tpu.memref_squeeze %dma_start3A_174 : memref<1x80xi32, #tpu.memory_space<vmem>> -> memref<80xi32, #tpu.memory_space<vmem>>
      %dma_start3A_176 = arith.constant 0 : i32
      %dma_start3A_177 = arith.constant 0 : i32
      %dma_start3A_178 = tpu.memref_slice %arg5[%dma_start3A_176, %dma_start3A_177] : memref<10240x128xf32, #tpu.memory_space<vmem_shared>> -> memref<10240x128xf32, #tpu.memory_space<vmem_shared>>
      tpu.enqueue_indirect_dma source(%arg9 : memref<80x128xf32, #tpu.memory_space<vmem>>) target(%dma_start3A_178 : memref<10240x128xf32, #tpu.memory_space<vmem_shared>>) offsets(%dma_start3A_175 : memref<80xi32, #tpu.memory_space<vmem>>) semaphore(%run_scoped3A_172 : memref<!tpu.dma_semaphore, #tpu.memory_space<semaphore_mem>>) {add = true}
      %dma_wait3A_179 = arith.constant 0 : i32
      %dma_wait3A_180 = tpu.memref_slice %arg7[%run_scoped3A, %dma_wait3A_179] : memref<2x80xi32, #tpu.memory_space<vmem>> -> memref<1x80xi32, #tpu.memory_space<vmem>>
      %dma_wait3A_181 = tpu.memref_squeeze %dma_wait3A_180 : memref<1x80xi32, #tpu.memory_space<vmem>> -> memref<80xi32, #tpu.memory_space<vmem>>
      %dma_wait3A_182 = arith.constant 0 : i32
      %dma_wait3A_183 = arith.constant 0 : i32
      %dma_wait3A_184 = tpu.memref_slice %arg5[%dma_wait3A_182, %dma_wait3A_183] : memref<10240x128xf32, #tpu.memory_space<vmem_shared>> -> memref<10240x128xf32, #tpu.memory_space<vmem_shared>>
      tpu.wait_indirect_dma semaphore(%run_scoped3A_172 : memref<!tpu.dma_semaphore, #tpu.memory_space<semaphore_mem>>) src(%arg9 : memref<80x128xf32, #tpu.memory_space<vmem>>) dst(%dma_wait3A_184 : memref<10240x128xf32, #tpu.memory_space<vmem_shared>>)
      tpu.yield
    }) : () -> ()
    %barrier3A_167 = arith.constant 0 : index
    tpu.barrier barrier_id(%barrier3A_167)
    %mul3A_168 = arith.constant 640 : i32
    %mul3A_169 = arith.muli %arg1, %mul3A_168 : i32
    %mul3A_170 = arith.constant 640 : i32
    %mul3A_171 = arith.muli %arg1, %mul3A_170 : i32
    "tpu.region"() ({
      %run_scoped3A_172 = tpu.sem_alloc : memref<!tpu.dma_semaphore, #tpu.memory_space<semaphore_mem>>
      %dma_start3A_173 = arith.constant 0 : i32
      %dma_start3A_174 = tpu.memref_slice %arg4[%arg0, %mul3A_171, %dma_start3A_173] : memref<2x10240x128xf32, #tpu.memory_space<hbm>> -> memref<1x640x128xf32, #tpu.memory_space<hbm>>
      %dma_start3A_175 = tpu.memref_squeeze %dma_start3A_174 : memref<1x640x128xf32, #tpu.memory_space<hbm>> -> memref<640x128xf32, #tpu.memory_space<hbm>>
      %dma_start3A_176 = arith.constant 0 : i32
      %dma_start3A_177 = tpu.memref_slice %arg5[%mul3A_169, %dma_start3A_176] : memref<10240x128xf32, #tpu.memory_space<vmem_shared>> -> memref<640x128xf32, #tpu.memory_space<vmem_shared>>
      tpu.enqueue_dma source(%dma_start3A_177 : memref<640x128xf32, #tpu.memory_space<vmem_shared>>) target(%dma_start3A_175 : memref<640x128xf32, #tpu.memory_space<hbm>>) target_semaphore(%run_scoped3A_172 : memref<!tpu.dma_semaphore, #tpu.memory_space<semaphore_mem>>)
      %dma_wait3A_178 = arith.constant 0 : i32
      %dma_wait3A_179 = tpu.memref_slice %arg4[%arg0, %mul3A_171, %dma_wait3A_178] : memref<2x10240x128xf32, #tpu.memory_space<hbm>> -> memref<1x640x128xf32, #tpu.memory_space<hbm>>
      %dma_wait3A_180 = tpu.memref_squeeze %dma_wait3A_179 : memref<1x640x128xf32, #tpu.memory_space<hbm>> -> memref<640x128xf32, #tpu.memory_space<hbm>>
      %dma_wait3A_181 = arith.constant 0 : i32
      %dma_wait3A_182 = tpu.memref_slice %arg5[%mul3A_169, %dma_wait3A_181] : memref<10240x128xf32, #tpu.memory_space<vmem_shared>> -> memref<640x128xf32, #tpu.memory_space<vmem_shared>>
      tpu.wait_dma2 semaphore(%run_scoped3A_172 : memref<!tpu.dma_semaphore, #tpu.memory_space<semaphore_mem>>) src(%dma_wait3A_182 : memref<640x128xf32, #tpu.memory_space<vmem_shared>>) dst(%dma_wait3A_180 : memref<640x128xf32, #tpu.memory_space<hbm>>)
      tpu.yield
    }) : () -> ()
    return
  }
}

#map = affine_map<(d0, d1) -> (0, 0)>
#map1 = affine_map<(d0, d1) -> (0, 0, 0)>
module attributes {stable_mosaic.version = 14 : i64} {
  func.func @_prop_sc(%arg0: i32, %arg1: i32, %arg2: memref<10000x128xf32, #tpu.memory_space<hbm>>, %arg3: memref<32x125x80xi32, #tpu.memory_space<hbm>>, %arg4: memref<2x10240x128xf32, #tpu.memory_space<hbm>>, %arg5: memref<10240x128xf32, #tpu.memory_space<vmem_shared>>, %arg6: memref<125x80xi32, #tpu.memory_space<vmem>>, %arg7: memref<2x80xi32, #tpu.memory_space<vmem>>, %arg8: memref<2x80xi32, #tpu.memory_space<vmem>>, %arg9: memref<80x128xf32, #tpu.memory_space<vmem>>, %arg10: memref<80x128xf32, #tpu.memory_space<vmem>>, %arg11: memref<!tpu.dma_semaphore, #tpu.memory_space<semaphore_mem>>) attributes {dimension_semantics = [#tpu.dimension_semantics<core_parallel>, #tpu.dimension_semantics<subcore_parallel>], iteration_bounds = array<i64: 2, 16>, scalar_prefetch = 0 : i64, scratch_operands = 7 : i64, tpu.core_type = #tpu.core_type<sc_vector_subcore>, window_params = [{transform_indices = #map}, {transform_indices = #map1}, {transform_indices = #map1}]} {
    %mul3A = arith.constant 16 : i32
    %mul3A_0 = arith.muli %arg0, %mul3A : i32
    %add3A = arith.addi %mul3A_0, %arg1 : i32
    %scan3A = arith.constant 0 : i32
    %scan3A_1 = arith.constant 0 : i32
    %scan3A_2 = arith.constant 80 : i32
    %scan3A_3 = arith.addi %scan3A_1, %scan3A_2 : i32
    %scan3A_4 = arith.constant 1 : i32
    scf.for %scan3A_172 = %scan3A_1 to %scan3A_3 step %scan3A_4  : i32 {
      %broadcast_in_dim3A = arith.constant 0.000000e+00 : f32
      %broadcast_in_dim3A_173 = vector.broadcast %broadcast_in_dim3A : f32 to vector<16xf32>
      %swap3A_174 = arith.index_cast %scan3A_172 : i32 to index
      %swap3A_175 = arith.constant 0 : index
      %swap3A_176 = tpu.vector_load %arg9[%swap3A_174, %swap3A_175] {strides = array<i32>} : memref<80x128xf32, #tpu.memory_space<vmem>>, vector<1x16xf32>,
      %swap3A_177 = vector.shape_cast %swap3A_176 : vector<1x16xf32> to vector<16xf32>
      %swap3A_178 = vector.shape_cast %broadcast_in_dim3A_173 : vector<16xf32> to vector<1x16xf32>
      tpu.vector_store %arg9[%swap3A_174, %swap3A_175], %swap3A_178 {strides = array<i32>} : memref<80x128xf32, #tpu.memory_space<vmem>>, vector<1x16xf32>,
      %broadcast_in_dim3A_179 = arith.constant 0.000000e+00 : f32
      %broadcast_in_dim3A_180 = vector.broadcast %broadcast_in_dim3A_179 : f32 to vector<16xf32>
      %swap3A_181 = arith.index_cast %scan3A_172 : i32 to index
      %swap3A_182 = arith.constant 16 : index
      %swap3A_183 = tpu.vector_load %arg9[%swap3A_181, %swap3A_182] {strides = array<i32>} : memref<80x128xf32, #tpu.memory_space<vmem>>, vector<1x16xf32>,
      %swap3A_184 = vector.shape_cast %swap3A_183 : vector<1x16xf32> to vector<16xf32>
      %swap3A_185 = vector.shape_cast %broadcast_in_dim3A_180 : vector<16xf32> to vector<1x16xf32>
      tpu.vector_store %arg9[%swap3A_181, %swap3A_182], %swap3A_185 {strides = array<i32>} : memref<80x128xf32, #tpu.memory_space<vmem>>, vector<1x16xf32>,
      %broadcast_in_dim3A_186 = arith.constant 0.000000e+00 : f32
      %broadcast_in_dim3A_187 = vector.broadcast %broadcast_in_dim3A_186 : f32 to vector<16xf32>
      %swap3A_188 = arith.index_cast %scan3A_172 : i32 to index
      %swap3A_189 = arith.constant 32 : index
      %swap3A_190 = tpu.vector_load %arg9[%swap3A_188, %swap3A_189] {strides = array<i32>} : memref<80x128xf32, #tpu.memory_space<vmem>>, vector<1x16xf32>,
      %swap3A_191 = vector.shape_cast %swap3A_190 : vector<1x16xf32> to vector<16xf32>
      %swap3A_192 = vector.shape_cast %broadcast_in_dim3A_187 : vector<16xf32> to vector<1x16xf32>
      tpu.vector_store %arg9[%swap3A_188, %swap3A_189], %swap3A_192 {strides = array<i32>} : memref<80x128xf32, #tpu.memory_space<vmem>>, vector<1x16xf32>,
      %broadcast_in_dim3A_193 = arith.constant 0.000000e+00 : f32
      %broadcast_in_dim3A_194 = vector.broadcast %broadcast_in_dim3A_193 : f32 to vector<16xf32>
      %swap3A_195 = arith.index_cast %scan3A_172 : i32 to index
      %swap3A_196 = arith.constant 48 : index
      %swap3A_197 = tpu.vector_load %arg9[%swap3A_195, %swap3A_196] {strides = array<i32>} : memref<80x128xf32, #tpu.memory_space<vmem>>, vector<1x16xf32>,
      %swap3A_198 = vector.shape_cast %swap3A_197 : vector<1x16xf32> to vector<16xf32>
      %swap3A_199 = vector.shape_cast %broadcast_in_dim3A_194 : vector<16xf32> to vector<1x16xf32>
      tpu.vector_store %arg9[%swap3A_195, %swap3A_196], %swap3A_199 {strides = array<i32>} : memref<80x128xf32, #tpu.memory_space<vmem>>, vector<1x16xf32>,
      %broadcast_in_dim3A_200 = arith.constant 0.000000e+00 : f32
      %broadcast_in_dim3A_201 = vector.broadcast %broadcast_in_dim3A_200 : f32 to vector<16xf32>
      %swap3A_202 = arith.index_cast %scan3A_172 : i32 to index
      %swap3A_203 = arith.constant 64 : index
      %swap3A_204 = tpu.vector_load %arg9[%swap3A_202, %swap3A_203] {strides = array<i32>} : memref<80x128xf32, #tpu.memory_space<vmem>>, vector<1x16xf32>,
      %swap3A_205 = vector.shape_cast %swap3A_204 : vector<1x16xf32> to vector<16xf32>
      %swap3A_206 = vector.shape_cast %broadcast_in_dim3A_201 : vector<16xf32> to vector<1x16xf32>
      tpu.vector_store %arg9[%swap3A_202, %swap3A_203], %swap3A_206 {strides = array<i32>} : memref<80x128xf32, #tpu.memory_space<vmem>>, vector<1x16xf32>,
      %broadcast_in_dim3A_207 = arith.constant 0.000000e+00 : f32
      %broadcast_in_dim3A_208 = vector.broadcast %broadcast_in_dim3A_207 : f32 to vector<16xf32>
      %swap3A_209 = arith.index_cast %scan3A_172 : i32 to index
      %swap3A_210 = arith.constant 80 : index
      %swap3A_211 = tpu.vector_load %arg9[%swap3A_209, %swap3A_210] {strides = array<i32>} : memref<80x128xf32, #tpu.memory_space<vmem>>, vector<1x16xf32>,
      %swap3A_212 = vector.shape_cast %swap3A_211 : vector<1x16xf32> to vector<16xf32>
      %swap3A_213 = vector.shape_cast %broadcast_in_dim3A_208 : vector<16xf32> to vector<1x16xf32>
      tpu.vector_store %arg9[%swap3A_209, %swap3A_210], %swap3A_213 {strides = array<i32>} : memref<80x128xf32, #tpu.memory_space<vmem>>, vector<1x16xf32>,
      %broadcast_in_dim3A_214 = arith.constant 0.000000e+00 : f32
      %broadcast_in_dim3A_215 = vector.broadcast %broadcast_in_dim3A_214 : f32 to vector<16xf32>
      %swap3A_216 = arith.index_cast %scan3A_172 : i32 to index
      %swap3A_217 = arith.constant 96 : index
      %swap3A_218 = tpu.vector_load %arg9[%swap3A_216, %swap3A_217] {strides = array<i32>} : memref<80x128xf32, #tpu.memory_space<vmem>>, vector<1x16xf32>,
      %swap3A_219 = vector.shape_cast %swap3A_218 : vector<1x16xf32> to vector<16xf32>
      %swap3A_220 = vector.shape_cast %broadcast_in_dim3A_215 : vector<16xf32> to vector<1x16xf32>
      tpu.vector_store %arg9[%swap3A_216, %swap3A_217], %swap3A_220 {strides = array<i32>} : memref<80x128xf32, #tpu.memory_space<vmem>>, vector<1x16xf32>,
      %broadcast_in_dim3A_221 = arith.constant 0.000000e+00 : f32
      %broadcast_in_dim3A_222 = vector.broadcast %broadcast_in_dim3A_221 : f32 to vector<16xf32>
      %swap3A_223 = arith.index_cast %scan3A_172 : i32 to index
      %swap3A_224 = arith.constant 112 : index
      %swap3A_225 = tpu.vector_load %arg9[%swap3A_223, %swap3A_224] {strides = array<i32>} : memref<80x128xf32, #tpu.memory_space<vmem>>, vector<1x16xf32>,
      %swap3A_226 = vector.shape_cast %swap3A_225 : vector<1x16xf32> to vector<16xf32>
      %swap3A_227 = vector.shape_cast %broadcast_in_dim3A_222 : vector<16xf32> to vector<1x16xf32>
      tpu.vector_store %arg9[%swap3A_223, %swap3A_224], %swap3A_227 {strides = array<i32>} : memref<80x128xf32, #tpu.memory_space<vmem>>, vector<1x16xf32>,
    }
    %scan3A_5 = arith.constant 80 : i32
    %mul3A_6 = arith.constant 640 : i32
    %mul3A_7 = arith.muli %arg1, %mul3A_6 : i32
    %add3A_8 = arith.constant 0 : i32
    %add3A_9 = arith.addi %mul3A_7, %add3A_8 : i32
    "tpu.region"() ({
      %run_scoped3A_172 = tpu.sem_alloc : memref<!tpu.dma_semaphore, #tpu.memory_space<semaphore_mem>>
      %dma_start3A_173 = arith.constant 0 : i32
      %dma_start3A_174 = tpu.memref_slice %arg5[%add3A_9, %dma_start3A_173] : memref<10240x128xf32, #tpu.memory_space<vmem_shared>> -> memref<80x128xf32, #tpu.memory_space<vmem_shared>>
      %dma_start3A_175 = arith.constant 0 : i32
      %dma_start3A_176 = tpu.memref_slice %arg5[%add3A_9, %dma_start3A_175] : memref<10240x128xf32, #tpu.memory_space<vmem_shared>> -> memref<80x128xf32, #tpu.memory_space<vmem_shared>>
      tpu.enqueue_dma source(%arg9 : memref<80x128xf32, #tpu.memory_space<vmem>>) target(%dma_start3A_176 : memref<80x128xf32, #tpu.memory_space<vmem_shared>>) target_semaphore(%run_scoped3A_172 : memref<!tpu.dma_semaphore, #tpu.memory_space<semaphore_mem>>)
      %dma_wait3A_177 = arith.constant 0 : i32
      %dma_wait3A_178 = tpu.memref_slice %arg5[%add3A_9, %dma_wait3A_177] : memref<10240x128xf32, #tpu.memory_space<vmem_shared>> -> memref<80x128xf32, #tpu.memory_space<vmem_shared>>
      %dma_wait3A_179 = arith.constant 0 : i32
      %dma_wait3A_180 = tpu.memref_slice %arg5[%add3A_9, %dma_wait3A_179] : memref<10240x128xf32, #tpu.memory_space<vmem_shared>> -> memref<80x128xf32, #tpu.memory_space<vmem_shared>>
      tpu.wait_dma2 semaphore(%run_scoped3A_172 : memref<!tpu.dma_semaphore, #tpu.memory_space<semaphore_mem>>) src(%arg9 : memref<80x128xf32, #tpu.memory_space<vmem>>) dst(%dma_wait3A_180 : memref<80x128xf32, #tpu.memory_space<vmem_shared>>)
      tpu.yield
    }) : () -> ()
    %mul3A_10 = arith.constant 640 : i32
    %mul3A_11 = arith.muli %arg1, %mul3A_10 : i32
    %add3A_12 = arith.constant 80 : i32
    %add3A_13 = arith.addi %mul3A_11, %add3A_12 : i32
    "tpu.region"() ({
      %run_scoped3A_172 = tpu.sem_alloc : memref<!tpu.dma_semaphore, #tpu.memory_space<semaphore_mem>>
      %dma_start3A_173 = arith.constant 0 : i32
      %dma_start3A_174 = tpu.memref_slice %arg5[%add3A_13, %dma_start3A_173] : memref<10240x128xf32, #tpu.memory_space<vmem_shared>> -> memref<80x128xf32, #tpu.memory_space<vmem_shared>>
      %dma_start3A_175 = arith.constant 0 : i32
      %dma_start3A_176 = tpu.memref_slice %arg5[%add3A_13, %dma_start3A_175] : memref<10240x128xf32, #tpu.memory_space<vmem_shared>> -> memref<80x128xf32, #tpu.memory_space<vmem_shared>>
      tpu.enqueue_dma source(%arg9 : memref<80x128xf32, #tpu.memory_space<vmem>>) target(%dma_start3A_176 : memref<80x128xf32, #tpu.memory_space<vmem_shared>>) target_semaphore(%run_scoped3A_172 : memref<!tpu.dma_semaphore, #tpu.memory_space<semaphore_mem>>)
      %dma_wait3A_177 = arith.constant 0 : i32
      %dma_wait3A_178 = tpu.memref_slice %arg5[%add3A_13, %dma_wait3A_177] : memref<10240x128xf32, #tpu.memory_space<vmem_shared>> -> memref<80x128xf32, #tpu.memory_space<vmem_shared>>
      %dma_wait3A_179 = arith.constant 0 : i32
      %dma_wait3A_180 = tpu.memref_slice %arg5[%add3A_13, %dma_wait3A_179] : memref<10240x128xf32, #tpu.memory_space<vmem_shared>> -> memref<80x128xf32, #tpu.memory_space<vmem_shared>>
      tpu.wait_dma2 semaphore(%run_scoped3A_172 : memref<!tpu.dma_semaphore, #tpu.memory_space<semaphore_mem>>) src(%arg9 : memref<80x128xf32, #tpu.memory_space<vmem>>) dst(%dma_wait3A_180 : memref<80x128xf32, #tpu.memory_space<vmem_shared>>)
      tpu.yield
    }) : () -> ()
    %mul3A_14 = arith.constant 640 : i32
    %mul3A_15 = arith.muli %arg1, %mul3A_14 : i32
    %add3A_16 = arith.constant 160 : i32
    %add3A_17 = arith.addi %mul3A_15, %add3A_16 : i32
    "tpu.region"() ({
      %run_scoped3A_172 = tpu.sem_alloc : memref<!tpu.dma_semaphore, #tpu.memory_space<semaphore_mem>>
      %dma_start3A_173 = arith.constant 0 : i32
      %dma_start3A_174 = tpu.memref_slice %arg5[%add3A_17, %dma_start3A_173] : memref<10240x128xf32, #tpu.memory_space<vmem_shared>> -> memref<80x128xf32, #tpu.memory_space<vmem_shared>>
      %dma_start3A_175 = arith.constant 0 : i32
      %dma_start3A_176 = tpu.memref_slice %arg5[%add3A_17, %dma_start3A_175] : memref<10240x128xf32, #tpu.memory_space<vmem_shared>> -> memref<80x128xf32, #tpu.memory_space<vmem_shared>>
      tpu.enqueue_dma source(%arg9 : memref<80x128xf32, #tpu.memory_space<vmem>>) target(%dma_start3A_176 : memref<80x128xf32, #tpu.memory_space<vmem_shared>>) target_semaphore(%run_scoped3A_172 : memref<!tpu.dma_semaphore, #tpu.memory_space<semaphore_mem>>)
      %dma_wait3A_177 = arith.constant 0 : i32
      %dma_wait3A_178 = tpu.memref_slice %arg5[%add3A_17, %dma_wait3A_177] : memref<10240x128xf32, #tpu.memory_space<vmem_shared>> -> memref<80x128xf32, #tpu.memory_space<vmem_shared>>
      %dma_wait3A_179 = arith.constant 0 : i32
      %dma_wait3A_180 = tpu.memref_slice %arg5[%add3A_17, %dma_wait3A_179] : memref<10240x128xf32, #tpu.memory_space<vmem_shared>> -> memref<80x128xf32, #tpu.memory_space<vmem_shared>>
      tpu.wait_dma2 semaphore(%run_scoped3A_172 : memref<!tpu.dma_semaphore, #tpu.memory_space<semaphore_mem>>) src(%arg9 : memref<80x128xf32, #tpu.memory_space<vmem>>) dst(%dma_wait3A_180 : memref<80x128xf32, #tpu.memory_space<vmem_shared>>)
      tpu.yield
    }) : () -> ()
    %mul3A_18 = arith.constant 640 : i32
    %mul3A_19 = arith.muli %arg1, %mul3A_18 : i32
    %add3A_20 = arith.constant 240 : i32
    %add3A_21 = arith.addi %mul3A_19, %add3A_20 : i32
    "tpu.region"() ({
      %run_scoped3A_172 = tpu.sem_alloc : memref<!tpu.dma_semaphore, #tpu.memory_space<semaphore_mem>>
      %dma_start3A_173 = arith.constant 0 : i32
      %dma_start3A_174 = tpu.memref_slice %arg5[%add3A_21, %dma_start3A_173] : memref<10240x128xf32, #tpu.memory_space<vmem_shared>> -> memref<80x128xf32, #tpu.memory_space<vmem_shared>>
      %dma_start3A_175 = arith.constant 0 : i32
      %dma_start3A_176 = tpu.memref_slice %arg5[%add3A_21, %dma_start3A_175] : memref<10240x128xf32, #tpu.memory_space<vmem_shared>> -> memref<80x128xf32, #tpu.memory_space<vmem_shared>>
      tpu.enqueue_dma source(%arg9 : memref<80x128xf32, #tpu.memory_space<vmem>>) target(%dma_start3A_176 : memref<80x128xf32, #tpu.memory_space<vmem_shared>>) target_semaphore(%run_scoped3A_172 : memref<!tpu.dma_semaphore, #tpu.memory_space<semaphore_mem>>)
      %dma_wait3A_177 = arith.constant 0 : i32
      %dma_wait3A_178 = tpu.memref_slice %arg5[%add3A_21, %dma_wait3A_177] : memref<10240x128xf32, #tpu.memory_space<vmem_shared>> -> memref<80x128xf32, #tpu.memory_space<vmem_shared>>
      %dma_wait3A_179 = arith.constant 0 : i32
      %dma_wait3A_180 = tpu.memref_slice %arg5[%add3A_21, %dma_wait3A_179] : memref<10240x128xf32, #tpu.memory_space<vmem_shared>> -> memref<80x128xf32, #tpu.memory_space<vmem_shared>>
      tpu.wait_dma2 semaphore(%run_scoped3A_172 : memref<!tpu.dma_semaphore, #tpu.memory_space<semaphore_mem>>) src(%arg9 : memref<80x128xf32, #tpu.memory_space<vmem>>) dst(%dma_wait3A_180 : memref<80x128xf32, #tpu.memory_space<vmem_shared>>)
      tpu.yield
    }) : () -> ()
    %mul3A_22 = arith.constant 640 : i32
    %mul3A_23 = arith.muli %arg1, %mul3A_22 : i32
    %add3A_24 = arith.constant 320 : i32
    %add3A_25 = arith.addi %mul3A_23, %add3A_24 : i32
    "tpu.region"() ({
      %run_scoped3A_172 = tpu.sem_alloc : memref<!tpu.dma_semaphore, #tpu.memory_space<semaphore_mem>>
      %dma_start3A_173 = arith.constant 0 : i32
      %dma_start3A_174 = tpu.memref_slice %arg5[%add3A_25, %dma_start3A_173] : memref<10240x128xf32, #tpu.memory_space<vmem_shared>> -> memref<80x128xf32, #tpu.memory_space<vmem_shared>>
      %dma_start3A_175 = arith.constant 0 : i32
      %dma_start3A_176 = tpu.memref_slice %arg5[%add3A_25, %dma_start3A_175] : memref<10240x128xf32, #tpu.memory_space<vmem_shared>> -> memref<80x128xf32, #tpu.memory_space<vmem_shared>>
      tpu.enqueue_dma source(%arg9 : memref<80x128xf32, #tpu.memory_space<vmem>>) target(%dma_start3A_176 : memref<80x128xf32, #tpu.memory_space<vmem_shared>>) target_semaphore(%run_scoped3A_172 : memref<!tpu.dma_semaphore, #tpu.memory_space<semaphore_mem>>)
      %dma_wait3A_177 = arith.constant 0 : i32
      %dma_wait3A_178 = tpu.memref_slice %arg5[%add3A_25, %dma_wait3A_177] : memref<10240x128xf32, #tpu.memory_space<vmem_shared>> -> memref<80x128xf32, #tpu.memory_space<vmem_shared>>
      %dma_wait3A_179 = arith.constant 0 : i32
      %dma_wait3A_180 = tpu.memref_slice %arg5[%add3A_25, %dma_wait3A_179] : memref<10240x128xf32, #tpu.memory_space<vmem_shared>> -> memref<80x128xf32, #tpu.memory_space<vmem_shared>>
      tpu.wait_dma2 semaphore(%run_scoped3A_172 : memref<!tpu.dma_semaphore, #tpu.memory_space<semaphore_mem>>) src(%arg9 : memref<80x128xf32, #tpu.memory_space<vmem>>) dst(%dma_wait3A_180 : memref<80x128xf32, #tpu.memory_space<vmem_shared>>)
      tpu.yield
    }) : () -> ()
    %mul3A_26 = arith.constant 640 : i32
    %mul3A_27 = arith.muli %arg1, %mul3A_26 : i32
    %add3A_28 = arith.constant 400 : i32
    %add3A_29 = arith.addi %mul3A_27, %add3A_28 : i32
    "tpu.region"() ({
      %run_scoped3A_172 = tpu.sem_alloc : memref<!tpu.dma_semaphore, #tpu.memory_space<semaphore_mem>>
      %dma_start3A_173 = arith.constant 0 : i32
      %dma_start3A_174 = tpu.memref_slice %arg5[%add3A_29, %dma_start3A_173] : memref<10240x128xf32, #tpu.memory_space<vmem_shared>> -> memref<80x128xf32, #tpu.memory_space<vmem_shared>>
      %dma_start3A_175 = arith.constant 0 : i32
      %dma_start3A_176 = tpu.memref_slice %arg5[%add3A_29, %dma_start3A_175] : memref<10240x128xf32, #tpu.memory_space<vmem_shared>> -> memref<80x128xf32, #tpu.memory_space<vmem_shared>>
      tpu.enqueue_dma source(%arg9 : memref<80x128xf32, #tpu.memory_space<vmem>>) target(%dma_start3A_176 : memref<80x128xf32, #tpu.memory_space<vmem_shared>>) target_semaphore(%run_scoped3A_172 : memref<!tpu.dma_semaphore, #tpu.memory_space<semaphore_mem>>)
      %dma_wait3A_177 = arith.constant 0 : i32
      %dma_wait3A_178 = tpu.memref_slice %arg5[%add3A_29, %dma_wait3A_177] : memref<10240x128xf32, #tpu.memory_space<vmem_shared>> -> memref<80x128xf32, #tpu.memory_space<vmem_shared>>
      %dma_wait3A_179 = arith.constant 0 : i32
      %dma_wait3A_180 = tpu.memref_slice %arg5[%add3A_29, %dma_wait3A_179] : memref<10240x128xf32, #tpu.memory_space<vmem_shared>> -> memref<80x128xf32, #tpu.memory_space<vmem_shared>>
      tpu.wait_dma2 semaphore(%run_scoped3A_172 : memref<!tpu.dma_semaphore, #tpu.memory_space<semaphore_mem>>) src(%arg9 : memref<80x128xf32, #tpu.memory_space<vmem>>) dst(%dma_wait3A_180 : memref<80x128xf32, #tpu.memory_space<vmem_shared>>)
      tpu.yield
    }) : () -> ()
    %mul3A_30 = arith.constant 640 : i32
    %mul3A_31 = arith.muli %arg1, %mul3A_30 : i32
    %add3A_32 = arith.constant 480 : i32
    %add3A_33 = arith.addi %mul3A_31, %add3A_32 : i32
    "tpu.region"() ({
      %run_scoped3A_172 = tpu.sem_alloc : memref<!tpu.dma_semaphore, #tpu.memory_space<semaphore_mem>>
      %dma_start3A_173 = arith.constant 0 : i32
      %dma_start3A_174 = tpu.memref_slice %arg5[%add3A_33, %dma_start3A_173] : memref<10240x128xf32, #tpu.memory_space<vmem_shared>> -> memref<80x128xf32, #tpu.memory_space<vmem_shared>>
      %dma_start3A_175 = arith.constant 0 : i32
      %dma_start3A_176 = tpu.memref_slice %arg5[%add3A_33, %dma_start3A_175] : memref<10240x128xf32, #tpu.memory_space<vmem_shared>> -> memref<80x128xf32, #tpu.memory_space<vmem_shared>>
      tpu.enqueue_dma source(%arg9 : memref<80x128xf32, #tpu.memory_space<vmem>>) target(%dma_start3A_176 : memref<80x128xf32, #tpu.memory_space<vmem_shared>>) target_semaphore(%run_scoped3A_172 : memref<!tpu.dma_semaphore, #tpu.memory_space<semaphore_mem>>)
      %dma_wait3A_177 = arith.constant 0 : i32
      %dma_wait3A_178 = tpu.memref_slice %arg5[%add3A_33, %dma_wait3A_177] : memref<10240x128xf32, #tpu.memory_space<vmem_shared>> -> memref<80x128xf32, #tpu.memory_space<vmem_shared>>
      %dma_wait3A_179 = arith.constant 0 : i32
      %dma_wait3A_180 = tpu.memref_slice %arg5[%add3A_33, %dma_wait3A_179] : memref<10240x128xf32, #tpu.memory_space<vmem_shared>> -> memref<80x128xf32, #tpu.memory_space<vmem_shared>>
      tpu.wait_dma2 semaphore(%run_scoped3A_172 : memref<!tpu.dma_semaphore, #tpu.memory_space<semaphore_mem>>) src(%arg9 : memref<80x128xf32, #tpu.memory_space<vmem>>) dst(%dma_wait3A_180 : memref<80x128xf32, #tpu.memory_space<vmem_shared>>)
      tpu.yield
    }) : () -> ()
    %mul3A_34 = arith.constant 640 : i32
    %mul3A_35 = arith.muli %arg1, %mul3A_34 : i32
    %add3A_36 = arith.constant 560 : i32
    %add3A_37 = arith.addi %mul3A_35, %add3A_36 : i32
    "tpu.region"() ({
      %run_scoped3A_172 = tpu.sem_alloc : memref<!tpu.dma_semaphore, #tpu.memory_space<semaphore_mem>>
      %dma_start3A_173 = arith.constant 0 : i32
      %dma_start3A_174 = tpu.memref_slice %arg5[%add3A_37, %dma_start3A_173] : memref<10240x128xf32, #tpu.memory_space<vmem_shared>> -> memref<80x128xf32, #tpu.memory_space<vmem_shared>>
      %dma_start3A_175 = arith.constant 0 : i32
      %dma_start3A_176 = tpu.memref_slice %arg5[%add3A_37, %dma_start3A_175] : memref<10240x128xf32, #tpu.memory_space<vmem_shared>> -> memref<80x128xf32, #tpu.memory_space<vmem_shared>>
      tpu.enqueue_dma source(%arg9 : memref<80x128xf32, #tpu.memory_space<vmem>>) target(%dma_start3A_176 : memref<80x128xf32, #tpu.memory_space<vmem_shared>>) target_semaphore(%run_scoped3A_172 : memref<!tpu.dma_semaphore, #tpu.memory_space<semaphore_mem>>)
      %dma_wait3A_177 = arith.constant 0 : i32
      %dma_wait3A_178 = tpu.memref_slice %arg5[%add3A_37, %dma_wait3A_177] : memref<10240x128xf32, #tpu.memory_space<vmem_shared>> -> memref<80x128xf32, #tpu.memory_space<vmem_shared>>
      %dma_wait3A_179 = arith.constant 0 : i32
      %dma_wait3A_180 = tpu.memref_slice %arg5[%add3A_37, %dma_wait3A_179] : memref<10240x128xf32, #tpu.memory_space<vmem_shared>> -> memref<80x128xf32, #tpu.memory_space<vmem_shared>>
      tpu.wait_dma2 semaphore(%run_scoped3A_172 : memref<!tpu.dma_semaphore, #tpu.memory_space<semaphore_mem>>) src(%arg9 : memref<80x128xf32, #tpu.memory_space<vmem>>) dst(%dma_wait3A_180 : memref<80x128xf32, #tpu.memory_space<vmem_shared>>)
      tpu.yield
    }) : () -> ()
    "tpu.region"() ({
      %run_scoped3A_172 = tpu.sem_alloc : memref<!tpu.dma_semaphore, #tpu.memory_space<semaphore_mem>>
      %dma_start3A_173 = arith.constant 0 : i32
      %dma_start3A_174 = arith.constant 0 : i32
      %dma_start3A_175 = tpu.memref_slice %arg3[%add3A, %dma_start3A_173, %dma_start3A_174] : memref<32x125x80xi32, #tpu.memory_space<hbm>> -> memref<1x125x80xi32, #tpu.memory_space<hbm>>
      %dma_start3A_176 = tpu.memref_squeeze %dma_start3A_175 : memref<1x125x80xi32, #tpu.memory_space<hbm>> -> memref<125x80xi32, #tpu.memory_space<hbm>>
      %dma_start3A_177 = arith.constant 0 : i32
      %dma_start3A_178 = arith.constant 0 : i32
      %dma_start3A_179 = tpu.memref_slice %arg3[%add3A, %dma_start3A_177, %dma_start3A_178] : memref<32x125x80xi32, #tpu.memory_space<hbm>> -> memref<1x125x80xi32, #tpu.memory_space<hbm>>
      %dma_start3A_180 = tpu.memref_squeeze %dma_start3A_179 : memref<1x125x80xi32, #tpu.memory_space<hbm>> -> memref<125x80xi32, #tpu.memory_space<hbm>>
      tpu.enqueue_dma source(%dma_start3A_180 : memref<125x80xi32, #tpu.memory_space<hbm>>) target(%arg6 : memref<125x80xi32, #tpu.memory_space<vmem>>) target_semaphore(%run_scoped3A_172 : memref<!tpu.dma_semaphore, #tpu.memory_space<semaphore_mem>>)
      %dma_wait3A_181 = arith.constant 0 : i32
      %dma_wait3A_182 = arith.constant 0 : i32
      %dma_wait3A_183 = tpu.memref_slice %arg3[%add3A, %dma_wait3A_181, %dma_wait3A_182] : memref<32x125x80xi32, #tpu.memory_space<hbm>> -> memref<1x125x80xi32, #tpu.memory_space<hbm>>
      %dma_wait3A_184 = tpu.memref_squeeze %dma_wait3A_183 : memref<1x125x80xi32, #tpu.memory_space<hbm>> -> memref<125x80xi32, #tpu.memory_space<hbm>>
      %dma_wait3A_185 = arith.constant 0 : i32
      %dma_wait3A_186 = arith.constant 0 : i32
      %dma_wait3A_187 = tpu.memref_slice %arg3[%add3A, %dma_wait3A_185, %dma_wait3A_186] : memref<32x125x80xi32, #tpu.memory_space<hbm>> -> memref<1x125x80xi32, #tpu.memory_space<hbm>>
      %dma_wait3A_188 = tpu.memref_squeeze %dma_wait3A_187 : memref<1x125x80xi32, #tpu.memory_space<hbm>> -> memref<125x80xi32, #tpu.memory_space<hbm>>
      tpu.wait_dma2 semaphore(%run_scoped3A_172 : memref<!tpu.dma_semaphore, #tpu.memory_space<semaphore_mem>>) src(%dma_wait3A_188 : memref<125x80xi32, #tpu.memory_space<hbm>>) dst(%arg6 : memref<125x80xi32, #tpu.memory_space<vmem>>)
      tpu.yield
    }) : () -> ()
    %barrier3A = arith.constant 0 : index
    tpu.barrier barrier_id(%barrier3A)
    %get3A = arith.constant 0 : i32
    %get3A_38 = arith.index_cast %get3A : i32 to index
    %get3A_39 = arith.constant 0 : index
    %get3A_40 = tpu.vector_load %arg6[%get3A_38, %get3A_39] {strides = array<i32>} : memref<125x80xi32, #tpu.memory_space<vmem>>, vector<1x16xi32>,
    %get3A_41 = vector.shape_cast %get3A_40 : vector<1x16xi32> to vector<16xi32>
    %and3A = arith.constant 65535 : i32
    %and3A_42 = vector.broadcast %and3A : i32 to vector<16xi32>
    %and3A_43 = arith.andi %get3A_41, %and3A_42 : vector<16xi32>
    %swap3A = arith.constant 0 : i32
    %swap3A_44 = arith.index_cast %swap3A : i32 to index
    %swap3A_45 = arith.constant 0 : index
    %swap3A_46 = tpu.vector_load %arg7[%swap3A_44, %swap3A_45] {strides = array<i32>} : memref<2x80xi32, #tpu.memory_space<vmem>>, vector<1x16xi32>,
    %swap3A_47 = vector.shape_cast %swap3A_46 : vector<1x16xi32> to vector<16xi32>
    %swap3A_48 = vector.shape_cast %and3A_43 : vector<16xi32> to vector<1x16xi32>
    tpu.vector_store %arg7[%swap3A_44, %swap3A_45], %swap3A_48 {strides = array<i32>} : memref<2x80xi32, #tpu.memory_space<vmem>>, vector<1x16xi32>,
    %shift_right_logical3A = arith.constant 16 : i32
    %shift_right_logical3A_49 = vector.broadcast %shift_right_logical3A : i32 to vector<16xi32>
    %shift_right_logical3A_50 = arith.shrui %get3A_41, %shift_right_logical3A_49 : vector<16xi32>
    %swap3A_51 = arith.constant 1 : i32
    %swap3A_52 = arith.index_cast %swap3A_51 : i32 to index
    %swap3A_53 = arith.constant 0 : index
    %swap3A_54 = tpu.vector_load %arg7[%swap3A_52, %swap3A_53] {strides = array<i32>} : memref<2x80xi32, #tpu.memory_space<vmem>>, vector<1x16xi32>,
    %swap3A_55 = vector.shape_cast %swap3A_54 : vector<1x16xi32> to vector<16xi32>
    %swap3A_56 = vector.shape_cast %shift_right_logical3A_50 : vector<16xi32> to vector<1x16xi32>
    tpu.vector_store %arg7[%swap3A_52, %swap3A_53], %swap3A_56 {strides = array<i32>} : memref<2x80xi32, #tpu.memory_space<vmem>>, vector<1x16xi32>,
    %get3A_57 = arith.constant 0 : i32
    %get3A_58 = arith.index_cast %get3A_57 : i32 to index
    %get3A_59 = arith.constant 16 : index
    %get3A_60 = tpu.vector_load %arg6[%get3A_58, %get3A_59] {strides = array<i32>} : memref<125x80xi32, #tpu.memory_space<vmem>>, vector<1x16xi32>,
    %get3A_61 = vector.shape_cast %get3A_60 : vector<1x16xi32> to vector<16xi32>
    %and3A_62 = arith.constant 65535 : i32
    %and3A_63 = vector.broadcast %and3A_62 : i32 to vector<16xi32>
    %and3A_64 = arith.andi %get3A_61, %and3A_63 : vector<16xi32>
    %swap3A_65 = arith.constant 0 : i32
    %swap3A_66 = arith.index_cast %swap3A_65 : i32 to index
    %swap3A_67 = arith.constant 16 : index
    %swap3A_68 = tpu.vector_load %arg7[%swap3A_66, %swap3A_67] {strides = array<i32>} : memref<2x80xi32, #tpu.memory_space<vmem>>, vector<1x16xi32>,
    %swap3A_69 = vector.shape_cast %swap3A_68 : vector<1x16xi32> to vector<16xi32>
    %swap3A_70 = vector.shape_cast %and3A_64 : vector<16xi32> to vector<1x16xi32>
    tpu.vector_store %arg7[%swap3A_66, %swap3A_67], %swap3A_70 {strides = array<i32>} : memref<2x80xi32, #tpu.memory_space<vmem>>, vector<1x16xi32>,
    %shift_right_logical3A_71 = arith.constant 16 : i32
    %shift_right_logical3A_72 = vector.broadcast %shift_right_logical3A_71 : i32 to vector<16xi32>
    %shift_right_logical3A_73 = arith.shrui %get3A_61, %shift_right_logical3A_72 : vector<16xi32>
    %swap3A_74 = arith.constant 1 : i32
    %swap3A_75 = arith.index_cast %swap3A_74 : i32 to index
    %swap3A_76 = arith.constant 16 : index
    %swap3A_77 = tpu.vector_load %arg7[%swap3A_75, %swap3A_76] {strides = array<i32>} : memref<2x80xi32, #tpu.memory_space<vmem>>, vector<1x16xi32>,
    %swap3A_78 = vector.shape_cast %swap3A_77 : vector<1x16xi32> to vector<16xi32>
    %swap3A_79 = vector.shape_cast %shift_right_logical3A_73 : vector<16xi32> to vector<1x16xi32>
    tpu.vector_store %arg7[%swap3A_75, %swap3A_76], %swap3A_79 {strides = array<i32>} : memref<2x80xi32, #tpu.memory_space<vmem>>, vector<1x16xi32>,
    %get3A_80 = arith.constant 0 : i32
    %get3A_81 = arith.index_cast %get3A_80 : i32 to index
    %get3A_82 = arith.constant 32 : index
    %get3A_83 = tpu.vector_load %arg6[%get3A_81, %get3A_82] {strides = array<i32>} : memref<125x80xi32, #tpu.memory_space<vmem>>, vector<1x16xi32>,
    %get3A_84 = vector.shape_cast %get3A_83 : vector<1x16xi32> to vector<16xi32>
    %and3A_85 = arith.constant 65535 : i32
    %and3A_86 = vector.broadcast %and3A_85 : i32 to vector<16xi32>
    %and3A_87 = arith.andi %get3A_84, %and3A_86 : vector<16xi32>
    %swap3A_88 = arith.constant 0 : i32
    %swap3A_89 = arith.index_cast %swap3A_88 : i32 to index
    %swap3A_90 = arith.constant 32 : index
    %swap3A_91 = tpu.vector_load %arg7[%swap3A_89, %swap3A_90] {strides = array<i32>} : memref<2x80xi32, #tpu.memory_space<vmem>>, vector<1x16xi32>,
    %swap3A_92 = vector.shape_cast %swap3A_91 : vector<1x16xi32> to vector<16xi32>
    %swap3A_93 = vector.shape_cast %and3A_87 : vector<16xi32> to vector<1x16xi32>
    tpu.vector_store %arg7[%swap3A_89, %swap3A_90], %swap3A_93 {strides = array<i32>} : memref<2x80xi32, #tpu.memory_space<vmem>>, vector<1x16xi32>,
    %shift_right_logical3A_94 = arith.constant 16 : i32
    %shift_right_logical3A_95 = vector.broadcast %shift_right_logical3A_94 : i32 to vector<16xi32>
    %shift_right_logical3A_96 = arith.shrui %get3A_84, %shift_right_logical3A_95 : vector<16xi32>
    %swap3A_97 = arith.constant 1 : i32
    %swap3A_98 = arith.index_cast %swap3A_97 : i32 to index
    %swap3A_99 = arith.constant 32 : index
    %swap3A_100 = tpu.vector_load %arg7[%swap3A_98, %swap3A_99] {strides = array<i32>} : memref<2x80xi32, #tpu.memory_space<vmem>>, vector<1x16xi32>,
    %swap3A_101 = vector.shape_cast %swap3A_100 : vector<1x16xi32> to vector<16xi32>
    %swap3A_102 = vector.shape_cast %shift_right_logical3A_96 : vector<16xi32> to vector<1x16xi32>
    tpu.vector_store %arg7[%swap3A_98, %swap3A_99], %swap3A_102 {strides = array<i32>} : memref<2x80xi32, #tpu.memory_space<vmem>>, vector<1x16xi32>,
    %get3A_103 = arith.constant 0 : i32
    %get3A_104 = arith.index_cast %get3A_103 : i32 to index
    %get3A_105 = arith.constant 48 : index
    %get3A_106 = tpu.vector_load %arg6[%get3A_104, %get3A_105] {strides = array<i32>} : memref<125x80xi32, #tpu.memory_space<vmem>>, vector<1x16xi32>,
    %get3A_107 = vector.shape_cast %get3A_106 : vector<1x16xi32> to vector<16xi32>
    %and3A_108 = arith.constant 65535 : i32
    %and3A_109 = vector.broadcast %and3A_108 : i32 to vector<16xi32>
    %and3A_110 = arith.andi %get3A_107, %and3A_109 : vector<16xi32>
    %swap3A_111 = arith.constant 0 : i32
    %swap3A_112 = arith.index_cast %swap3A_111 : i32 to index
    %swap3A_113 = arith.constant 48 : index
    %swap3A_114 = tpu.vector_load %arg7[%swap3A_112, %swap3A_113] {strides = array<i32>} : memref<2x80xi32, #tpu.memory_space<vmem>>, vector<1x16xi32>,
    %swap3A_115 = vector.shape_cast %swap3A_114 : vector<1x16xi32> to vector<16xi32>
    %swap3A_116 = vector.shape_cast %and3A_110 : vector<16xi32> to vector<1x16xi32>
    tpu.vector_store %arg7[%swap3A_112, %swap3A_113], %swap3A_116 {strides = array<i32>} : memref<2x80xi32, #tpu.memory_space<vmem>>, vector<1x16xi32>,
    %shift_right_logical3A_117 = arith.constant 16 : i32
    %shift_right_logical3A_118 = vector.broadcast %shift_right_logical3A_117 : i32 to vector<16xi32>
    %shift_right_logical3A_119 = arith.shrui %get3A_107, %shift_right_logical3A_118 : vector<16xi32>
    %swap3A_120 = arith.constant 1 : i32
    %swap3A_121 = arith.index_cast %swap3A_120 : i32 to index
    %swap3A_122 = arith.constant 48 : index
    %swap3A_123 = tpu.vector_load %arg7[%swap3A_121, %swap3A_122] {strides = array<i32>} : memref<2x80xi32, #tpu.memory_space<vmem>>, vector<1x16xi32>,
    %swap3A_124 = vector.shape_cast %swap3A_123 : vector<1x16xi32> to vector<16xi32>
    %swap3A_125 = vector.shape_cast %shift_right_logical3A_119 : vector<16xi32> to vector<1x16xi32>
    tpu.vector_store %arg7[%swap3A_121, %swap3A_122], %swap3A_125 {strides = array<i32>} : memref<2x80xi32, #tpu.memory_space<vmem>>, vector<1x16xi32>,
    %get3A_126 = arith.constant 0 : i32
    %get3A_127 = arith.index_cast %get3A_126 : i32 to index
    %get3A_128 = arith.constant 64 : index
    %get3A_129 = tpu.vector_load %arg6[%get3A_127, %get3A_128] {strides = array<i32>} : memref<125x80xi32, #tpu.memory_space<vmem>>, vector<1x16xi32>,
    %get3A_130 = vector.shape_cast %get3A_129 : vector<1x16xi32> to vector<16xi32>
    %and3A_131 = arith.constant 65535 : i32
    %and3A_132 = vector.broadcast %and3A_131 : i32 to vector<16xi32>
    %and3A_133 = arith.andi %get3A_130, %and3A_132 : vector<16xi32>
    %swap3A_134 = arith.constant 0 : i32
    %swap3A_135 = arith.index_cast %swap3A_134 : i32 to index
    %swap3A_136 = arith.constant 64 : index
    %swap3A_137 = tpu.vector_load %arg7[%swap3A_135, %swap3A_136] {strides = array<i32>} : memref<2x80xi32, #tpu.memory_space<vmem>>, vector<1x16xi32>,
    %swap3A_138 = vector.shape_cast %swap3A_137 : vector<1x16xi32> to vector<16xi32>
    %swap3A_139 = vector.shape_cast %and3A_133 : vector<16xi32> to vector<1x16xi32>
    tpu.vector_store %arg7[%swap3A_135, %swap3A_136], %swap3A_139 {strides = array<i32>} : memref<2x80xi32, #tpu.memory_space<vmem>>, vector<1x16xi32>,
    %shift_right_logical3A_140 = arith.constant 16 : i32
    %shift_right_logical3A_141 = vector.broadcast %shift_right_logical3A_140 : i32 to vector<16xi32>
    %shift_right_logical3A_142 = arith.shrui %get3A_130, %shift_right_logical3A_141 : vector<16xi32>
    %swap3A_143 = arith.constant 1 : i32
    %swap3A_144 = arith.index_cast %swap3A_143 : i32 to index
    %swap3A_145 = arith.constant 64 : index
    %swap3A_146 = tpu.vector_load %arg7[%swap3A_144, %swap3A_145] {strides = array<i32>} : memref<2x80xi32, #tpu.memory_space<vmem>>, vector<1x16xi32>,
    %swap3A_147 = vector.shape_cast %swap3A_146 : vector<1x16xi32> to vector<16xi32>
    %swap3A_148 = vector.shape_cast %shift_right_logical3A_142 : vector<16xi32> to vector<1x16xi32>
    tpu.vector_store %arg7[%swap3A_144, %swap3A_145], %swap3A_148 {strides = array<i32>} : memref<2x80xi32, #tpu.memory_space<vmem>>, vector<1x16xi32>,
    %dma_start3A = arith.constant 0 : i32
    %dma_start3A_149 = arith.constant 0 : i32
    %dma_start3A_150 = tpu.memref_slice %arg7[%dma_start3A, %dma_start3A_149] : memref<2x80xi32, #tpu.memory_space<vmem>> -> memref<1x80xi32, #tpu.memory_space<vmem>>
    %dma_start3A_151 = tpu.memref_squeeze %dma_start3A_150 : memref<1x80xi32, #tpu.memory_space<vmem>> -> memref<80xi32, #tpu.memory_space<vmem>>
    %dma_start3A_152 = arith.constant 0 : i32
    %dma_start3A_153 = arith.constant 0 : i32
    %dma_start3A_154 = tpu.memref_slice %arg2[%dma_start3A_152, %dma_start3A_153] : memref<10000x128xf32, #tpu.memory_space<hbm>> -> memref<10000x128xf32, #tpu.memory_space<hbm>>
    tpu.enqueue_indirect_dma source(%dma_start3A_154 : memref<10000x128xf32, #tpu.memory_space<hbm>>) target(%arg9 : memref<80x128xf32, #tpu.memory_space<vmem>>) offsets(%dma_start3A_151 : memref<80xi32, #tpu.memory_space<vmem>>) semaphore(%arg11 : memref<!tpu.dma_semaphore, #tpu.memory_space<semaphore_mem>>)
    %scan3A_155 = arith.constant 0 : i32
    %scan3A_156 = arith.constant 0 : i32
    %scan3A_157 = arith.constant 62 : i32
    %scan3A_158 = arith.addi %scan3A_156, %scan3A_157 : i32
    %scan3A_159 = arith.constant 1 : i32
    scf.for %scan3A_172 = %scan3A_156 to %scan3A_158 step %scan3A_159  : i32 {
      %dma_wait3A_173 = arith.constant 0 : i32
      %dma_wait3A_174 = arith.constant 0 : i32
      %dma_wait3A_175 = tpu.memref_slice %arg7[%dma_wait3A_173, %dma_wait3A_174] : memref<2x80xi32, #tpu.memory_space<vmem>> -> memref<1x80xi32, #tpu.memory_space<vmem>>
      %dma_wait3A_176 = tpu.memref_squeeze %dma_wait3A_175 : memref<1x80xi32, #tpu.memory_space<vmem>> -> memref<80xi32, #tpu.memory_space<vmem>>
      %dma_wait3A_177 = arith.constant 0 : i32
      %dma_wait3A_178 = arith.constant 0 : i32
      %dma_wait3A_179 = tpu.memref_slice %arg2[%dma_wait3A_177, %dma_wait3A_178] : memref<10000x128xf32, #tpu.memory_space<hbm>> -> memref<10000x128xf32, #tpu.memory_space<hbm>>
      tpu.wait_indirect_dma semaphore(%arg11 : memref<!tpu.dma_semaphore, #tpu.memory_space<semaphore_mem>>) src(%dma_wait3A_179 : memref<10000x128xf32, #tpu.memory_space<hbm>>) dst(%arg9 : memref<80x128xf32, #tpu.memory_space<vmem>>)
      %mul3A_180 = arith.constant 2 : i32
      %mul3A_181 = arith.muli %mul3A_180, %scan3A_172 : i32
      %add3A_182 = arith.constant 1 : i32
      %add3A_183 = arith.addi %mul3A_181, %add3A_182 : i32
      %get3A_184 = arith.index_cast %add3A_183 : i32 to index
      %get3A_185 = arith.constant 0 : index
      %get3A_186 = tpu.vector_load %arg6[%get3A_184, %get3A_185] {strides = array<i32>} : memref<125x80xi32, #tpu.memory_space<vmem>>, vector<1x16xi32>,
      %get3A_187 = vector.shape_cast %get3A_186 : vector<1x16xi32> to vector<16xi32>
      %and3A_188 = arith.constant 65535 : i32
      %and3A_189 = vector.broadcast %and3A_188 : i32 to vector<16xi32>
      %and3A_190 = arith.andi %get3A_187, %and3A_189 : vector<16xi32>
      %swap3A_191 = arith.constant 0 : i32
      %swap3A_192 = arith.index_cast %swap3A_191 : i32 to index
      %swap3A_193 = arith.constant 0 : index
      %swap3A_194 = tpu.vector_load %arg8[%swap3A_192, %swap3A_193] {strides = array<i32>} : memref<2x80xi32, #tpu.memory_space<vmem>>, vector<1x16xi32>,
      %swap3A_195 = vector.shape_cast %swap3A_194 : vector<1x16xi32> to vector<16xi32>
      %swap3A_196 = vector.shape_cast %and3A_190 : vector<16xi32> to vector<1x16xi32>
      tpu.vector_store %arg8[%swap3A_192, %swap3A_193], %swap3A_196 {strides = array<i32>} : memref<2x80xi32, #tpu.memory_space<vmem>>, vector<1x16xi32>,
      %shift_right_logical3A_197 = arith.constant 16 : i32
      %shift_right_logical3A_198 = vector.broadcast %shift_right_logical3A_197 : i32 to vector<16xi32>
      %shift_right_logical3A_199 = arith.shrui %get3A_187, %shift_right_logical3A_198 : vector<16xi32>
      %swap3A_200 = arith.constant 1 : i32
      %swap3A_201 = arith.index_cast %swap3A_200 : i32 to index
      %swap3A_202 = arith.constant 0 : index
      %swap3A_203 = tpu.vector_load %arg8[%swap3A_201, %swap3A_202] {strides = array<i32>} : memref<2x80xi32, #tpu.memory_space<vmem>>, vector<1x16xi32>,
      %swap3A_204 = vector.shape_cast %swap3A_203 : vector<1x16xi32> to vector<16xi32>
      %swap3A_205 = vector.shape_cast %shift_right_logical3A_199 : vector<16xi32> to vector<1x16xi32>
      tpu.vector_store %arg8[%swap3A_201, %swap3A_202], %swap3A_205 {strides = array<i32>} : memref<2x80xi32, #tpu.memory_space<vmem>>, vector<1x16xi32>,
      %get3A_206 = arith.index_cast %add3A_183 : i32 to index
      %get3A_207 = arith.constant 16 : index
      %get3A_208 = tpu.vector_load %arg6[%get3A_206, %get3A_207] {strides = array<i32>} : memref<125x80xi32, #tpu.memory_space<vmem>>, vector<1x16xi32>,
      %get3A_209 = vector.shape_cast %get3A_208 : vector<1x16xi32> to vector<16xi32>
      %and3A_210 = arith.constant 65535 : i32
      %and3A_211 = vector.broadcast %and3A_210 : i32 to vector<16xi32>
      %and3A_212 = arith.andi %get3A_209, %and3A_211 : vector<16xi32>
      %swap3A_213 = arith.constant 0 : i32
      %swap3A_214 = arith.index_cast %swap3A_213 : i32 to index
      %swap3A_215 = arith.constant 16 : index
      %swap3A_216 = tpu.vector_load %arg8[%swap3A_214, %swap3A_215] {strides = array<i32>} : memref<2x80xi32, #tpu.memory_space<vmem>>, vector<1x16xi32>,
      %swap3A_217 = vector.shape_cast %swap3A_216 : vector<1x16xi32> to vector<16xi32>
      %swap3A_218 = vector.shape_cast %and3A_212 : vector<16xi32> to vector<1x16xi32>
      tpu.vector_store %arg8[%swap3A_214, %swap3A_215], %swap3A_218 {strides = array<i32>} : memref<2x80xi32, #tpu.memory_space<vmem>>, vector<1x16xi32>,
      %shift_right_logical3A_219 = arith.constant 16 : i32
      %shift_right_logical3A_220 = vector.broadcast %shift_right_logical3A_219 : i32 to vector<16xi32>
      %shift_right_logical3A_221 = arith.shrui %get3A_209, %shift_right_logical3A_220 : vector<16xi32>
      %swap3A_222 = arith.constant 1 : i32
      %swap3A_223 = arith.index_cast %swap3A_222 : i32 to index
      %swap3A_224 = arith.constant 16 : index
      %swap3A_225 = tpu.vector_load %arg8[%swap3A_223, %swap3A_224] {strides = array<i32>} : memref<2x80xi32, #tpu.memory_space<vmem>>, vector<1x16xi32>,
      %swap3A_226 = vector.shape_cast %swap3A_225 : vector<1x16xi32> to vector<16xi32>
      %swap3A_227 = vector.shape_cast %shift_right_logical3A_221 : vector<16xi32> to vector<1x16xi32>
      tpu.vector_store %arg8[%swap3A_223, %swap3A_224], %swap3A_227 {strides = array<i32>} : memref<2x80xi32, #tpu.memory_space<vmem>>, vector<1x16xi32>,
      %get3A_228 = arith.index_cast %add3A_183 : i32 to index
      %get3A_229 = arith.constant 32 : index
      %get3A_230 = tpu.vector_load %arg6[%get3A_228, %get3A_229] {strides = array<i32>} : memref<125x80xi32, #tpu.memory_space<vmem>>, vector<1x16xi32>,
      %get3A_231 = vector.shape_cast %get3A_230 : vector<1x16xi32> to vector<16xi32>
      %and3A_232 = arith.constant 65535 : i32
      %and3A_233 = vector.broadcast %and3A_232 : i32 to vector<16xi32>
      %and3A_234 = arith.andi %get3A_231, %and3A_233 : vector<16xi32>
      %swap3A_235 = arith.constant 0 : i32
      %swap3A_236 = arith.index_cast %swap3A_235 : i32 to index
      %swap3A_237 = arith.constant 32 : index
      %swap3A_238 = tpu.vector_load %arg8[%swap3A_236, %swap3A_237] {strides = array<i32>} : memref<2x80xi32, #tpu.memory_space<vmem>>, vector<1x16xi32>,
      %swap3A_239 = vector.shape_cast %swap3A_238 : vector<1x16xi32> to vector<16xi32>
      %swap3A_240 = vector.shape_cast %and3A_234 : vector<16xi32> to vector<1x16xi32>
      tpu.vector_store %arg8[%swap3A_236, %swap3A_237], %swap3A_240 {strides = array<i32>} : memref<2x80xi32, #tpu.memory_space<vmem>>, vector<1x16xi32>,
      %shift_right_logical3A_241 = arith.constant 16 : i32
      %shift_right_logical3A_242 = vector.broadcast %shift_right_logical3A_241 : i32 to vector<16xi32>
      %shift_right_logical3A_243 = arith.shrui %get3A_231, %shift_right_logical3A_242 : vector<16xi32>
      %swap3A_244 = arith.constant 1 : i32
      %swap3A_245 = arith.index_cast %swap3A_244 : i32 to index
      %swap3A_246 = arith.constant 32 : index
      %swap3A_247 = tpu.vector_load %arg8[%swap3A_245, %swap3A_246] {strides = array<i32>} : memref<2x80xi32, #tpu.memory_space<vmem>>, vector<1x16xi32>,
      %swap3A_248 = vector.shape_cast %swap3A_247 : vector<1x16xi32> to vector<16xi32>
      %swap3A_249 = vector.shape_cast %shift_right_logical3A_243 : vector<16xi32> to vector<1x16xi32>
      tpu.vector_store %arg8[%swap3A_245, %swap3A_246], %swap3A_249 {strides = array<i32>} : memref<2x80xi32, #tpu.memory_space<vmem>>, vector<1x16xi32>,
      %get3A_250 = arith.index_cast %add3A_183 : i32 to index
      %get3A_251 = arith.constant 48 : index
      %get3A_252 = tpu.vector_load %arg6[%get3A_250, %get3A_251] {strides = array<i32>} : memref<125x80xi32, #tpu.memory_space<vmem>>, vector<1x16xi32>,
      %get3A_253 = vector.shape_cast %get3A_252 : vector<1x16xi32> to vector<16xi32>
      %and3A_254 = arith.constant 65535 : i32
      %and3A_255 = vector.broadcast %and3A_254 : i32 to vector<16xi32>
      %and3A_256 = arith.andi %get3A_253, %and3A_255 : vector<16xi32>
      %swap3A_257 = arith.constant 0 : i32
      %swap3A_258 = arith.index_cast %swap3A_257 : i32 to index
      %swap3A_259 = arith.constant 48 : index
      %swap3A_260 = tpu.vector_load %arg8[%swap3A_258, %swap3A_259] {strides = array<i32>} : memref<2x80xi32, #tpu.memory_space<vmem>>, vector<1x16xi32>,
      %swap3A_261 = vector.shape_cast %swap3A_260 : vector<1x16xi32> to vector<16xi32>
      %swap3A_262 = vector.shape_cast %and3A_256 : vector<16xi32> to vector<1x16xi32>
      tpu.vector_store %arg8[%swap3A_258, %swap3A_259], %swap3A_262 {strides = array<i32>} : memref<2x80xi32, #tpu.memory_space<vmem>>, vector<1x16xi32>,
      %shift_right_logical3A_263 = arith.constant 16 : i32
      %shift_right_logical3A_264 = vector.broadcast %shift_right_logical3A_263 : i32 to vector<16xi32>
      %shift_right_logical3A_265 = arith.shrui %get3A_253, %shift_right_logical3A_264 : vector<16xi32>
      %swap3A_266 = arith.constant 1 : i32
      %swap3A_267 = arith.index_cast %swap3A_266 : i32 to index
      %swap3A_268 = arith.constant 48 : index
      %swap3A_269 = tpu.vector_load %arg8[%swap3A_267, %swap3A_268] {strides = array<i32>} : memref<2x80xi32, #tpu.memory_space<vmem>>, vector<1x16xi32>,
      %swap3A_270 = vector.shape_cast %swap3A_269 : vector<1x16xi32> to vector<16xi32>
      %swap3A_271 = vector.shape_cast %shift_right_logical3A_265 : vector<16xi32> to vector<1x16xi32>
      tpu.vector_store %arg8[%swap3A_267, %swap3A_268], %swap3A_271 {strides = array<i32>} : memref<2x80xi32, #tpu.memory_space<vmem>>, vector<1x16xi32>,
      %get3A_272 = arith.index_cast %add3A_183 : i32 to index
      %get3A_273 = arith.constant 64 : index
      %get3A_274 = tpu.vector_load %arg6[%get3A_272, %get3A_273] {strides = array<i32>} : memref<125x80xi32, #tpu.memory_space<vmem>>, vector<1x16xi32>,
      %get3A_275 = vector.shape_cast %get3A_274 : vector<1x16xi32> to vector<16xi32>
      %and3A_276 = arith.constant 65535 : i32
      %and3A_277 = vector.broadcast %and3A_276 : i32 to vector<16xi32>
      %and3A_278 = arith.andi %get3A_275, %and3A_277 : vector<16xi32>
      %swap3A_279 = arith.constant 0 : i32
      %swap3A_280 = arith.index_cast %swap3A_279 : i32 to index
      %swap3A_281 = arith.constant 64 : index
      %swap3A_282 = tpu.vector_load %arg8[%swap3A_280, %swap3A_281] {strides = array<i32>} : memref<2x80xi32, #tpu.memory_space<vmem>>, vector<1x16xi32>,
      %swap3A_283 = vector.shape_cast %swap3A_282 : vector<1x16xi32> to vector<16xi32>
      %swap3A_284 = vector.shape_cast %and3A_278 : vector<16xi32> to vector<1x16xi32>
      tpu.vector_store %arg8[%swap3A_280, %swap3A_281], %swap3A_284 {strides = array<i32>} : memref<2x80xi32, #tpu.memory_space<vmem>>, vector<1x16xi32>,
      %shift_right_logical3A_285 = arith.constant 16 : i32
      %shift_right_logical3A_286 = vector.broadcast %shift_right_logical3A_285 : i32 to vector<16xi32>
      %shift_right_logical3A_287 = arith.shrui %get3A_275, %shift_right_logical3A_286 : vector<16xi32>
      %swap3A_288 = arith.constant 1 : i32
      %swap3A_289 = arith.index_cast %swap3A_288 : i32 to index
      %swap3A_290 = arith.constant 64 : index
      %swap3A_291 = tpu.vector_load %arg8[%swap3A_289, %swap3A_290] {strides = array<i32>} : memref<2x80xi32, #tpu.memory_space<vmem>>, vector<1x16xi32>,
      %swap3A_292 = vector.shape_cast %swap3A_291 : vector<1x16xi32> to vector<16xi32>
      %swap3A_293 = vector.shape_cast %shift_right_logical3A_287 : vector<16xi32> to vector<1x16xi32>
      tpu.vector_store %arg8[%swap3A_289, %swap3A_290], %swap3A_293 {strides = array<i32>} : memref<2x80xi32, #tpu.memory_space<vmem>>, vector<1x16xi32>,
      %dma_start3A_294 = arith.constant 0 : i32
      %dma_start3A_295 = arith.constant 0 : i32
      %dma_start3A_296 = tpu.memref_slice %arg8[%dma_start3A_294, %dma_start3A_295] : memref<2x80xi32, #tpu.memory_space<vmem>> -> memref<1x80xi32, #tpu.memory_space<vmem>>
      %dma_start3A_297 = tpu.memref_squeeze %dma_start3A_296 : memref<1x80xi32, #tpu.memory_space<vmem>> -> memref<80xi32, #tpu.memory_space<vmem>>
      %dma_start3A_298 = arith.constant 0 : i32
      %dma_start3A_299 = arith.constant 0 : i32
      %dma_start3A_300 = tpu.memref_slice %arg2[%dma_start3A_298, %dma_start3A_299] : memref<10000x128xf32, #tpu.memory_space<hbm>> -> memref<10000x128xf32, #tpu.memory_space<hbm>>
      tpu.enqueue_indirect_dma source(%dma_start3A_300 : memref<10000x128xf32, #tpu.memory_space<hbm>>) target(%arg10 : memref<80x128xf32, #tpu.memory_space<vmem>>) offsets(%dma_start3A_297 : memref<80xi32, #tpu.memory_space<vmem>>) semaphore(%arg11 : memref<!tpu.dma_semaphore, #tpu.memory_space<semaphore_mem>>)
      %run_scoped3A_301 = arith.constant 1 : i32
      "tpu.region"() ({
        %run_scoped3A_431 = tpu.sem_alloc : memref<!tpu.dma_semaphore, #tpu.memory_space<semaphore_mem>>
        %dma_start3A_432 = arith.constant 0 : i32
        %dma_start3A_433 = tpu.memref_slice %arg7[%run_scoped3A_301, %dma_start3A_432] : memref<2x80xi32, #tpu.memory_space<vmem>> -> memref<1x80xi32, #tpu.memory_space<vmem>>
        %dma_start3A_434 = tpu.memref_squeeze %dma_start3A_433 : memref<1x80xi32, #tpu.memory_space<vmem>> -> memref<80xi32, #tpu.memory_space<vmem>>
        %dma_start3A_435 = arith.constant 0 : i32
        %dma_start3A_436 = arith.constant 0 : i32
        %dma_start3A_437 = tpu.memref_slice %arg5[%dma_start3A_435, %dma_start3A_436] : memref<10240x128xf32, #tpu.memory_space<vmem_shared>> -> memref<10240x128xf32, #tpu.memory_space<vmem_shared>>
        tpu.enqueue_indirect_dma source(%arg9 : memref<80x128xf32, #tpu.memory_space<vmem>>) target(%dma_start3A_437 : memref<10240x128xf32, #tpu.memory_space<vmem_shared>>) offsets(%dma_start3A_434 : memref<80xi32, #tpu.memory_space<vmem>>) semaphore(%run_scoped3A_431 : memref<!tpu.dma_semaphore, #tpu.memory_space<semaphore_mem>>) {add = true}
        %dma_wait3A_438 = arith.constant 0 : i32
        %dma_wait3A_439 = tpu.memref_slice %arg7[%run_scoped3A_301, %dma_wait3A_438] : memref<2x80xi32, #tpu.memory_space<vmem>> -> memref<1x80xi32, #tpu.memory_space<vmem>>
        %dma_wait3A_440 = tpu.memref_squeeze %dma_wait3A_439 : memref<1x80xi32, #tpu.memory_space<vmem>> -> memref<80xi32, #tpu.memory_space<vmem>>
        %dma_wait3A_441 = arith.constant 0 : i32
        %dma_wait3A_442 = arith.constant 0 : i32
        %dma_wait3A_443 = tpu.memref_slice %arg5[%dma_wait3A_441, %dma_wait3A_442] : memref<10240x128xf32, #tpu.memory_space<vmem_shared>> -> memref<10240x128xf32, #tpu.memory_space<vmem_shared>>
        tpu.wait_indirect_dma semaphore(%run_scoped3A_431 : memref<!tpu.dma_semaphore, #tpu.memory_space<semaphore_mem>>) src(%arg9 : memref<80x128xf32, #tpu.memory_space<vmem>>) dst(%dma_wait3A_443 : memref<10240x128xf32, #tpu.memory_space<vmem_shared>>)
        tpu.yield
      }) : () -> ()
      %dma_wait3A_302 = arith.constant 0 : i32
      %dma_wait3A_303 = arith.constant 0 : i32
      %dma_wait3A_304 = tpu.memref_slice %arg8[%dma_wait3A_302, %dma_wait3A_303] : memref<2x80xi32, #tpu.memory_space<vmem>> -> memref<1x80xi32, #tpu.memory_space<vmem>>
      %dma_wait3A_305 = tpu.memref_squeeze %dma_wait3A_304 : memref<1x80xi32, #tpu.memory_space<vmem>> -> memref<80xi32, #tpu.memory_space<vmem>>
      %dma_wait3A_306 = arith.constant 0 : i32
      %dma_wait3A_307 = arith.constant 0 : i32
      %dma_wait3A_308 = tpu.memref_slice %arg2[%dma_wait3A_306, %dma_wait3A_307] : memref<10000x128xf32, #tpu.memory_space<hbm>> -> memref<10000x128xf32, #tpu.memory_space<hbm>>
      tpu.wait_indirect_dma semaphore(%arg11 : memref<!tpu.dma_semaphore, #tpu.memory_space<semaphore_mem>>) src(%dma_wait3A_308 : memref<10000x128xf32, #tpu.memory_space<hbm>>) dst(%arg10 : memref<80x128xf32, #tpu.memory_space<vmem>>)
      %mul3A_309 = arith.constant 2 : i32
      %mul3A_310 = arith.muli %mul3A_309, %scan3A_172 : i32
      %add3A_311 = arith.constant 2 : i32
      %add3A_312 = arith.addi %mul3A_310, %add3A_311 : i32
      %get3A_313 = arith.index_cast %add3A_312 : i32 to index
      %get3A_314 = arith.constant 0 : index
      %get3A_315 = tpu.vector_load %arg6[%get3A_313, %get3A_314] {strides = array<i32>} : memref<125x80xi32, #tpu.memory_space<vmem>>, vector<1x16xi32>,
      %get3A_316 = vector.shape_cast %get3A_315 : vector<1x16xi32> to vector<16xi32>
      %and3A_317 = arith.constant 65535 : i32
      %and3A_318 = vector.broadcast %and3A_317 : i32 to vector<16xi32>
      %and3A_319 = arith.andi %get3A_316, %and3A_318 : vector<16xi32>
      %swap3A_320 = arith.constant 0 : i32
      %swap3A_321 = arith.index_cast %swap3A_320 : i32 to index
      %swap3A_322 = arith.constant 0 : index
      %swap3A_323 = tpu.vector_load %arg7[%swap3A_321, %swap3A_322] {strides = array<i32>} : memref<2x80xi32, #tpu.memory_space<vmem>>, vector<1x16xi32>,
      %swap3A_324 = vector.shape_cast %swap3A_323 : vector<1x16xi32> to vector<16xi32>
      %swap3A_325 = vector.shape_cast %and3A_319 : vector<16xi32> to vector<1x16xi32>
      tpu.vector_store %arg7[%swap3A_321, %swap3A_322], %swap3A_325 {strides = array<i32>} : memref<2x80xi32, #tpu.memory_space<vmem>>, vector<1x16xi32>,
      %shift_right_logical3A_326 = arith.constant 16 : i32
      %shift_right_logical3A_327 = vector.broadcast %shift_right_logical3A_326 : i32 to vector<16xi32>
      %shift_right_logical3A_328 = arith.shrui %get3A_316, %shift_right_logical3A_327 : vector<16xi32>
      %swap3A_329 = arith.constant 1 : i32
      %swap3A_330 = arith.index_cast %swap3A_329 : i32 to index
      %swap3A_331 = arith.constant 0 : index
      %swap3A_332 = tpu.vector_load %arg7[%swap3A_330, %swap3A_331] {strides = array<i32>} : memref<2x80xi32, #tpu.memory_space<vmem>>, vector<1x16xi32>,
      %swap3A_333 = vector.shape_cast %swap3A_332 : vector<1x16xi32> to vector<16xi32>
      %swap3A_334 = vector.shape_cast %shift_right_logical3A_328 : vector<16xi32> to vector<1x16xi32>
      tpu.vector_store %arg7[%swap3A_330, %swap3A_331], %swap3A_334 {strides = array<i32>} : memref<2x80xi32, #tpu.memory_space<vmem>>, vector<1x16xi32>,
      %get3A_335 = arith.index_cast %add3A_312 : i32 to index
      %get3A_336 = arith.constant 16 : index
      %get3A_337 = tpu.vector_load %arg6[%get3A_335, %get3A_336] {strides = array<i32>} : memref<125x80xi32, #tpu.memory_space<vmem>>, vector<1x16xi32>,
      %get3A_338 = vector.shape_cast %get3A_337 : vector<1x16xi32> to vector<16xi32>
      %and3A_339 = arith.constant 65535 : i32
      %and3A_340 = vector.broadcast %and3A_339 : i32 to vector<16xi32>
      %and3A_341 = arith.andi %get3A_338, %and3A_340 : vector<16xi32>
      %swap3A_342 = arith.constant 0 : i32
      %swap3A_343 = arith.index_cast %swap3A_342 : i32 to index
      %swap3A_344 = arith.constant 16 : index
      %swap3A_345 = tpu.vector_load %arg7[%swap3A_343, %swap3A_344] {strides = array<i32>} : memref<2x80xi32, #tpu.memory_space<vmem>>, vector<1x16xi32>,
      %swap3A_346 = vector.shape_cast %swap3A_345 : vector<1x16xi32> to vector<16xi32>
      %swap3A_347 = vector.shape_cast %and3A_341 : vector<16xi32> to vector<1x16xi32>
      tpu.vector_store %arg7[%swap3A_343, %swap3A_344], %swap3A_347 {strides = array<i32>} : memref<2x80xi32, #tpu.memory_space<vmem>>, vector<1x16xi32>,
      %shift_right_logical3A_348 = arith.constant 16 : i32
      %shift_right_logical3A_349 = vector.broadcast %shift_right_logical3A_348 : i32 to vector<16xi32>
      %shift_right_logical3A_350 = arith.shrui %get3A_338, %shift_right_logical3A_349 : vector<16xi32>
      %swap3A_351 = arith.constant 1 : i32
      %swap3A_352 = arith.index_cast %swap3A_351 : i32 to index
      %swap3A_353 = arith.constant 16 : index
      %swap3A_354 = tpu.vector_load %arg7[%swap3A_352, %swap3A_353] {strides = array<i32>} : memref<2x80xi32, #tpu.memory_space<vmem>>, vector<1x16xi32>,
      %swap3A_355 = vector.shape_cast %swap3A_354 : vector<1x16xi32> to vector<16xi32>
      %swap3A_356 = vector.shape_cast %shift_right_logical3A_350 : vector<16xi32> to vector<1x16xi32>
      tpu.vector_store %arg7[%swap3A_352, %swap3A_353], %swap3A_356 {strides = array<i32>} : memref<2x80xi32, #tpu.memory_space<vmem>>, vector<1x16xi32>,
      %get3A_357 = arith.index_cast %add3A_312 : i32 to index
      %get3A_358 = arith.constant 32 : index
      %get3A_359 = tpu.vector_load %arg6[%get3A_357, %get3A_358] {strides = array<i32>} : memref<125x80xi32, #tpu.memory_space<vmem>>, vector<1x16xi32>,
      %get3A_360 = vector.shape_cast %get3A_359 : vector<1x16xi32> to vector<16xi32>
      %and3A_361 = arith.constant 65535 : i32
      %and3A_362 = vector.broadcast %and3A_361 : i32 to vector<16xi32>
      %and3A_363 = arith.andi %get3A_360, %and3A_362 : vector<16xi32>
      %swap3A_364 = arith.constant 0 : i32
      %swap3A_365 = arith.index_cast %swap3A_364 : i32 to index
      %swap3A_366 = arith.constant 32 : index
      %swap3A_367 = tpu.vector_load %arg7[%swap3A_365, %swap3A_366] {strides = array<i32>} : memref<2x80xi32, #tpu.memory_space<vmem>>, vector<1x16xi32>,
      %swap3A_368 = vector.shape_cast %swap3A_367 : vector<1x16xi32> to vector<16xi32>
      %swap3A_369 = vector.shape_cast %and3A_363 : vector<16xi32> to vector<1x16xi32>
      tpu.vector_store %arg7[%swap3A_365, %swap3A_366], %swap3A_369 {strides = array<i32>} : memref<2x80xi32, #tpu.memory_space<vmem>>, vector<1x16xi32>,
      %shift_right_logical3A_370 = arith.constant 16 : i32
      %shift_right_logical3A_371 = vector.broadcast %shift_right_logical3A_370 : i32 to vector<16xi32>
      %shift_right_logical3A_372 = arith.shrui %get3A_360, %shift_right_logical3A_371 : vector<16xi32>
      %swap3A_373 = arith.constant 1 : i32
      %swap3A_374 = arith.index_cast %swap3A_373 : i32 to index
      %swap3A_375 = arith.constant 32 : index
      %swap3A_376 = tpu.vector_load %arg7[%swap3A_374, %swap3A_375] {strides = array<i32>} : memref<2x80xi32, #tpu.memory_space<vmem>>, vector<1x16xi32>,
      %swap3A_377 = vector.shape_cast %swap3A_376 : vector<1x16xi32> to vector<16xi32>
      %swap3A_378 = vector.shape_cast %shift_right_logical3A_372 : vector<16xi32> to vector<1x16xi32>
      tpu.vector_store %arg7[%swap3A_374, %swap3A_375], %swap3A_378 {strides = array<i32>} : memref<2x80xi32, #tpu.memory_space<vmem>>, vector<1x16xi32>,
      %get3A_379 = arith.index_cast %add3A_312 : i32 to index
      %get3A_380 = arith.constant 48 : index
      %get3A_381 = tpu.vector_load %arg6[%get3A_379, %get3A_380] {strides = array<i32>} : memref<125x80xi32, #tpu.memory_space<vmem>>, vector<1x16xi32>,
      %get3A_382 = vector.shape_cast %get3A_381 : vector<1x16xi32> to vector<16xi32>
      %and3A_383 = arith.constant 65535 : i32
      %and3A_384 = vector.broadcast %and3A_383 : i32 to vector<16xi32>
      %and3A_385 = arith.andi %get3A_382, %and3A_384 : vector<16xi32>
      %swap3A_386 = arith.constant 0 : i32
      %swap3A_387 = arith.index_cast %swap3A_386 : i32 to index
      %swap3A_388 = arith.constant 48 : index
      %swap3A_389 = tpu.vector_load %arg7[%swap3A_387, %swap3A_388] {strides = array<i32>} : memref<2x80xi32, #tpu.memory_space<vmem>>, vector<1x16xi32>,
      %swap3A_390 = vector.shape_cast %swap3A_389 : vector<1x16xi32> to vector<16xi32>
      %swap3A_391 = vector.shape_cast %and3A_385 : vector<16xi32> to vector<1x16xi32>
      tpu.vector_store %arg7[%swap3A_387, %swap3A_388], %swap3A_391 {strides = array<i32>} : memref<2x80xi32, #tpu.memory_space<vmem>>, vector<1x16xi32>,
      %shift_right_logical3A_392 = arith.constant 16 : i32
      %shift_right_logical3A_393 = vector.broadcast %shift_right_logical3A_392 : i32 to vector<16xi32>
      %shift_right_logical3A_394 = arith.shrui %get3A_382, %shift_right_logical3A_393 : vector<16xi32>
      %swap3A_395 = arith.constant 1 : i32
      %swap3A_396 = arith.index_cast %swap3A_395 : i32 to index
      %swap3A_397 = arith.constant 48 : index
      %swap3A_398 = tpu.vector_load %arg7[%swap3A_396, %swap3A_397] {strides = array<i32>} : memref<2x80xi32, #tpu.memory_space<vmem>>, vector<1x16xi32>,
      %swap3A_399 = vector.shape_cast %swap3A_398 : vector<1x16xi32> to vector<16xi32>
      %swap3A_400 = vector.shape_cast %shift_right_logical3A_394 : vector<16xi32> to vector<1x16xi32>
      tpu.vector_store %arg7[%swap3A_396, %swap3A_397], %swap3A_400 {strides = array<i32>} : memref<2x80xi32, #tpu.memory_space<vmem>>, vector<1x16xi32>,
      %get3A_401 = arith.index_cast %add3A_312 : i32 to index
      %get3A_402 = arith.constant 64 : index
      %get3A_403 = tpu.vector_load %arg6[%get3A_401, %get3A_402] {strides = array<i32>} : memref<125x80xi32, #tpu.memory_space<vmem>>, vector<1x16xi32>,
      %get3A_404 = vector.shape_cast %get3A_403 : vector<1x16xi32> to vector<16xi32>
      %and3A_405 = arith.constant 65535 : i32
      %and3A_406 = vector.broadcast %and3A_405 : i32 to vector<16xi32>
      %and3A_407 = arith.andi %get3A_404, %and3A_406 : vector<16xi32>
      %swap3A_408 = arith.constant 0 : i32
      %swap3A_409 = arith.index_cast %swap3A_408 : i32 to index
      %swap3A_410 = arith.constant 64 : index
      %swap3A_411 = tpu.vector_load %arg7[%swap3A_409, %swap3A_410] {strides = array<i32>} : memref<2x80xi32, #tpu.memory_space<vmem>>, vector<1x16xi32>,
      %swap3A_412 = vector.shape_cast %swap3A_411 : vector<1x16xi32> to vector<16xi32>
      %swap3A_413 = vector.shape_cast %and3A_407 : vector<16xi32> to vector<1x16xi32>
      tpu.vector_store %arg7[%swap3A_409, %swap3A_410], %swap3A_413 {strides = array<i32>} : memref<2x80xi32, #tpu.memory_space<vmem>>, vector<1x16xi32>,
      %shift_right_logical3A_414 = arith.constant 16 : i32
      %shift_right_logical3A_415 = vector.broadcast %shift_right_logical3A_414 : i32 to vector<16xi32>
      %shift_right_logical3A_416 = arith.shrui %get3A_404, %shift_right_logical3A_415 : vector<16xi32>
      %swap3A_417 = arith.constant 1 : i32
      %swap3A_418 = arith.index_cast %swap3A_417 : i32 to index
      %swap3A_419 = arith.constant 64 : index
      %swap3A_420 = tpu.vector_load %arg7[%swap3A_418, %swap3A_419] {strides = array<i32>} : memref<2x80xi32, #tpu.memory_space<vmem>>, vector<1x16xi32>,
      %swap3A_421 = vector.shape_cast %swap3A_420 : vector<1x16xi32> to vector<16xi32>
      %swap3A_422 = vector.shape_cast %shift_right_logical3A_416 : vector<16xi32> to vector<1x16xi32>
      tpu.vector_store %arg7[%swap3A_418, %swap3A_419], %swap3A_422 {strides = array<i32>} : memref<2x80xi32, #tpu.memory_space<vmem>>, vector<1x16xi32>,
      %dma_start3A_423 = arith.constant 0 : i32
      %dma_start3A_424 = arith.constant 0 : i32
      %dma_start3A_425 = tpu.memref_slice %arg7[%dma_start3A_423, %dma_start3A_424] : memref<2x80xi32, #tpu.memory_space<vmem>> -> memref<1x80xi32, #tpu.memory_space<vmem>>
      %dma_start3A_426 = tpu.memref_squeeze %dma_start3A_425 : memref<1x80xi32, #tpu.memory_space<vmem>> -> memref<80xi32, #tpu.memory_space<vmem>>
      %dma_start3A_427 = arith.constant 0 : i32
      %dma_start3A_428 = arith.constant 0 : i32
      %dma_start3A_429 = tpu.memref_slice %arg2[%dma_start3A_427, %dma_start3A_428] : memref<10000x128xf32, #tpu.memory_space<hbm>> -> memref<10000x128xf32, #tpu.memory_space<hbm>>
      tpu.enqueue_indirect_dma source(%dma_start3A_429 : memref<10000x128xf32, #tpu.memory_space<hbm>>) target(%arg9 : memref<80x128xf32, #tpu.memory_space<vmem>>) offsets(%dma_start3A_426 : memref<80xi32, #tpu.memory_space<vmem>>) semaphore(%arg11 : memref<!tpu.dma_semaphore, #tpu.memory_space<semaphore_mem>>)
      %run_scoped3A_430 = arith.constant 1 : i32
      "tpu.region"() ({
        %run_scoped3A_431 = tpu.sem_alloc : memref<!tpu.dma_semaphore, #tpu.memory_space<semaphore_mem>>
        %dma_start3A_432 = arith.constant 0 : i32
        %dma_start3A_433 = tpu.memref_slice %arg8[%run_scoped3A_430, %dma_start3A_432] : memref<2x80xi32, #tpu.memory_space<vmem>> -> memref<1x80xi32, #tpu.memory_space<vmem>>
        %dma_start3A_434 = tpu.memref_squeeze %dma_start3A_433 : memref<1x80xi32, #tpu.memory_space<vmem>> -> memref<80xi32, #tpu.memory_space<vmem>>
        %dma_start3A_435 = arith.constant 0 : i32
        %dma_start3A_436 = arith.constant 0 : i32
        %dma_start3A_437 = tpu.memref_slice %arg5[%dma_start3A_435, %dma_start3A_436] : memref<10240x128xf32, #tpu.memory_space<vmem_shared>> -> memref<10240x128xf32, #tpu.memory_space<vmem_shared>>
        tpu.enqueue_indirect_dma source(%arg10 : memref<80x128xf32, #tpu.memory_space<vmem>>) target(%dma_start3A_437 : memref<10240x128xf32, #tpu.memory_space<vmem_shared>>) offsets(%dma_start3A_434 : memref<80xi32, #tpu.memory_space<vmem>>) semaphore(%run_scoped3A_431 : memref<!tpu.dma_semaphore, #tpu.memory_space<semaphore_mem>>) {add = true}
        %dma_wait3A_438 = arith.constant 0 : i32
        %dma_wait3A_439 = tpu.memref_slice %arg8[%run_scoped3A_430, %dma_wait3A_438] : memref<2x80xi32, #tpu.memory_space<vmem>> -> memref<1x80xi32, #tpu.memory_space<vmem>>
        %dma_wait3A_440 = tpu.memref_squeeze %dma_wait3A_439 : memref<1x80xi32, #tpu.memory_space<vmem>> -> memref<80xi32, #tpu.memory_space<vmem>>
        %dma_wait3A_441 = arith.constant 0 : i32
        %dma_wait3A_442 = arith.constant 0 : i32
        %dma_wait3A_443 = tpu.memref_slice %arg5[%dma_wait3A_441, %dma_wait3A_442] : memref<10240x128xf32, #tpu.memory_space<vmem_shared>> -> memref<10240x128xf32, #tpu.memory_space<vmem_shared>>
        tpu.wait_indirect_dma semaphore(%run_scoped3A_431 : memref<!tpu.dma_semaphore, #tpu.memory_space<semaphore_mem>>) src(%arg10 : memref<80x128xf32, #tpu.memory_space<vmem>>) dst(%dma_wait3A_443 : memref<10240x128xf32, #tpu.memory_space<vmem_shared>>)
        tpu.yield
      }) : () -> ()
    }
    %scan3A_160 = arith.constant 62 : i32
    %dma_wait3A = arith.constant 0 : i32
    %dma_wait3A_161 = arith.constant 0 : i32
    %dma_wait3A_162 = tpu.memref_slice %arg7[%dma_wait3A, %dma_wait3A_161] : memref<2x80xi32, #tpu.memory_space<vmem>> -> memref<1x80xi32, #tpu.memory_space<vmem>>
    %dma_wait3A_163 = tpu.memref_squeeze %dma_wait3A_162 : memref<1x80xi32, #tpu.memory_space<vmem>> -> memref<80xi32, #tpu.memory_space<vmem>>
    %dma_wait3A_164 = arith.constant 0 : i32
    %dma_wait3A_165 = arith.constant 0 : i32
    %dma_wait3A_166 = tpu.memref_slice %arg2[%dma_wait3A_164, %dma_wait3A_165] : memref<10000x128xf32, #tpu.memory_space<hbm>> -> memref<10000x128xf32, #tpu.memory_space<hbm>>
    tpu.wait_indirect_dma semaphore(%arg11 : memref<!tpu.dma_semaphore, #tpu.memory_space<semaphore_mem>>) src(%dma_wait3A_166 : memref<10000x128xf32, #tpu.memory_space<hbm>>) dst(%arg9 : memref<80x128xf32, #tpu.memory_space<vmem>>)
    %run_scoped3A = arith.constant 1 : i32
    "tpu.region"() ({
      %run_scoped3A_172 = tpu.sem_alloc : memref<!tpu.dma_semaphore, #tpu.memory_space<semaphore_mem>>
      %dma_start3A_173 = arith.constant 0 : i32
      %dma_start3A_174 = tpu.memref_slice %arg7[%run_scoped3A, %dma_start3A_173] : memref<2x80xi32, #tpu.memory_space<vmem>> -> memref<1x80xi32, #tpu.memory_space<vmem>>
      %dma_start3A_175 = tpu.memref_squeeze %dma_start3A_174 : memref<1x80xi32, #tpu.memory_space<vmem>> -> memref<80xi32, #tpu.memory_space<vmem>>
      %dma_start3A_176 = arith.constant 0 : i32
      %dma_start3A_177 = arith.constant 0 : i32
      %dma_start3A_178 = tpu.memref_slice %arg5[%dma_start3A_176, %dma_start3A_177] : memref<10240x128xf32, #tpu.memory_space<vmem_shared>> -> memref<10240x128xf32, #tpu.memory_space<vmem_shared>>
      tpu.enqueue_indirect_dma source(%arg9 : memref<80x128xf32, #tpu.memory_space<vmem>>) target(%dma_start3A_178 : memref<10240x128xf32, #tpu.memory_space<vmem_shared>>) offsets(%dma_start3A_175 : memref<80xi32, #tpu.memory_space<vmem>>) semaphore(%run_scoped3A_172 : memref<!tpu.dma_semaphore, #tpu.memory_space<semaphore_mem>>) {add = true}
      %dma_wait3A_179 = arith.constant 0 : i32
      %dma_wait3A_180 = tpu.memref_slice %arg7[%run_scoped3A, %dma_wait3A_179] : memref<2x80xi32, #tpu.memory_space<vmem>> -> memref<1x80xi32, #tpu.memory_space<vmem>>
      %dma_wait3A_181 = tpu.memref_squeeze %dma_wait3A_180 : memref<1x80xi32, #tpu.memory_space<vmem>> -> memref<80xi32, #tpu.memory_space<vmem>>
      %dma_wait3A_182 = arith.constant 0 : i32
      %dma_wait3A_183 = arith.constant 0 : i32
      %dma_wait3A_184 = tpu.memref_slice %arg5[%dma_wait3A_182, %dma_wait3A_183] : memref<10240x128xf32, #tpu.memory_space<vmem_shared>> -> memref<10240x128xf32, #tpu.memory_space<vmem_shared>>
      tpu.wait_indirect_dma semaphore(%run_scoped3A_172 : memref<!tpu.dma_semaphore, #tpu.memory_space<semaphore_mem>>) src(%arg9 : memref<80x128xf32, #tpu.memory_space<vmem>>) dst(%dma_wait3A_184 : memref<10240x128xf32, #tpu.memory_space<vmem_shared>>)
      tpu.yield
    }) : () -> ()
    %barrier3A_167 = arith.constant 0 : index
    tpu.barrier barrier_id(%barrier3A_167)
    %mul3A_168 = arith.constant 640 : i32
    %mul3A_169 = arith.muli %arg1, %mul3A_168 : i32
    %mul3A_170 = arith.constant 640 : i32
    %mul3A_171 = arith.muli %arg1, %mul3A_170 : i32
    "tpu.region"() ({
      %run_scoped3A_172 = tpu.sem_alloc : memref<!tpu.dma_semaphore, #tpu.memory_space<semaphore_mem>>
      %dma_start3A_173 = arith.constant 0 : i32
      %dma_start3A_174 = tpu.memref_slice %arg4[%arg0, %mul3A_171, %dma_start3A_173] : memref<2x10240x128xf32, #tpu.memory_space<hbm>> -> memref<1x640x128xf32, #tpu.memory_space<hbm>>
      %dma_start3A_175 = tpu.memref_squeeze %dma_start3A_174 : memref<1x640x128xf32, #tpu.memory_space<hbm>> -> memref<640x128xf32, #tpu.memory_space<hbm>>
      %dma_start3A_176 = arith.constant 0 : i32
      %dma_start3A_177 = tpu.memref_slice %arg5[%mul3A_169, %dma_start3A_176] : memref<10240x128xf32, #tpu.memory_space<vmem_shared>> -> memref<640x128xf32, #tpu.memory_space<vmem_shared>>
      tpu.enqueue_dma source(%dma_start3A_177 : memref<640x128xf32, #tpu.memory_space<vmem_shared>>) target(%dma_start3A_175 : memref<640x128xf32, #tpu.memory_space<hbm>>) target_semaphore(%run_scoped3A_172 : memref<!tpu.dma_semaphore, #tpu.memory_space<semaphore_mem>>)
      %dma_wait3A_178 = arith.constant 0 : i32
      %dma_wait3A_179 = tpu.memref_slice %arg4[%arg0, %mul3A_171, %dma_wait3A_178] : memref<2x10240x128xf32, #tpu.memory_space<hbm>> -> memref<1x640x128xf32, #tpu.memory_space<hbm>>
      %dma_wait3A_180 = tpu.memref_squeeze %dma_wait3A_179 : memref<1x640x128xf32, #tpu.memory_space<hbm>> -> memref<640x128xf32, #tpu.memory_space<hbm>>
      %dma_wait3A_181 = arith.constant 0 : i32
      %dma_wait3A_182 = tpu.memref_slice %arg5[%mul3A_169, %dma_wait3A_181] : memref<10240x128xf32, #tpu.memory_space<vmem_shared>> -> memref<640x128xf32, #tpu.memory_space<vmem_shared>>
      tpu.wait_dma2 semaphore(%run_scoped3A_172 : memref<!tpu.dma_semaphore, #tpu.memory_space<semaphore_mem>>) src(%dma_wait3A_182 : memref<640x128xf32, #tpu.memory_space<vmem_shared>>) dst(%dma_wait3A_180 : memref<640x128xf32, #tpu.memory_space<hbm>>)
      tpu.yield
    }) : () -> ()
    return
  }
}

#map = affine_map<(d0, d1) -> (0, 0)>
#map1 = affine_map<(d0, d1) -> (0, 0, 0)>
module attributes {stable_mosaic.version = 14 : i64} {
  func.func @_prop_sc(%arg0: i32, %arg1: i32, %arg2: memref<10000x128xf32, #tpu.memory_space<hbm>>, %arg3: memref<32x125x80xi32, #tpu.memory_space<hbm>>, %arg4: memref<2x10240x128xf32, #tpu.memory_space<hbm>>, %arg5: memref<10240x128xf32, #tpu.memory_space<vmem_shared>>, %arg6: memref<125x80xi32, #tpu.memory_space<vmem>>, %arg7: memref<2x80xi32, #tpu.memory_space<vmem>>, %arg8: memref<2x80xi32, #tpu.memory_space<vmem>>, %arg9: memref<80x128xf32, #tpu.memory_space<vmem>>, %arg10: memref<80x128xf32, #tpu.memory_space<vmem>>, %arg11: memref<!tpu.dma_semaphore, #tpu.memory_space<semaphore_mem>>) attributes {dimension_semantics = [#tpu.dimension_semantics<core_parallel>, #tpu.dimension_semantics<subcore_parallel>], iteration_bounds = array<i64: 2, 16>, scalar_prefetch = 0 : i64, scratch_operands = 7 : i64, tpu.core_type = #tpu.core_type<sc_vector_subcore>, window_params = [{transform_indices = #map}, {transform_indices = #map1}, {transform_indices = #map1}]} {
    %mul3A = arith.constant 16 : i32
    %mul3A_0 = arith.muli %arg0, %mul3A : i32
    %add3A = arith.addi %mul3A_0, %arg1 : i32
    %scan3A = arith.constant 0 : i32
    %scan3A_1 = arith.constant 0 : i32
    %scan3A_2 = arith.constant 80 : i32
    %scan3A_3 = arith.addi %scan3A_1, %scan3A_2 : i32
    %scan3A_4 = arith.constant 1 : i32
    scf.for %scan3A_172 = %scan3A_1 to %scan3A_3 step %scan3A_4  : i32 {
      %broadcast_in_dim3A = arith.constant 0.000000e+00 : f32
      %broadcast_in_dim3A_173 = vector.broadcast %broadcast_in_dim3A : f32 to vector<16xf32>
      %swap3A_174 = arith.index_cast %scan3A_172 : i32 to index
      %swap3A_175 = arith.constant 0 : index
      %swap3A_176 = tpu.vector_load %arg9[%swap3A_174, %swap3A_175] {strides = array<i32>} : memref<80x128xf32, #tpu.memory_space<vmem>>, vector<1x16xf32>,
      %swap3A_177 = vector.shape_cast %swap3A_176 : vector<1x16xf32> to vector<16xf32>
      %swap3A_178 = vector.shape_cast %broadcast_in_dim3A_173 : vector<16xf32> to vector<1x16xf32>
      tpu.vector_store %arg9[%swap3A_174, %swap3A_175], %swap3A_178 {strides = array<i32>} : memref<80x128xf32, #tpu.memory_space<vmem>>, vector<1x16xf32>,
      %broadcast_in_dim3A_179 = arith.constant 0.000000e+00 : f32
      %broadcast_in_dim3A_180 = vector.broadcast %broadcast_in_dim3A_179 : f32 to vector<16xf32>
      %swap3A_181 = arith.index_cast %scan3A_172 : i32 to index
      %swap3A_182 = arith.constant 16 : index
      %swap3A_183 = tpu.vector_load %arg9[%swap3A_181, %swap3A_182] {strides = array<i32>} : memref<80x128xf32, #tpu.memory_space<vmem>>, vector<1x16xf32>,
      %swap3A_184 = vector.shape_cast %swap3A_183 : vector<1x16xf32> to vector<16xf32>
      %swap3A_185 = vector.shape_cast %broadcast_in_dim3A_180 : vector<16xf32> to vector<1x16xf32>
      tpu.vector_store %arg9[%swap3A_181, %swap3A_182], %swap3A_185 {strides = array<i32>} : memref<80x128xf32, #tpu.memory_space<vmem>>, vector<1x16xf32>,
      %broadcast_in_dim3A_186 = arith.constant 0.000000e+00 : f32
      %broadcast_in_dim3A_187 = vector.broadcast %broadcast_in_dim3A_186 : f32 to vector<16xf32>
      %swap3A_188 = arith.index_cast %scan3A_172 : i32 to index
      %swap3A_189 = arith.constant 32 : index
      %swap3A_190 = tpu.vector_load %arg9[%swap3A_188, %swap3A_189] {strides = array<i32>} : memref<80x128xf32, #tpu.memory_space<vmem>>, vector<1x16xf32>,
      %swap3A_191 = vector.shape_cast %swap3A_190 : vector<1x16xf32> to vector<16xf32>
      %swap3A_192 = vector.shape_cast %broadcast_in_dim3A_187 : vector<16xf32> to vector<1x16xf32>
      tpu.vector_store %arg9[%swap3A_188, %swap3A_189], %swap3A_192 {strides = array<i32>} : memref<80x128xf32, #tpu.memory_space<vmem>>, vector<1x16xf32>,
      %broadcast_in_dim3A_193 = arith.constant 0.000000e+00 : f32
      %broadcast_in_dim3A_194 = vector.broadcast %broadcast_in_dim3A_193 : f32 to vector<16xf32>
      %swap3A_195 = arith.index_cast %scan3A_172 : i32 to index
      %swap3A_196 = arith.constant 48 : index
      %swap3A_197 = tpu.vector_load %arg9[%swap3A_195, %swap3A_196] {strides = array<i32>} : memref<80x128xf32, #tpu.memory_space<vmem>>, vector<1x16xf32>,
      %swap3A_198 = vector.shape_cast %swap3A_197 : vector<1x16xf32> to vector<16xf32>
      %swap3A_199 = vector.shape_cast %broadcast_in_dim3A_194 : vector<16xf32> to vector<1x16xf32>
      tpu.vector_store %arg9[%swap3A_195, %swap3A_196], %swap3A_199 {strides = array<i32>} : memref<80x128xf32, #tpu.memory_space<vmem>>, vector<1x16xf32>,
      %broadcast_in_dim3A_200 = arith.constant 0.000000e+00 : f32
      %broadcast_in_dim3A_201 = vector.broadcast %broadcast_in_dim3A_200 : f32 to vector<16xf32>
      %swap3A_202 = arith.index_cast %scan3A_172 : i32 to index
      %swap3A_203 = arith.constant 64 : index
      %swap3A_204 = tpu.vector_load %arg9[%swap3A_202, %swap3A_203] {strides = array<i32>} : memref<80x128xf32, #tpu.memory_space<vmem>>, vector<1x16xf32>,
      %swap3A_205 = vector.shape_cast %swap3A_204 : vector<1x16xf32> to vector<16xf32>
      %swap3A_206 = vector.shape_cast %broadcast_in_dim3A_201 : vector<16xf32> to vector<1x16xf32>
      tpu.vector_store %arg9[%swap3A_202, %swap3A_203], %swap3A_206 {strides = array<i32>} : memref<80x128xf32, #tpu.memory_space<vmem>>, vector<1x16xf32>,
      %broadcast_in_dim3A_207 = arith.constant 0.000000e+00 : f32
      %broadcast_in_dim3A_208 = vector.broadcast %broadcast_in_dim3A_207 : f32 to vector<16xf32>
      %swap3A_209 = arith.index_cast %scan3A_172 : i32 to index
      %swap3A_210 = arith.constant 80 : index
      %swap3A_211 = tpu.vector_load %arg9[%swap3A_209, %swap3A_210] {strides = array<i32>} : memref<80x128xf32, #tpu.memory_space<vmem>>, vector<1x16xf32>,
      %swap3A_212 = vector.shape_cast %swap3A_211 : vector<1x16xf32> to vector<16xf32>
      %swap3A_213 = vector.shape_cast %broadcast_in_dim3A_208 : vector<16xf32> to vector<1x16xf32>
      tpu.vector_store %arg9[%swap3A_209, %swap3A_210], %swap3A_213 {strides = array<i32>} : memref<80x128xf32, #tpu.memory_space<vmem>>, vector<1x16xf32>,
      %broadcast_in_dim3A_214 = arith.constant 0.000000e+00 : f32
      %broadcast_in_dim3A_215 = vector.broadcast %broadcast_in_dim3A_214 : f32 to vector<16xf32>
      %swap3A_216 = arith.index_cast %scan3A_172 : i32 to index
      %swap3A_217 = arith.constant 96 : index
      %swap3A_218 = tpu.vector_load %arg9[%swap3A_216, %swap3A_217] {strides = array<i32>} : memref<80x128xf32, #tpu.memory_space<vmem>>, vector<1x16xf32>,
      %swap3A_219 = vector.shape_cast %swap3A_218 : vector<1x16xf32> to vector<16xf32>
      %swap3A_220 = vector.shape_cast %broadcast_in_dim3A_215 : vector<16xf32> to vector<1x16xf32>
      tpu.vector_store %arg9[%swap3A_216, %swap3A_217], %swap3A_220 {strides = array<i32>} : memref<80x128xf32, #tpu.memory_space<vmem>>, vector<1x16xf32>,
      %broadcast_in_dim3A_221 = arith.constant 0.000000e+00 : f32
      %broadcast_in_dim3A_222 = vector.broadcast %broadcast_in_dim3A_221 : f32 to vector<16xf32>
      %swap3A_223 = arith.index_cast %scan3A_172 : i32 to index
      %swap3A_224 = arith.constant 112 : index
      %swap3A_225 = tpu.vector_load %arg9[%swap3A_223, %swap3A_224] {strides = array<i32>} : memref<80x128xf32, #tpu.memory_space<vmem>>, vector<1x16xf32>,
      %swap3A_226 = vector.shape_cast %swap3A_225 : vector<1x16xf32> to vector<16xf32>
      %swap3A_227 = vector.shape_cast %broadcast_in_dim3A_222 : vector<16xf32> to vector<1x16xf32>
      tpu.vector_store %arg9[%swap3A_223, %swap3A_224], %swap3A_227 {strides = array<i32>} : memref<80x128xf32, #tpu.memory_space<vmem>>, vector<1x16xf32>,
    }
    %scan3A_5 = arith.constant 80 : i32
    %mul3A_6 = arith.constant 640 : i32
    %mul3A_7 = arith.muli %arg1, %mul3A_6 : i32
    %add3A_8 = arith.constant 0 : i32
    %add3A_9 = arith.addi %mul3A_7, %add3A_8 : i32
    "tpu.region"() ({
      %run_scoped3A_172 = tpu.sem_alloc : memref<!tpu.dma_semaphore, #tpu.memory_space<semaphore_mem>>
      %dma_start3A_173 = arith.constant 0 : i32
      %dma_start3A_174 = tpu.memref_slice %arg5[%add3A_9, %dma_start3A_173] : memref<10240x128xf32, #tpu.memory_space<vmem_shared>> -> memref<80x128xf32, #tpu.memory_space<vmem_shared>>
      %dma_start3A_175 = arith.constant 0 : i32
      %dma_start3A_176 = tpu.memref_slice %arg5[%add3A_9, %dma_start3A_175] : memref<10240x128xf32, #tpu.memory_space<vmem_shared>> -> memref<80x128xf32, #tpu.memory_space<vmem_shared>>
      tpu.enqueue_dma source(%arg9 : memref<80x128xf32, #tpu.memory_space<vmem>>) target(%dma_start3A_176 : memref<80x128xf32, #tpu.memory_space<vmem_shared>>) target_semaphore(%run_scoped3A_172 : memref<!tpu.dma_semaphore, #tpu.memory_space<semaphore_mem>>)
      %dma_wait3A_177 = arith.constant 0 : i32
      %dma_wait3A_178 = tpu.memref_slice %arg5[%add3A_9, %dma_wait3A_177] : memref<10240x128xf32, #tpu.memory_space<vmem_shared>> -> memref<80x128xf32, #tpu.memory_space<vmem_shared>>
      %dma_wait3A_179 = arith.constant 0 : i32
      %dma_wait3A_180 = tpu.memref_slice %arg5[%add3A_9, %dma_wait3A_179] : memref<10240x128xf32, #tpu.memory_space<vmem_shared>> -> memref<80x128xf32, #tpu.memory_space<vmem_shared>>
      tpu.wait_dma2 semaphore(%run_scoped3A_172 : memref<!tpu.dma_semaphore, #tpu.memory_space<semaphore_mem>>) src(%arg9 : memref<80x128xf32, #tpu.memory_space<vmem>>) dst(%dma_wait3A_180 : memref<80x128xf32, #tpu.memory_space<vmem_shared>>)
      tpu.yield
    }) : () -> ()
    %mul3A_10 = arith.constant 640 : i32
    %mul3A_11 = arith.muli %arg1, %mul3A_10 : i32
    %add3A_12 = arith.constant 80 : i32
    %add3A_13 = arith.addi %mul3A_11, %add3A_12 : i32
    "tpu.region"() ({
      %run_scoped3A_172 = tpu.sem_alloc : memref<!tpu.dma_semaphore, #tpu.memory_space<semaphore_mem>>
      %dma_start3A_173 = arith.constant 0 : i32
      %dma_start3A_174 = tpu.memref_slice %arg5[%add3A_13, %dma_start3A_173] : memref<10240x128xf32, #tpu.memory_space<vmem_shared>> -> memref<80x128xf32, #tpu.memory_space<vmem_shared>>
      %dma_start3A_175 = arith.constant 0 : i32
      %dma_start3A_176 = tpu.memref_slice %arg5[%add3A_13, %dma_start3A_175] : memref<10240x128xf32, #tpu.memory_space<vmem_shared>> -> memref<80x128xf32, #tpu.memory_space<vmem_shared>>
      tpu.enqueue_dma source(%arg9 : memref<80x128xf32, #tpu.memory_space<vmem>>) target(%dma_start3A_176 : memref<80x128xf32, #tpu.memory_space<vmem_shared>>) target_semaphore(%run_scoped3A_172 : memref<!tpu.dma_semaphore, #tpu.memory_space<semaphore_mem>>)
      %dma_wait3A_177 = arith.constant 0 : i32
      %dma_wait3A_178 = tpu.memref_slice %arg5[%add3A_13, %dma_wait3A_177] : memref<10240x128xf32, #tpu.memory_space<vmem_shared>> -> memref<80x128xf32, #tpu.memory_space<vmem_shared>>
      %dma_wait3A_179 = arith.constant 0 : i32
      %dma_wait3A_180 = tpu.memref_slice %arg5[%add3A_13, %dma_wait3A_179] : memref<10240x128xf32, #tpu.memory_space<vmem_shared>> -> memref<80x128xf32, #tpu.memory_space<vmem_shared>>
      tpu.wait_dma2 semaphore(%run_scoped3A_172 : memref<!tpu.dma_semaphore, #tpu.memory_space<semaphore_mem>>) src(%arg9 : memref<80x128xf32, #tpu.memory_space<vmem>>) dst(%dma_wait3A_180 : memref<80x128xf32, #tpu.memory_space<vmem_shared>>)
      tpu.yield
    }) : () -> ()
    %mul3A_14 = arith.constant 640 : i32
    %mul3A_15 = arith.muli %arg1, %mul3A_14 : i32
    %add3A_16 = arith.constant 160 : i32
    %add3A_17 = arith.addi %mul3A_15, %add3A_16 : i32
    "tpu.region"() ({
      %run_scoped3A_172 = tpu.sem_alloc : memref<!tpu.dma_semaphore, #tpu.memory_space<semaphore_mem>>
      %dma_start3A_173 = arith.constant 0 : i32
      %dma_start3A_174 = tpu.memref_slice %arg5[%add3A_17, %dma_start3A_173] : memref<10240x128xf32, #tpu.memory_space<vmem_shared>> -> memref<80x128xf32, #tpu.memory_space<vmem_shared>>
      %dma_start3A_175 = arith.constant 0 : i32
      %dma_start3A_176 = tpu.memref_slice %arg5[%add3A_17, %dma_start3A_175] : memref<10240x128xf32, #tpu.memory_space<vmem_shared>> -> memref<80x128xf32, #tpu.memory_space<vmem_shared>>
      tpu.enqueue_dma source(%arg9 : memref<80x128xf32, #tpu.memory_space<vmem>>) target(%dma_start3A_176 : memref<80x128xf32, #tpu.memory_space<vmem_shared>>) target_semaphore(%run_scoped3A_172 : memref<!tpu.dma_semaphore, #tpu.memory_space<semaphore_mem>>)
      %dma_wait3A_177 = arith.constant 0 : i32
      %dma_wait3A_178 = tpu.memref_slice %arg5[%add3A_17, %dma_wait3A_177] : memref<10240x128xf32, #tpu.memory_space<vmem_shared>> -> memref<80x128xf32, #tpu.memory_space<vmem_shared>>
      %dma_wait3A_179 = arith.constant 0 : i32
      %dma_wait3A_180 = tpu.memref_slice %arg5[%add3A_17, %dma_wait3A_179] : memref<10240x128xf32, #tpu.memory_space<vmem_shared>> -> memref<80x128xf32, #tpu.memory_space<vmem_shared>>
      tpu.wait_dma2 semaphore(%run_scoped3A_172 : memref<!tpu.dma_semaphore, #tpu.memory_space<semaphore_mem>>) src(%arg9 : memref<80x128xf32, #tpu.memory_space<vmem>>) dst(%dma_wait3A_180 : memref<80x128xf32, #tpu.memory_space<vmem_shared>>)
      tpu.yield
    }) : () -> ()
    %mul3A_18 = arith.constant 640 : i32
    %mul3A_19 = arith.muli %arg1, %mul3A_18 : i32
    %add3A_20 = arith.constant 240 : i32
    %add3A_21 = arith.addi %mul3A_19, %add3A_20 : i32
    "tpu.region"() ({
      %run_scoped3A_172 = tpu.sem_alloc : memref<!tpu.dma_semaphore, #tpu.memory_space<semaphore_mem>>
      %dma_start3A_173 = arith.constant 0 : i32
      %dma_start3A_174 = tpu.memref_slice %arg5[%add3A_21, %dma_start3A_173] : memref<10240x128xf32, #tpu.memory_space<vmem_shared>> -> memref<80x128xf32, #tpu.memory_space<vmem_shared>>
      %dma_start3A_175 = arith.constant 0 : i32
      %dma_start3A_176 = tpu.memref_slice %arg5[%add3A_21, %dma_start3A_175] : memref<10240x128xf32, #tpu.memory_space<vmem_shared>> -> memref<80x128xf32, #tpu.memory_space<vmem_shared>>
      tpu.enqueue_dma source(%arg9 : memref<80x128xf32, #tpu.memory_space<vmem>>) target(%dma_start3A_176 : memref<80x128xf32, #tpu.memory_space<vmem_shared>>) target_semaphore(%run_scoped3A_172 : memref<!tpu.dma_semaphore, #tpu.memory_space<semaphore_mem>>)
      %dma_wait3A_177 = arith.constant 0 : i32
      %dma_wait3A_178 = tpu.memref_slice %arg5[%add3A_21, %dma_wait3A_177] : memref<10240x128xf32, #tpu.memory_space<vmem_shared>> -> memref<80x128xf32, #tpu.memory_space<vmem_shared>>
      %dma_wait3A_179 = arith.constant 0 : i32
      %dma_wait3A_180 = tpu.memref_slice %arg5[%add3A_21, %dma_wait3A_179] : memref<10240x128xf32, #tpu.memory_space<vmem_shared>> -> memref<80x128xf32, #tpu.memory_space<vmem_shared>>
      tpu.wait_dma2 semaphore(%run_scoped3A_172 : memref<!tpu.dma_semaphore, #tpu.memory_space<semaphore_mem>>) src(%arg9 : memref<80x128xf32, #tpu.memory_space<vmem>>) dst(%dma_wait3A_180 : memref<80x128xf32, #tpu.memory_space<vmem_shared>>)
      tpu.yield
    }) : () -> ()
    %mul3A_22 = arith.constant 640 : i32
    %mul3A_23 = arith.muli %arg1, %mul3A_22 : i32
    %add3A_24 = arith.constant 320 : i32
    %add3A_25 = arith.addi %mul3A_23, %add3A_24 : i32
    "tpu.region"() ({
      %run_scoped3A_172 = tpu.sem_alloc : memref<!tpu.dma_semaphore, #tpu.memory_space<semaphore_mem>>
      %dma_start3A_173 = arith.constant 0 : i32
      %dma_start3A_174 = tpu.memref_slice %arg5[%add3A_25, %dma_start3A_173] : memref<10240x128xf32, #tpu.memory_space<vmem_shared>> -> memref<80x128xf32, #tpu.memory_space<vmem_shared>>
      %dma_start3A_175 = arith.constant 0 : i32
      %dma_start3A_176 = tpu.memref_slice %arg5[%add3A_25, %dma_start3A_175] : memref<10240x128xf32, #tpu.memory_space<vmem_shared>> -> memref<80x128xf32, #tpu.memory_space<vmem_shared>>
      tpu.enqueue_dma source(%arg9 : memref<80x128xf32, #tpu.memory_space<vmem>>) target(%dma_start3A_176 : memref<80x128xf32, #tpu.memory_space<vmem_shared>>) target_semaphore(%run_scoped3A_172 : memref<!tpu.dma_semaphore, #tpu.memory_space<semaphore_mem>>)
      %dma_wait3A_177 = arith.constant 0 : i32
      %dma_wait3A_178 = tpu.memref_slice %arg5[%add3A_25, %dma_wait3A_177] : memref<10240x128xf32, #tpu.memory_space<vmem_shared>> -> memref<80x128xf32, #tpu.memory_space<vmem_shared>>
      %dma_wait3A_179 = arith.constant 0 : i32
      %dma_wait3A_180 = tpu.memref_slice %arg5[%add3A_25, %dma_wait3A_179] : memref<10240x128xf32, #tpu.memory_space<vmem_shared>> -> memref<80x128xf32, #tpu.memory_space<vmem_shared>>
      tpu.wait_dma2 semaphore(%run_scoped3A_172 : memref<!tpu.dma_semaphore, #tpu.memory_space<semaphore_mem>>) src(%arg9 : memref<80x128xf32, #tpu.memory_space<vmem>>) dst(%dma_wait3A_180 : memref<80x128xf32, #tpu.memory_space<vmem_shared>>)
      tpu.yield
    }) : () -> ()
    %mul3A_26 = arith.constant 640 : i32
    %mul3A_27 = arith.muli %arg1, %mul3A_26 : i32
    %add3A_28 = arith.constant 400 : i32
    %add3A_29 = arith.addi %mul3A_27, %add3A_28 : i32
    "tpu.region"() ({
      %run_scoped3A_172 = tpu.sem_alloc : memref<!tpu.dma_semaphore, #tpu.memory_space<semaphore_mem>>
      %dma_start3A_173 = arith.constant 0 : i32
      %dma_start3A_174 = tpu.memref_slice %arg5[%add3A_29, %dma_start3A_173] : memref<10240x128xf32, #tpu.memory_space<vmem_shared>> -> memref<80x128xf32, #tpu.memory_space<vmem_shared>>
      %dma_start3A_175 = arith.constant 0 : i32
      %dma_start3A_176 = tpu.memref_slice %arg5[%add3A_29, %dma_start3A_175] : memref<10240x128xf32, #tpu.memory_space<vmem_shared>> -> memref<80x128xf32, #tpu.memory_space<vmem_shared>>
      tpu.enqueue_dma source(%arg9 : memref<80x128xf32, #tpu.memory_space<vmem>>) target(%dma_start3A_176 : memref<80x128xf32, #tpu.memory_space<vmem_shared>>) target_semaphore(%run_scoped3A_172 : memref<!tpu.dma_semaphore, #tpu.memory_space<semaphore_mem>>)
      %dma_wait3A_177 = arith.constant 0 : i32
      %dma_wait3A_178 = tpu.memref_slice %arg5[%add3A_29, %dma_wait3A_177] : memref<10240x128xf32, #tpu.memory_space<vmem_shared>> -> memref<80x128xf32, #tpu.memory_space<vmem_shared>>
      %dma_wait3A_179 = arith.constant 0 : i32
      %dma_wait3A_180 = tpu.memref_slice %arg5[%add3A_29, %dma_wait3A_179] : memref<10240x128xf32, #tpu.memory_space<vmem_shared>> -> memref<80x128xf32, #tpu.memory_space<vmem_shared>>
      tpu.wait_dma2 semaphore(%run_scoped3A_172 : memref<!tpu.dma_semaphore, #tpu.memory_space<semaphore_mem>>) src(%arg9 : memref<80x128xf32, #tpu.memory_space<vmem>>) dst(%dma_wait3A_180 : memref<80x128xf32, #tpu.memory_space<vmem_shared>>)
      tpu.yield
    }) : () -> ()
    %mul3A_30 = arith.constant 640 : i32
    %mul3A_31 = arith.muli %arg1, %mul3A_30 : i32
    %add3A_32 = arith.constant 480 : i32
    %add3A_33 = arith.addi %mul3A_31, %add3A_32 : i32
    "tpu.region"() ({
      %run_scoped3A_172 = tpu.sem_alloc : memref<!tpu.dma_semaphore, #tpu.memory_space<semaphore_mem>>
      %dma_start3A_173 = arith.constant 0 : i32
      %dma_start3A_174 = tpu.memref_slice %arg5[%add3A_33, %dma_start3A_173] : memref<10240x128xf32, #tpu.memory_space<vmem_shared>> -> memref<80x128xf32, #tpu.memory_space<vmem_shared>>
      %dma_start3A_175 = arith.constant 0 : i32
      %dma_start3A_176 = tpu.memref_slice %arg5[%add3A_33, %dma_start3A_175] : memref<10240x128xf32, #tpu.memory_space<vmem_shared>> -> memref<80x128xf32, #tpu.memory_space<vmem_shared>>
      tpu.enqueue_dma source(%arg9 : memref<80x128xf32, #tpu.memory_space<vmem>>) target(%dma_start3A_176 : memref<80x128xf32, #tpu.memory_space<vmem_shared>>) target_semaphore(%run_scoped3A_172 : memref<!tpu.dma_semaphore, #tpu.memory_space<semaphore_mem>>)
      %dma_wait3A_177 = arith.constant 0 : i32
      %dma_wait3A_178 = tpu.memref_slice %arg5[%add3A_33, %dma_wait3A_177] : memref<10240x128xf32, #tpu.memory_space<vmem_shared>> -> memref<80x128xf32, #tpu.memory_space<vmem_shared>>
      %dma_wait3A_179 = arith.constant 0 : i32
      %dma_wait3A_180 = tpu.memref_slice %arg5[%add3A_33, %dma_wait3A_179] : memref<10240x128xf32, #tpu.memory_space<vmem_shared>> -> memref<80x128xf32, #tpu.memory_space<vmem_shared>>
      tpu.wait_dma2 semaphore(%run_scoped3A_172 : memref<!tpu.dma_semaphore, #tpu.memory_space<semaphore_mem>>) src(%arg9 : memref<80x128xf32, #tpu.memory_space<vmem>>) dst(%dma_wait3A_180 : memref<80x128xf32, #tpu.memory_space<vmem_shared>>)
      tpu.yield
    }) : () -> ()
    %mul3A_34 = arith.constant 640 : i32
    %mul3A_35 = arith.muli %arg1, %mul3A_34 : i32
    %add3A_36 = arith.constant 560 : i32
    %add3A_37 = arith.addi %mul3A_35, %add3A_36 : i32
    "tpu.region"() ({
      %run_scoped3A_172 = tpu.sem_alloc : memref<!tpu.dma_semaphore, #tpu.memory_space<semaphore_mem>>
      %dma_start3A_173 = arith.constant 0 : i32
      %dma_start3A_174 = tpu.memref_slice %arg5[%add3A_37, %dma_start3A_173] : memref<10240x128xf32, #tpu.memory_space<vmem_shared>> -> memref<80x128xf32, #tpu.memory_space<vmem_shared>>
      %dma_start3A_175 = arith.constant 0 : i32
      %dma_start3A_176 = tpu.memref_slice %arg5[%add3A_37, %dma_start3A_175] : memref<10240x128xf32, #tpu.memory_space<vmem_shared>> -> memref<80x128xf32, #tpu.memory_space<vmem_shared>>
      tpu.enqueue_dma source(%arg9 : memref<80x128xf32, #tpu.memory_space<vmem>>) target(%dma_start3A_176 : memref<80x128xf32, #tpu.memory_space<vmem_shared>>) target_semaphore(%run_scoped3A_172 : memref<!tpu.dma_semaphore, #tpu.memory_space<semaphore_mem>>)
      %dma_wait3A_177 = arith.constant 0 : i32
      %dma_wait3A_178 = tpu.memref_slice %arg5[%add3A_37, %dma_wait3A_177] : memref<10240x128xf32, #tpu.memory_space<vmem_shared>> -> memref<80x128xf32, #tpu.memory_space<vmem_shared>>
      %dma_wait3A_179 = arith.constant 0 : i32
      %dma_wait3A_180 = tpu.memref_slice %arg5[%add3A_37, %dma_wait3A_179] : memref<10240x128xf32, #tpu.memory_space<vmem_shared>> -> memref<80x128xf32, #tpu.memory_space<vmem_shared>>
      tpu.wait_dma2 semaphore(%run_scoped3A_172 : memref<!tpu.dma_semaphore, #tpu.memory_space<semaphore_mem>>) src(%arg9 : memref<80x128xf32, #tpu.memory_space<vmem>>) dst(%dma_wait3A_180 : memref<80x128xf32, #tpu.memory_space<vmem_shared>>)
      tpu.yield
    }) : () -> ()
    "tpu.region"() ({
      %run_scoped3A_172 = tpu.sem_alloc : memref<!tpu.dma_semaphore, #tpu.memory_space<semaphore_mem>>
      %dma_start3A_173 = arith.constant 0 : i32
      %dma_start3A_174 = arith.constant 0 : i32
      %dma_start3A_175 = tpu.memref_slice %arg3[%add3A, %dma_start3A_173, %dma_start3A_174] : memref<32x125x80xi32, #tpu.memory_space<hbm>> -> memref<1x125x80xi32, #tpu.memory_space<hbm>>
      %dma_start3A_176 = tpu.memref_squeeze %dma_start3A_175 : memref<1x125x80xi32, #tpu.memory_space<hbm>> -> memref<125x80xi32, #tpu.memory_space<hbm>>
      %dma_start3A_177 = arith.constant 0 : i32
      %dma_start3A_178 = arith.constant 0 : i32
      %dma_start3A_179 = tpu.memref_slice %arg3[%add3A, %dma_start3A_177, %dma_start3A_178] : memref<32x125x80xi32, #tpu.memory_space<hbm>> -> memref<1x125x80xi32, #tpu.memory_space<hbm>>
      %dma_start3A_180 = tpu.memref_squeeze %dma_start3A_179 : memref<1x125x80xi32, #tpu.memory_space<hbm>> -> memref<125x80xi32, #tpu.memory_space<hbm>>
      tpu.enqueue_dma source(%dma_start3A_180 : memref<125x80xi32, #tpu.memory_space<hbm>>) target(%arg6 : memref<125x80xi32, #tpu.memory_space<vmem>>) target_semaphore(%run_scoped3A_172 : memref<!tpu.dma_semaphore, #tpu.memory_space<semaphore_mem>>)
      %dma_wait3A_181 = arith.constant 0 : i32
      %dma_wait3A_182 = arith.constant 0 : i32
      %dma_wait3A_183 = tpu.memref_slice %arg3[%add3A, %dma_wait3A_181, %dma_wait3A_182] : memref<32x125x80xi32, #tpu.memory_space<hbm>> -> memref<1x125x80xi32, #tpu.memory_space<hbm>>
      %dma_wait3A_184 = tpu.memref_squeeze %dma_wait3A_183 : memref<1x125x80xi32, #tpu.memory_space<hbm>> -> memref<125x80xi32, #tpu.memory_space<hbm>>
      %dma_wait3A_185 = arith.constant 0 : i32
      %dma_wait3A_186 = arith.constant 0 : i32
      %dma_wait3A_187 = tpu.memref_slice %arg3[%add3A, %dma_wait3A_185, %dma_wait3A_186] : memref<32x125x80xi32, #tpu.memory_space<hbm>> -> memref<1x125x80xi32, #tpu.memory_space<hbm>>
      %dma_wait3A_188 = tpu.memref_squeeze %dma_wait3A_187 : memref<1x125x80xi32, #tpu.memory_space<hbm>> -> memref<125x80xi32, #tpu.memory_space<hbm>>
      tpu.wait_dma2 semaphore(%run_scoped3A_172 : memref<!tpu.dma_semaphore, #tpu.memory_space<semaphore_mem>>) src(%dma_wait3A_188 : memref<125x80xi32, #tpu.memory_space<hbm>>) dst(%arg6 : memref<125x80xi32, #tpu.memory_space<vmem>>)
      tpu.yield
    }) : () -> ()
    %barrier3A = arith.constant 0 : index
    tpu.barrier barrier_id(%barrier3A)
    %get3A = arith.constant 0 : i32
    %get3A_38 = arith.index_cast %get3A : i32 to index
    %get3A_39 = arith.constant 0 : index
    %get3A_40 = tpu.vector_load %arg6[%get3A_38, %get3A_39] {strides = array<i32>} : memref<125x80xi32, #tpu.memory_space<vmem>>, vector<1x16xi32>,
    %get3A_41 = vector.shape_cast %get3A_40 : vector<1x16xi32> to vector<16xi32>
    %and3A = arith.constant 65535 : i32
    %and3A_42 = vector.broadcast %and3A : i32 to vector<16xi32>
    %and3A_43 = arith.andi %get3A_41, %and3A_42 : vector<16xi32>
    %swap3A = arith.constant 0 : i32
    %swap3A_44 = arith.index_cast %swap3A : i32 to index
    %swap3A_45 = arith.constant 0 : index
    %swap3A_46 = tpu.vector_load %arg7[%swap3A_44, %swap3A_45] {strides = array<i32>} : memref<2x80xi32, #tpu.memory_space<vmem>>, vector<1x16xi32>,
    %swap3A_47 = vector.shape_cast %swap3A_46 : vector<1x16xi32> to vector<16xi32>
    %swap3A_48 = vector.shape_cast %and3A_43 : vector<16xi32> to vector<1x16xi32>
    tpu.vector_store %arg7[%swap3A_44, %swap3A_45], %swap3A_48 {strides = array<i32>} : memref<2x80xi32, #tpu.memory_space<vmem>>, vector<1x16xi32>,
    %shift_right_logical3A = arith.constant 16 : i32
    %shift_right_logical3A_49 = vector.broadcast %shift_right_logical3A : i32 to vector<16xi32>
    %shift_right_logical3A_50 = arith.shrui %get3A_41, %shift_right_logical3A_49 : vector<16xi32>
    %swap3A_51 = arith.constant 1 : i32
    %swap3A_52 = arith.index_cast %swap3A_51 : i32 to index
    %swap3A_53 = arith.constant 0 : index
    %swap3A_54 = tpu.vector_load %arg7[%swap3A_52, %swap3A_53] {strides = array<i32>} : memref<2x80xi32, #tpu.memory_space<vmem>>, vector<1x16xi32>,
    %swap3A_55 = vector.shape_cast %swap3A_54 : vector<1x16xi32> to vector<16xi32>
    %swap3A_56 = vector.shape_cast %shift_right_logical3A_50 : vector<16xi32> to vector<1x16xi32>
    tpu.vector_store %arg7[%swap3A_52, %swap3A_53], %swap3A_56 {strides = array<i32>} : memref<2x80xi32, #tpu.memory_space<vmem>>, vector<1x16xi32>,
    %get3A_57 = arith.constant 0 : i32
    %get3A_58 = arith.index_cast %get3A_57 : i32 to index
    %get3A_59 = arith.constant 16 : index
    %get3A_60 = tpu.vector_load %arg6[%get3A_58, %get3A_59] {strides = array<i32>} : memref<125x80xi32, #tpu.memory_space<vmem>>, vector<1x16xi32>,
    %get3A_61 = vector.shape_cast %get3A_60 : vector<1x16xi32> to vector<16xi32>
    %and3A_62 = arith.constant 65535 : i32
    %and3A_63 = vector.broadcast %and3A_62 : i32 to vector<16xi32>
    %and3A_64 = arith.andi %get3A_61, %and3A_63 : vector<16xi32>
    %swap3A_65 = arith.constant 0 : i32
    %swap3A_66 = arith.index_cast %swap3A_65 : i32 to index
    %swap3A_67 = arith.constant 16 : index
    %swap3A_68 = tpu.vector_load %arg7[%swap3A_66, %swap3A_67] {strides = array<i32>} : memref<2x80xi32, #tpu.memory_space<vmem>>, vector<1x16xi32>,
    %swap3A_69 = vector.shape_cast %swap3A_68 : vector<1x16xi32> to vector<16xi32>
    %swap3A_70 = vector.shape_cast %and3A_64 : vector<16xi32> to vector<1x16xi32>
    tpu.vector_store %arg7[%swap3A_66, %swap3A_67], %swap3A_70 {strides = array<i32>} : memref<2x80xi32, #tpu.memory_space<vmem>>, vector<1x16xi32>,
    %shift_right_logical3A_71 = arith.constant 16 : i32
    %shift_right_logical3A_72 = vector.broadcast %shift_right_logical3A_71 : i32 to vector<16xi32>
    %shift_right_logical3A_73 = arith.shrui %get3A_61, %shift_right_logical3A_72 : vector<16xi32>
    %swap3A_74 = arith.constant 1 : i32
    %swap3A_75 = arith.index_cast %swap3A_74 : i32 to index
    %swap3A_76 = arith.constant 16 : index
    %swap3A_77 = tpu.vector_load %arg7[%swap3A_75, %swap3A_76] {strides = array<i32>} : memref<2x80xi32, #tpu.memory_space<vmem>>, vector<1x16xi32>,
    %swap3A_78 = vector.shape_cast %swap3A_77 : vector<1x16xi32> to vector<16xi32>
    %swap3A_79 = vector.shape_cast %shift_right_logical3A_73 : vector<16xi32> to vector<1x16xi32>
    tpu.vector_store %arg7[%swap3A_75, %swap3A_76], %swap3A_79 {strides = array<i32>} : memref<2x80xi32, #tpu.memory_space<vmem>>, vector<1x16xi32>,
    %get3A_80 = arith.constant 0 : i32
    %get3A_81 = arith.index_cast %get3A_80 : i32 to index
    %get3A_82 = arith.constant 32 : index
    %get3A_83 = tpu.vector_load %arg6[%get3A_81, %get3A_82] {strides = array<i32>} : memref<125x80xi32, #tpu.memory_space<vmem>>, vector<1x16xi32>,
    %get3A_84 = vector.shape_cast %get3A_83 : vector<1x16xi32> to vector<16xi32>
    %and3A_85 = arith.constant 65535 : i32
    %and3A_86 = vector.broadcast %and3A_85 : i32 to vector<16xi32>
    %and3A_87 = arith.andi %get3A_84, %and3A_86 : vector<16xi32>
    %swap3A_88 = arith.constant 0 : i32
    %swap3A_89 = arith.index_cast %swap3A_88 : i32 to index
    %swap3A_90 = arith.constant 32 : index
    %swap3A_91 = tpu.vector_load %arg7[%swap3A_89, %swap3A_90] {strides = array<i32>} : memref<2x80xi32, #tpu.memory_space<vmem>>, vector<1x16xi32>,
    %swap3A_92 = vector.shape_cast %swap3A_91 : vector<1x16xi32> to vector<16xi32>
    %swap3A_93 = vector.shape_cast %and3A_87 : vector<16xi32> to vector<1x16xi32>
    tpu.vector_store %arg7[%swap3A_89, %swap3A_90], %swap3A_93 {strides = array<i32>} : memref<2x80xi32, #tpu.memory_space<vmem>>, vector<1x16xi32>,
    %shift_right_logical3A_94 = arith.constant 16 : i32
    %shift_right_logical3A_95 = vector.broadcast %shift_right_logical3A_94 : i32 to vector<16xi32>
    %shift_right_logical3A_96 = arith.shrui %get3A_84, %shift_right_logical3A_95 : vector<16xi32>
    %swap3A_97 = arith.constant 1 : i32
    %swap3A_98 = arith.index_cast %swap3A_97 : i32 to index
    %swap3A_99 = arith.constant 32 : index
    %swap3A_100 = tpu.vector_load %arg7[%swap3A_98, %swap3A_99] {strides = array<i32>} : memref<2x80xi32, #tpu.memory_space<vmem>>, vector<1x16xi32>,
    %swap3A_101 = vector.shape_cast %swap3A_100 : vector<1x16xi32> to vector<16xi32>
    %swap3A_102 = vector.shape_cast %shift_right_logical3A_96 : vector<16xi32> to vector<1x16xi32>
    tpu.vector_store %arg7[%swap3A_98, %swap3A_99], %swap3A_102 {strides = array<i32>} : memref<2x80xi32, #tpu.memory_space<vmem>>, vector<1x16xi32>,
    %get3A_103 = arith.constant 0 : i32
    %get3A_104 = arith.index_cast %get3A_103 : i32 to index
    %get3A_105 = arith.constant 48 : index
    %get3A_106 = tpu.vector_load %arg6[%get3A_104, %get3A_105] {strides = array<i32>} : memref<125x80xi32, #tpu.memory_space<vmem>>, vector<1x16xi32>,
    %get3A_107 = vector.shape_cast %get3A_106 : vector<1x16xi32> to vector<16xi32>
    %and3A_108 = arith.constant 65535 : i32
    %and3A_109 = vector.broadcast %and3A_108 : i32 to vector<16xi32>
    %and3A_110 = arith.andi %get3A_107, %and3A_109 : vector<16xi32>
    %swap3A_111 = arith.constant 0 : i32
    %swap3A_112 = arith.index_cast %swap3A_111 : i32 to index
    %swap3A_113 = arith.constant 48 : index
    %swap3A_114 = tpu.vector_load %arg7[%swap3A_112, %swap3A_113] {strides = array<i32>} : memref<2x80xi32, #tpu.memory_space<vmem>>, vector<1x16xi32>,
    %swap3A_115 = vector.shape_cast %swap3A_114 : vector<1x16xi32> to vector<16xi32>
    %swap3A_116 = vector.shape_cast %and3A_110 : vector<16xi32> to vector<1x16xi32>
    tpu.vector_store %arg7[%swap3A_112, %swap3A_113], %swap3A_116 {strides = array<i32>} : memref<2x80xi32, #tpu.memory_space<vmem>>, vector<1x16xi32>,
    %shift_right_logical3A_117 = arith.constant 16 : i32
    %shift_right_logical3A_118 = vector.broadcast %shift_right_logical3A_117 : i32 to vector<16xi32>
    %shift_right_logical3A_119 = arith.shrui %get3A_107, %shift_right_logical3A_118 : vector<16xi32>
    %swap3A_120 = arith.constant 1 : i32
    %swap3A_121 = arith.index_cast %swap3A_120 : i32 to index
    %swap3A_122 = arith.constant 48 : index
    %swap3A_123 = tpu.vector_load %arg7[%swap3A_121, %swap3A_122] {strides = array<i32>} : memref<2x80xi32, #tpu.memory_space<vmem>>, vector<1x16xi32>,
    %swap3A_124 = vector.shape_cast %swap3A_123 : vector<1x16xi32> to vector<16xi32>
    %swap3A_125 = vector.shape_cast %shift_right_logical3A_119 : vector<16xi32> to vector<1x16xi32>
    tpu.vector_store %arg7[%swap3A_121, %swap3A_122], %swap3A_125 {strides = array<i32>} : memref<2x80xi32, #tpu.memory_space<vmem>>, vector<1x16xi32>,
    %get3A_126 = arith.constant 0 : i32
    %get3A_127 = arith.index_cast %get3A_126 : i32 to index
    %get3A_128 = arith.constant 64 : index
    %get3A_129 = tpu.vector_load %arg6[%get3A_127, %get3A_128] {strides = array<i32>} : memref<125x80xi32, #tpu.memory_space<vmem>>, vector<1x16xi32>,
    %get3A_130 = vector.shape_cast %get3A_129 : vector<1x16xi32> to vector<16xi32>
    %and3A_131 = arith.constant 65535 : i32
    %and3A_132 = vector.broadcast %and3A_131 : i32 to vector<16xi32>
    %and3A_133 = arith.andi %get3A_130, %and3A_132 : vector<16xi32>
    %swap3A_134 = arith.constant 0 : i32
    %swap3A_135 = arith.index_cast %swap3A_134 : i32 to index
    %swap3A_136 = arith.constant 64 : index
    %swap3A_137 = tpu.vector_load %arg7[%swap3A_135, %swap3A_136] {strides = array<i32>} : memref<2x80xi32, #tpu.memory_space<vmem>>, vector<1x16xi32>,
    %swap3A_138 = vector.shape_cast %swap3A_137 : vector<1x16xi32> to vector<16xi32>
    %swap3A_139 = vector.shape_cast %and3A_133 : vector<16xi32> to vector<1x16xi32>
    tpu.vector_store %arg7[%swap3A_135, %swap3A_136], %swap3A_139 {strides = array<i32>} : memref<2x80xi32, #tpu.memory_space<vmem>>, vector<1x16xi32>,
    %shift_right_logical3A_140 = arith.constant 16 : i32
    %shift_right_logical3A_141 = vector.broadcast %shift_right_logical3A_140 : i32 to vector<16xi32>
    %shift_right_logical3A_142 = arith.shrui %get3A_130, %shift_right_logical3A_141 : vector<16xi32>
    %swap3A_143 = arith.constant 1 : i32
    %swap3A_144 = arith.index_cast %swap3A_143 : i32 to index
    %swap3A_145 = arith.constant 64 : index
    %swap3A_146 = tpu.vector_load %arg7[%swap3A_144, %swap3A_145] {strides = array<i32>} : memref<2x80xi32, #tpu.memory_space<vmem>>, vector<1x16xi32>,
    %swap3A_147 = vector.shape_cast %swap3A_146 : vector<1x16xi32> to vector<16xi32>
    %swap3A_148 = vector.shape_cast %shift_right_logical3A_142 : vector<16xi32> to vector<1x16xi32>
    tpu.vector_store %arg7[%swap3A_144, %swap3A_145], %swap3A_148 {strides = array<i32>} : memref<2x80xi32, #tpu.memory_space<vmem>>, vector<1x16xi32>,
    %dma_start3A = arith.constant 0 : i32
    %dma_start3A_149 = arith.constant 0 : i32
    %dma_start3A_150 = tpu.memref_slice %arg7[%dma_start3A, %dma_start3A_149] : memref<2x80xi32, #tpu.memory_space<vmem>> -> memref<1x80xi32, #tpu.memory_space<vmem>>
    %dma_start3A_151 = tpu.memref_squeeze %dma_start3A_150 : memref<1x80xi32, #tpu.memory_space<vmem>> -> memref<80xi32, #tpu.memory_space<vmem>>
    %dma_start3A_152 = arith.constant 0 : i32
    %dma_start3A_153 = arith.constant 0 : i32
    %dma_start3A_154 = tpu.memref_slice %arg2[%dma_start3A_152, %dma_start3A_153] : memref<10000x128xf32, #tpu.memory_space<hbm>> -> memref<10000x128xf32, #tpu.memory_space<hbm>>
    tpu.enqueue_indirect_dma source(%dma_start3A_154 : memref<10000x128xf32, #tpu.memory_space<hbm>>) target(%arg9 : memref<80x128xf32, #tpu.memory_space<vmem>>) offsets(%dma_start3A_151 : memref<80xi32, #tpu.memory_space<vmem>>) semaphore(%arg11 : memref<!tpu.dma_semaphore, #tpu.memory_space<semaphore_mem>>)
    %scan3A_155 = arith.constant 0 : i32
    %scan3A_156 = arith.constant 0 : i32
    %scan3A_157 = arith.constant 62 : i32
    %scan3A_158 = arith.addi %scan3A_156, %scan3A_157 : i32
    %scan3A_159 = arith.constant 1 : i32
    scf.for %scan3A_172 = %scan3A_156 to %scan3A_158 step %scan3A_159  : i32 {
      %dma_wait3A_173 = arith.constant 0 : i32
      %dma_wait3A_174 = arith.constant 0 : i32
      %dma_wait3A_175 = tpu.memref_slice %arg7[%dma_wait3A_173, %dma_wait3A_174] : memref<2x80xi32, #tpu.memory_space<vmem>> -> memref<1x80xi32, #tpu.memory_space<vmem>>
      %dma_wait3A_176 = tpu.memref_squeeze %dma_wait3A_175 : memref<1x80xi32, #tpu.memory_space<vmem>> -> memref<80xi32, #tpu.memory_space<vmem>>
      %dma_wait3A_177 = arith.constant 0 : i32
      %dma_wait3A_178 = arith.constant 0 : i32
      %dma_wait3A_179 = tpu.memref_slice %arg2[%dma_wait3A_177, %dma_wait3A_178] : memref<10000x128xf32, #tpu.memory_space<hbm>> -> memref<10000x128xf32, #tpu.memory_space<hbm>>
      tpu.wait_indirect_dma semaphore(%arg11 : memref<!tpu.dma_semaphore, #tpu.memory_space<semaphore_mem>>) src(%dma_wait3A_179 : memref<10000x128xf32, #tpu.memory_space<hbm>>) dst(%arg9 : memref<80x128xf32, #tpu.memory_space<vmem>>)
      %mul3A_180 = arith.constant 2 : i32
      %mul3A_181 = arith.muli %mul3A_180, %scan3A_172 : i32
      %add3A_182 = arith.constant 1 : i32
      %add3A_183 = arith.addi %mul3A_181, %add3A_182 : i32
      %get3A_184 = arith.index_cast %add3A_183 : i32 to index
      %get3A_185 = arith.constant 0 : index
      %get3A_186 = tpu.vector_load %arg6[%get3A_184, %get3A_185] {strides = array<i32>} : memref<125x80xi32, #tpu.memory_space<vmem>>, vector<1x16xi32>,
      %get3A_187 = vector.shape_cast %get3A_186 : vector<1x16xi32> to vector<16xi32>
      %and3A_188 = arith.constant 65535 : i32
      %and3A_189 = vector.broadcast %and3A_188 : i32 to vector<16xi32>
      %and3A_190 = arith.andi %get3A_187, %and3A_189 : vector<16xi32>
      %swap3A_191 = arith.constant 0 : i32
      %swap3A_192 = arith.index_cast %swap3A_191 : i32 to index
      %swap3A_193 = arith.constant 0 : index
      %swap3A_194 = tpu.vector_load %arg8[%swap3A_192, %swap3A_193] {strides = array<i32>} : memref<2x80xi32, #tpu.memory_space<vmem>>, vector<1x16xi32>,
      %swap3A_195 = vector.shape_cast %swap3A_194 : vector<1x16xi32> to vector<16xi32>
      %swap3A_196 = vector.shape_cast %and3A_190 : vector<16xi32> to vector<1x16xi32>
      tpu.vector_store %arg8[%swap3A_192, %swap3A_193], %swap3A_196 {strides = array<i32>} : memref<2x80xi32, #tpu.memory_space<vmem>>, vector<1x16xi32>,
      %shift_right_logical3A_197 = arith.constant 16 : i32
      %shift_right_logical3A_198 = vector.broadcast %shift_right_logical3A_197 : i32 to vector<16xi32>
      %shift_right_logical3A_199 = arith.shrui %get3A_187, %shift_right_logical3A_198 : vector<16xi32>
      %swap3A_200 = arith.constant 1 : i32
      %swap3A_201 = arith.index_cast %swap3A_200 : i32 to index
      %swap3A_202 = arith.constant 0 : index
      %swap3A_203 = tpu.vector_load %arg8[%swap3A_201, %swap3A_202] {strides = array<i32>} : memref<2x80xi32, #tpu.memory_space<vmem>>, vector<1x16xi32>,
      %swap3A_204 = vector.shape_cast %swap3A_203 : vector<1x16xi32> to vector<16xi32>
      %swap3A_205 = vector.shape_cast %shift_right_logical3A_199 : vector<16xi32> to vector<1x16xi32>
      tpu.vector_store %arg8[%swap3A_201, %swap3A_202], %swap3A_205 {strides = array<i32>} : memref<2x80xi32, #tpu.memory_space<vmem>>, vector<1x16xi32>,
      %get3A_206 = arith.index_cast %add3A_183 : i32 to index
      %get3A_207 = arith.constant 16 : index
      %get3A_208 = tpu.vector_load %arg6[%get3A_206, %get3A_207] {strides = array<i32>} : memref<125x80xi32, #tpu.memory_space<vmem>>, vector<1x16xi32>,
      %get3A_209 = vector.shape_cast %get3A_208 : vector<1x16xi32> to vector<16xi32>
      %and3A_210 = arith.constant 65535 : i32
      %and3A_211 = vector.broadcast %and3A_210 : i32 to vector<16xi32>
      %and3A_212 = arith.andi %get3A_209, %and3A_211 : vector<16xi32>
      %swap3A_213 = arith.constant 0 : i32
      %swap3A_214 = arith.index_cast %swap3A_213 : i32 to index
      %swap3A_215 = arith.constant 16 : index
      %swap3A_216 = tpu.vector_load %arg8[%swap3A_214, %swap3A_215] {strides = array<i32>} : memref<2x80xi32, #tpu.memory_space<vmem>>, vector<1x16xi32>,
      %swap3A_217 = vector.shape_cast %swap3A_216 : vector<1x16xi32> to vector<16xi32>
      %swap3A_218 = vector.shape_cast %and3A_212 : vector<16xi32> to vector<1x16xi32>
      tpu.vector_store %arg8[%swap3A_214, %swap3A_215], %swap3A_218 {strides = array<i32>} : memref<2x80xi32, #tpu.memory_space<vmem>>, vector<1x16xi32>,
      %shift_right_logical3A_219 = arith.constant 16 : i32
      %shift_right_logical3A_220 = vector.broadcast %shift_right_logical3A_219 : i32 to vector<16xi32>
      %shift_right_logical3A_221 = arith.shrui %get3A_209, %shift_right_logical3A_220 : vector<16xi32>
      %swap3A_222 = arith.constant 1 : i32
      %swap3A_223 = arith.index_cast %swap3A_222 : i32 to index
      %swap3A_224 = arith.constant 16 : index
      %swap3A_225 = tpu.vector_load %arg8[%swap3A_223, %swap3A_224] {strides = array<i32>} : memref<2x80xi32, #tpu.memory_space<vmem>>, vector<1x16xi32>,
      %swap3A_226 = vector.shape_cast %swap3A_225 : vector<1x16xi32> to vector<16xi32>
      %swap3A_227 = vector.shape_cast %shift_right_logical3A_221 : vector<16xi32> to vector<1x16xi32>
      tpu.vector_store %arg8[%swap3A_223, %swap3A_224], %swap3A_227 {strides = array<i32>} : memref<2x80xi32, #tpu.memory_space<vmem>>, vector<1x16xi32>,
      %get3A_228 = arith.index_cast %add3A_183 : i32 to index
      %get3A_229 = arith.constant 32 : index
      %get3A_230 = tpu.vector_load %arg6[%get3A_228, %get3A_229] {strides = array<i32>} : memref<125x80xi32, #tpu.memory_space<vmem>>, vector<1x16xi32>,
      %get3A_231 = vector.shape_cast %get3A_230 : vector<1x16xi32> to vector<16xi32>
      %and3A_232 = arith.constant 65535 : i32
      %and3A_233 = vector.broadcast %and3A_232 : i32 to vector<16xi32>
      %and3A_234 = arith.andi %get3A_231, %and3A_233 : vector<16xi32>
      %swap3A_235 = arith.constant 0 : i32
      %swap3A_236 = arith.index_cast %swap3A_235 : i32 to index
      %swap3A_237 = arith.constant 32 : index
      %swap3A_238 = tpu.vector_load %arg8[%swap3A_236, %swap3A_237] {strides = array<i32>} : memref<2x80xi32, #tpu.memory_space<vmem>>, vector<1x16xi32>,
      %swap3A_239 = vector.shape_cast %swap3A_238 : vector<1x16xi32> to vector<16xi32>
      %swap3A_240 = vector.shape_cast %and3A_234 : vector<16xi32> to vector<1x16xi32>
      tpu.vector_store %arg8[%swap3A_236, %swap3A_237], %swap3A_240 {strides = array<i32>} : memref<2x80xi32, #tpu.memory_space<vmem>>, vector<1x16xi32>,
      %shift_right_logical3A_241 = arith.constant 16 : i32
      %shift_right_logical3A_242 = vector.broadcast %shift_right_logical3A_241 : i32 to vector<16xi32>
      %shift_right_logical3A_243 = arith.shrui %get3A_231, %shift_right_logical3A_242 : vector<16xi32>
      %swap3A_244 = arith.constant 1 : i32
      %swap3A_245 = arith.index_cast %swap3A_244 : i32 to index
      %swap3A_246 = arith.constant 32 : index
      %swap3A_247 = tpu.vector_load %arg8[%swap3A_245, %swap3A_246] {strides = array<i32>} : memref<2x80xi32, #tpu.memory_space<vmem>>, vector<1x16xi32>,
      %swap3A_248 = vector.shape_cast %swap3A_247 : vector<1x16xi32> to vector<16xi32>
      %swap3A_249 = vector.shape_cast %shift_right_logical3A_243 : vector<16xi32> to vector<1x16xi32>
      tpu.vector_store %arg8[%swap3A_245, %swap3A_246], %swap3A_249 {strides = array<i32>} : memref<2x80xi32, #tpu.memory_space<vmem>>, vector<1x16xi32>,
      %get3A_250 = arith.index_cast %add3A_183 : i32 to index
      %get3A_251 = arith.constant 48 : index
      %get3A_252 = tpu.vector_load %arg6[%get3A_250, %get3A_251] {strides = array<i32>} : memref<125x80xi32, #tpu.memory_space<vmem>>, vector<1x16xi32>,
      %get3A_253 = vector.shape_cast %get3A_252 : vector<1x16xi32> to vector<16xi32>
      %and3A_254 = arith.constant 65535 : i32
      %and3A_255 = vector.broadcast %and3A_254 : i32 to vector<16xi32>
      %and3A_256 = arith.andi %get3A_253, %and3A_255 : vector<16xi32>
      %swap3A_257 = arith.constant 0 : i32
      %swap3A_258 = arith.index_cast %swap3A_257 : i32 to index
      %swap3A_259 = arith.constant 48 : index
      %swap3A_260 = tpu.vector_load %arg8[%swap3A_258, %swap3A_259] {strides = array<i32>} : memref<2x80xi32, #tpu.memory_space<vmem>>, vector<1x16xi32>,
      %swap3A_261 = vector.shape_cast %swap3A_260 : vector<1x16xi32> to vector<16xi32>
      %swap3A_262 = vector.shape_cast %and3A_256 : vector<16xi32> to vector<1x16xi32>
      tpu.vector_store %arg8[%swap3A_258, %swap3A_259], %swap3A_262 {strides = array<i32>} : memref<2x80xi32, #tpu.memory_space<vmem>>, vector<1x16xi32>,
      %shift_right_logical3A_263 = arith.constant 16 : i32
      %shift_right_logical3A_264 = vector.broadcast %shift_right_logical3A_263 : i32 to vector<16xi32>
      %shift_right_logical3A_265 = arith.shrui %get3A_253, %shift_right_logical3A_264 : vector<16xi32>
      %swap3A_266 = arith.constant 1 : i32
      %swap3A_267 = arith.index_cast %swap3A_266 : i32 to index
      %swap3A_268 = arith.constant 48 : index
      %swap3A_269 = tpu.vector_load %arg8[%swap3A_267, %swap3A_268] {strides = array<i32>} : memref<2x80xi32, #tpu.memory_space<vmem>>, vector<1x16xi32>,
      %swap3A_270 = vector.shape_cast %swap3A_269 : vector<1x16xi32> to vector<16xi32>
      %swap3A_271 = vector.shape_cast %shift_right_logical3A_265 : vector<16xi32> to vector<1x16xi32>
      tpu.vector_store %arg8[%swap3A_267, %swap3A_268], %swap3A_271 {strides = array<i32>} : memref<2x80xi32, #tpu.memory_space<vmem>>, vector<1x16xi32>,
      %get3A_272 = arith.index_cast %add3A_183 : i32 to index
      %get3A_273 = arith.constant 64 : index
      %get3A_274 = tpu.vector_load %arg6[%get3A_272, %get3A_273] {strides = array<i32>} : memref<125x80xi32, #tpu.memory_space<vmem>>, vector<1x16xi32>,
      %get3A_275 = vector.shape_cast %get3A_274 : vector<1x16xi32> to vector<16xi32>
      %and3A_276 = arith.constant 65535 : i32
      %and3A_277 = vector.broadcast %and3A_276 : i32 to vector<16xi32>
      %and3A_278 = arith.andi %get3A_275, %and3A_277 : vector<16xi32>
      %swap3A_279 = arith.constant 0 : i32
      %swap3A_280 = arith.index_cast %swap3A_279 : i32 to index
      %swap3A_281 = arith.constant 64 : index
      %swap3A_282 = tpu.vector_load %arg8[%swap3A_280, %swap3A_281] {strides = array<i32>} : memref<2x80xi32, #tpu.memory_space<vmem>>, vector<1x16xi32>,
      %swap3A_283 = vector.shape_cast %swap3A_282 : vector<1x16xi32> to vector<16xi32>
      %swap3A_284 = vector.shape_cast %and3A_278 : vector<16xi32> to vector<1x16xi32>
      tpu.vector_store %arg8[%swap3A_280, %swap3A_281], %swap3A_284 {strides = array<i32>} : memref<2x80xi32, #tpu.memory_space<vmem>>, vector<1x16xi32>,
      %shift_right_logical3A_285 = arith.constant 16 : i32
      %shift_right_logical3A_286 = vector.broadcast %shift_right_logical3A_285 : i32 to vector<16xi32>
      %shift_right_logical3A_287 = arith.shrui %get3A_275, %shift_right_logical3A_286 : vector<16xi32>
      %swap3A_288 = arith.constant 1 : i32
      %swap3A_289 = arith.index_cast %swap3A_288 : i32 to index
      %swap3A_290 = arith.constant 64 : index
      %swap3A_291 = tpu.vector_load %arg8[%swap3A_289, %swap3A_290] {strides = array<i32>} : memref<2x80xi32, #tpu.memory_space<vmem>>, vector<1x16xi32>,
      %swap3A_292 = vector.shape_cast %swap3A_291 : vector<1x16xi32> to vector<16xi32>
      %swap3A_293 = vector.shape_cast %shift_right_logical3A_287 : vector<16xi32> to vector<1x16xi32>
      tpu.vector_store %arg8[%swap3A_289, %swap3A_290], %swap3A_293 {strides = array<i32>} : memref<2x80xi32, #tpu.memory_space<vmem>>, vector<1x16xi32>,
      %dma_start3A_294 = arith.constant 0 : i32
      %dma_start3A_295 = arith.constant 0 : i32
      %dma_start3A_296 = tpu.memref_slice %arg8[%dma_start3A_294, %dma_start3A_295] : memref<2x80xi32, #tpu.memory_space<vmem>> -> memref<1x80xi32, #tpu.memory_space<vmem>>
      %dma_start3A_297 = tpu.memref_squeeze %dma_start3A_296 : memref<1x80xi32, #tpu.memory_space<vmem>> -> memref<80xi32, #tpu.memory_space<vmem>>
      %dma_start3A_298 = arith.constant 0 : i32
      %dma_start3A_299 = arith.constant 0 : i32
      %dma_start3A_300 = tpu.memref_slice %arg2[%dma_start3A_298, %dma_start3A_299] : memref<10000x128xf32, #tpu.memory_space<hbm>> -> memref<10000x128xf32, #tpu.memory_space<hbm>>
      tpu.enqueue_indirect_dma source(%dma_start3A_300 : memref<10000x128xf32, #tpu.memory_space<hbm>>) target(%arg10 : memref<80x128xf32, #tpu.memory_space<vmem>>) offsets(%dma_start3A_297 : memref<80xi32, #tpu.memory_space<vmem>>) semaphore(%arg11 : memref<!tpu.dma_semaphore, #tpu.memory_space<semaphore_mem>>)
      %run_scoped3A_301 = arith.constant 1 : i32
      "tpu.region"() ({
        %run_scoped3A_431 = tpu.sem_alloc : memref<!tpu.dma_semaphore, #tpu.memory_space<semaphore_mem>>
        %dma_start3A_432 = arith.constant 0 : i32
        %dma_start3A_433 = tpu.memref_slice %arg7[%run_scoped3A_301, %dma_start3A_432] : memref<2x80xi32, #tpu.memory_space<vmem>> -> memref<1x80xi32, #tpu.memory_space<vmem>>
        %dma_start3A_434 = tpu.memref_squeeze %dma_start3A_433 : memref<1x80xi32, #tpu.memory_space<vmem>> -> memref<80xi32, #tpu.memory_space<vmem>>
        %dma_start3A_435 = arith.constant 0 : i32
        %dma_start3A_436 = arith.constant 0 : i32
        %dma_start3A_437 = tpu.memref_slice %arg5[%dma_start3A_435, %dma_start3A_436] : memref<10240x128xf32, #tpu.memory_space<vmem_shared>> -> memref<10240x128xf32, #tpu.memory_space<vmem_shared>>
        tpu.enqueue_indirect_dma source(%arg9 : memref<80x128xf32, #tpu.memory_space<vmem>>) target(%dma_start3A_437 : memref<10240x128xf32, #tpu.memory_space<vmem_shared>>) offsets(%dma_start3A_434 : memref<80xi32, #tpu.memory_space<vmem>>) semaphore(%run_scoped3A_431 : memref<!tpu.dma_semaphore, #tpu.memory_space<semaphore_mem>>) {add = true}
        %dma_wait3A_438 = arith.constant 0 : i32
        %dma_wait3A_439 = tpu.memref_slice %arg7[%run_scoped3A_301, %dma_wait3A_438] : memref<2x80xi32, #tpu.memory_space<vmem>> -> memref<1x80xi32, #tpu.memory_space<vmem>>
        %dma_wait3A_440 = tpu.memref_squeeze %dma_wait3A_439 : memref<1x80xi32, #tpu.memory_space<vmem>> -> memref<80xi32, #tpu.memory_space<vmem>>
        %dma_wait3A_441 = arith.constant 0 : i32
        %dma_wait3A_442 = arith.constant 0 : i32
        %dma_wait3A_443 = tpu.memref_slice %arg5[%dma_wait3A_441, %dma_wait3A_442] : memref<10240x128xf32, #tpu.memory_space<vmem_shared>> -> memref<10240x128xf32, #tpu.memory_space<vmem_shared>>
        tpu.wait_indirect_dma semaphore(%run_scoped3A_431 : memref<!tpu.dma_semaphore, #tpu.memory_space<semaphore_mem>>) src(%arg9 : memref<80x128xf32, #tpu.memory_space<vmem>>) dst(%dma_wait3A_443 : memref<10240x128xf32, #tpu.memory_space<vmem_shared>>)
        tpu.yield
      }) : () -> ()
      %dma_wait3A_302 = arith.constant 0 : i32
      %dma_wait3A_303 = arith.constant 0 : i32
      %dma_wait3A_304 = tpu.memref_slice %arg8[%dma_wait3A_302, %dma_wait3A_303] : memref<2x80xi32, #tpu.memory_space<vmem>> -> memref<1x80xi32, #tpu.memory_space<vmem>>
      %dma_wait3A_305 = tpu.memref_squeeze %dma_wait3A_304 : memref<1x80xi32, #tpu.memory_space<vmem>> -> memref<80xi32, #tpu.memory_space<vmem>>
      %dma_wait3A_306 = arith.constant 0 : i32
      %dma_wait3A_307 = arith.constant 0 : i32
      %dma_wait3A_308 = tpu.memref_slice %arg2[%dma_wait3A_306, %dma_wait3A_307] : memref<10000x128xf32, #tpu.memory_space<hbm>> -> memref<10000x128xf32, #tpu.memory_space<hbm>>
      tpu.wait_indirect_dma semaphore(%arg11 : memref<!tpu.dma_semaphore, #tpu.memory_space<semaphore_mem>>) src(%dma_wait3A_308 : memref<10000x128xf32, #tpu.memory_space<hbm>>) dst(%arg10 : memref<80x128xf32, #tpu.memory_space<vmem>>)
      %mul3A_309 = arith.constant 2 : i32
      %mul3A_310 = arith.muli %mul3A_309, %scan3A_172 : i32
      %add3A_311 = arith.constant 2 : i32
      %add3A_312 = arith.addi %mul3A_310, %add3A_311 : i32
      %get3A_313 = arith.index_cast %add3A_312 : i32 to index
      %get3A_314 = arith.constant 0 : index
      %get3A_315 = tpu.vector_load %arg6[%get3A_313, %get3A_314] {strides = array<i32>} : memref<125x80xi32, #tpu.memory_space<vmem>>, vector<1x16xi32>,
      %get3A_316 = vector.shape_cast %get3A_315 : vector<1x16xi32> to vector<16xi32>
      %and3A_317 = arith.constant 65535 : i32
      %and3A_318 = vector.broadcast %and3A_317 : i32 to vector<16xi32>
      %and3A_319 = arith.andi %get3A_316, %and3A_318 : vector<16xi32>
      %swap3A_320 = arith.constant 0 : i32
      %swap3A_321 = arith.index_cast %swap3A_320 : i32 to index
      %swap3A_322 = arith.constant 0 : index
      %swap3A_323 = tpu.vector_load %arg7[%swap3A_321, %swap3A_322] {strides = array<i32>} : memref<2x80xi32, #tpu.memory_space<vmem>>, vector<1x16xi32>,
      %swap3A_324 = vector.shape_cast %swap3A_323 : vector<1x16xi32> to vector<16xi32>
      %swap3A_325 = vector.shape_cast %and3A_319 : vector<16xi32> to vector<1x16xi32>
      tpu.vector_store %arg7[%swap3A_321, %swap3A_322], %swap3A_325 {strides = array<i32>} : memref<2x80xi32, #tpu.memory_space<vmem>>, vector<1x16xi32>,
      %shift_right_logical3A_326 = arith.constant 16 : i32
      %shift_right_logical3A_327 = vector.broadcast %shift_right_logical3A_326 : i32 to vector<16xi32>
      %shift_right_logical3A_328 = arith.shrui %get3A_316, %shift_right_logical3A_327 : vector<16xi32>
      %swap3A_329 = arith.constant 1 : i32
      %swap3A_330 = arith.index_cast %swap3A_329 : i32 to index
      %swap3A_331 = arith.constant 0 : index
      %swap3A_332 = tpu.vector_load %arg7[%swap3A_330, %swap3A_331] {strides = array<i32>} : memref<2x80xi32, #tpu.memory_space<vmem>>, vector<1x16xi32>,
      %swap3A_333 = vector.shape_cast %swap3A_332 : vector<1x16xi32> to vector<16xi32>
      %swap3A_334 = vector.shape_cast %shift_right_logical3A_328 : vector<16xi32> to vector<1x16xi32>
      tpu.vector_store %arg7[%swap3A_330, %swap3A_331], %swap3A_334 {strides = array<i32>} : memref<2x80xi32, #tpu.memory_space<vmem>>, vector<1x16xi32>,
      %get3A_335 = arith.index_cast %add3A_312 : i32 to index
      %get3A_336 = arith.constant 16 : index
      %get3A_337 = tpu.vector_load %arg6[%get3A_335, %get3A_336] {strides = array<i32>} : memref<125x80xi32, #tpu.memory_space<vmem>>, vector<1x16xi32>,
      %get3A_338 = vector.shape_cast %get3A_337 : vector<1x16xi32> to vector<16xi32>
      %and3A_339 = arith.constant 65535 : i32
      %and3A_340 = vector.broadcast %and3A_339 : i32 to vector<16xi32>
      %and3A_341 = arith.andi %get3A_338, %and3A_340 : vector<16xi32>
      %swap3A_342 = arith.constant 0 : i32
      %swap3A_343 = arith.index_cast %swap3A_342 : i32 to index
      %swap3A_344 = arith.constant 16 : index
      %swap3A_345 = tpu.vector_load %arg7[%swap3A_343, %swap3A_344] {strides = array<i32>} : memref<2x80xi32, #tpu.memory_space<vmem>>, vector<1x16xi32>,
      %swap3A_346 = vector.shape_cast %swap3A_345 : vector<1x16xi32> to vector<16xi32>
      %swap3A_347 = vector.shape_cast %and3A_341 : vector<16xi32> to vector<1x16xi32>
      tpu.vector_store %arg7[%swap3A_343, %swap3A_344], %swap3A_347 {strides = array<i32>} : memref<2x80xi32, #tpu.memory_space<vmem>>, vector<1x16xi32>,
      %shift_right_logical3A_348 = arith.constant 16 : i32
      %shift_right_logical3A_349 = vector.broadcast %shift_right_logical3A_348 : i32 to vector<16xi32>
      %shift_right_logical3A_350 = arith.shrui %get3A_338, %shift_right_logical3A_349 : vector<16xi32>
      %swap3A_351 = arith.constant 1 : i32
      %swap3A_352 = arith.index_cast %swap3A_351 : i32 to index
      %swap3A_353 = arith.constant 16 : index
      %swap3A_354 = tpu.vector_load %arg7[%swap3A_352, %swap3A_353] {strides = array<i32>} : memref<2x80xi32, #tpu.memory_space<vmem>>, vector<1x16xi32>,
      %swap3A_355 = vector.shape_cast %swap3A_354 : vector<1x16xi32> to vector<16xi32>
      %swap3A_356 = vector.shape_cast %shift_right_logical3A_350 : vector<16xi32> to vector<1x16xi32>
      tpu.vector_store %arg7[%swap3A_352, %swap3A_353], %swap3A_356 {strides = array<i32>} : memref<2x80xi32, #tpu.memory_space<vmem>>, vector<1x16xi32>,
      %get3A_357 = arith.index_cast %add3A_312 : i32 to index
      %get3A_358 = arith.constant 32 : index
      %get3A_359 = tpu.vector_load %arg6[%get3A_357, %get3A_358] {strides = array<i32>} : memref<125x80xi32, #tpu.memory_space<vmem>>, vector<1x16xi32>,
      %get3A_360 = vector.shape_cast %get3A_359 : vector<1x16xi32> to vector<16xi32>
      %and3A_361 = arith.constant 65535 : i32
      %and3A_362 = vector.broadcast %and3A_361 : i32 to vector<16xi32>
      %and3A_363 = arith.andi %get3A_360, %and3A_362 : vector<16xi32>
      %swap3A_364 = arith.constant 0 : i32
      %swap3A_365 = arith.index_cast %swap3A_364 : i32 to index
      %swap3A_366 = arith.constant 32 : index
      %swap3A_367 = tpu.vector_load %arg7[%swap3A_365, %swap3A_366] {strides = array<i32>} : memref<2x80xi32, #tpu.memory_space<vmem>>, vector<1x16xi32>,
      %swap3A_368 = vector.shape_cast %swap3A_367 : vector<1x16xi32> to vector<16xi32>
      %swap3A_369 = vector.shape_cast %and3A_363 : vector<16xi32> to vector<1x16xi32>
      tpu.vector_store %arg7[%swap3A_365, %swap3A_366], %swap3A_369 {strides = array<i32>} : memref<2x80xi32, #tpu.memory_space<vmem>>, vector<1x16xi32>,
      %shift_right_logical3A_370 = arith.constant 16 : i32
      %shift_right_logical3A_371 = vector.broadcast %shift_right_logical3A_370 : i32 to vector<16xi32>
      %shift_right_logical3A_372 = arith.shrui %get3A_360, %shift_right_logical3A_371 : vector<16xi32>
      %swap3A_373 = arith.constant 1 : i32
      %swap3A_374 = arith.index_cast %swap3A_373 : i32 to index
      %swap3A_375 = arith.constant 32 : index
      %swap3A_376 = tpu.vector_load %arg7[%swap3A_374, %swap3A_375] {strides = array<i32>} : memref<2x80xi32, #tpu.memory_space<vmem>>, vector<1x16xi32>,
      %swap3A_377 = vector.shape_cast %swap3A_376 : vector<1x16xi32> to vector<16xi32>
      %swap3A_378 = vector.shape_cast %shift_right_logical3A_372 : vector<16xi32> to vector<1x16xi32>
      tpu.vector_store %arg7[%swap3A_374, %swap3A_375], %swap3A_378 {strides = array<i32>} : memref<2x80xi32, #tpu.memory_space<vmem>>, vector<1x16xi32>,
      %get3A_379 = arith.index_cast %add3A_312 : i32 to index
      %get3A_380 = arith.constant 48 : index
      %get3A_381 = tpu.vector_load %arg6[%get3A_379, %get3A_380] {strides = array<i32>} : memref<125x80xi32, #tpu.memory_space<vmem>>, vector<1x16xi32>,
      %get3A_382 = vector.shape_cast %get3A_381 : vector<1x16xi32> to vector<16xi32>
      %and3A_383 = arith.constant 65535 : i32
      %and3A_384 = vector.broadcast %and3A_383 : i32 to vector<16xi32>
      %and3A_385 = arith.andi %get3A_382, %and3A_384 : vector<16xi32>
      %swap3A_386 = arith.constant 0 : i32
      %swap3A_387 = arith.index_cast %swap3A_386 : i32 to index
      %swap3A_388 = arith.constant 48 : index
      %swap3A_389 = tpu.vector_load %arg7[%swap3A_387, %swap3A_388] {strides = array<i32>} : memref<2x80xi32, #tpu.memory_space<vmem>>, vector<1x16xi32>,
      %swap3A_390 = vector.shape_cast %swap3A_389 : vector<1x16xi32> to vector<16xi32>
      %swap3A_391 = vector.shape_cast %and3A_385 : vector<16xi32> to vector<1x16xi32>
      tpu.vector_store %arg7[%swap3A_387, %swap3A_388], %swap3A_391 {strides = array<i32>} : memref<2x80xi32, #tpu.memory_space<vmem>>, vector<1x16xi32>,
      %shift_right_logical3A_392 = arith.constant 16 : i32
      %shift_right_logical3A_393 = vector.broadcast %shift_right_logical3A_392 : i32 to vector<16xi32>
      %shift_right_logical3A_394 = arith.shrui %get3A_382, %shift_right_logical3A_393 : vector<16xi32>
      %swap3A_395 = arith.constant 1 : i32
      %swap3A_396 = arith.index_cast %swap3A_395 : i32 to index
      %swap3A_397 = arith.constant 48 : index
      %swap3A_398 = tpu.vector_load %arg7[%swap3A_396, %swap3A_397] {strides = array<i32>} : memref<2x80xi32, #tpu.memory_space<vmem>>, vector<1x16xi32>,
      %swap3A_399 = vector.shape_cast %swap3A_398 : vector<1x16xi32> to vector<16xi32>
      %swap3A_400 = vector.shape_cast %shift_right_logical3A_394 : vector<16xi32> to vector<1x16xi32>
      tpu.vector_store %arg7[%swap3A_396, %swap3A_397], %swap3A_400 {strides = array<i32>} : memref<2x80xi32, #tpu.memory_space<vmem>>, vector<1x16xi32>,
      %get3A_401 = arith.index_cast %add3A_312 : i32 to index
      %get3A_402 = arith.constant 64 : index
      %get3A_403 = tpu.vector_load %arg6[%get3A_401, %get3A_402] {strides = array<i32>} : memref<125x80xi32, #tpu.memory_space<vmem>>, vector<1x16xi32>,
      %get3A_404 = vector.shape_cast %get3A_403 : vector<1x16xi32> to vector<16xi32>
      %and3A_405 = arith.constant 65535 : i32
      %and3A_406 = vector.broadcast %and3A_405 : i32 to vector<16xi32>
      %and3A_407 = arith.andi %get3A_404, %and3A_406 : vector<16xi32>
      %swap3A_408 = arith.constant 0 : i32
      %swap3A_409 = arith.index_cast %swap3A_408 : i32 to index
      %swap3A_410 = arith.constant 64 : index
      %swap3A_411 = tpu.vector_load %arg7[%swap3A_409, %swap3A_410] {strides = array<i32>} : memref<2x80xi32, #tpu.memory_space<vmem>>, vector<1x16xi32>,
      %swap3A_412 = vector.shape_cast %swap3A_411 : vector<1x16xi32> to vector<16xi32>
      %swap3A_413 = vector.shape_cast %and3A_407 : vector<16xi32> to vector<1x16xi32>
      tpu.vector_store %arg7[%swap3A_409, %swap3A_410], %swap3A_413 {strides = array<i32>} : memref<2x80xi32, #tpu.memory_space<vmem>>, vector<1x16xi32>,
      %shift_right_logical3A_414 = arith.constant 16 : i32
      %shift_right_logical3A_415 = vector.broadcast %shift_right_logical3A_414 : i32 to vector<16xi32>
      %shift_right_logical3A_416 = arith.shrui %get3A_404, %shift_right_logical3A_415 : vector<16xi32>
      %swap3A_417 = arith.constant 1 : i32
      %swap3A_418 = arith.index_cast %swap3A_417 : i32 to index
      %swap3A_419 = arith.constant 64 : index
      %swap3A_420 = tpu.vector_load %arg7[%swap3A_418, %swap3A_419] {strides = array<i32>} : memref<2x80xi32, #tpu.memory_space<vmem>>, vector<1x16xi32>,
      %swap3A_421 = vector.shape_cast %swap3A_420 : vector<1x16xi32> to vector<16xi32>
      %swap3A_422 = vector.shape_cast %shift_right_logical3A_416 : vector<16xi32> to vector<1x16xi32>
      tpu.vector_store %arg7[%swap3A_418, %swap3A_419], %swap3A_422 {strides = array<i32>} : memref<2x80xi32, #tpu.memory_space<vmem>>, vector<1x16xi32>,
      %dma_start3A_423 = arith.constant 0 : i32
      %dma_start3A_424 = arith.constant 0 : i32
      %dma_start3A_425 = tpu.memref_slice %arg7[%dma_start3A_423, %dma_start3A_424] : memref<2x80xi32, #tpu.memory_space<vmem>> -> memref<1x80xi32, #tpu.memory_space<vmem>>
      %dma_start3A_426 = tpu.memref_squeeze %dma_start3A_425 : memref<1x80xi32, #tpu.memory_space<vmem>> -> memref<80xi32, #tpu.memory_space<vmem>>
      %dma_start3A_427 = arith.constant 0 : i32
      %dma_start3A_428 = arith.constant 0 : i32
      %dma_start3A_429 = tpu.memref_slice %arg2[%dma_start3A_427, %dma_start3A_428] : memref<10000x128xf32, #tpu.memory_space<hbm>> -> memref<10000x128xf32, #tpu.memory_space<hbm>>
      tpu.enqueue_indirect_dma source(%dma_start3A_429 : memref<10000x128xf32, #tpu.memory_space<hbm>>) target(%arg9 : memref<80x128xf32, #tpu.memory_space<vmem>>) offsets(%dma_start3A_426 : memref<80xi32, #tpu.memory_space<vmem>>) semaphore(%arg11 : memref<!tpu.dma_semaphore, #tpu.memory_space<semaphore_mem>>)
      %run_scoped3A_430 = arith.constant 1 : i32
      "tpu.region"() ({
        %run_scoped3A_431 = tpu.sem_alloc : memref<!tpu.dma_semaphore, #tpu.memory_space<semaphore_mem>>
        %dma_start3A_432 = arith.constant 0 : i32
        %dma_start3A_433 = tpu.memref_slice %arg8[%run_scoped3A_430, %dma_start3A_432] : memref<2x80xi32, #tpu.memory_space<vmem>> -> memref<1x80xi32, #tpu.memory_space<vmem>>
        %dma_start3A_434 = tpu.memref_squeeze %dma_start3A_433 : memref<1x80xi32, #tpu.memory_space<vmem>> -> memref<80xi32, #tpu.memory_space<vmem>>
        %dma_start3A_435 = arith.constant 0 : i32
        %dma_start3A_436 = arith.constant 0 : i32
        %dma_start3A_437 = tpu.memref_slice %arg5[%dma_start3A_435, %dma_start3A_436] : memref<10240x128xf32, #tpu.memory_space<vmem_shared>> -> memref<10240x128xf32, #tpu.memory_space<vmem_shared>>
        tpu.enqueue_indirect_dma source(%arg10 : memref<80x128xf32, #tpu.memory_space<vmem>>) target(%dma_start3A_437 : memref<10240x128xf32, #tpu.memory_space<vmem_shared>>) offsets(%dma_start3A_434 : memref<80xi32, #tpu.memory_space<vmem>>) semaphore(%run_scoped3A_431 : memref<!tpu.dma_semaphore, #tpu.memory_space<semaphore_mem>>) {add = true}
        %dma_wait3A_438 = arith.constant 0 : i32
        %dma_wait3A_439 = tpu.memref_slice %arg8[%run_scoped3A_430, %dma_wait3A_438] : memref<2x80xi32, #tpu.memory_space<vmem>> -> memref<1x80xi32, #tpu.memory_space<vmem>>
        %dma_wait3A_440 = tpu.memref_squeeze %dma_wait3A_439 : memref<1x80xi32, #tpu.memory_space<vmem>> -> memref<80xi32, #tpu.memory_space<vmem>>
        %dma_wait3A_441 = arith.constant 0 : i32
        %dma_wait3A_442 = arith.constant 0 : i32
        %dma_wait3A_443 = tpu.memref_slice %arg5[%dma_wait3A_441, %dma_wait3A_442] : memref<10240x128xf32, #tpu.memory_space<vmem_shared>> -> memref<10240x128xf32, #tpu.memory_space<vmem_shared>>
        tpu.wait_indirect_dma semaphore(%run_scoped3A_431 : memref<!tpu.dma_semaphore, #tpu.memory_space<semaphore_mem>>) src(%arg10 : memref<80x128xf32, #tpu.memory_space<vmem>>) dst(%dma_wait3A_443 : memref<10240x128xf32, #tpu.memory_space<vmem_shared>>)
        tpu.yield
      }) : () -> ()
    }
    %scan3A_160 = arith.constant 62 : i32
    %dma_wait3A = arith.constant 0 : i32
    %dma_wait3A_161 = arith.constant 0 : i32
    %dma_wait3A_162 = tpu.memref_slice %arg7[%dma_wait3A, %dma_wait3A_161] : memref<2x80xi32, #tpu.memory_space<vmem>> -> memref<1x80xi32, #tpu.memory_space<vmem>>
    %dma_wait3A_163 = tpu.memref_squeeze %dma_wait3A_162 : memref<1x80xi32, #tpu.memory_space<vmem>> -> memref<80xi32, #tpu.memory_space<vmem>>
    %dma_wait3A_164 = arith.constant 0 : i32
    %dma_wait3A_165 = arith.constant 0 : i32
    %dma_wait3A_166 = tpu.memref_slice %arg2[%dma_wait3A_164, %dma_wait3A_165] : memref<10000x128xf32, #tpu.memory_space<hbm>> -> memref<10000x128xf32, #tpu.memory_space<hbm>>
    tpu.wait_indirect_dma semaphore(%arg11 : memref<!tpu.dma_semaphore, #tpu.memory_space<semaphore_mem>>) src(%dma_wait3A_166 : memref<10000x128xf32, #tpu.memory_space<hbm>>) dst(%arg9 : memref<80x128xf32, #tpu.memory_space<vmem>>)
    %run_scoped3A = arith.constant 1 : i32
    "tpu.region"() ({
      %run_scoped3A_172 = tpu.sem_alloc : memref<!tpu.dma_semaphore, #tpu.memory_space<semaphore_mem>>
      %dma_start3A_173 = arith.constant 0 : i32
      %dma_start3A_174 = tpu.memref_slice %arg7[%run_scoped3A, %dma_start3A_173] : memref<2x80xi32, #tpu.memory_space<vmem>> -> memref<1x80xi32, #tpu.memory_space<vmem>>
      %dma_start3A_175 = tpu.memref_squeeze %dma_start3A_174 : memref<1x80xi32, #tpu.memory_space<vmem>> -> memref<80xi32, #tpu.memory_space<vmem>>
      %dma_start3A_176 = arith.constant 0 : i32
      %dma_start3A_177 = arith.constant 0 : i32
      %dma_start3A_178 = tpu.memref_slice %arg5[%dma_start3A_176, %dma_start3A_177] : memref<10240x128xf32, #tpu.memory_space<vmem_shared>> -> memref<10240x128xf32, #tpu.memory_space<vmem_shared>>
      tpu.enqueue_indirect_dma source(%arg9 : memref<80x128xf32, #tpu.memory_space<vmem>>) target(%dma_start3A_178 : memref<10240x128xf32, #tpu.memory_space<vmem_shared>>) offsets(%dma_start3A_175 : memref<80xi32, #tpu.memory_space<vmem>>) semaphore(%run_scoped3A_172 : memref<!tpu.dma_semaphore, #tpu.memory_space<semaphore_mem>>) {add = true}
      %dma_wait3A_179 = arith.constant 0 : i32
      %dma_wait3A_180 = tpu.memref_slice %arg7[%run_scoped3A, %dma_wait3A_179] : memref<2x80xi32, #tpu.memory_space<vmem>> -> memref<1x80xi32, #tpu.memory_space<vmem>>
      %dma_wait3A_181 = tpu.memref_squeeze %dma_wait3A_180 : memref<1x80xi32, #tpu.memory_space<vmem>> -> memref<80xi32, #tpu.memory_space<vmem>>
      %dma_wait3A_182 = arith.constant 0 : i32
      %dma_wait3A_183 = arith.constant 0 : i32
      %dma_wait3A_184 = tpu.memref_slice %arg5[%dma_wait3A_182, %dma_wait3A_183] : memref<10240x128xf32, #tpu.memory_space<vmem_shared>> -> memref<10240x128xf32, #tpu.memory_space<vmem_shared>>
      tpu.wait_indirect_dma semaphore(%run_scoped3A_172 : memref<!tpu.dma_semaphore, #tpu.memory_space<semaphore_mem>>) src(%arg9 : memref<80x128xf32, #tpu.memory_space<vmem>>) dst(%dma_wait3A_184 : memref<10240x128xf32, #tpu.memory_space<vmem_shared>>)
      tpu.yield
    }) : () -> ()
    %barrier3A_167 = arith.constant 0 : index
    tpu.barrier barrier_id(%barrier3A_167)
    %mul3A_168 = arith.constant 640 : i32
    %mul3A_169 = arith.muli %arg1, %mul3A_168 : i32
    %mul3A_170 = arith.constant 640 : i32
    %mul3A_171 = arith.muli %arg1, %mul3A_170 : i32
    "tpu.region"() ({
      %run_scoped3A_172 = tpu.sem_alloc : memref<!tpu.dma_semaphore, #tpu.memory_space<semaphore_mem>>
      %dma_start3A_173 = arith.constant 0 : i32
      %dma_start3A_174 = tpu.memref_slice %arg4[%arg0, %mul3A_171, %dma_start3A_173] : memref<2x10240x128xf32, #tpu.memory_space<hbm>> -> memref<1x640x128xf32, #tpu.memory_space<hbm>>
      %dma_start3A_175 = tpu.memref_squeeze %dma_start3A_174 : memref<1x640x128xf32, #tpu.memory_space<hbm>> -> memref<640x128xf32, #tpu.memory_space<hbm>>
      %dma_start3A_176 = arith.constant 0 : i32
      %dma_start3A_177 = tpu.memref_slice %arg5[%mul3A_169, %dma_start3A_176] : memref<10240x128xf32, #tpu.memory_space<vmem_shared>> -> memref<640x128xf32, #tpu.memory_space<vmem_shared>>
      tpu.enqueue_dma source(%dma_start3A_177 : memref<640x128xf32, #tpu.memory_space<vmem_shared>>) target(%dma_start3A_175 : memref<640x128xf32, #tpu.memory_space<hbm>>) target_semaphore(%run_scoped3A_172 : memref<!tpu.dma_semaphore, #tpu.memory_space<semaphore_mem>>)
      %dma_wait3A_178 = arith.constant 0 : i32
      %dma_wait3A_179 = tpu.memref_slice %arg4[%arg0, %mul3A_171, %dma_wait3A_178] : memref<2x10240x128xf32, #tpu.memory_space<hbm>> -> memref<1x640x128xf32, #tpu.memory_space<hbm>>
      %dma_wait3A_180 = tpu.memref_squeeze %dma_wait3A_179 : memref<1x640x128xf32, #tpu.memory_space<hbm>> -> memref<640x128xf32, #tpu.memory_space<hbm>>
      %dma_wait3A_181 = arith.constant 0 : i32
      %dma_wait3A_182 = tpu.memref_slice %arg5[%mul3A_169, %dma_wait3A_181] : memref<10240x128xf32, #tpu.memory_space<vmem_shared>> -> memref<640x128xf32, #tpu.memory_space<vmem_shared>>
      tpu.wait_dma2 semaphore(%run_scoped3A_172 : memref<!tpu.dma_semaphore, #tpu.memory_space<semaphore_mem>>) src(%dma_wait3A_182 : memref<640x128xf32, #tpu.memory_space<vmem_shared>>) dst(%dma_wait3A_180 : memref<640x128xf32, #tpu.memory_space<hbm>>)
      tpu.yield
    }) : () -> ()
    return
  }
}

module attributes {stable_mosaic.version = 14 : i64} {
  func.func @_pre_body(%arg0: memref<2x10240x128xf32, #tpu.memory_space<vmem>>, %arg1: memref<10000x128xf32, #tpu.memory_space<vmem>>, %arg2: memref<10000x128xf32, #tpu.memory_space<vmem>>, %arg3: memref<10000x1xf32, #tpu.memory_space<vmem>>, %arg4: memref<10000x1xf32, #tpu.memory_space<vmem>>) attributes {dimension_semantics = [], scalar_prefetch = 0 : i64, scratch_operands = 0 : i64, tpu.core_type = #tpu.core_type<tc>} {
    %get3A = arith.constant 0 : index
    %get3A_0 = arith.constant 0 : index
    %get3A_1 = arith.constant 0 : index
    %get3A_2 = vector.load %arg0[%get3A, %get3A_0, %get3A_1] : memref<2x10240x128xf32, #tpu.memory_space<vmem>>, vector<1x10000x1xf32>
    %get3A_3 = vector.shape_cast %get3A_2 : vector<1x10000x1xf32> to vector<10000x1xf32>
    %add3A = arith.constant 1.000000e+00 : f32
    %add3A_4 = vector.broadcast %add3A : f32 to vector<10000x1xf32>
    %add3A_5 = arith.addf %add3A_4, %get3A_3 : vector<10000x1xf32>
    %get3A_6 = arith.constant 1 : index
    %get3A_7 = arith.constant 0 : index
    %get3A_8 = arith.constant 0 : index
    %get3A_9 = vector.load %arg0[%get3A_6, %get3A_7, %get3A_8] : memref<2x10240x128xf32, #tpu.memory_space<vmem>>, vector<1x10000x1xf32>
    %get3A_10 = vector.shape_cast %get3A_9 : vector<1x10000x1xf32> to vector<10000x1xf32>
    %add3A_11 = arith.addf %add3A_5, %get3A_10 : vector<10000x1xf32>
    %rsqrt3A = math.rsqrt %add3A_11 : vector<10000x1xf32>
    %swap3A = arith.constant 0 : index
    %swap3A_12 = arith.constant 0 : index
    %swap3A_13 = vector.load %arg3[%swap3A, %swap3A_12] : memref<10000x1xf32, #tpu.memory_space<vmem>>, vector<10000x1xf32>
    tpu.vector_store %arg3[%swap3A, %swap3A_12], %rsqrt3A {strides = array<i32>} : memref<10000x1xf32, #tpu.memory_space<vmem>>, vector<10000x1xf32>,
    %div3A = arith.constant 1.000000e+00 : f32
    %div3A_14 = vector.broadcast %div3A : f32 to vector<10000x1xf32>
    %div3A_15 = arith.divf %div3A_14, %add3A_11 : vector<10000x1xf32>
    %swap3A_16 = arith.constant 0 : index
    %swap3A_17 = arith.constant 0 : index
    %swap3A_18 = vector.load %arg4[%swap3A_16, %swap3A_17] : memref<10000x1xf32, #tpu.memory_space<vmem>>, vector<10000x1xf32>
    tpu.vector_store %arg4[%swap3A_16, %swap3A_17], %div3A_15 {strides = array<i32>} : memref<10000x1xf32, #tpu.memory_space<vmem>>, vector<10000x1xf32>,
    %get3A_19 = arith.constant 0 : index
    %get3A_20 = arith.constant 0 : index
    %get3A_21 = vector.load %arg1[%get3A_19, %get3A_20] : memref<10000x128xf32, #tpu.memory_space<vmem>>, vector<10000x128xf32>
    %mul3A = vector.broadcast %rsqrt3A : vector<10000x1xf32> to vector<10000x128xf32>
    %mul3A_22 = arith.mulf %get3A_21, %mul3A : vector<10000x128xf32>
    %swap3A_23 = arith.constant 0 : index
    %swap3A_24 = arith.constant 0 : index
    %swap3A_25 = vector.load %arg2[%swap3A_23, %swap3A_24] : memref<10000x128xf32, #tpu.memory_space<vmem>>, vector<10000x128xf32>
    tpu.vector_store %arg2[%swap3A_23, %swap3A_24], %mul3A_22 {strides = array<i32>} : memref<10000x128xf32, #tpu.memory_space<vmem>>, vector<10000x128xf32>,
    return
  }
}

module attributes {stable_mosaic.version = 14 : i64} {
  func.func @_mid_body(%arg0: memref<2x10240x128xf32, #tpu.memory_space<vmem>>, %arg1: memref<10000x128xf32, #tpu.memory_space<vmem>>, %arg2: memref<10000x1xf32, #tpu.memory_space<vmem>>, %arg3: memref<10000x128xf32, #tpu.memory_space<vmem>>) attributes {dimension_semantics = [], scalar_prefetch = 0 : i64, scratch_operands = 0 : i64, tpu.core_type = #tpu.core_type<tc>} {
    %get3A = arith.constant 0 : index
    %get3A_0 = arith.constant 0 : index
    %get3A_1 = vector.load %arg2[%get3A, %get3A_0] : memref<10000x1xf32, #tpu.memory_space<vmem>>, vector<10000x1xf32>
    %get3A_2 = arith.constant 0 : index
    %get3A_3 = arith.constant 0 : index
    %get3A_4 = arith.constant 0 : index
    %get3A_5 = vector.load %arg0[%get3A_2, %get3A_3, %get3A_4] : memref<2x10240x128xf32, #tpu.memory_space<vmem>>, vector<1x10000x128xf32>
    %get3A_6 = vector.shape_cast %get3A_5 : vector<1x10000x128xf32> to vector<10000x128xf32>
    %get3A_7 = arith.constant 1 : index
    %get3A_8 = arith.constant 0 : index
    %get3A_9 = arith.constant 0 : index
    %get3A_10 = vector.load %arg0[%get3A_7, %get3A_8, %get3A_9] : memref<2x10240x128xf32, #tpu.memory_space<vmem>>, vector<1x10000x128xf32>
    %get3A_11 = vector.shape_cast %get3A_10 : vector<1x10000x128xf32> to vector<10000x128xf32>
    %add3A = arith.addf %get3A_6, %get3A_11 : vector<10000x128xf32>
    %get3A_12 = arith.constant 0 : index
    %get3A_13 = arith.constant 0 : index
    %get3A_14 = vector.load %arg1[%get3A_12, %get3A_13] : memref<10000x128xf32, #tpu.memory_space<vmem>>, vector<10000x128xf32>
    %add3A_15 = arith.addf %add3A, %get3A_14 : vector<10000x128xf32>
    %mul3A = vector.broadcast %get3A_1 : vector<10000x1xf32> to vector<10000x128xf32>
    %mul3A_16 = arith.mulf %mul3A, %add3A_15 : vector<10000x128xf32>
    %swap3A = arith.constant 0 : index
    %swap3A_17 = arith.constant 0 : index
    %swap3A_18 = vector.load %arg3[%swap3A, %swap3A_17] : memref<10000x128xf32, #tpu.memory_space<vmem>>, vector<10000x128xf32>
    tpu.vector_store %arg3[%swap3A, %swap3A_17], %mul3A_16 {strides = array<i32>} : memref<10000x128xf32, #tpu.memory_space<vmem>>, vector<10000x128xf32>,
    return
  }
}

module attributes {stable_mosaic.version = 14 : i64} {
  func.func @_mm_body(%arg0: memref<2x10240x128xf32, #tpu.memory_space<vmem>>, %arg1: memref<10000x128xf32, #tpu.memory_space<vmem>>, %arg2: memref<10000x1xf32, #tpu.memory_space<vmem>>, %arg3: memref<128x128xf32, #tpu.memory_space<vmem>>, %arg4: memref<1x128xf32, #tpu.memory_space<vmem>>, %arg5: memref<10000x128xf32, #tpu.memory_space<vmem>>) attributes {dimension_semantics = [], scalar_prefetch = 0 : i64, scratch_operands = 0 : i64, tpu.core_type = #tpu.core_type<tc>} {
    %get3A = arith.constant 0 : index
    %get3A_0 = arith.constant 0 : index
    %get3A_1 = vector.load %arg2[%get3A, %get3A_0] : memref<10000x1xf32, #tpu.memory_space<vmem>>, vector<10000x1xf32>
    %get3A_2 = arith.constant 0 : index
    %get3A_3 = arith.constant 0 : index
    %get3A_4 = arith.constant 0 : index
    %get3A_5 = vector.load %arg0[%get3A_2, %get3A_3, %get3A_4] : memref<2x10240x128xf32, #tpu.memory_space<vmem>>, vector<1x10000x128xf32>
    %get3A_6 = vector.shape_cast %get3A_5 : vector<1x10000x128xf32> to vector<10000x128xf32>
    %get3A_7 = arith.constant 1 : index
    %get3A_8 = arith.constant 0 : index
    %get3A_9 = arith.constant 0 : index
    %get3A_10 = vector.load %arg0[%get3A_7, %get3A_8, %get3A_9] : memref<2x10240x128xf32, #tpu.memory_space<vmem>>, vector<1x10000x128xf32>
    %get3A_11 = vector.shape_cast %get3A_10 : vector<1x10000x128xf32> to vector<10000x128xf32>
    %add3A = arith.addf %get3A_6, %get3A_11 : vector<10000x128xf32>
    %get3A_12 = arith.constant 0 : index
    %get3A_13 = arith.constant 0 : index
    %get3A_14 = vector.load %arg1[%get3A_12, %get3A_13] : memref<10000x128xf32, #tpu.memory_space<vmem>>, vector<10000x128xf32>
    %add3A_15 = arith.addf %add3A, %get3A_14 : vector<10000x128xf32>
    %mul3A = vector.broadcast %get3A_1 : vector<10000x1xf32> to vector<10000x128xf32>
    %mul3A_16 = arith.mulf %mul3A, %add3A_15 : vector<10000x128xf32>
    %get3A_17 = arith.constant 0 : index
    %get3A_18 = arith.constant 0 : index
    %get3A_19 = vector.load %arg3[%get3A_17, %get3A_18] : memref<128x128xf32, #tpu.memory_space<vmem>>, vector<128x128xf32>
    %dot_general3A = arith.constant dense<0.000000e+00> : vector<10000x128xf32>
    %dot_general3A_20 = tpu.matmul %mul3A_16, %get3A_19, %dot_general3A {dimension_numbers = #tpu.dot_dimension_numbers<[1], [0], [0], [1], [0, 0, 1, 1], [], []>, transpose_lhs_hint = false} : vector<10000x128xf32>, vector<128x128xf32>, vector<10000x128xf32> -> vector<10000x128xf32>
    %get3A_21 = arith.constant 0 : index
    %get3A_22 = arith.constant 0 : index
    %get3A_23 = vector.load %arg4[%get3A_21, %get3A_22] : memref<1x128xf32, #tpu.memory_space<vmem>>, vector<1x128xf32>
    %add3A_24 = vector.broadcast %get3A_23 : vector<1x128xf32> to vector<10000x128xf32>
    %add3A_25 = arith.addf %dot_general3A_20, %add3A_24 : vector<10000x128xf32>
    %get3A_26 = arith.constant 0 : index
    %get3A_27 = arith.constant 0 : index
    %get3A_28 = vector.load %arg2[%get3A_26, %get3A_27] : memref<10000x1xf32, #tpu.memory_space<vmem>>, vector<10000x1xf32>
    %max3A = arith.constant 0.000000e+00 : f32
    %max3A_29 = vector.broadcast %max3A : f32 to vector<10000x128xf32>
    %max3A_30 = arith.maximumf %add3A_25, %max3A_29 : vector<10000x128xf32>
    %mul3A_31 = vector.broadcast %get3A_28 : vector<10000x1xf32> to vector<10000x128xf32>
    %mul3A_32 = arith.mulf %mul3A_31, %max3A_30 : vector<10000x128xf32>
    %swap3A = arith.constant 0 : index
    %swap3A_33 = arith.constant 0 : index
    %swap3A_34 = vector.load %arg5[%swap3A, %swap3A_33] : memref<10000x128xf32, #tpu.memory_space<vmem>>, vector<10000x128xf32>
    tpu.vector_store %arg5[%swap3A, %swap3A_33], %mul3A_32 {strides = array<i32>} : memref<10000x128xf32, #tpu.memory_space<vmem>>, vector<10000x128xf32>,
    return
  }
}

module attributes {stable_mosaic.version = 14 : i64} {
  func.func @_mm_body(%arg0: memref<2x10240x128xf32, #tpu.memory_space<vmem>>, %arg1: memref<10000x128xf32, #tpu.memory_space<vmem>>, %arg2: memref<10000x1xf32, #tpu.memory_space<vmem>>, %arg3: memref<128x128xf32, #tpu.memory_space<vmem>>, %arg4: memref<1x128xf32, #tpu.memory_space<vmem>>, %arg5: memref<10000x128xf32, #tpu.memory_space<vmem>>) attributes {dimension_semantics = [], scalar_prefetch = 0 : i64, scratch_operands = 0 : i64, tpu.core_type = #tpu.core_type<tc>} {
    %get3A = arith.constant 0 : index
    %get3A_0 = arith.constant 0 : index
    %get3A_1 = vector.load %arg2[%get3A, %get3A_0] : memref<10000x1xf32, #tpu.memory_space<vmem>>, vector<10000x1xf32>
    %get3A_2 = arith.constant 0 : index
    %get3A_3 = arith.constant 0 : index
    %get3A_4 = arith.constant 0 : index
    %get3A_5 = vector.load %arg0[%get3A_2, %get3A_3, %get3A_4] : memref<2x10240x128xf32, #tpu.memory_space<vmem>>, vector<1x10000x128xf32>
    %get3A_6 = vector.shape_cast %get3A_5 : vector<1x10000x128xf32> to vector<10000x128xf32>
    %get3A_7 = arith.constant 1 : index
    %get3A_8 = arith.constant 0 : index
    %get3A_9 = arith.constant 0 : index
    %get3A_10 = vector.load %arg0[%get3A_7, %get3A_8, %get3A_9] : memref<2x10240x128xf32, #tpu.memory_space<vmem>>, vector<1x10000x128xf32>
    %get3A_11 = vector.shape_cast %get3A_10 : vector<1x10000x128xf32> to vector<10000x128xf32>
    %add3A = arith.addf %get3A_6, %get3A_11 : vector<10000x128xf32>
    %get3A_12 = arith.constant 0 : index
    %get3A_13 = arith.constant 0 : index
    %get3A_14 = vector.load %arg1[%get3A_12, %get3A_13] : memref<10000x128xf32, #tpu.memory_space<vmem>>, vector<10000x128xf32>
    %add3A_15 = arith.addf %add3A, %get3A_14 : vector<10000x128xf32>
    %mul3A = vector.broadcast %get3A_1 : vector<10000x1xf32> to vector<10000x128xf32>
    %mul3A_16 = arith.mulf %mul3A, %add3A_15 : vector<10000x128xf32>
    %get3A_17 = arith.constant 0 : index
    %get3A_18 = arith.constant 0 : index
    %get3A_19 = vector.load %arg3[%get3A_17, %get3A_18] : memref<128x128xf32, #tpu.memory_space<vmem>>, vector<128x128xf32>
    %dot_general3A = arith.constant dense<0.000000e+00> : vector<10000x128xf32>
    %dot_general3A_20 = tpu.matmul %mul3A_16, %get3A_19, %dot_general3A {dimension_numbers = #tpu.dot_dimension_numbers<[1], [0], [0], [1], [0, 0, 1, 1], [], []>, transpose_lhs_hint = false} : vector<10000x128xf32>, vector<128x128xf32>, vector<10000x128xf32> -> vector<10000x128xf32>
    %get3A_21 = arith.constant 0 : index
    %get3A_22 = arith.constant 0 : index
    %get3A_23 = vector.load %arg4[%get3A_21, %get3A_22] : memref<1x128xf32, #tpu.memory_space<vmem>>, vector<1x128xf32>
    %add3A_24 = vector.broadcast %get3A_23 : vector<1x128xf32> to vector<10000x128xf32>
    %add3A_25 = arith.addf %dot_general3A_20, %add3A_24 : vector<10000x128xf32>
    %swap3A = arith.constant 0 : index
    %swap3A_26 = arith.constant 0 : index
    %swap3A_27 = vector.load %arg5[%swap3A, %swap3A_26] : memref<10000x128xf32, #tpu.memory_space<vmem>>, vector<10000x128xf32>
    tpu.vector_store %arg5[%swap3A, %swap3A_26], %add3A_25 {strides = array<i32>} : memref<10000x128xf32, #tpu.memory_space<vmem>>, vector<10000x128xf32>,
    return
  }
}

</mosaic_0001>

<sc_bundles>
// kernel: kernel.12.cloned.1.call-start
scs
__scs_entry_jumppad:
0x0: {  	(pc) =	sbr.rel $0x88, $3  }
0x1: {  	(tag) =	ssettag $0x0;
	lr =	simm.s32 $0x1  }
0x2: {  	[smem:$0x3F9B] =	sst lr;
	_ =	strace $0xD0000000  }
0x3: {  	_ = 	snop  }
0x4: {  	_ = 	snop  }
0x5: {  	_ = 	snop  }
0x6: {  	_ = 	snop  }
0x7: {  	_ = 	snop  }
__scs_overlays_trampoline_lowered:
0x8: {  	[smem:$0x3FAA] =	sst s0  }
0x9: {  	[smem:$0x3FAB] =	sst s1  }
0xa: {  	[smem:$0x3FAC] =	sst s2  }
0xb: {  	[smem:$0x3FAD] =	sst s3  }
0xc: {  	[smem:$0x3FAE] =	sst s4  }
0xd: {  	[smem:$0x3FAF] =	sst s5  }
0xe: {  	[smem:$0x3FB0] =	sst s6  }
0xf: {  	[smem:$0x3FB1] =	sst s7  }
0x10: {  	[smem:$0x3FB2] =	sst s8  }
0x11: {  	[smem:$0x3FB3] =	sst s9;
	s0 =	simm.s32 @!p0 $0x0  }
0x12: {  	s1 =	sld [smem:$0x3F99];
	s0 =	simm.s32 @p0 $0x1  }
0x13: {  	[smem:$0x3FB4] =	sst s0;
	s0 =	simm.s32 @!p1 $0x0  }
0x14: {  	s2 =	sld [smem:$0x3F98];
	s0 =	simm.s32 @p1 $0x1  }
0x15: {  	[smem:$0x3FB5] =	sst s0;
	s0 =	simm.s32 @!p2 $0x0  }
0x16: {  	s3 =	sld [smem:$0x3FDB];
	s0 =	simm.s32 @p2 $0x1  }
0x17: {  	s4 =	simm.s32 $0x1BF5;
	[smem:$0x3FB7] =	sst s0  }
0x18: {  	s0 =	sld [smem:$0x3F9A];
	_ =	swait.ge [sflag:s4], $0x0  }
0x19: {  	s7 =	sld [smem:$0x3F9B]  }
0x1a: {  	s8 =	sadd.s32 $0xFFFFE003, lr  }
0x1b: {  	s9 =	sadd.s32 $0xFFFFFEF7, lr;
	s5 =	simm.s32 $0xFFFFFFFF;
	p2 =	slt.u32 s8, $0xFFFFF086  }
0x1c: {  	p1 =	slt.u32 s9, $0xF7A;
	s5 =	simm.s32 @!p2 $0x0  }
0x1d: {  	s5 =	simm.s32 @p1 $0x1;
	p0 =	seq.s32 s7, s2  }
0x1e: {  	s7 =	smul.u32 @!p0 $0xF7A, s2;
	p2 =	seq.s32 @!p0 s5, $0x0  }
0x1f: {  	s9 =	smul.u32 $0xF7A, s1;
	s8 =	simm.s32 @!p0 $0x1BF5;
	p2 =	por !p2, p0  }
0x20: {  	[sflag:s8] =	ssyncset.s32 @!p0 $0xFFFFF086;
	s6 =	sadd.s32 @!p0 s3, s7;
	s7 =	simm.s32 @!p0 $0x108  }
0x21: {  	s3 =	sadd.s32 s3, s9;
	s6 =	sadd.s32 @!p0 $0x88, s6;
	s7 =	simm.s32 @p2 $0x1082  }
0x22: {  	[simem:s7], [sflag:s8] =	dma.local @!p0 [hbm:s6], $0xF7A  }
0x23: {  	s9 =	sor.u32 $0xD0000000, s2;
	s6 =	simm.s32 $0x108;
	_ =	swait.ge @!p0 [sflag:s8], $0x0  }
0x24: {  	s3 =	sadd.s32 $0x88, s3;
	s6 =	simm.s32 @!p1 $0x1082;
	[sflag:s4] =	ssyncset.s32 $0xFFFFF086  }
0x25: {  	[simem:s6], [sflag:s4] =	dma.local [hbm:s3], $0xF7A  }
0x26: {  	[smem:$0x3F9B] =	sst s1;
	(tag) =	ssettag s2;
	_ =	strace s9  }
0x27: {  	s1 =	sld [smem:$0x3FAB]  }
0x28: {  	s2 =	sld [smem:$0x3FAC]  }
0x29: {  	s4 =	sld [smem:$0x3FAE]  }
0x2a: {  	p0 =	seq.s32 s5, $0x0;
	s5 =	sld [smem:$0x3FAF]  }
0x2b: {  	s6 =	sld [smem:$0x3FB0]  }
0x2c: {  	s7 =	sld [smem:$0x3FB1]  }
0x2d: {  	s3 =	simm.s32 $0x108;
	s8 =	sld [smem:$0x3FB2]  }
0x2e: {  	s3 =	simm.s32 @!p0 $0x1082;
	s9 =	sld [smem:$0x3FB3]  }
0x2f: {  	lr =	sadd.s32 s0, s3;
	s0 =	sld [smem:$0x3FAA]  }
0x30: {  	s3 =	sld [smem:$0x3FAD]  }
0x31: {  	[smem:$0x3FB6] =	sst s10  }
0x32: {  	s10 =	sld [smem:$0x3FB4];
	_ =	sdelay $0x3  }
0x33: {  	p0 =	seq.s32 s10, $0x1;
	s10 =	sld [smem:$0x3FB6];
	_ =	sdelay $0x3  }
0x34: {  	[smem:$0x3FB6] =	sst s10  }
0x35: {  	s10 =	sld [smem:$0x3FB5];
	_ =	sdelay $0x3  }
0x36: {  	p1 =	seq.s32 s10, $0x1;
	s10 =	sld [smem:$0x3FB6];
	_ =	sdelay $0x3  }
0x37: {  	[smem:$0x3FB6] =	sst s10  }
0x38: {  	s10 =	sld [smem:$0x3FB7]  }
0x39: {  	_ = 	snop;
	(pc) =	sbr.ind lr, $3  }
0x3a: {  	_ = 	snop  }
0x3b: {  	_ = 	snop  }
0x3c: {  	p2 =	seq.s32 s10, $0x1;
	s10 =	sld [smem:$0x3FB6]  }
0x3d: {  	_ =	shalt  }
0x3e: {  	_ =	shalt  }
0x3f: {  	_ =	shalt  }
0x40: {  	_ =	shalt  }
0x41: {  	_ =	shalt  }
0x42: {  	_ =	shalt  }
0x43: {  	_ =	shalt  }
0x44: {  	_ =	shalt  }
0x45: {  	_ =	shalt  }
0x46: {  	_ =	shalt  }
0x47: {  	_ =	shalt  }
0x48: {  	_ =	shalt  }
0x49: {  	_ =	shalt  }
0x4a: {  	_ =	shalt  }
0x4b: {  	_ =	shalt  }
0x4c: {  	_ =	shalt  }
0x4d: {  	_ =	shalt  }
0x4e: {  	_ =	shalt  }
0x4f: {  	_ =	shalt  }
0x50: {  	_ =	shalt  }
0x51: {  	_ =	shalt  }
0x52: {  	_ =	shalt  }
0x53: {  	_ =	shalt  }
0x54: {  	_ =	shalt  }
0x55: {  	_ =	shalt  }
0x56: {  	_ =	shalt  }
0x57: {  	_ =	shalt  }
0x58: {  	_ =	shalt  }
0x59: {  	_ =	shalt  }
0x5a: {  	_ =	shalt  }
0x5b: {  	_ =	shalt  }
0x5c: {  	_ =	shalt  }
0x5d: {  	_ =	shalt  }
0x5e: {  	_ =	shalt  }
0x5f: {  	_ =	shalt  }
0x60: {  	_ =	shalt  }
0x61: {  	_ =	shalt  }
0x62: {  	_ =	shalt  }
0x63: {  	_ =	shalt  }
0x64: {  	_ =	shalt  }
0x65: {  	_ =	shalt  }
0x66: {  	_ =	shalt  }
0x67: {  	_ =	shalt  }
0x68: {  	_ =	shalt  }
0x69: {  	_ =	shalt  }
0x6a: {  	_ =	shalt  }
0x6b: {  	_ =	shalt  }
0x6c: {  	_ =	shalt  }
0x6d: {  	_ =	shalt  }
0x6e: {  	_ =	shalt  }
0x6f: {  	_ =	shalt  }
0x70: {  	_ =	shalt  }
0x71: {  	_ =	shalt  }
0x72: {  	_ =	shalt  }
0x73: {  	_ =	shalt  }
0x74: {  	_ =	shalt  }
0x75: {  	_ =	shalt  }
0x76: {  	_ =	shalt  }
0x77: {  	_ =	shalt  }
0x78: {  	_ =	shalt  }
0x79: {  	_ =	shalt  }
0x7a: {  	_ =	shalt  }
0x7b: {  	_ =	shalt  }
0x7c: {  	_ =	shalt  }
0x7d: {  	_ =	shalt  }
0x7e: {  	_ =	shalt  }
0x7f: {  	_ =	shalt  }
0x80: {  	_ =	shalt  }
0x81: {  	_ =	shalt  }
0x82: {  	_ =	shalt  }
0x83: {  	_ =	shalt  }
0x84: {  	_ =	shalt  }
0x85: {  	_ =	shalt  }
0x86: {  	_ =	shalt  }
0x87: {  	_ =	shalt  }
.Lfunc_end0:
.L_simem_size_0:
called_computation_lowered:
.L_overlay_start_0:
0x88: {  	s2 =	sld [smem:$0x3FD9]  }
0x89: {  	s3 =	sld [smem:$0x3FFE];
	_ =	sdelay $0x1  }
0x8a: {  	s1 =	srdreg.scid  }
0x8b: {  	s0 =	sand.u32 $0x1, s1  }
0x8c: {  	s17 =	sshll.u32 s0, $0xA;
	s2 =	sadd.s32 s3, s2  }
0x8d: {  	s2 =	sadd.s32 s2, s17  }
0x8e: {  	[smem:$0x3FC2] =	sst s2  }
0x8f: {  	_ = 	snop  }
0x90: {  	s2 =	sld [smem:$0x3FD0];
	(tm) =	ssettm $0x1  }
0x91: {  	s18 =	sld [smem:$0x3FFB];
	_ =	sdelay $0x3  }
0x92: {  	_ =	strace s18  }
0x93: {  	s3 =	sld [smem:$0x3FFC];
	_ =	sdelay $0x3  }
0x94: {  	_ =	strace s3  }
0x95: {  	s3 =	sld [smem:$0x3FFD];
	_ =	sdelay $0x3  }
0x96: {  	_ =	strace s3  }
0x97: {  	_ =	strace $0x8FFFFFFF  }
0x98: {  	s19 =	sld [smem:$0x3FDB];
	_ =	sdelay $0x1  }
0x99: {  	s4 =	simm.s32 $_scs_section_size  }
0x9a: {  	s5 =	simm.s32 $_size__tile_overlayer_lowered;
	s6 =	simm.s32 $_tile_overlayer_lowered  }
0x9b: {  	s22 =	simm.s32 $0x1BFF;
	s21 =	sshll.u32 s6, $0x1;
	s3 =	sadd.s32 s4, s19  }
0x9c: {  	s7 =	simm.s32 $0x0;
	s20 =	sshll.u32 s5, $0x1;
	s5 =	sadd.s32 s21, s3  }
0x9d: {  	[timem:s7], [sflag:s22] =	dma.local [hbm:s5], s20  }
0x9e: {  	_ =	swait.ge [sflag:s22], s20  }
0x9f: {  	s4 =	ssub.s32 $0x0, s20;
	[sflag:s22] =	ssyncset.done $0x0  }
0xa0: {  	[sflag:s22] =	ssyncadd.s32 s4;
	_ =	sdelay $0x1  }
0xa1: {  	s23 =	simm.s32 $0x1B8B  }
0xa2: {  	_ =	swait.ge [sflag:s23], $0x1  }
0xa3: {  	[sflag:s23] =	ssyncset.done $0x0  }
0xa4: {  	s25 =	simm.s32 $0x1B8E;
	s24 =	sld [smem:$0x3FFE];
	[sflag:s23] =	ssyncadd.s32 $0xFFFFFFFF  }
0xa5: {  	s26 =	simm.s32 $execute0_lowered;
	[smem:$0x3FD2] =	sst s25  }
0xa6: {  	s5 =	sshll.u32 s26, $0x1;
	_ =	strace $0x80000046;
	[dreg:$0x1] =	wrdreg $0xFFFFFFFF  }
0xa7: {  	s28 =	simm.s32 $_size_execute0_lowered;
	s3 =	sadd.s32 s3, s5;
	[dreg:$0x0] =	wrdreg $0x0  }
0xa8: {  	s5 =	sshll.u32 s28, $0x1;
	[dreg:$0x2] =	wrdreg s3  }
0xa9: {  	[dreg:$0x3] =	wrdreg s5  }
0xaa: {  	[dreg:$0x4] =	wrdreg $0xC0  }
0xab: {  	_ =	task [dreg:s7], $0x5FFFF  }
0xac: {  	[dreg:$0x1] =	wrdreg $0xFFFFFFFF  }
0xad: {  	[dreg:$0x0] =	wrdreg $0x60  }
0xae: {  	[dreg:$0x2] =	wrdreg s2  }
0xaf: {  	[dreg:$0x3] =	wrdreg s24  }
0xb0: {  	[dreg:$0x4] =	wrdreg $0x0  }
0xb1: {  	[dreg:$0x5] =	wrdreg $0x9  }
0xb2: {  	_ =	task.clear_ibuf [dreg:s7], $0x6FFFF;
	_ =	strace $0x90000046  }
0xb3: {  	s29 =	simm.s32 $0x9;
	_ =	strace $0x80000048  }
0xb4: {  	_ =	swait.ge [sflag:s29], $0x1  }
0xb5: {  	[sflag:s29] =	ssyncadd.s32 $0xFFFFFFFF  }
0xb6: {  	_ =	strace $0x90000048  }
0xb7: {  	_ =	sfence  }
0xb8: {  	s30 =	sld [smem:$0x0];
	_ =	sdelay $0x2  }
0xb9: {  	s31 =	sshll.u32 s1, $0xD;
	s1 =	sshrl.u32 s1, $0x2  }
0xba: {  	s3 =	sand.u32 $0x4000, s31;
	s1 =	sadd.s32 s1, s30  }
0xbb: {  	s0 =	sor.u32 s3, s0;
	s1 =	sshll.u32 s1, $0x11  }
0xbc: {  	s0 =	sor.u32 s1, s0  }
0xbd: {  	s0 =	sadd.s32 $0x8F2B, s0  }
0xbe: {  	[sflag:s0] =	ssyncadd.remote.s32 $0x1  }
0xbf: {  	_ =	sfence.sel $0xFFFF  }
0xc0: {  	[dreg:$0x0] =	wrdreg $0xFFFFFFFF;
	(pc) =	sbr.abs _section_cstart, $3  }
0xc1: {  	[dreg:$0x1] =	wrdreg $0xFFFFFFFF  }
0xc2: {  	_ =	task.clear_ibuf [dreg:s7], $0x2FFFF;
	_ =	strace $0x9FFFFFFF  }
0xc3: {  	(tm) =	ssettm $0x7FFFFFFF  }
tec
execute0_lowered:
.L_overlay_start_1:
0x0: {  	(tag) =	ssettag $0x1  }
0x1: {  	s10 =	rddreg [dreg:$0x0]  }
0x2: {  	s4 =	rddreg [dreg:$0x1];
	s0 =	srdreg.scid  }
0x3: {  	s2 =	rddreg [dreg:$0x2];
	s1 =	stileid.u32  }
0x4: {  	s3 =	simm.s32 $0x0;
	s16 =	simm.s32 $0x1;
	s17 =	simm.s32 $0x14000  }
0x5: {  	s11 =	sand.u32 $0x1, s0;
	s0 =	rddreg [dreg:$0x3];
	s6 =	smul.u32 $0x14000, s1  }
0x6: {  	s18 =	simm.s32 $0x50;
	[smem:$0x7FF] =	sst s3;
	s7 =	smul.u32 $0x50000, s1  }
0x7: {  	s12 =	sshll.u32 s1, $0xB;
	s19 =	sshll.u32 s1, $0x6;
	s5 =	smul.u32 $0x140000, s11  }
0x8: {  	_ =	strace $0x80000047;
	s30 =	ssub.s32 $0x2, s11;
	s15 =	sshll.u32 s11, $0xF  }
0x9: {  	s12 =	sadd.s32 s10, s12;
	s19 =	sor.u32 $0x1C01, s19;
	s7 =	sshrl.u32 s7, $0x2  }
0xa: {  	s31 =	sshrl.u32 s30, $0x1;
	s12 =	sadd.s32 s15, s12;
	s5 =	sadd.s32 s6, s5  }
0xb: {  	s15 =	simm.s32 $0x18000;
	s14 =	ssub.s32 s30, s31;
	s5 =	sshrl.u32 s5, $0x3  }
0xc: {  	s14 =	smax.u32 s14, $0x1;
	s13 =	sadd.s32 s5, s4;
	s4 =	sadd.s32 s7, s2  }
0xd: {  	s5 =	sadd.s32 $0x2800, s4;
	s6 =	sadd.s32 $0x5000, s4;
	s7 =	sadd.s32 $0x7800, s4  }
0xe: {  	s8 =	sadd.s32 $0xA000, s4;
	s9 =	sadd.s32 $0xC800, s4;
	s10 =	sadd.s32 $0xF000, s4  }
0xf: {  	v0 =	vimm.f32 $0.0e+00;
	v1 =	vimm.f32 $1.000000000e+00;
	s11 =	sadd.s32 $0x11800, s4;
	s13 =	sadd.s32 $0x3800, s13;
	s20 =	sshrl.u32 s4, $0x3  }
.LBB2_1:
0x10: {  	s21 =	simm.s32 $0x0;
	s22 =	simm.s32 $0x200  }
.LBB2_2:
0x11: {  	p0 =	sne.s32 s22, $0x9E00;
	[tilespmem:s21+$0x18070] =	vst v0  }
0x12: {  	[tilespmem:s21+$0x18000] =	vst v0  }
0x13: {  	[tilespmem:s21+$0x18010] =	vst v0  }
.Ltmp0:
0x14: {  	[tilespmem:s21+$0x18020] =	vst v0;
	(pc) =	sbr.rel @p0 .LBB2_2-.Ltmp0, $4  }
0x15: {  	[tilespmem:s21+$0x18030] =	vst v0  }
0x16: {  	[tilespmem:s21+$0x18040] =	vst v0  }
0x17: {  	[tilespmem:s21+$0x18050] =	vst v0  }
0x18: {  	[tilespmem:s21+$0x18060] =	vst v0;
	s21 =	sshra.s32 s22, $0x2;
	s22 =	sadd.s32 $0x200, s22  }
0x19: {  	[tilespmem:s21+$0x18070] =	vst v0  }
0x1a: {  	[tilespmem:s21+$0x18000] =	vst v0  }
0x1b: {  	[tilespmem:s21+$0x18010] =	vst v0  }
0x1c: {  	[tilespmem:s21+$0x18020] =	vst v0  }
0x1d: {  	[tilespmem:s21+$0x18030] =	vst v0  }
0x1e: {  	[tilespmem:s21+$0x18040] =	vst v0  }
0x1f: {  	[tilespmem:s21+$0x18050] =	vst v0  }
0x20: {  	[tilespmem:s21+$0x18060] =	vst v0  }
0x21: {  	[spmem:s4] =	stream.linear.scatter [tilespmem:s15], [sflag:$0x1], $0x2800, $0x38;
	[tilespmem:$0x1A800] =	vst v63  }
0x22: {  	_ =	swait.ge [sflag:s16], $0x2800  }
0x23: {  	[sflag:s16] =	ssyncset.done $0x0  }
0x24: {  	[sflag:s16] =	ssyncadd.s32 $0xFFFFD800  }
0x25: {  	[spmem:s5] =	stream.linear.scatter [tilespmem:s15], [sflag:$0x1], $0x2800, $0x38;
	[tilespmem:$0x1A800] =	vst v63  }
0x26: {  	_ =	swait.ge [sflag:s16], $0x2800  }
0x27: {  	[sflag:s16] =	ssyncset.done $0x0  }
0x28: {  	[sflag:s16] =	ssyncadd.s32 $0xFFFFD800  }
0x29: {  	[spmem:s6] =	stream.linear.scatter [tilespmem:s15], [sflag:$0x1], $0x2800, $0x38;
	[tilespmem:$0x1A800] =	vst v63  }
0x2a: {  	_ =	swait.ge [sflag:s16], $0x2800  }
0x2b: {  	[sflag:s16] =	ssyncset.done $0x0  }
0x2c: {  	[sflag:s16] =	ssyncadd.s32 $0xFFFFD800  }
0x2d: {  	[spmem:s7] =	stream.linear.scatter [tilespmem:s15], [sflag:$0x1], $0x2800, $0x38;
	[tilespmem:$0x1A800] =	vst v63  }
0x2e: {  	_ =	swait.ge [sflag:s16], $0x2800  }
0x2f: {  	[sflag:s16] =	ssyncset.done $0x0  }
0x30: {  	[sflag:s16] =	ssyncadd.s32 $0xFFFFD800  }
0x31: {  	[spmem:s8] =	stream.linear.scatter [tilespmem:s15], [sflag:$0x1], $0x2800, $0x38;
	[tilespmem:$0x1A800] =	vst v63  }
0x32: {  	_ =	swait.ge [sflag:s16], $0x2800  }
0x33: {  	[sflag:s16] =	ssyncset.done $0x0  }
0x34: {  	[sflag:s16] =	ssyncadd.s32 $0xFFFFD800  }
0x35: {  	[spmem:s9] =	stream.linear.scatter [tilespmem:s15], [sflag:$0x1], $0x2800, $0x38;
	[tilespmem:$0x1A800] =	vst v63  }
0x36: {  	_ =	swait.ge [sflag:s16], $0x2800  }
0x37: {  	[sflag:s16] =	ssyncset.done $0x0  }
0x38: {  	[sflag:s16] =	ssyncadd.s32 $0xFFFFD800  }
0x39: {  	[spmem:s10] =	stream.linear.scatter [tilespmem:s15], [sflag:$0x1], $0x2800, $0x38;
	[tilespmem:$0x1A800] =	vst v63  }
0x3a: {  	_ =	swait.ge [sflag:s16], $0x2800  }
0x3b: {  	[sflag:s16] =	ssyncset.done $0x0  }
0x3c: {  	[sflag:s16] =	ssyncadd.s32 $0xFFFFD800  }
0x3d: {  	[spmem:s11] =	stream.linear.scatter [tilespmem:s15], [sflag:$0x1], $0x2800, $0x38;
	[tilespmem:$0x1A800] =	vst v63  }
0x3e: {  	_ =	swait.ge [sflag:s16], $0x2800  }
0x3f: {  	[sflag:s16] =	ssyncset.done $0x0  }
0x40: {  	s21 =	simm.s32 $0x0;
	s22 =	simm.s32 $0x200;
	[sflag:s16] =	ssyncadd.s32 $0xFFFFD800  }
.LBB2_4:
0x41: {  	p0 =	sne.s32 s22, $0x9E00;
	[tilespmem:s21+$0x18070] =	vst v1  }
0x42: {  	[tilespmem:s21+$0x18000] =	vst v1  }
0x43: {  	[tilespmem:s21+$0x18010] =	vst v1  }
.Ltmp1:
0x44: {  	[tilespmem:s21+$0x18020] =	vst v1;
	(pc) =	sbr.rel @p0 .LBB2_4-.Ltmp1, $4  }
0x45: {  	[tilespmem:s21+$0x18030] =	vst v1  }
0x46: {  	[tilespmem:s21+$0x18040] =	vst v1  }
0x47: {  	[tilespmem:s21+$0x18050] =	vst v1  }
0x48: {  	[tilespmem:s21+$0x18060] =	vst v1;
	s21 =	sshra.s32 s22, $0x2;
	s22 =	sadd.s32 $0x200, s22  }
0x49: {  	[tilespmem:s21+$0x18070] =	vst v1  }
0x4a: {  	[tilespmem:s21+$0x18000] =	vst v1  }
0x4b: {  	[tilespmem:s21+$0x18010] =	vst v1  }
0x4c: {  	[tilespmem:s21+$0x18020] =	vst v1  }
0x4d: {  	[tilespmem:s21+$0x18030] =	vst v1  }
0x4e: {  	[tilespmem:s21+$0x18040] =	vst v1  }
0x4f: {  	[tilespmem:s21+$0x18050] =	vst v1  }
0x50: {  	[tilespmem:s21+$0x18060] =	vst v1;
	s30 =	simm.s32 $0x0  }
0x51: {  	[tilespmem:s17], [sflag:$0x1] =	stream.linear.gather [hbm4b:s12+s30], $0x3E80, $0x38;
	[tilespmem:$0x1A800] =	vst v63  }
0x52: {  	_ =	swait.ge [sflag:s16], $0x3E80  }
0x53: {  	[sflag:s16] =	ssyncset.done $0x0  }
0x54: {  	[sflag:s16] =	ssyncadd.s32 $0xFFFFC180  }
0x55: {  	s31 =	simm.s32 $0x14000;
	[bflag:$0x0] =	sbarrier.arrive $0xFFFF  }
0x56: {  	[spmem:s2] =	stream.indirect.scatter.add.f32 [tilespmem:s15], [sflag:$0x1], $0x80, s31, s18, $0xb8;
	[tilespmem:$0x1A800] =	vst v63  }
0x57: {  	s21 =	simm.s32 $0x200;
	_ =	swait.ge [sflag:s16], $0x2800  }
.LBB2_6:
0x58: {  	s22 =	sshra.s32 s21, $0x2;
	[sflag:s16] =	ssyncset.done $0x0;
	p0 =	sne.s32 s21, $0xF800  }
.Ltmp2:
0x59: {  	s22 =	sadd.s32 $0x14000, s22;
	[sflag:s16] =	ssyncadd.s32 $0xFFFFD800;
	(pc) =	sbr.rel @p0 .LBB2_6-.Ltmp2, $3  }
0x5a: {  	[spmem:s2] =	stream.indirect.scatter.add.f32 [tilespmem:s15], [sflag:$0x1], $0x80, s22, s18, $0xb8;
	[tilespmem:$0x1A800] =	vst v63  }
0x5b: {  	s21 =	sadd.s32 $0x200, s21;
	_ =	sdelay $0x1  }
0x5c: {  	_ =	swait.ge [sflag:s16], $0x2800  }
0x5d: {  	[sflag:s16] =	ssyncset.done $0x0;
	s3 =	sadd.s32 $0x1, s3  }
0x5e: {  	[sflag:s16] =	ssyncadd.s32 $0xFFFFD800;
	p0 =	sne.s32 s3, s14  }
.Ltmp3:
0x5f: {  	[bflag:$0x0] =	sbarrier.arrive $0xFFFF;
	(pc) =	sbr.rel @p0 .LBB2_1-.Ltmp3, $4  }
0x60: {  	[hbm:s13], [sflag:s19] =	dma.local [spmem:s20], $0x2800  }
0x61: {  	_ =	swait.ge [sflag:s16], $0x2800  }
0x62: {  	[sflag:s16] =	ssyncset.done $0x0  }
0x63: {  	[sflag:s16] =	ssyncadd.s32 $0xFFFFD800  }
0x64: {  	_ =	sfence.sel $0x180000  }
0x65: {  	[bflag:$0x0] =	sbarrier.arrive $0xFFFF  }
0x66: {  	p0 =	sne.s32 s1, $0x0;
	_ =	strace $0x90000047  }
0x67: {  	s0 =	sadd.s32 @!p0 $0x100000, s0;
	[bflag:$0x2] =	sbarrier.arrive $0xFFFF  }
0x68: {  	[sflag:s0] =	ssyncadd.tile.s32 @!p0 $0x1;
	_ =	shalt  }
.Lfunc_end2:
_tile_overlayer_lowered:
.L_overlay_start_2:
0x69: {  	(tag) =	ssettag $0x2  }
0x6a: {  	s0 =	rddreg [dreg:$0x0];
	s2 =	stileid.u32  }
0x6b: {  	s1 =	rddreg [dreg:$0x1];
	p0 =	sne.s32 s2, $0x0  }
0x6c: {  	s3 =	rddreg [dreg:$0x2];
	[bflag:$0x3] =	sbarrier.arrive $0xFFFF;
	s2 =	simm.s32 @!p0 $0x1C01  }
0x6d: {  	[timem:s3], [sflag:s2] =	dma.local @!p0 [hbm:s0], s1  }
0x6e: {  	s0 =	simm.s32 @!p0 $0x1  }
0x6f: {  	_ =	swait.ge @!p0 [sflag:s0], s1  }
0x70: {  	s1 =	ssub.s32 @!p0 $0x0, s1;
	[sflag:s0] =	ssyncset.done @!p0 $0x0  }
0x71: {  	[sflag:s0] =	ssyncadd.s32 @!p0 s1  }
0x72: {  	[bflag:$0x3] =	sbarrier.arrive $0xFFFF  }
0x73: {  	_ =	shalt  }

// kernel: kernel.15.cloned.1.call-start
scs
__scs_entry_jumppad:
0x0: {  	(pc) =	sbr.rel $0x88, $3  }
0x1: {  	(tag) =	ssettag $0x0;
	lr =	simm.s32 $0x1  }
0x2: {  	[smem:$0x3F9B] =	sst lr;
	_ =	strace $0xD0000000  }
0x3: {  	_ = 	snop  }
0x4: {  	_ = 	snop  }
0x5: {  	_ = 	snop  }
0x6: {  	_ = 	snop  }
0x7: {  	_ = 	snop  }
__scs_overlays_trampoline_lowered:
0x8: {  	[smem:$0x3FAA] =	sst s0  }
0x9: {  	[smem:$0x3FAB] =	sst s1  }
0xa: {  	[smem:$0x3FAC] =	sst s2  }
0xb: {  	[smem:$0x3FAD] =	sst s3  }
0xc: {  	[smem:$0x3FAE] =	sst s4  }
0xd: {  	[smem:$0x3FAF] =	sst s5  }
0xe: {  	[smem:$0x3FB0] =	sst s6  }
0xf: {  	[smem:$0x3FB1] =	sst s7  }
0x10: {  	[smem:$0x3FB2] =	sst s8  }
0x11: {  	[smem:$0x3FB3] =	sst s9;
	s0 =	simm.s32 @!p0 $0x0  }
0x12: {  	s1 =	sld [smem:$0x3F99];
	s0 =	simm.s32 @p0 $0x1  }
0x13: {  	[smem:$0x3FB4] =	sst s0;
	s0 =	simm.s32 @!p1 $0x0  }
0x14: {  	s2 =	sld [smem:$0x3F98];
	s0 =	simm.s32 @p1 $0x1  }
0x15: {  	[smem:$0x3FB5] =	sst s0;
	s0 =	simm.s32 @!p2 $0x0  }
0x16: {  	s3 =	sld [smem:$0x3FDB];
	s0 =	simm.s32 @p2 $0x1  }
0x17: {  	s4 =	simm.s32 $0x1BF5;
	[smem:$0x3FB7] =	sst s0  }
0x18: {  	s0 =	sld [smem:$0x3F9A];
	_ =	swait.ge [sflag:s4], $0x0  }
0x19: {  	s7 =	sld [smem:$0x3F9B]  }
0x1a: {  	s8 =	sadd.s32 $0xFFFFE003, lr  }
0x1b: {  	s9 =	sadd.s32 $0xFFFFFEF7, lr;
	s5 =	simm.s32 $0xFFFFFFFF;
	p2 =	slt.u32 s8, $0xFFFFF086  }
0x1c: {  	p1 =	slt.u32 s9, $0xF7A;
	s5 =	simm.s32 @!p2 $0x0  }
0x1d: {  	s5 =	simm.s32 @p1 $0x1;
	p0 =	seq.s32 s7, s2  }
0x1e: {  	s7 =	smul.u32 @!p0 $0xF7A, s2;
	p2 =	seq.s32 @!p0 s5, $0x0  }
0x1f: {  	s9 =	smul.u32 $0xF7A, s1;
	s8 =	simm.s32 @!p0 $0x1BF5;
	p2 =	por !p2, p0  }
0x20: {  	[sflag:s8] =	ssyncset.s32 @!p0 $0xFFFFF086;
	s6 =	sadd.s32 @!p0 s3, s7;
	s7 =	simm.s32 @!p0 $0x108  }
0x21: {  	s3 =	sadd.s32 s3, s9;
	s6 =	sadd.s32 @!p0 $0x88, s6;
	s7 =	simm.s32 @p2 $0x1082  }
0x22: {  	[simem:s7], [sflag:s8] =	dma.local @!p0 [hbm:s6], $0xF7A  }
0x23: {  	s9 =	sor.u32 $0xD0000000, s2;
	s6 =	simm.s32 $0x108;
	_ =	swait.ge @!p0 [sflag:s8], $0x0  }
0x24: {  	s3 =	sadd.s32 $0x88, s3;
	s6 =	simm.s32 @!p1 $0x1082;
	[sflag:s4] =	ssyncset.s32 $0xFFFFF086  }
0x25: {  	[simem:s6], [sflag:s4] =	dma.local [hbm:s3], $0xF7A  }
0x26: {  	[smem:$0x3F9B] =	sst s1;
	(tag) =	ssettag s2;
	_ =	strace s9  }
0x27: {  	s1 =	sld [smem:$0x3FAB]  }
0x28: {  	s2 =	sld [smem:$0x3FAC]  }
0x29: {  	s4 =	sld [smem:$0x3FAE]  }
0x2a: {  	p0 =	seq.s32 s5, $0x0;
	s5 =	sld [smem:$0x3FAF]  }
0x2b: {  	s6 =	sld [smem:$0x3FB0]  }
0x2c: {  	s7 =	sld [smem:$0x3FB1]  }
0x2d: {  	s3 =	simm.s32 $0x108;
	s8 =	sld [smem:$0x3FB2]  }
0x2e: {  	s3 =	simm.s32 @!p0 $0x1082;
	s9 =	sld [smem:$0x3FB3]  }
0x2f: {  	lr =	sadd.s32 s0, s3;
	s0 =	sld [smem:$0x3FAA]  }
0x30: {  	s3 =	sld [smem:$0x3FAD]  }
0x31: {  	[smem:$0x3FB6] =	sst s10  }
0x32: {  	s10 =	sld [smem:$0x3FB4];
	_ =	sdelay $0x3  }
0x33: {  	p0 =	seq.s32 s10, $0x1;
	s10 =	sld [smem:$0x3FB6];
	_ =	sdelay $0x3  }
0x34: {  	[smem:$0x3FB6] =	sst s10  }
0x35: {  	s10 =	sld [smem:$0x3FB5];
	_ =	sdelay $0x3  }
0x36: {  	p1 =	seq.s32 s10, $0x1;
	s10 =	sld [smem:$0x3FB6];
	_ =	sdelay $0x3  }
0x37: {  	[smem:$0x3FB6] =	sst s10  }
0x38: {  	s10 =	sld [smem:$0x3FB7]  }
0x39: {  	_ = 	snop;
	(pc) =	sbr.ind lr, $3  }
0x3a: {  	_ = 	snop  }
0x3b: {  	_ = 	snop  }
0x3c: {  	p2 =	seq.s32 s10, $0x1;
	s10 =	sld [smem:$0x3FB6]  }
0x3d: {  	_ =	shalt  }
0x3e: {  	_ =	shalt  }
0x3f: {  	_ =	shalt  }
0x40: {  	_ =	shalt  }
0x41: {  	_ =	shalt  }
0x42: {  	_ =	shalt  }
0x43: {  	_ =	shalt  }
0x44: {  	_ =	shalt  }
0x45: {  	_ =	shalt  }
0x46: {  	_ =	shalt  }
0x47: {  	_ =	shalt  }
0x48: {  	_ =	shalt  }
0x49: {  	_ =	shalt  }
0x4a: {  	_ =	shalt  }
0x4b: {  	_ =	shalt  }
0x4c: {  	_ =	shalt  }
0x4d: {  	_ =	shalt  }
0x4e: {  	_ =	shalt  }
0x4f: {  	_ =	shalt  }
0x50: {  	_ =	shalt  }
0x51: {  	_ =	shalt  }
0x52: {  	_ =	shalt  }
0x53: {  	_ =	shalt  }
0x54: {  	_ =	shalt  }
0x55: {  	_ =	shalt  }
0x56: {  	_ =	shalt  }
0x57: {  	_ =	shalt  }
0x58: {  	_ =	shalt  }
0x59: {  	_ =	shalt  }
0x5a: {  	_ =	shalt  }
0x5b: {  	_ =	shalt  }
0x5c: {  	_ =	shalt  }
0x5d: {  	_ =	shalt  }
0x5e: {  	_ =	shalt  }
0x5f: {  	_ =	shalt  }
0x60: {  	_ =	shalt  }
0x61: {  	_ =	shalt  }
0x62: {  	_ =	shalt  }
0x63: {  	_ =	shalt  }
0x64: {  	_ =	shalt  }
0x65: {  	_ =	shalt  }
0x66: {  	_ =	shalt  }
0x67: {  	_ =	shalt  }
0x68: {  	_ =	shalt  }
0x69: {  	_ =	shalt  }
0x6a: {  	_ =	shalt  }
0x6b: {  	_ =	shalt  }
0x6c: {  	_ =	shalt  }
0x6d: {  	_ =	shalt  }
0x6e: {  	_ =	shalt  }
0x6f: {  	_ =	shalt  }
0x70: {  	_ =	shalt  }
0x71: {  	_ =	shalt  }
0x72: {  	_ =	shalt  }
0x73: {  	_ =	shalt  }
0x74: {  	_ =	shalt  }
0x75: {  	_ =	shalt  }
0x76: {  	_ =	shalt  }
0x77: {  	_ =	shalt  }
0x78: {  	_ =	shalt  }
0x79: {  	_ =	shalt  }
0x7a: {  	_ =	shalt  }
0x7b: {  	_ =	shalt  }
0x7c: {  	_ =	shalt  }
0x7d: {  	_ =	shalt  }
0x7e: {  	_ =	shalt  }
0x7f: {  	_ =	shalt  }
0x80: {  	_ =	shalt  }
0x81: {  	_ =	shalt  }
0x82: {  	_ =	shalt  }
0x83: {  	_ =	shalt  }
0x84: {  	_ =	shalt  }
0x85: {  	_ =	shalt  }
0x86: {  	_ =	shalt  }
0x87: {  	_ =	shalt  }
.Lfunc_end0:
.L_simem_size_0:
called_computation.1_lowered:
.L_overlay_start_0:
0x88: {  	s2 =	sld [smem:$0x3FD9]  }
0x89: {  	s3 =	sld [smem:$0x3FFE];
	_ =	sdelay $0x1  }
0x8a: {  	s1 =	srdreg.scid  }
0x8b: {  	s0 =	sand.u32 $0x1, s1  }
0x8c: {  	s17 =	sshll.u32 s0, $0xA;
	s2 =	sadd.s32 s3, s2  }
0x8d: {  	s2 =	sadd.s32 s2, s17  }
0x8e: {  	[smem:$0x3FC2] =	sst s2  }
0x8f: {  	_ = 	snop  }
0x90: {  	s2 =	sld [smem:$0x3FD0];
	(tm) =	ssettm $0x1  }
0x91: {  	s18 =	sld [smem:$0x3FFB];
	_ =	sdelay $0x3  }
0x92: {  	_ =	strace s18  }
0x93: {  	s3 =	sld [smem:$0x3FFC];
	_ =	sdelay $0x3  }
0x94: {  	_ =	strace s3  }
0x95: {  	s3 =	sld [smem:$0x3FFD];
	_ =	sdelay $0x3  }
0x96: {  	_ =	strace s3  }
0x97: {  	_ =	strace $0x8FFFFFFF  }
0x98: {  	s19 =	sld [smem:$0x3FDB];
	_ =	sdelay $0x1  }
0x99: {  	s4 =	simm.s32 $_scs_section_size  }
0x9a: {  	s5 =	simm.s32 $_size__tile_overlayer_lowered;
	s6 =	simm.s32 $_tile_overlayer_lowered  }
0x9b: {  	s22 =	simm.s32 $0x1BFF;
	s21 =	sshll.u32 s6, $0x1;
	s3 =	sadd.s32 s4, s19  }
0x9c: {  	s7 =	simm.s32 $0x0;
	s20 =	sshll.u32 s5, $0x1;
	s5 =	sadd.s32 s21, s3  }
0x9d: {  	[timem:s7], [sflag:s22] =	dma.local [hbm:s5], s20  }
0x9e: {  	_ =	swait.ge [sflag:s22], s20  }
0x9f: {  	s4 =	ssub.s32 $0x0, s20;
	[sflag:s22] =	ssyncset.done $0x0  }
0xa0: {  	[sflag:s22] =	ssyncadd.s32 s4;
	_ =	sdelay $0x1  }
0xa1: {  	s23 =	simm.s32 $0x1B8B  }
0xa2: {  	_ =	swait.ge [sflag:s23], $0x1  }
0xa3: {  	[sflag:s23] =	ssyncset.done $0x0  }
0xa4: {  	s25 =	simm.s32 $0x1B8E;
	s24 =	sld [smem:$0x3FFE];
	[sflag:s23] =	ssyncadd.s32 $0xFFFFFFFF  }
0xa5: {  	s26 =	simm.s32 $execute0_lowered;
	[smem:$0x3FD2] =	sst s25  }
0xa6: {  	s5 =	sshll.u32 s26, $0x1;
	_ =	strace $0x80000049;
	[dreg:$0x1] =	wrdreg $0xFFFFFFFF  }
0xa7: {  	s28 =	simm.s32 $_size_execute0_lowered;
	s3 =	sadd.s32 s3, s5;
	[dreg:$0x0] =	wrdreg $0x0  }
0xa8: {  	s5 =	sshll.u32 s28, $0x1;
	[dreg:$0x2] =	wrdreg s3  }
0xa9: {  	[dreg:$0x3] =	wrdreg s5  }
0xaa: {  	[dreg:$0x4] =	wrdreg $0xC0  }
0xab: {  	_ =	task [dreg:s7], $0x5FFFF  }
0xac: {  	[dreg:$0x1] =	wrdreg $0xFFFFFFFF  }
0xad: {  	[dreg:$0x0] =	wrdreg $0x60  }
0xae: {  	[dreg:$0x2] =	wrdreg s2  }
0xaf: {  	[dreg:$0x3] =	wrdreg s24  }
0xb0: {  	[dreg:$0x4] =	wrdreg $0x0  }
0xb1: {  	[dreg:$0x5] =	wrdreg $0x9  }
0xb2: {  	_ =	task.clear_ibuf [dreg:s7], $0x6FFFF;
	_ =	strace $0x90000049  }
0xb3: {  	s29 =	simm.s32 $0x9;
	_ =	strace $0x8000004B  }
0xb4: {  	_ =	swait.ge [sflag:s29], $0x1  }
0xb5: {  	[sflag:s29] =	ssyncadd.s32 $0xFFFFFFFF  }
0xb6: {  	_ =	strace $0x9000004B  }
0xb7: {  	_ =	sfence  }
0xb8: {  	s30 =	sld [smem:$0x0];
	_ =	sdelay $0x2  }
0xb9: {  	s31 =	sshll.u32 s1, $0xD;
	s1 =	sshrl.u32 s1, $0x2  }
0xba: {  	s3 =	sand.u32 $0x4000, s31;
	s1 =	sadd.s32 s1, s30  }
0xbb: {  	s0 =	sor.u32 s3, s0;
	s1 =	sshll.u32 s1, $0x11  }
0xbc: {  	s0 =	sor.u32 s1, s0  }
0xbd: {  	s0 =	sadd.s32 $0x8F2B, s0  }
0xbe: {  	[sflag:s0] =	ssyncadd.remote.s32 $0x1  }
0xbf: {  	_ =	sfence.sel $0xFFFF  }
0xc0: {  	[dreg:$0x0] =	wrdreg $0xFFFFFFFF;
	(pc) =	sbr.abs _section_cstart, $3  }
0xc1: {  	[dreg:$0x1] =	wrdreg $0xFFFFFFFF  }
0xc2: {  	_ =	task.clear_ibuf [dreg:s7], $0x2FFFF;
	_ =	strace $0x9FFFFFFF  }
0xc3: {  	(tm) =	ssettm $0x7FFFFFFF  }
tec
execute0_lowered:
.L_overlay_start_1:
0x0: {  	(tag) =	ssettag $0x1  }
0x1: {  	s0 =	rddreg [dreg:$0x0]  }
0x2: {  	s6 =	rddreg [dreg:$0x1];
	s1 =	srdreg.scid  }
0x3: {  	s3 =	rddreg [dreg:$0x2];
	s2 =	stileid.u32;
	s4 =	simm.s32 $0x0  }
0x4: {  	s16 =	simm.s32 $0x18200;
	s17 =	simm.s32 $0x2;
	s18 =	simm.s32 $0x14000  }
0x5: {  	s19 =	simm.s32 $0x50;
	s20 =	simm.s32 $0x18000;
	s21 =	simm.s32 $0x1  }
0x6: {  	s22 =	simm.s32 $0x18100;
	s23 =	simm.s32 $0x1AA00;
	s24 =	simm.s32 $0x18080  }
0x7: {  	s9 =	sand.u32 $0x1, s1;
	s1 =	rddreg [dreg:$0x3];
	s7 =	smul.u32 $0x14000, s2  }
0x8: {  	s25 =	simm.s32 $0x18180;
	[smem:$0x7FF] =	sst s4;
	s10 =	smul.u32 $0x50000, s2  }
0x9: {  	s8 =	sshll.u32 s2, $0xB;
	s5 =	smul.u32 $0x140000, s9;
	_ =	strace $0x8000004A  }
0xa: {  	s11 =	sadd.s32 s8, s6;
	s28 =	ssub.s32 $0x2, s9;
	s31 =	sshll.u32 s9, $0xF  }
0xb: {  	s29 =	sshrl.u32 s10, $0x2;
	s12 =	sshrl.u32 s28, $0x1;
	s13 =	sadd.s32 s31, s11  }
0xc: {  	s5 =	sadd.s32 s7, s5;
	s15 =	ssub.s32 s28, s12;
	s13 =	sadd.s32 $0x53800, s13  }
0xd: {  	s30 =	sshrl.u32 s5, $0x3;
	s5 =	sadd.s32 s29, s3;
	s15 =	smax.u32 s15, $0x1  }
0xe: {  	s14 =	sadd.s32 s30, s6;
	s6 =	sadd.s32 $0x2800, s5;
	s7 =	sadd.s32 $0x5000, s5  }
0xf: {  	s8 =	sadd.s32 $0x7800, s5;
	s9 =	sadd.s32 $0xA000, s5;
	s10 =	sadd.s32 $0xC800, s5  }
0x10: {  	v0 =	vimm.f32 $0.0e+00;
	s11 =	sadd.s32 $0xF000, s5;
	s12 =	sadd.s32 $0x11800, s5;
	s14 =	sadd.s32 $0x3800, s14  }
.LBB2_1:
0x11: {  	s26 =	simm.s32 $0x0;
	s28 =	simm.s32 $0x200  }
.LBB2_2:
0x12: {  	p0 =	sne.s32 s28, $0x9E00;
	[tilespmem:s26+$0x18270] =	vst v0  }
0x13: {  	[tilespmem:s26+$0x18200] =	vst v0  }
0x14: {  	[tilespmem:s26+$0x18210] =	vst v0  }
.Ltmp0:
0x15: {  	[tilespmem:s26+$0x18220] =	vst v0;
	(pc) =	sbr.rel @p0 .LBB2_2-.Ltmp0, $4  }
0x16: {  	[tilespmem:s26+$0x18230] =	vst v0  }
0x17: {  	[tilespmem:s26+$0x18240] =	vst v0  }
0x18: {  	[tilespmem:s26+$0x18250] =	vst v0  }
0x19: {  	[tilespmem:s26+$0x18260] =	vst v0;
	s26 =	sshra.s32 s28, $0x2;
	s28 =	sadd.s32 $0x200, s28  }
0x1a: {  	[tilespmem:s26+$0x18270] =	vst v0  }
0x1b: {  	[tilespmem:s26+$0x18200] =	vst v0  }
0x1c: {  	[tilespmem:s26+$0x18210] =	vst v0  }
0x1d: {  	[tilespmem:s26+$0x18220] =	vst v0  }
0x1e: {  	[tilespmem:s26+$0x18230] =	vst v0  }
0x1f: {  	[tilespmem:s26+$0x18240] =	vst v0  }
0x20: {  	[tilespmem:s26+$0x18250] =	vst v0  }
0x21: {  	[tilespmem:s26+$0x18260] =	vst v0  }
0x22: {  	[spmem:s5] =	stream.linear.scatter [tilespmem:s16], [sflag:$0x2], $0x2800, $0x38;
	[tilespmem:$0x1D200] =	vst v63  }
0x23: {  	_ =	swait.ge [sflag:s17], $0x2800  }
0x24: {  	[sflag:s17] =	ssyncset.done $0x0  }
0x25: {  	[sflag:s17] =	ssyncadd.s32 $0xFFFFD800  }
0x26: {  	[spmem:s6] =	stream.linear.scatter [tilespmem:s16], [sflag:$0x2], $0x2800, $0x38;
	[tilespmem:$0x1D200] =	vst v63  }
0x27: {  	_ =	swait.ge [sflag:s17], $0x2800  }
0x28: {  	[sflag:s17] =	ssyncset.done $0x0  }
0x29: {  	[sflag:s17] =	ssyncadd.s32 $0xFFFFD800  }
0x2a: {  	[spmem:s7] =	stream.linear.scatter [tilespmem:s16], [sflag:$0x2], $0x2800, $0x38;
	[tilespmem:$0x1D200] =	vst v63  }
0x2b: {  	_ =	swait.ge [sflag:s17], $0x2800  }
0x2c: {  	[sflag:s17] =	ssyncset.done $0x0  }
0x2d: {  	[sflag:s17] =	ssyncadd.s32 $0xFFFFD800  }
0x2e: {  	[spmem:s8] =	stream.linear.scatter [tilespmem:s16], [sflag:$0x2], $0x2800, $0x38;
	[tilespmem:$0x1D200] =	vst v63  }
0x2f: {  	_ =	swait.ge [sflag:s17], $0x2800  }
0x30: {  	[sflag:s17] =	ssyncset.done $0x0  }
0x31: {  	[sflag:s17] =	ssyncadd.s32 $0xFFFFD800  }
0x32: {  	[spmem:s9] =	stream.linear.scatter [tilespmem:s16], [sflag:$0x2], $0x2800, $0x38;
	[tilespmem:$0x1D200] =	vst v63  }
0x33: {  	_ =	swait.ge [sflag:s17], $0x2800  }
0x34: {  	[sflag:s17] =	ssyncset.done $0x0  }
0x35: {  	[sflag:s17] =	ssyncadd.s32 $0xFFFFD800  }
0x36: {  	[spmem:s10] =	stream.linear.scatter [tilespmem:s16], [sflag:$0x2], $0x2800, $0x38;
	[tilespmem:$0x1D200] =	vst v63  }
0x37: {  	_ =	swait.ge [sflag:s17], $0x2800  }
0x38: {  	[sflag:s17] =	ssyncset.done $0x0  }
0x39: {  	[sflag:s17] =	ssyncadd.s32 $0xFFFFD800  }
0x3a: {  	[spmem:s11] =	stream.linear.scatter [tilespmem:s16], [sflag:$0x2], $0x2800, $0x38;
	[tilespmem:$0x1D200] =	vst v63  }
0x3b: {  	_ =	swait.ge [sflag:s17], $0x2800  }
0x3c: {  	[sflag:s17] =	ssyncset.done $0x0  }
0x3d: {  	[sflag:s17] =	ssyncadd.s32 $0xFFFFD800  }
0x3e: {  	[spmem:s12] =	stream.linear.scatter [tilespmem:s16], [sflag:$0x2], $0x2800, $0x38;
	[tilespmem:$0x1D200] =	vst v63  }
0x3f: {  	_ =	swait.ge [sflag:s17], $0x2800  }
0x40: {  	[sflag:s17] =	ssyncset.done $0x0  }
0x41: {  	s31 =	simm.s32 $0x0;
	[sflag:s17] =	ssyncadd.s32 $0xFFFFD800  }
0x42: {  	[tilespmem:s18], [sflag:$0x2] =	stream.linear.gather [hbm4b:s13+s31], $0x3E80, $0x38;
	[tilespmem:$0x1D200] =	vst v63  }
0x43: {  	_ =	swait.ge [sflag:s17], $0x3E80  }
0x44: {  	[sflag:s17] =	ssyncset.done $0x0  }
0x45: {  	[sflag:s17] =	ssyncadd.s32 $0xFFFFC180  }
0x46: {  	[bflag:$0x0] =	sbarrier.arrive $0xFFFF  }
0x47: {  	v1 =	vld [tilespmem:$0x14000];
	_ =	sdelay $0x1  }
0x48: {  	v2 =	vld [tilespmem:$0x14010];
	_ =	sdelay $0x1  }
0x49: {  	v3 =	vld [tilespmem:$0x14020]  }
0x4a: {  	v4 =	vand.u32 $0xFFFF, v1  }
0x4b: {  	v63 =	vld [tilespmem:$0x14030];
	v1 =	vshrl.u32 v1, $0x10;
	[tilespmem:$0x18000] =	vst v4  }
0x4c: {  	[tilespmem:$0x18080] =	vst v1;
	v1 =	vand.u32 $0xFFFF, v2  }
0x4d: {  	[tilespmem:$0x18010] =	vst v1;
	v1 =	vshrl.u32 v2, $0x10;
	v2 =	vld [tilespmem:$0x14040]  }
0x4e: {  	[tilespmem:$0x18090] =	vst v1;
	v1 =	vand.u32 $0xFFFF, v3  }
0x4f: {  	[tilespmem:$0x18020] =	vst v1;
	v1 =	vshrl.u32 v3, $0x10  }
0x50: {  	[tilespmem:$0x180A0] =	vst v1;
	v1 =	vand.u32 $0xFFFF, v63  }
0x51: {  	[tilespmem:$0x18030] =	vst v1;
	v1 =	vshrl.u32 v63, $0x10  }
0x52: {  	[tilespmem:$0x180B0] =	vst v1;
	v1 =	vand.u32 $0xFFFF, v2  }
0x53: {  	[tilespmem:$0x18040] =	vst v1;
	v1 =	vshrl.u32 v2, $0x10  }
0x54: {  	[tilespmem:$0x180C0] =	vst v1  }
0x55: {  	[tilespmem:s16], [sflag:$0x1] =	stream.indirect.gather [hbm4b:s0+s19], $0x80, s20, s19, $0xb8;
	[tilespmem:$0x1D200] =	vst v63  }
0x56: {  	_ =	swait.ge [sflag:s21], $0x2800  }
0x57: {  	[sflag:s21] =	ssyncset.done $0x0  }
0x58: {  	s28 =	simm.s32 $0x0;
	[sflag:s21] =	ssyncadd.s32 $0xFFFFD800  }
0x59: {  	v1 =	vld [tilespmem:s28+$0x14080];
	_ =	sdelay $0x4  }
0x5a: {  	v2 =	vand.u32 $0xFFFF, v1  }
0x5b: {  	v1 =	vshrl.u32 v1, $0x10;
	[tilespmem:$0x18100] =	vst v2  }
0x5c: {  	[tilespmem:$0x18180] =	vst v1  }
0x5d: {  	v1 =	vld [tilespmem:s28+$0x14090];
	_ =	sdelay $0x4  }
0x5e: {  	v2 =	vand.u32 $0xFFFF, v1  }
0x5f: {  	v1 =	vshrl.u32 v1, $0x10;
	[tilespmem:$0x18110] =	vst v2  }
0x60: {  	[tilespmem:$0x18190] =	vst v1  }
0x61: {  	v1 =	vld [tilespmem:s28+$0x140A0];
	_ =	sdelay $0x4  }
0x62: {  	v2 =	vand.u32 $0xFFFF, v1  }
0x63: {  	v1 =	vshrl.u32 v1, $0x10;
	[tilespmem:$0x18120] =	vst v2  }
0x64: {  	[tilespmem:$0x181A0] =	vst v1  }
0x65: {  	v1 =	vld [tilespmem:s28+$0x140B0];
	_ =	sdelay $0x4  }
0x66: {  	v2 =	vand.u32 $0xFFFF, v1  }
0x67: {  	v1 =	vshrl.u32 v1, $0x10;
	[tilespmem:$0x18130] =	vst v2  }
0x68: {  	[tilespmem:$0x181B0] =	vst v1  }
0x69: {  	v1 =	vld [tilespmem:s28+$0x140C0];
	_ =	sdelay $0x4  }
0x6a: {  	v2 =	vand.u32 $0xFFFF, v1  }
0x6b: {  	v1 =	vshrl.u32 v1, $0x10;
	[tilespmem:$0x18140] =	vst v2  }
0x6c: {  	[tilespmem:$0x181C0] =	vst v1  }
0x6d: {  	[tilespmem:s23], [sflag:$0x1] =	stream.indirect.gather [hbm4b:s0+s19], $0x80, s22, s19, $0xb8;
	[tilespmem:$0x1D200] =	vst v63  }
0x6e: {  	_ = 	snop  }
0x6f: {  	[spmem:s3] =	stream.indirect.scatter.add.f32 [tilespmem:s16], [sflag:$0x2], $0x80, s24, s19, $0xb8;
	[tilespmem:$0x1D200] =	vst v63  }
0x70: {  	_ =	swait.ge [sflag:s17], $0x2800  }
0x71: {  	[sflag:s17] =	ssyncset.done $0x0  }
0x72: {  	[sflag:s17] =	ssyncadd.s32 $0xFFFFD800  }
0x73: {  	_ =	swait.ge [sflag:s21], $0x2800  }
0x74: {  	[sflag:s21] =	ssyncset.done $0x0  }
0x75: {  	[sflag:s21] =	ssyncadd.s32 $0xFFFFD800  }
0x76: {  	v1 =	vld [tilespmem:s28+$0x14100];
	_ =	sdelay $0x4  }
0x77: {  	v2 =	vand.u32 $0xFFFF, v1  }
0x78: {  	v1 =	vshrl.u32 v1, $0x10;
	[tilespmem:$0x18000] =	vst v2  }
0x79: {  	[tilespmem:$0x18080] =	vst v1  }
0x7a: {  	v1 =	vld [tilespmem:s28+$0x14110];
	_ =	sdelay $0x4  }
0x7b: {  	v2 =	vand.u32 $0xFFFF, v1  }
0x7c: {  	v1 =	vshrl.u32 v1, $0x10;
	[tilespmem:$0x18010] =	vst v2  }
0x7d: {  	[tilespmem:$0x18090] =	vst v1  }
0x7e: {  	v1 =	vld [tilespmem:s28+$0x14120];
	_ =	sdelay $0x4  }
0x7f: {  	v2 =	vand.u32 $0xFFFF, v1  }
0x80: {  	v1 =	vshrl.u32 v1, $0x10;
	[tilespmem:$0x18020] =	vst v2  }
0x81: {  	[tilespmem:$0x180A0] =	vst v1  }
0x82: {  	v1 =	vld [tilespmem:s28+$0x14130];
	_ =	sdelay $0x4  }
0x83: {  	v2 =	vand.u32 $0xFFFF, v1  }
0x84: {  	v1 =	vshrl.u32 v1, $0x10;
	[tilespmem:$0x18030] =	vst v2  }
0x85: {  	[tilespmem:$0x180B0] =	vst v1  }
0x86: {  	s26 =	simm.s32 $0x400;
	v1 =	vld [tilespmem:s28+$0x14140]  }
.LBB2_4:
0x87: {  	_ =	sdelay $0x1  }
0x88: {  	p0 =	sne.s32 s26, $0xF400;
	s28 =	smov.u32 s26;
	s26 =	sadd.s32 $0x400, s26  }
0x89: {  	_ = 	snop  }
0x8a: {  	v2 =	vand.u32 $0xFFFF, v1;
	v1 =	vshrl.u32 v1, $0x10  }
0x8b: {  	[tilespmem:$0x18040] =	vst v2  }
0x8c: {  	[tilespmem:$0x180C0] =	vst v1  }
0x8d: {  	[tilespmem:s16], [sflag:$0x1] =	stream.indirect.gather [hbm4b:s0+s19], $0x80, s20, s19, $0xb8;
	[tilespmem:$0x1D200] =	vst v63  }
0x8e: {  	_ = 	snop  }
0x8f: {  	[spmem:s3] =	stream.indirect.scatter.add.f32 [tilespmem:s23], [sflag:$0x2], $0x80, s25, s19, $0xb8;
	[tilespmem:$0x1D200] =	vst v63  }
0x90: {  	_ =	swait.ge [sflag:s17], $0x2800  }
0x91: {  	[sflag:s17] =	ssyncset.done $0x0  }
0x92: {  	[sflag:s17] =	ssyncadd.s32 $0xFFFFD800  }
0x93: {  	_ =	swait.ge [sflag:s21], $0x2800  }
0x94: {  	[sflag:s21] =	ssyncset.done $0x0  }
0x95: {  	s28 =	sshra.s32 s28, $0x2;
	[sflag:s21] =	ssyncadd.s32 $0xFFFFD800  }
0x96: {  	v1 =	vld [tilespmem:s28+$0x14080];
	_ =	sdelay $0x4  }
0x97: {  	v2 =	vand.u32 $0xFFFF, v1;
	v1 =	vshrl.u32 v1, $0x10  }
0x98: {  	[tilespmem:$0x18100] =	vst v2  }
0x99: {  	[tilespmem:$0x18180] =	vst v1  }
0x9a: {  	v1 =	vld [tilespmem:s28+$0x14090];
	_ =	sdelay $0x4  }
0x9b: {  	v2 =	vand.u32 $0xFFFF, v1;
	v1 =	vshrl.u32 v1, $0x10  }
0x9c: {  	[tilespmem:$0x18110] =	vst v2  }
0x9d: {  	[tilespmem:$0x18190] =	vst v1  }
0x9e: {  	v1 =	vld [tilespmem:s28+$0x140A0];
	_ =	sdelay $0x4  }
0x9f: {  	v2 =	vand.u32 $0xFFFF, v1;
	v1 =	vshrl.u32 v1, $0x10  }
0xa0: {  	[tilespmem:$0x18120] =	vst v2  }
0xa1: {  	[tilespmem:$0x181A0] =	vst v1  }
0xa2: {  	v1 =	vld [tilespmem:s28+$0x140B0];
	_ =	sdelay $0x4  }
0xa3: {  	v2 =	vand.u32 $0xFFFF, v1;
	v1 =	vshrl.u32 v1, $0x10  }
0xa4: {  	[tilespmem:$0x18130] =	vst v2  }
0xa5: {  	[tilespmem:$0x181B0] =	vst v1  }
0xa6: {  	v1 =	vld [tilespmem:s28+$0x140C0];
	_ =	sdelay $0x4  }
0xa7: {  	v2 =	vand.u32 $0xFFFF, v1;
	v1 =	vshrl.u32 v1, $0x10  }
0xa8: {  	[tilespmem:$0x18140] =	vst v2  }
0xa9: {  	[tilespmem:$0x181C0] =	vst v1  }
0xaa: {  	[tilespmem:s23], [sflag:$0x1] =	stream.indirect.gather [hbm4b:s0+s19], $0x80, s22, s19, $0xb8;
	[tilespmem:$0x1D200] =	vst v63  }
0xab: {  	_ = 	snop  }
0xac: {  	[spmem:s3] =	stream.indirect.scatter.add.f32 [tilespmem:s16], [sflag:$0x2], $0x80, s24, s19, $0xb8;
	[tilespmem:$0x1D200] =	vst v63  }
0xad: {  	_ =	swait.ge [sflag:s17], $0x2800  }
0xae: {  	[sflag:s17] =	ssyncset.done $0x0  }
0xaf: {  	[sflag:s17] =	ssyncadd.s32 $0xFFFFD800  }
0xb0: {  	_ =	swait.ge [sflag:s21], $0x2800  }
0xb1: {  	[sflag:s21] =	ssyncset.done $0x0  }
0xb2: {  	[sflag:s21] =	ssyncadd.s32 $0xFFFFD800  }
0xb3: {  	v1 =	vld [tilespmem:s28+$0x14100];
	_ =	sdelay $0x4  }
0xb4: {  	v2 =	vand.u32 $0xFFFF, v1;
	v1 =	vshrl.u32 v1, $0x10  }
0xb5: {  	[tilespmem:$0x18000] =	vst v2  }
0xb6: {  	[tilespmem:$0x18080] =	vst v1  }
0xb7: {  	v1 =	vld [tilespmem:s28+$0x14110];
	_ =	sdelay $0x4  }
0xb8: {  	v2 =	vand.u32 $0xFFFF, v1;
	v1 =	vshrl.u32 v1, $0x10  }
0xb9: {  	[tilespmem:$0x18010] =	vst v2  }
0xba: {  	[tilespmem:$0x18090] =	vst v1  }
0xbb: {  	v1 =	vld [tilespmem:s28+$0x14120];
	_ =	sdelay $0x4  }
0xbc: {  	v2 =	vand.u32 $0xFFFF, v1;
	v1 =	vshrl.u32 v1, $0x10  }
0xbd: {  	[tilespmem:$0x18020] =	vst v2  }
0xbe: {  	[tilespmem:$0x180A0] =	vst v1  }
0xbf: {  	v1 =	vld [tilespmem:s28+$0x14130];
	_ =	sdelay $0x3  }
.Ltmp1:
0xc0: {  	(pc) =	sbr.rel @p0 .LBB2_4-.Ltmp1, $4  }
0xc1: {  	v2 =	vand.u32 $0xFFFF, v1;
	v1 =	vshrl.u32 v1, $0x10  }
0xc2: {  	[tilespmem:$0x18030] =	vst v2  }
0xc3: {  	[tilespmem:$0x180B0] =	vst v1  }
0xc4: {  	v1 =	vld [tilespmem:s28+$0x14140]  }
0xc5: {  	_ =	sdelay $0x3  }
0xc6: {  	v2 =	vand.u32 $0xFFFF, v1  }
0xc7: {  	v1 =	vshrl.u32 v1, $0x10;
	[tilespmem:$0x18040] =	vst v2  }
0xc8: {  	[tilespmem:$0x180C0] =	vst v1  }
0xc9: {  	[tilespmem:s16], [sflag:$0x1] =	stream.indirect.gather [hbm4b:s0+s19], $0x80, s20, s19, $0xb8;
	[tilespmem:$0x1D200] =	vst v63  }
0xca: {  	_ = 	snop  }
0xcb: {  	[spmem:s3] =	stream.indirect.scatter.add.f32 [tilespmem:s23], [sflag:$0x2], $0x80, s25, s19, $0xb8;
	[tilespmem:$0x1D200] =	vst v63  }
0xcc: {  	_ =	swait.ge [sflag:s17], $0x2800  }
0xcd: {  	[sflag:s17] =	ssyncset.done $0x0  }
0xce: {  	[sflag:s17] =	ssyncadd.s32 $0xFFFFD800  }
0xcf: {  	_ =	swait.ge [sflag:s21], $0x2800  }
0xd0: {  	[sflag:s21] =	ssyncset.done $0x0  }
0xd1: {  	[sflag:s21] =	ssyncadd.s32 $0xFFFFD800  }
0xd2: {  	[spmem:s3] =	stream.indirect.scatter.add.f32 [tilespmem:s16], [sflag:$0x2], $0x80, s24, s19, $0xb8;
	[tilespmem:$0x1D200] =	vst v63  }
0xd3: {  	_ =	swait.ge [sflag:s17], $0x2800  }
0xd4: {  	s26 =	sshll.u32 s2, $0x6;
	s4 =	sadd.s32 $0x1, s4;
	[sflag:s17] =	ssyncset.done $0x0  }
0xd5: {  	s28 =	sshrl.u32 s5, $0x3;
	p0 =	sne.s32 s4, s15;
	[sflag:s17] =	ssyncadd.s32 $0xFFFFD800  }
.Ltmp2:
0xd6: {  	s26 =	sor.u32 $0x1C02, s26;
	[bflag:$0x0] =	sbarrier.arrive $0xFFFF;
	(pc) =	sbr.rel @p0 .LBB2_1-.Ltmp2, $4  }
0xd7: {  	[hbm:s14], [sflag:s26] =	dma.local [spmem:s28], $0x2800  }
0xd8: {  	_ =	swait.ge [sflag:s17], $0x2800  }
0xd9: {  	[sflag:s17] =	ssyncset.done $0x0  }
0xda: {  	[sflag:s17] =	ssyncadd.s32 $0xFFFFD800  }
0xdb: {  	_ =	sfence.sel $0x180000  }
0xdc: {  	[bflag:$0x0] =	sbarrier.arrive $0xFFFF  }
0xdd: {  	p0 =	sne.s32 s2, $0x0;
	_ =	strace $0x9000004A  }
0xde: {  	s0 =	sadd.s32 @!p0 $0x100000, s1;
	[bflag:$0x2] =	sbarrier.arrive $0xFFFF  }
0xdf: {  	[sflag:s0] =	ssyncadd.tile.s32 @!p0 $0x1;
	_ =	shalt  }
.Lfunc_end2:
_tile_overlayer_lowered:
.L_overlay_start_2:
0xe0: {  	(tag) =	ssettag $0x2  }
0xe1: {  	s0 =	rddreg [dreg:$0x0];
	s2 =	stileid.u32  }
0xe2: {  	s1 =	rddreg [dreg:$0x1];
	p0 =	sne.s32 s2, $0x0  }
0xe3: {  	s3 =	rddreg [dreg:$0x2];
	[bflag:$0x3] =	sbarrier.arrive $0xFFFF;
	s2 =	simm.s32 @!p0 $0x1C02  }
0xe4: {  	[timem:s3], [sflag:s2] =	dma.local @!p0 [hbm:s0], s1  }
0xe5: {  	s0 =	simm.s32 @!p0 $0x2  }
0xe6: {  	_ =	swait.ge @!p0 [sflag:s0], s1  }
0xe7: {  	s1 =	ssub.s32 @!p0 $0x0, s1;
	[sflag:s0] =	ssyncset.done @!p0 $0x0  }
0xe8: {  	[sflag:s0] =	ssyncadd.s32 @!p0 s1  }
0xe9: {  	[bflag:$0x3] =	sbarrier.arrive $0xFFFF  }
0xea: {  	_ =	shalt  }

// kernel: kernel.18.cloned.1.call-start
scs
__scs_entry_jumppad:
0x0: {  	(pc) =	sbr.rel $0x88, $3  }
0x1: {  	(tag) =	ssettag $0x0;
	lr =	simm.s32 $0x1  }
0x2: {  	[smem:$0x3F9B] =	sst lr;
	_ =	strace $0xD0000000  }
0x3: {  	_ = 	snop  }
0x4: {  	_ = 	snop  }
0x5: {  	_ = 	snop  }
0x6: {  	_ = 	snop  }
0x7: {  	_ = 	snop  }
__scs_overlays_trampoline_lowered:
0x8: {  	[smem:$0x3FAA] =	sst s0  }
0x9: {  	[smem:$0x3FAB] =	sst s1  }
0xa: {  	[smem:$0x3FAC] =	sst s2  }
0xb: {  	[smem:$0x3FAD] =	sst s3  }
0xc: {  	[smem:$0x3FAE] =	sst s4  }
0xd: {  	[smem:$0x3FAF] =	sst s5  }
0xe: {  	[smem:$0x3FB0] =	sst s6  }
0xf: {  	[smem:$0x3FB1] =	sst s7  }
0x10: {  	[smem:$0x3FB2] =	sst s8  }
0x11: {  	[smem:$0x3FB3] =	sst s9;
	s0 =	simm.s32 @!p0 $0x0  }
0x12: {  	s1 =	sld [smem:$0x3F99];
	s0 =	simm.s32 @p0 $0x1  }
0x13: {  	[smem:$0x3FB4] =	sst s0;
	s0 =	simm.s32 @!p1 $0x0  }
0x14: {  	s2 =	sld [smem:$0x3F98];
	s0 =	simm.s32 @p1 $0x1  }
0x15: {  	[smem:$0x3FB5] =	sst s0;
	s0 =	simm.s32 @!p2 $0x0  }
0x16: {  	s3 =	sld [smem:$0x3FDB];
	s0 =	simm.s32 @p2 $0x1  }
0x17: {  	s4 =	simm.s32 $0x1BF5;
	[smem:$0x3FB7] =	sst s0  }
0x18: {  	s0 =	sld [smem:$0x3F9A];
	_ =	swait.ge [sflag:s4], $0x0  }
0x19: {  	s7 =	sld [smem:$0x3F9B]  }
0x1a: {  	s8 =	sadd.s32 $0xFFFFE003, lr  }
0x1b: {  	s9 =	sadd.s32 $0xFFFFFEF7, lr;
	s5 =	simm.s32 $0xFFFFFFFF;
	p2 =	slt.u32 s8, $0xFFFFF086  }
0x1c: {  	p1 =	slt.u32 s9, $0xF7A;
	s5 =	simm.s32 @!p2 $0x0  }
0x1d: {  	s5 =	simm.s32 @p1 $0x1;
	p0 =	seq.s32 s7, s2  }
0x1e: {  	s7 =	smul.u32 @!p0 $0xF7A, s2;
	p2 =	seq.s32 @!p0 s5, $0x0  }
0x1f: {  	s9 =	smul.u32 $0xF7A, s1;
	s8 =	simm.s32 @!p0 $0x1BF5;
	p2 =	por !p2, p0  }
0x20: {  	[sflag:s8] =	ssyncset.s32 @!p0 $0xFFFFF086;
	s6 =	sadd.s32 @!p0 s3, s7;
	s7 =	simm.s32 @!p0 $0x108  }
0x21: {  	s3 =	sadd.s32 s3, s9;
	s6 =	sadd.s32 @!p0 $0x88, s6;
	s7 =	simm.s32 @p2 $0x1082  }
0x22: {  	[simem:s7], [sflag:s8] =	dma.local @!p0 [hbm:s6], $0xF7A  }
0x23: {  	s9 =	sor.u32 $0xD0000000, s2;
	s6 =	simm.s32 $0x108;
	_ =	swait.ge @!p0 [sflag:s8], $0x0  }
0x24: {  	s3 =	sadd.s32 $0x88, s3;
	s6 =	simm.s32 @!p1 $0x1082;
	[sflag:s4] =	ssyncset.s32 $0xFFFFF086  }
0x25: {  	[simem:s6], [sflag:s4] =	dma.local [hbm:s3], $0xF7A  }
0x26: {  	[smem:$0x3F9B] =	sst s1;
	(tag) =	ssettag s2;
	_ =	strace s9  }
0x27: {  	s1 =	sld [smem:$0x3FAB]  }
0x28: {  	s2 =	sld [smem:$0x3FAC]  }
0x29: {  	s4 =	sld [smem:$0x3FAE]  }
0x2a: {  	p0 =	seq.s32 s5, $0x0;
	s5 =	sld [smem:$0x3FAF]  }
0x2b: {  	s6 =	sld [smem:$0x3FB0]  }
0x2c: {  	s7 =	sld [smem:$0x3FB1]  }
0x2d: {  	s3 =	simm.s32 $0x108;
	s8 =	sld [smem:$0x3FB2]  }
0x2e: {  	s3 =	simm.s32 @!p0 $0x1082;
	s9 =	sld [smem:$0x3FB3]  }
0x2f: {  	lr =	sadd.s32 s0, s3;
	s0 =	sld [smem:$0x3FAA]  }
0x30: {  	s3 =	sld [smem:$0x3FAD]  }
0x31: {  	[smem:$0x3FB6] =	sst s10  }
0x32: {  	s10 =	sld [smem:$0x3FB4];
	_ =	sdelay $0x3  }
0x33: {  	p0 =	seq.s32 s10, $0x1;
	s10 =	sld [smem:$0x3FB6];
	_ =	sdelay $0x3  }
0x34: {  	[smem:$0x3FB6] =	sst s10  }
0x35: {  	s10 =	sld [smem:$0x3FB5];
	_ =	sdelay $0x3  }
0x36: {  	p1 =	seq.s32 s10, $0x1;
	s10 =	sld [smem:$0x3FB6];
	_ =	sdelay $0x3  }
0x37: {  	[smem:$0x3FB6] =	sst s10  }
0x38: {  	s10 =	sld [smem:$0x3FB7]  }
0x39: {  	_ = 	snop;
	(pc) =	sbr.ind lr, $3  }
0x3a: {  	_ = 	snop  }
0x3b: {  	_ = 	snop  }
0x3c: {  	p2 =	seq.s32 s10, $0x1;
	s10 =	sld [smem:$0x3FB6]  }
0x3d: {  	_ =	shalt  }
0x3e: {  	_ =	shalt  }
0x3f: {  	_ =	shalt  }
0x40: {  	_ =	shalt  }
0x41: {  	_ =	shalt  }
0x42: {  	_ =	shalt  }
0x43: {  	_ =	shalt  }
0x44: {  	_ =	shalt  }
0x45: {  	_ =	shalt  }
0x46: {  	_ =	shalt  }
0x47: {  	_ =	shalt  }
0x48: {  	_ =	shalt  }
0x49: {  	_ =	shalt  }
0x4a: {  	_ =	shalt  }
0x4b: {  	_ =	shalt  }
0x4c: {  	_ =	shalt  }
0x4d: {  	_ =	shalt  }
0x4e: {  	_ =	shalt  }
0x4f: {  	_ =	shalt  }
0x50: {  	_ =	shalt  }
0x51: {  	_ =	shalt  }
0x52: {  	_ =	shalt  }
0x53: {  	_ =	shalt  }
0x54: {  	_ =	shalt  }
0x55: {  	_ =	shalt  }
0x56: {  	_ =	shalt  }
0x57: {  	_ =	shalt  }
0x58: {  	_ =	shalt  }
0x59: {  	_ =	shalt  }
0x5a: {  	_ =	shalt  }
0x5b: {  	_ =	shalt  }
0x5c: {  	_ =	shalt  }
0x5d: {  	_ =	shalt  }
0x5e: {  	_ =	shalt  }
0x5f: {  	_ =	shalt  }
0x60: {  	_ =	shalt  }
0x61: {  	_ =	shalt  }
0x62: {  	_ =	shalt  }
0x63: {  	_ =	shalt  }
0x64: {  	_ =	shalt  }
0x65: {  	_ =	shalt  }
0x66: {  	_ =	shalt  }
0x67: {  	_ =	shalt  }
0x68: {  	_ =	shalt  }
0x69: {  	_ =	shalt  }
0x6a: {  	_ =	shalt  }
0x6b: {  	_ =	shalt  }
0x6c: {  	_ =	shalt  }
0x6d: {  	_ =	shalt  }
0x6e: {  	_ =	shalt  }
0x6f: {  	_ =	shalt  }
0x70: {  	_ =	shalt  }
0x71: {  	_ =	shalt  }
0x72: {  	_ =	shalt  }
0x73: {  	_ =	shalt  }
0x74: {  	_ =	shalt  }
0x75: {  	_ =	shalt  }
0x76: {  	_ =	shalt  }
0x77: {  	_ =	shalt  }
0x78: {  	_ =	shalt  }
0x79: {  	_ =	shalt  }
0x7a: {  	_ =	shalt  }
0x7b: {  	_ =	shalt  }
0x7c: {  	_ =	shalt  }
0x7d: {  	_ =	shalt  }
0x7e: {  	_ =	shalt  }
0x7f: {  	_ =	shalt  }
0x80: {  	_ =	shalt  }
0x81: {  	_ =	shalt  }
0x82: {  	_ =	shalt  }
0x83: {  	_ =	shalt  }
0x84: {  	_ =	shalt  }
0x85: {  	_ =	shalt  }
0x86: {  	_ =	shalt  }
0x87: {  	_ =	shalt  }
.Lfunc_end0:
.L_simem_size_0:
called_computation.2_lowered:
.L_overlay_start_0:
0x88: {  	s2 =	sld [smem:$0x3FD9]  }
0x89: {  	s3 =	sld [smem:$0x3FFE];
	_ =	sdelay $0x1  }
0x8a: {  	s1 =	srdreg.scid  }
0x8b: {  	s0 =	sand.u32 $0x1, s1  }
0x8c: {  	s17 =	sshll.u32 s0, $0xA;
	s2 =	sadd.s32 s3, s2  }
0x8d: {  	s2 =	sadd.s32 s2, s17  }
0x8e: {  	[smem:$0x3FC2] =	sst s2  }
0x8f: {  	_ = 	snop  }
0x90: {  	s2 =	sld [smem:$0x3FD0];
	(tm) =	ssettm $0x1  }
0x91: {  	s18 =	sld [smem:$0x3FFB];
	_ =	sdelay $0x3  }
0x92: {  	_ =	strace s18  }
0x93: {  	s3 =	sld [smem:$0x3FFC];
	_ =	sdelay $0x3  }
0x94: {  	_ =	strace s3  }
0x95: {  	s3 =	sld [smem:$0x3FFD];
	_ =	sdelay $0x3  }
0x96: {  	_ =	strace s3  }
0x97: {  	_ =	strace $0x8FFFFFFF  }
0x98: {  	s19 =	sld [smem:$0x3FDB];
	_ =	sdelay $0x1  }
0x99: {  	s4 =	simm.s32 $_scs_section_size  }
0x9a: {  	s5 =	simm.s32 $_size__tile_overlayer_lowered;
	s6 =	simm.s32 $_tile_overlayer_lowered  }
0x9b: {  	s22 =	simm.s32 $0x1BFF;
	s21 =	sshll.u32 s6, $0x1;
	s3 =	sadd.s32 s4, s19  }
0x9c: {  	s7 =	simm.s32 $0x0;
	s20 =	sshll.u32 s5, $0x1;
	s5 =	sadd.s32 s21, s3  }
0x9d: {  	[timem:s7], [sflag:s22] =	dma.local [hbm:s5], s20  }
0x9e: {  	_ =	swait.ge [sflag:s22], s20  }
0x9f: {  	s4 =	ssub.s32 $0x0, s20;
	[sflag:s22] =	ssyncset.done $0x0  }
0xa0: {  	[sflag:s22] =	ssyncadd.s32 s4;
	_ =	sdelay $0x1  }
0xa1: {  	s23 =	simm.s32 $0x1B8B  }
0xa2: {  	_ =	swait.ge [sflag:s23], $0x1  }
0xa3: {  	[sflag:s23] =	ssyncset.done $0x0  }
0xa4: {  	s25 =	simm.s32 $0x1B8E;
	s24 =	sld [smem:$0x3FFE];
	[sflag:s23] =	ssyncadd.s32 $0xFFFFFFFF  }
0xa5: {  	s26 =	simm.s32 $execute0_lowered;
	[smem:$0x3FD2] =	sst s25  }
0xa6: {  	s5 =	sshll.u32 s26, $0x1;
	_ =	strace $0x8000004C;
	[dreg:$0x1] =	wrdreg $0xFFFFFFFF  }
0xa7: {  	s28 =	simm.s32 $_size_execute0_lowered;
	s3 =	sadd.s32 s3, s5;
	[dreg:$0x0] =	wrdreg $0x0  }
0xa8: {  	s5 =	sshll.u32 s28, $0x1;
	[dreg:$0x2] =	wrdreg s3  }
0xa9: {  	[dreg:$0x3] =	wrdreg s5  }
0xaa: {  	[dreg:$0x4] =	wrdreg $0xC0  }
0xab: {  	_ =	task [dreg:s7], $0x5FFFF  }
0xac: {  	[dreg:$0x1] =	wrdreg $0xFFFFFFFF  }
0xad: {  	[dreg:$0x0] =	wrdreg $0x60  }
0xae: {  	[dreg:$0x2] =	wrdreg s2  }
0xaf: {  	[dreg:$0x3] =	wrdreg s24  }
0xb0: {  	[dreg:$0x4] =	wrdreg $0x0  }
0xb1: {  	[dreg:$0x5] =	wrdreg $0x9  }
0xb2: {  	_ =	task.clear_ibuf [dreg:s7], $0x6FFFF;
	_ =	strace $0x9000004C  }
0xb3: {  	s29 =	simm.s32 $0x9;
	_ =	strace $0x8000004E  }
0xb4: {  	_ =	swait.ge [sflag:s29], $0x1  }
0xb5: {  	[sflag:s29] =	ssyncadd.s32 $0xFFFFFFFF  }
0xb6: {  	_ =	strace $0x9000004E  }
0xb7: {  	_ =	sfence  }
0xb8: {  	s30 =	sld [smem:$0x0];
	_ =	sdelay $0x2  }
0xb9: {  	s31 =	sshll.u32 s1, $0xD;
	s1 =	sshrl.u32 s1, $0x2  }
0xba: {  	s3 =	sand.u32 $0x4000, s31;
	s1 =	sadd.s32 s1, s30  }
0xbb: {  	s0 =	sor.u32 s3, s0;
	s1 =	sshll.u32 s1, $0x11  }
0xbc: {  	s0 =	sor.u32 s1, s0  }
0xbd: {  	s0 =	sadd.s32 $0x8F2B, s0  }
0xbe: {  	[sflag:s0] =	ssyncadd.remote.s32 $0x1  }
0xbf: {  	_ =	sfence.sel $0xFFFF  }
0xc0: {  	[dreg:$0x0] =	wrdreg $0xFFFFFFFF;
	(pc) =	sbr.abs _section_cstart, $3  }
0xc1: {  	[dreg:$0x1] =	wrdreg $0xFFFFFFFF  }
0xc2: {  	_ =	task.clear_ibuf [dreg:s7], $0x2FFFF;
	_ =	strace $0x9FFFFFFF  }
0xc3: {  	(tm) =	ssettm $0x7FFFFFFF  }
tec
execute0_lowered:
.L_overlay_start_1:
0x0: {  	(tag) =	ssettag $0x1  }
0x1: {  	s0 =	rddreg [dreg:$0x0]  }
0x2: {  	s6 =	rddreg [dreg:$0x1];
	s1 =	srdreg.scid  }
0x3: {  	s3 =	rddreg [dreg:$0x2];
	s2 =	stileid.u32;
	s4 =	simm.s32 $0x0  }
0x4: {  	s16 =	simm.s32 $0x18200;
	s17 =	simm.s32 $0x2;
	s18 =	simm.s32 $0x14000  }
0x5: {  	s19 =	simm.s32 $0x50;
	s20 =	simm.s32 $0x18000;
	s21 =	simm.s32 $0x1  }
0x6: {  	s22 =	simm.s32 $0x18100;
	s23 =	simm.s32 $0x1AA00;
	s24 =	simm.s32 $0x18080  }
0x7: {  	s9 =	sand.u32 $0x1, s1;
	s1 =	rddreg [dreg:$0x3];
	s7 =	smul.u32 $0x14000, s2  }
0x8: {  	s25 =	simm.s32 $0x18180;
	[smem:$0x7FF] =	sst s4;
	s10 =	smul.u32 $0x50000, s2  }
0x9: {  	s8 =	sshll.u32 s2, $0xB;
	s5 =	smul.u32 $0x140000, s9;
	_ =	strace $0x8000004D  }
0xa: {  	s11 =	sadd.s32 s8, s6;
	s28 =	ssub.s32 $0x2, s9;
	s31 =	sshll.u32 s9, $0xF  }
0xb: {  	s29 =	sshrl.u32 s10, $0x2;
	s12 =	sshrl.u32 s28, $0x1;
	s13 =	sadd.s32 s31, s11  }
0xc: {  	s5 =	sadd.s32 s7, s5;
	s15 =	ssub.s32 s28, s12;
	s13 =	sadd.s32 $0x53800, s13  }
0xd: {  	s30 =	sshrl.u32 s5, $0x3;
	s5 =	sadd.s32 s29, s3;
	s15 =	smax.u32 s15, $0x1  }
0xe: {  	s14 =	sadd.s32 s30, s6;
	s6 =	sadd.s32 $0x2800, s5;
	s7 =	sadd.s32 $0x5000, s5  }
0xf: {  	s8 =	sadd.s32 $0x7800, s5;
	s9 =	sadd.s32 $0xA000, s5;
	s10 =	sadd.s32 $0xC800, s5  }
0x10: {  	v0 =	vimm.f32 $0.0e+00;
	s11 =	sadd.s32 $0xF000, s5;
	s12 =	sadd.s32 $0x11800, s5;
	s14 =	sadd.s32 $0x3800, s14  }
.LBB2_1:
0x11: {  	s26 =	simm.s32 $0x0;
	s28 =	simm.s32 $0x200  }
.LBB2_2:
0x12: {  	p0 =	sne.s32 s28, $0x9E00;
	[tilespmem:s26+$0x18270] =	vst v0  }
0x13: {  	[tilespmem:s26+$0x18200] =	vst v0  }
0x14: {  	[tilespmem:s26+$0x18210] =	vst v0  }
.Ltmp0:
0x15: {  	[tilespmem:s26+$0x18220] =	vst v0;
	(pc) =	sbr.rel @p0 .LBB2_2-.Ltmp0, $4  }
0x16: {  	[tilespmem:s26+$0x18230] =	vst v0  }
0x17: {  	[tilespmem:s26+$0x18240] =	vst v0  }
0x18: {  	[tilespmem:s26+$0x18250] =	vst v0  }
0x19: {  	[tilespmem:s26+$0x18260] =	vst v0;
	s26 =	sshra.s32 s28, $0x2;
	s28 =	sadd.s32 $0x200, s28  }
0x1a: {  	[tilespmem:s26+$0x18270] =	vst v0  }
0x1b: {  	[tilespmem:s26+$0x18200] =	vst v0  }
0x1c: {  	[tilespmem:s26+$0x18210] =	vst v0  }
0x1d: {  	[tilespmem:s26+$0x18220] =	vst v0  }
0x1e: {  	[tilespmem:s26+$0x18230] =	vst v0  }
0x1f: {  	[tilespmem:s26+$0x18240] =	vst v0  }
0x20: {  	[tilespmem:s26+$0x18250] =	vst v0  }
0x21: {  	[tilespmem:s26+$0x18260] =	vst v0  }
0x22: {  	[spmem:s5] =	stream.linear.scatter [tilespmem:s16], [sflag:$0x2], $0x2800, $0x38;
	[tilespmem:$0x1D200] =	vst v63  }
0x23: {  	_ =	swait.ge [sflag:s17], $0x2800  }
0x24: {  	[sflag:s17] =	ssyncset.done $0x0  }
0x25: {  	[sflag:s17] =	ssyncadd.s32 $0xFFFFD800  }
0x26: {  	[spmem:s6] =	stream.linear.scatter [tilespmem:s16], [sflag:$0x2], $0x2800, $0x38;
	[tilespmem:$0x1D200] =	vst v63  }
0x27: {  	_ =	swait.ge [sflag:s17], $0x2800  }
0x28: {  	[sflag:s17] =	ssyncset.done $0x0  }
0x29: {  	[sflag:s17] =	ssyncadd.s32 $0xFFFFD800  }
0x2a: {  	[spmem:s7] =	stream.linear.scatter [tilespmem:s16], [sflag:$0x2], $0x2800, $0x38;
	[tilespmem:$0x1D200] =	vst v63  }
0x2b: {  	_ =	swait.ge [sflag:s17], $0x2800  }
0x2c: {  	[sflag:s17] =	ssyncset.done $0x0  }
0x2d: {  	[sflag:s17] =	ssyncadd.s32 $0xFFFFD800  }
0x2e: {  	[spmem:s8] =	stream.linear.scatter [tilespmem:s16], [sflag:$0x2], $0x2800, $0x38;
	[tilespmem:$0x1D200] =	vst v63  }
0x2f: {  	_ =	swait.ge [sflag:s17], $0x2800  }
0x30: {  	[sflag:s17] =	ssyncset.done $0x0  }
0x31: {  	[sflag:s17] =	ssyncadd.s32 $0xFFFFD800  }
0x32: {  	[spmem:s9] =	stream.linear.scatter [tilespmem:s16], [sflag:$0x2], $0x2800, $0x38;
	[tilespmem:$0x1D200] =	vst v63  }
0x33: {  	_ =	swait.ge [sflag:s17], $0x2800  }
0x34: {  	[sflag:s17] =	ssyncset.done $0x0  }
0x35: {  	[sflag:s17] =	ssyncadd.s32 $0xFFFFD800  }
0x36: {  	[spmem:s10] =	stream.linear.scatter [tilespmem:s16], [sflag:$0x2], $0x2800, $0x38;
	[tilespmem:$0x1D200] =	vst v63  }
0x37: {  	_ =	swait.ge [sflag:s17], $0x2800  }
0x38: {  	[sflag:s17] =	ssyncset.done $0x0  }
0x39: {  	[sflag:s17] =	ssyncadd.s32 $0xFFFFD800  }
0x3a: {  	[spmem:s11] =	stream.linear.scatter [tilespmem:s16], [sflag:$0x2], $0x2800, $0x38;
	[tilespmem:$0x1D200] =	vst v63  }
0x3b: {  	_ =	swait.ge [sflag:s17], $0x2800  }
0x3c: {  	[sflag:s17] =	ssyncset.done $0x0  }
0x3d: {  	[sflag:s17] =	ssyncadd.s32 $0xFFFFD800  }
0x3e: {  	[spmem:s12] =	stream.linear.scatter [tilespmem:s16], [sflag:$0x2], $0x2800, $0x38;
	[tilespmem:$0x1D200] =	vst v63  }
0x3f: {  	_ =	swait.ge [sflag:s17], $0x2800  }
0x40: {  	[sflag:s17] =	ssyncset.done $0x0  }
0x41: {  	s31 =	simm.s32 $0x0;
	[sflag:s17] =	ssyncadd.s32 $0xFFFFD800  }
0x42: {  	[tilespmem:s18], [sflag:$0x2] =	stream.linear.gather [hbm4b:s13+s31], $0x3E80, $0x38;
	[tilespmem:$0x1D200] =	vst v63  }
0x43: {  	_ =	swait.ge [sflag:s17], $0x3E80  }
0x44: {  	[sflag:s17] =	ssyncset.done $0x0  }
0x45: {  	[sflag:s17] =	ssyncadd.s32 $0xFFFFC180  }
0x46: {  	[bflag:$0x0] =	sbarrier.arrive $0xFFFF  }
0x47: {  	v1 =	vld [tilespmem:$0x14000];
	_ =	sdelay $0x1  }
0x48: {  	v2 =	vld [tilespmem:$0x14010];
	_ =	sdelay $0x1  }
0x49: {  	v3 =	vld [tilespmem:$0x14020]  }
0x4a: {  	v4 =	vand.u32 $0xFFFF, v1  }
0x4b: {  	v63 =	vld [tilespmem:$0x14030];
	v1 =	vshrl.u32 v1, $0x10;
	[tilespmem:$0x18000] =	vst v4  }
0x4c: {  	[tilespmem:$0x18080] =	vst v1;
	v1 =	vand.u32 $0xFFFF, v2  }
0x4d: {  	[tilespmem:$0x18010] =	vst v1;
	v1 =	vshrl.u32 v2, $0x10;
	v2 =	vld [tilespmem:$0x14040]  }
0x4e: {  	[tilespmem:$0x18090] =	vst v1;
	v1 =	vand.u32 $0xFFFF, v3  }
0x4f: {  	[tilespmem:$0x18020] =	vst v1;
	v1 =	vshrl.u32 v3, $0x10  }
0x50: {  	[tilespmem:$0x180A0] =	vst v1;
	v1 =	vand.u32 $0xFFFF, v63  }
0x51: {  	[tilespmem:$0x18030] =	vst v1;
	v1 =	vshrl.u32 v63, $0x10  }
0x52: {  	[tilespmem:$0x180B0] =	vst v1;
	v1 =	vand.u32 $0xFFFF, v2  }
0x53: {  	[tilespmem:$0x18040] =	vst v1;
	v1 =	vshrl.u32 v2, $0x10  }
0x54: {  	[tilespmem:$0x180C0] =	vst v1  }
0x55: {  	[tilespmem:s16], [sflag:$0x1] =	stream.indirect.gather [hbm4b:s0+s19], $0x80, s20, s19, $0xb8;
	[tilespmem:$0x1D200] =	vst v63  }
0x56: {  	_ =	swait.ge [sflag:s21], $0x2800  }
0x57: {  	[sflag:s21] =	ssyncset.done $0x0  }
0x58: {  	s28 =	simm.s32 $0x0;
	[sflag:s21] =	ssyncadd.s32 $0xFFFFD800  }
0x59: {  	v1 =	vld [tilespmem:s28+$0x14080];
	_ =	sdelay $0x4  }
0x5a: {  	v2 =	vand.u32 $0xFFFF, v1  }
0x5b: {  	v1 =	vshrl.u32 v1, $0x10;
	[tilespmem:$0x18100] =	vst v2  }
0x5c: {  	[tilespmem:$0x18180] =	vst v1  }
0x5d: {  	v1 =	vld [tilespmem:s28+$0x14090];
	_ =	sdelay $0x4  }
0x5e: {  	v2 =	vand.u32 $0xFFFF, v1  }
0x5f: {  	v1 =	vshrl.u32 v1, $0x10;
	[tilespmem:$0x18110] =	vst v2  }
0x60: {  	[tilespmem:$0x18190] =	vst v1  }
0x61: {  	v1 =	vld [tilespmem:s28+$0x140A0];
	_ =	sdelay $0x4  }
0x62: {  	v2 =	vand.u32 $0xFFFF, v1  }
0x63: {  	v1 =	vshrl.u32 v1, $0x10;
	[tilespmem:$0x18120] =	vst v2  }
0x64: {  	[tilespmem:$0x181A0] =	vst v1  }
0x65: {  	v1 =	vld [tilespmem:s28+$0x140B0];
	_ =	sdelay $0x4  }
0x66: {  	v2 =	vand.u32 $0xFFFF, v1  }
0x67: {  	v1 =	vshrl.u32 v1, $0x10;
	[tilespmem:$0x18130] =	vst v2  }
0x68: {  	[tilespmem:$0x181B0] =	vst v1  }
0x69: {  	v1 =	vld [tilespmem:s28+$0x140C0];
	_ =	sdelay $0x4  }
0x6a: {  	v2 =	vand.u32 $0xFFFF, v1  }
0x6b: {  	v1 =	vshrl.u32 v1, $0x10;
	[tilespmem:$0x18140] =	vst v2  }
0x6c: {  	[tilespmem:$0x181C0] =	vst v1  }
0x6d: {  	[tilespmem:s23], [sflag:$0x1] =	stream.indirect.gather [hbm4b:s0+s19], $0x80, s22, s19, $0xb8;
	[tilespmem:$0x1D200] =	vst v63  }
0x6e: {  	_ = 	snop  }
0x6f: {  	[spmem:s3] =	stream.indirect.scatter.add.f32 [tilespmem:s16], [sflag:$0x2], $0x80, s24, s19, $0xb8;
	[tilespmem:$0x1D200] =	vst v63  }
0x70: {  	_ =	swait.ge [sflag:s17], $0x2800  }
0x71: {  	[sflag:s17] =	ssyncset.done $0x0  }
0x72: {  	[sflag:s17] =	ssyncadd.s32 $0xFFFFD800  }
0x73: {  	_ =	swait.ge [sflag:s21], $0x2800  }
0x74: {  	[sflag:s21] =	ssyncset.done $0x0  }
0x75: {  	[sflag:s21] =	ssyncadd.s32 $0xFFFFD800  }
0x76: {  	v1 =	vld [tilespmem:s28+$0x14100];
	_ =	sdelay $0x4  }
0x77: {  	v2 =	vand.u32 $0xFFFF, v1  }
0x78: {  	v1 =	vshrl.u32 v1, $0x10;
	[tilespmem:$0x18000] =	vst v2  }
0x79: {  	[tilespmem:$0x18080] =	vst v1  }
0x7a: {  	v1 =	vld [tilespmem:s28+$0x14110];
	_ =	sdelay $0x4  }
0x7b: {  	v2 =	vand.u32 $0xFFFF, v1  }
0x7c: {  	v1 =	vshrl.u32 v1, $0x10;
	[tilespmem:$0x18010] =	vst v2  }
0x7d: {  	[tilespmem:$0x18090] =	vst v1  }
0x7e: {  	v1 =	vld [tilespmem:s28+$0x14120];
	_ =	sdelay $0x4  }
0x7f: {  	v2 =	vand.u32 $0xFFFF, v1  }
0x80: {  	v1 =	vshrl.u32 v1, $0x10;
	[tilespmem:$0x18020] =	vst v2  }
0x81: {  	[tilespmem:$0x180A0] =	vst v1  }
0x82: {  	v1 =	vld [tilespmem:s28+$0x14130];
	_ =	sdelay $0x4  }
0x83: {  	v2 =	vand.u32 $0xFFFF, v1  }
0x84: {  	v1 =	vshrl.u32 v1, $0x10;
	[tilespmem:$0x18030] =	vst v2  }
0x85: {  	[tilespmem:$0x180B0] =	vst v1  }
0x86: {  	s26 =	simm.s32 $0x400;
	v1 =	vld [tilespmem:s28+$0x14140]  }
.LBB2_4:
0x87: {  	_ =	sdelay $0x1  }
0x88: {  	p0 =	sne.s32 s26, $0xF400;
	s28 =	smov.u32 s26;
	s26 =	sadd.s32 $0x400, s26  }
0x89: {  	_ = 	snop  }
0x8a: {  	v2 =	vand.u32 $0xFFFF, v1;
	v1 =	vshrl.u32 v1, $0x10  }
0x8b: {  	[tilespmem:$0x18040] =	vst v2  }
0x8c: {  	[tilespmem:$0x180C0] =	vst v1  }
0x8d: {  	[tilespmem:s16], [sflag:$0x1] =	stream.indirect.gather [hbm4b:s0+s19], $0x80, s20, s19, $0xb8;
	[tilespmem:$0x1D200] =	vst v63  }
0x8e: {  	_ = 	snop  }
0x8f: {  	[spmem:s3] =	stream.indirect.scatter.add.f32 [tilespmem:s23], [sflag:$0x2], $0x80, s25, s19, $0xb8;
	[tilespmem:$0x1D200] =	vst v63  }
0x90: {  	_ =	swait.ge [sflag:s17], $0x2800  }
0x91: {  	[sflag:s17] =	ssyncset.done $0x0  }
0x92: {  	[sflag:s17] =	ssyncadd.s32 $0xFFFFD800  }
0x93: {  	_ =	swait.ge [sflag:s21], $0x2800  }
0x94: {  	[sflag:s21] =	ssyncset.done $0x0  }
0x95: {  	s28 =	sshra.s32 s28, $0x2;
	[sflag:s21] =	ssyncadd.s32 $0xFFFFD800  }
0x96: {  	v1 =	vld [tilespmem:s28+$0x14080];
	_ =	sdelay $0x4  }
0x97: {  	v2 =	vand.u32 $0xFFFF, v1;
	v1 =	vshrl.u32 v1, $0x10  }
0x98: {  	[tilespmem:$0x18100] =	vst v2  }
0x99: {  	[tilespmem:$0x18180] =	vst v1  }
0x9a: {  	v1 =	vld [tilespmem:s28+$0x14090];
	_ =	sdelay $0x4  }
0x9b: {  	v2 =	vand.u32 $0xFFFF, v1;
	v1 =	vshrl.u32 v1, $0x10  }
0x9c: {  	[tilespmem:$0x18110] =	vst v2  }
0x9d: {  	[tilespmem:$0x18190] =	vst v1  }
0x9e: {  	v1 =	vld [tilespmem:s28+$0x140A0];
	_ =	sdelay $0x4  }
0x9f: {  	v2 =	vand.u32 $0xFFFF, v1;
	v1 =	vshrl.u32 v1, $0x10  }
0xa0: {  	[tilespmem:$0x18120] =	vst v2  }
0xa1: {  	[tilespmem:$0x181A0] =	vst v1  }
0xa2: {  	v1 =	vld [tilespmem:s28+$0x140B0];
	_ =	sdelay $0x4  }
0xa3: {  	v2 =	vand.u32 $0xFFFF, v1;
	v1 =	vshrl.u32 v1, $0x10  }
0xa4: {  	[tilespmem:$0x18130] =	vst v2  }
0xa5: {  	[tilespmem:$0x181B0] =	vst v1  }
0xa6: {  	v1 =	vld [tilespmem:s28+$0x140C0];
	_ =	sdelay $0x4  }
0xa7: {  	v2 =	vand.u32 $0xFFFF, v1;
	v1 =	vshrl.u32 v1, $0x10  }
0xa8: {  	[tilespmem:$0x18140] =	vst v2  }
0xa9: {  	[tilespmem:$0x181C0] =	vst v1  }
0xaa: {  	[tilespmem:s23], [sflag:$0x1] =	stream.indirect.gather [hbm4b:s0+s19], $0x80, s22, s19, $0xb8;
	[tilespmem:$0x1D200] =	vst v63  }
0xab: {  	_ = 	snop  }
0xac: {  	[spmem:s3] =	stream.indirect.scatter.add.f32 [tilespmem:s16], [sflag:$0x2], $0x80, s24, s19, $0xb8;
	[tilespmem:$0x1D200] =	vst v63  }
0xad: {  	_ =	swait.ge [sflag:s17], $0x2800  }
0xae: {  	[sflag:s17] =	ssyncset.done $0x0  }
0xaf: {  	[sflag:s17] =	ssyncadd.s32 $0xFFFFD800  }
0xb0: {  	_ =	swait.ge [sflag:s21], $0x2800  }
0xb1: {  	[sflag:s21] =	ssyncset.done $0x0  }
0xb2: {  	[sflag:s21] =	ssyncadd.s32 $0xFFFFD800  }
0xb3: {  	v1 =	vld [tilespmem:s28+$0x14100];
	_ =	sdelay $0x4  }
0xb4: {  	v2 =	vand.u32 $0xFFFF, v1;
	v1 =	vshrl.u32 v1, $0x10  }
0xb5: {  	[tilespmem:$0x18000] =	vst v2  }
0xb6: {  	[tilespmem:$0x18080] =	vst v1  }
0xb7: {  	v1 =	vld [tilespmem:s28+$0x14110];
	_ =	sdelay $0x4  }
0xb8: {  	v2 =	vand.u32 $0xFFFF, v1;
	v1 =	vshrl.u32 v1, $0x10  }
0xb9: {  	[tilespmem:$0x18010] =	vst v2  }
0xba: {  	[tilespmem:$0x18090] =	vst v1  }
0xbb: {  	v1 =	vld [tilespmem:s28+$0x14120];
	_ =	sdelay $0x4  }
0xbc: {  	v2 =	vand.u32 $0xFFFF, v1;
	v1 =	vshrl.u32 v1, $0x10  }
0xbd: {  	[tilespmem:$0x18020] =	vst v2  }
0xbe: {  	[tilespmem:$0x180A0] =	vst v1  }
0xbf: {  	v1 =	vld [tilespmem:s28+$0x14130];
	_ =	sdelay $0x3  }
.Ltmp1:
0xc0: {  	(pc) =	sbr.rel @p0 .LBB2_4-.Ltmp1, $4  }
0xc1: {  	v2 =	vand.u32 $0xFFFF, v1;
	v1 =	vshrl.u32 v1, $0x10  }
0xc2: {  	[tilespmem:$0x18030] =	vst v2  }
0xc3: {  	[tilespmem:$0x180B0] =	vst v1  }
0xc4: {  	v1 =	vld [tilespmem:s28+$0x14140]  }
0xc5: {  	_ =	sdelay $0x3  }
0xc6: {  	v2 =	vand.u32 $0xFFFF, v1  }
0xc7: {  	v1 =	vshrl.u32 v1, $0x10;
	[tilespmem:$0x18040] =	vst v2  }
0xc8: {  	[tilespmem:$0x180C0] =	vst v1  }
0xc9: {  	[tilespmem:s16], [sflag:$0x1] =	stream.indirect.gather [hbm4b:s0+s19], $0x80, s20, s19, $0xb8;
	[tilespmem:$0x1D200] =	vst v63  }
0xca: {  	_ = 	snop  }
0xcb: {  	[spmem:s3] =	stream.indirect.scatter.add.f32 [tilespmem:s23], [sflag:$0x2], $0x80, s25, s19, $0xb8;
	[tilespmem:$0x1D200] =	vst v63  }
0xcc: {  	_ =	swait.ge [sflag:s17], $0x2800  }
0xcd: {  	[sflag:s17] =	ssyncset.done $0x0  }
0xce: {  	[sflag:s17] =	ssyncadd.s32 $0xFFFFD800  }
0xcf: {  	_ =	swait.ge [sflag:s21], $0x2800  }
0xd0: {  	[sflag:s21] =	ssyncset.done $0x0  }
0xd1: {  	[sflag:s21] =	ssyncadd.s32 $0xFFFFD800  }
0xd2: {  	[spmem:s3] =	stream.indirect.scatter.add.f32 [tilespmem:s16], [sflag:$0x2], $0x80, s24, s19, $0xb8;
	[tilespmem:$0x1D200] =	vst v63  }
0xd3: {  	_ =	swait.ge [sflag:s17], $0x2800  }
0xd4: {  	s26 =	sshll.u32 s2, $0x6;
	s4 =	sadd.s32 $0x1, s4;
	[sflag:s17] =	ssyncset.done $0x0  }
0xd5: {  	s28 =	sshrl.u32 s5, $0x3;
	p0 =	sne.s32 s4, s15;
	[sflag:s17] =	ssyncadd.s32 $0xFFFFD800  }
.Ltmp2:
0xd6: {  	s26 =	sor.u32 $0x1C02, s26;
	[bflag:$0x0] =	sbarrier.arrive $0xFFFF;
	(pc) =	sbr.rel @p0 .LBB2_1-.Ltmp2, $4  }
0xd7: {  	[hbm:s14], [sflag:s26] =	dma.local [spmem:s28], $0x2800  }
0xd8: {  	_ =	swait.ge [sflag:s17], $0x2800  }
0xd9: {  	[sflag:s17] =	ssyncset.done $0x0  }
0xda: {  	[sflag:s17] =	ssyncadd.s32 $0xFFFFD800  }
0xdb: {  	_ =	sfence.sel $0x180000  }
0xdc: {  	[bflag:$0x0] =	sbarrier.arrive $0xFFFF  }
0xdd: {  	p0 =	sne.s32 s2, $0x0;
	_ =	strace $0x9000004D  }
0xde: {  	s0 =	sadd.s32 @!p0 $0x100000, s1;
	[bflag:$0x2] =	sbarrier.arrive $0xFFFF  }
0xdf: {  	[sflag:s0] =	ssyncadd.tile.s32 @!p0 $0x1;
	_ =	shalt  }
.Lfunc_end2:
_tile_overlayer_lowered:
.L_overlay_start_2:
0xe0: {  	(tag) =	ssettag $0x2  }
0xe1: {  	s0 =	rddreg [dreg:$0x0];
	s2 =	stileid.u32  }
0xe2: {  	s1 =	rddreg [dreg:$0x1];
	p0 =	sne.s32 s2, $0x0  }
0xe3: {  	s3 =	rddreg [dreg:$0x2];
	[bflag:$0x3] =	sbarrier.arrive $0xFFFF;
	s2 =	simm.s32 @!p0 $0x1C02  }
0xe4: {  	[timem:s3], [sflag:s2] =	dma.local @!p0 [hbm:s0], s1  }
0xe5: {  	s0 =	simm.s32 @!p0 $0x2  }
0xe6: {  	_ =	swait.ge @!p0 [sflag:s0], s1  }
0xe7: {  	s1 =	ssub.s32 @!p0 $0x0, s1;
	[sflag:s0] =	ssyncset.done @!p0 $0x0  }
0xe8: {  	[sflag:s0] =	ssyncadd.s32 @!p0 s1  }
0xe9: {  	[bflag:$0x3] =	sbarrier.arrive $0xFFFF  }
0xea: {  	_ =	shalt  }

// kernel: kernel.21.cloned.1.call-start
scs
__scs_entry_jumppad:
0x0: {  	(pc) =	sbr.rel $0x88, $3  }
0x1: {  	(tag) =	ssettag $0x0;
	lr =	simm.s32 $0x1  }
0x2: {  	[smem:$0x3F9B] =	sst lr;
	_ =	strace $0xD0000000  }
0x3: {  	_ = 	snop  }
0x4: {  	_ = 	snop  }
0x5: {  	_ = 	snop  }
0x6: {  	_ = 	snop  }
0x7: {  	_ = 	snop  }
__scs_overlays_trampoline_lowered:
0x8: {  	[smem:$0x3FAA] =	sst s0  }
0x9: {  	[smem:$0x3FAB] =	sst s1  }
0xa: {  	[smem:$0x3FAC] =	sst s2  }
0xb: {  	[smem:$0x3FAD] =	sst s3  }
0xc: {  	[smem:$0x3FAE] =	sst s4  }
0xd: {  	[smem:$0x3FAF] =	sst s5  }
0xe: {  	[smem:$0x3FB0] =	sst s6  }
0xf: {  	[smem:$0x3FB1] =	sst s7  }
0x10: {  	[smem:$0x3FB2] =	sst s8  }
0x11: {  	[smem:$0x3FB3] =	sst s9;
	s0 =	simm.s32 @!p0 $0x0  }
0x12: {  	s1 =	sld [smem:$0x3F99];
	s0 =	simm.s32 @p0 $0x1  }
0x13: {  	[smem:$0x3FB4] =	sst s0;
	s0 =	simm.s32 @!p1 $0x0  }
0x14: {  	s2 =	sld [smem:$0x3F98];
	s0 =	simm.s32 @p1 $0x1  }
0x15: {  	[smem:$0x3FB5] =	sst s0;
	s0 =	simm.s32 @!p2 $0x0  }
0x16: {  	s3 =	sld [smem:$0x3FDB];
	s0 =	simm.s32 @p2 $0x1  }
0x17: {  	s4 =	simm.s32 $0x1BF5;
	[smem:$0x3FB7] =	sst s0  }
0x18: {  	s0 =	sld [smem:$0x3F9A];
	_ =	swait.ge [sflag:s4], $0x0  }
0x19: {  	s7 =	sld [smem:$0x3F9B]  }
0x1a: {  	s8 =	sadd.s32 $0xFFFFE003, lr  }
0x1b: {  	s9 =	sadd.s32 $0xFFFFFEF7, lr;
	s5 =	simm.s32 $0xFFFFFFFF;
	p2 =	slt.u32 s8, $0xFFFFF086  }
0x1c: {  	p1 =	slt.u32 s9, $0xF7A;
	s5 =	simm.s32 @!p2 $0x0  }
0x1d: {  	s5 =	simm.s32 @p1 $0x1;
	p0 =	seq.s32 s7, s2  }
0x1e: {  	s7 =	smul.u32 @!p0 $0xF7A, s2;
	p2 =	seq.s32 @!p0 s5, $0x0  }
0x1f: {  	s9 =	smul.u32 $0xF7A, s1;
	s8 =	simm.s32 @!p0 $0x1BF5;
	p2 =	por !p2, p0  }
0x20: {  	[sflag:s8] =	ssyncset.s32 @!p0 $0xFFFFF086;
	s6 =	sadd.s32 @!p0 s3, s7;
	s7 =	simm.s32 @!p0 $0x108  }
0x21: {  	s3 =	sadd.s32 s3, s9;
	s6 =	sadd.s32 @!p0 $0x88, s6;
	s7 =	simm.s32 @p2 $0x1082  }
0x22: {  	[simem:s7], [sflag:s8] =	dma.local @!p0 [hbm:s6], $0xF7A  }
0x23: {  	s9 =	sor.u32 $0xD0000000, s2;
	s6 =	simm.s32 $0x108;
	_ =	swait.ge @!p0 [sflag:s8], $0x0  }
0x24: {  	s3 =	sadd.s32 $0x88, s3;
	s6 =	simm.s32 @!p1 $0x1082;
	[sflag:s4] =	ssyncset.s32 $0xFFFFF086  }
0x25: {  	[simem:s6], [sflag:s4] =	dma.local [hbm:s3], $0xF7A  }
0x26: {  	[smem:$0x3F9B] =	sst s1;
	(tag) =	ssettag s2;
	_ =	strace s9  }
0x27: {  	s1 =	sld [smem:$0x3FAB]  }
0x28: {  	s2 =	sld [smem:$0x3FAC]  }
0x29: {  	s4 =	sld [smem:$0x3FAE]  }
0x2a: {  	p0 =	seq.s32 s5, $0x0;
	s5 =	sld [smem:$0x3FAF]  }
0x2b: {  	s6 =	sld [smem:$0x3FB0]  }
0x2c: {  	s7 =	sld [smem:$0x3FB1]  }
0x2d: {  	s3 =	simm.s32 $0x108;
	s8 =	sld [smem:$0x3FB2]  }
0x2e: {  	s3 =	simm.s32 @!p0 $0x1082;
	s9 =	sld [smem:$0x3FB3]  }
0x2f: {  	lr =	sadd.s32 s0, s3;
	s0 =	sld [smem:$0x3FAA]  }
0x30: {  	s3 =	sld [smem:$0x3FAD]  }
0x31: {  	[smem:$0x3FB6] =	sst s10  }
0x32: {  	s10 =	sld [smem:$0x3FB4];
	_ =	sdelay $0x3  }
0x33: {  	p0 =	seq.s32 s10, $0x1;
	s10 =	sld [smem:$0x3FB6];
	_ =	sdelay $0x3  }
0x34: {  	[smem:$0x3FB6] =	sst s10  }
0x35: {  	s10 =	sld [smem:$0x3FB5];
	_ =	sdelay $0x3  }
0x36: {  	p1 =	seq.s32 s10, $0x1;
	s10 =	sld [smem:$0x3FB6];
	_ =	sdelay $0x3  }
0x37: {  	[smem:$0x3FB6] =	sst s10  }
0x38: {  	s10 =	sld [smem:$0x3FB7]  }
0x39: {  	_ = 	snop;
	(pc) =	sbr.ind lr, $3  }
0x3a: {  	_ = 	snop  }
0x3b: {  	_ = 	snop  }
0x3c: {  	p2 =	seq.s32 s10, $0x1;
	s10 =	sld [smem:$0x3FB6]  }
0x3d: {  	_ =	shalt  }
0x3e: {  	_ =	shalt  }
0x3f: {  	_ =	shalt  }
0x40: {  	_ =	shalt  }
0x41: {  	_ =	shalt  }
0x42: {  	_ =	shalt  }
0x43: {  	_ =	shalt  }
0x44: {  	_ =	shalt  }
0x45: {  	_ =	shalt  }
0x46: {  	_ =	shalt  }
0x47: {  	_ =	shalt  }
0x48: {  	_ =	shalt  }
0x49: {  	_ =	shalt  }
0x4a: {  	_ =	shalt  }
0x4b: {  	_ =	shalt  }
0x4c: {  	_ =	shalt  }
0x4d: {  	_ =	shalt  }
0x4e: {  	_ =	shalt  }
0x4f: {  	_ =	shalt  }
0x50: {  	_ =	shalt  }
0x51: {  	_ =	shalt  }
0x52: {  	_ =	shalt  }
0x53: {  	_ =	shalt  }
0x54: {  	_ =	shalt  }
0x55: {  	_ =	shalt  }
0x56: {  	_ =	shalt  }
0x57: {  	_ =	shalt  }
0x58: {  	_ =	shalt  }
0x59: {  	_ =	shalt  }
0x5a: {  	_ =	shalt  }
0x5b: {  	_ =	shalt  }
0x5c: {  	_ =	shalt  }
0x5d: {  	_ =	shalt  }
0x5e: {  	_ =	shalt  }
0x5f: {  	_ =	shalt  }
0x60: {  	_ =	shalt  }
0x61: {  	_ =	shalt  }
0x62: {  	_ =	shalt  }
0x63: {  	_ =	shalt  }
0x64: {  	_ =	shalt  }
0x65: {  	_ =	shalt  }
0x66: {  	_ =	shalt  }
0x67: {  	_ =	shalt  }
0x68: {  	_ =	shalt  }
0x69: {  	_ =	shalt  }
0x6a: {  	_ =	shalt  }
0x6b: {  	_ =	shalt  }
0x6c: {  	_ =	shalt  }
0x6d: {  	_ =	shalt  }
0x6e: {  	_ =	shalt  }
0x6f: {  	_ =	shalt  }
0x70: {  	_ =	shalt  }
0x71: {  	_ =	shalt  }
0x72: {  	_ =	shalt  }
0x73: {  	_ =	shalt  }
0x74: {  	_ =	shalt  }
0x75: {  	_ =	shalt  }
0x76: {  	_ =	shalt  }
0x77: {  	_ =	shalt  }
0x78: {  	_ =	shalt  }
0x79: {  	_ =	shalt  }
0x7a: {  	_ =	shalt  }
0x7b: {  	_ =	shalt  }
0x7c: {  	_ =	shalt  }
0x7d: {  	_ =	shalt  }
0x7e: {  	_ =	shalt  }
0x7f: {  	_ =	shalt  }
0x80: {  	_ =	shalt  }
0x81: {  	_ =	shalt  }
0x82: {  	_ =	shalt  }
0x83: {  	_ =	shalt  }
0x84: {  	_ =	shalt  }
0x85: {  	_ =	shalt  }
0x86: {  	_ =	shalt  }
0x87: {  	_ =	shalt  }
.Lfunc_end0:
.L_simem_size_0:
called_computation.3_lowered:
.L_overlay_start_0:
0x88: {  	s2 =	sld [smem:$0x3FD9]  }
0x89: {  	s3 =	sld [smem:$0x3FFE];
	_ =	sdelay $0x1  }
0x8a: {  	s1 =	srdreg.scid  }
0x8b: {  	s0 =	sand.u32 $0x1, s1  }
0x8c: {  	s17 =	sshll.u32 s0, $0xA;
	s2 =	sadd.s32 s3, s2  }
0x8d: {  	s2 =	sadd.s32 s2, s17  }
0x8e: {  	[smem:$0x3FC2] =	sst s2  }
0x8f: {  	_ = 	snop  }
0x90: {  	s2 =	sld [smem:$0x3FD0];
	(tm) =	ssettm $0x1  }
0x91: {  	s18 =	sld [smem:$0x3FFB];
	_ =	sdelay $0x3  }
0x92: {  	_ =	strace s18  }
0x93: {  	s3 =	sld [smem:$0x3FFC];
	_ =	sdelay $0x3  }
0x94: {  	_ =	strace s3  }
0x95: {  	s3 =	sld [smem:$0x3FFD];
	_ =	sdelay $0x3  }
0x96: {  	_ =	strace s3  }
0x97: {  	_ =	strace $0x8FFFFFFF  }
0x98: {  	s19 =	sld [smem:$0x3FDB];
	_ =	sdelay $0x1  }
0x99: {  	s4 =	simm.s32 $_scs_section_size  }
0x9a: {  	s5 =	simm.s32 $_size__tile_overlayer_lowered;
	s6 =	simm.s32 $_tile_overlayer_lowered  }
0x9b: {  	s22 =	simm.s32 $0x1BFF;
	s21 =	sshll.u32 s6, $0x1;
	s3 =	sadd.s32 s4, s19  }
0x9c: {  	s7 =	simm.s32 $0x0;
	s20 =	sshll.u32 s5, $0x1;
	s5 =	sadd.s32 s21, s3  }
0x9d: {  	[timem:s7], [sflag:s22] =	dma.local [hbm:s5], s20  }
0x9e: {  	_ =	swait.ge [sflag:s22], s20  }
0x9f: {  	s4 =	ssub.s32 $0x0, s20;
	[sflag:s22] =	ssyncset.done $0x0  }
0xa0: {  	[sflag:s22] =	ssyncadd.s32 s4;
	_ =	sdelay $0x1  }
0xa1: {  	s23 =	simm.s32 $0x1B8B  }
0xa2: {  	_ =	swait.ge [sflag:s23], $0x1  }
0xa3: {  	[sflag:s23] =	ssyncset.done $0x0  }
0xa4: {  	s25 =	simm.s32 $0x1B8E;
	s24 =	sld [smem:$0x3FFE];
	[sflag:s23] =	ssyncadd.s32 $0xFFFFFFFF  }
0xa5: {  	s26 =	simm.s32 $execute0_lowered;
	[smem:$0x3FD2] =	sst s25  }
0xa6: {  	s5 =	sshll.u32 s26, $0x1;
	_ =	strace $0x8000004F;
	[dreg:$0x1] =	wrdreg $0xFFFFFFFF  }
0xa7: {  	s28 =	simm.s32 $_size_execute0_lowered;
	s3 =	sadd.s32 s3, s5;
	[dreg:$0x0] =	wrdreg $0x0  }
0xa8: {  	s5 =	sshll.u32 s28, $0x1;
	[dreg:$0x2] =	wrdreg s3  }
0xa9: {  	[dreg:$0x3] =	wrdreg s5  }
0xaa: {  	[dreg:$0x4] =	wrdreg $0xC0  }
0xab: {  	_ =	task [dreg:s7], $0x5FFFF  }
0xac: {  	[dreg:$0x1] =	wrdreg $0xFFFFFFFF  }
0xad: {  	[dreg:$0x0] =	wrdreg $0x60  }
0xae: {  	[dreg:$0x2] =	wrdreg s2  }
0xaf: {  	[dreg:$0x3] =	wrdreg s24  }
0xb0: {  	[dreg:$0x4] =	wrdreg $0x0  }
0xb1: {  	[dreg:$0x5] =	wrdreg $0x9  }
0xb2: {  	_ =	task.clear_ibuf [dreg:s7], $0x6FFFF;
	_ =	strace $0x9000004F  }
0xb3: {  	s29 =	simm.s32 $0x9;
	_ =	strace $0x80000051  }
0xb4: {  	_ =	swait.ge [sflag:s29], $0x1  }
0xb5: {  	[sflag:s29] =	ssyncadd.s32 $0xFFFFFFFF  }
0xb6: {  	_ =	strace $0x90000051  }
0xb7: {  	_ =	sfence  }
0xb8: {  	s30 =	sld [smem:$0x0];
	_ =	sdelay $0x2  }
0xb9: {  	s31 =	sshll.u32 s1, $0xD;
	s1 =	sshrl.u32 s1, $0x2  }
0xba: {  	s3 =	sand.u32 $0x4000, s31;
	s1 =	sadd.s32 s1, s30  }
0xbb: {  	s0 =	sor.u32 s3, s0;
	s1 =	sshll.u32 s1, $0x11  }
0xbc: {  	s0 =	sor.u32 s1, s0  }
0xbd: {  	s0 =	sadd.s32 $0x8F2B, s0  }
0xbe: {  	[sflag:s0] =	ssyncadd.remote.s32 $0x1  }
0xbf: {  	_ =	sfence.sel $0xFFFF  }
0xc0: {  	[dreg:$0x0] =	wrdreg $0xFFFFFFFF;
	(pc) =	sbr.abs _section_cstart, $3  }
0xc1: {  	[dreg:$0x1] =	wrdreg $0xFFFFFFFF  }
0xc2: {  	_ =	task.clear_ibuf [dreg:s7], $0x2FFFF;
	_ =	strace $0x9FFFFFFF  }
0xc3: {  	(tm) =	ssettm $0x7FFFFFFF  }
tec
execute0_lowered:
.L_overlay_start_1:
0x0: {  	(tag) =	ssettag $0x1  }
0x1: {  	s0 =	rddreg [dreg:$0x0]  }
0x2: {  	s6 =	rddreg [dreg:$0x1];
	s1 =	srdreg.scid  }
0x3: {  	s3 =	rddreg [dreg:$0x2];
	s2 =	stileid.u32;
	s4 =	simm.s32 $0x0  }
0x4: {  	s16 =	simm.s32 $0x18200;
	s17 =	simm.s32 $0x2;
	s18 =	simm.s32 $0x14000  }
0x5: {  	s19 =	simm.s32 $0x50;
	s20 =	simm.s32 $0x18000;
	s21 =	simm.s32 $0x1  }
0x6: {  	s22 =	simm.s32 $0x18100;
	s23 =	simm.s32 $0x1AA00;
	s24 =	simm.s32 $0x18080  }
0x7: {  	s9 =	sand.u32 $0x1, s1;
	s1 =	rddreg [dreg:$0x3];
	s7 =	smul.u32 $0x14000, s2  }
0x8: {  	s25 =	simm.s32 $0x18180;
	[smem:$0x7FF] =	sst s4;
	s10 =	smul.u32 $0x50000, s2  }
0x9: {  	s8 =	sshll.u32 s2, $0xB;
	s5 =	smul.u32 $0x140000, s9;
	_ =	strace $0x80000050  }
0xa: {  	s11 =	sadd.s32 s8, s6;
	s28 =	ssub.s32 $0x2, s9;
	s31 =	sshll.u32 s9, $0xF  }
0xb: {  	s29 =	sshrl.u32 s10, $0x2;
	s12 =	sshrl.u32 s28, $0x1;
	s13 =	sadd.s32 s31, s11  }
0xc: {  	s5 =	sadd.s32 s7, s5;
	s15 =	ssub.s32 s28, s12;
	s13 =	sadd.s32 $0x53800, s13  }
0xd: {  	s30 =	sshrl.u32 s5, $0x3;
	s5 =	sadd.s32 s29, s3;
	s15 =	smax.u32 s15, $0x1  }
0xe: {  	s14 =	sadd.s32 s30, s6;
	s6 =	sadd.s32 $0x2800, s5;
	s7 =	sadd.s32 $0x5000, s5  }
0xf: {  	s8 =	sadd.s32 $0x7800, s5;
	s9 =	sadd.s32 $0xA000, s5;
	s10 =	sadd.s32 $0xC800, s5  }
0x10: {  	v0 =	vimm.f32 $0.0e+00;
	s11 =	sadd.s32 $0xF000, s5;
	s12 =	sadd.s32 $0x11800, s5;
	s14 =	sadd.s32 $0x3800, s14  }
.LBB2_1:
0x11: {  	s26 =	simm.s32 $0x0;
	s28 =	simm.s32 $0x200  }
.LBB2_2:
0x12: {  	p0 =	sne.s32 s28, $0x9E00;
	[tilespmem:s26+$0x18270] =	vst v0  }
0x13: {  	[tilespmem:s26+$0x18200] =	vst v0  }
0x14: {  	[tilespmem:s26+$0x18210] =	vst v0  }
.Ltmp0:
0x15: {  	[tilespmem:s26+$0x18220] =	vst v0;
	(pc) =	sbr.rel @p0 .LBB2_2-.Ltmp0, $4  }
0x16: {  	[tilespmem:s26+$0x18230] =	vst v0  }
0x17: {  	[tilespmem:s26+$0x18240] =	vst v0  }
0x18: {  	[tilespmem:s26+$0x18250] =	vst v0  }
0x19: {  	[tilespmem:s26+$0x18260] =	vst v0;
	s26 =	sshra.s32 s28, $0x2;
	s28 =	sadd.s32 $0x200, s28  }
0x1a: {  	[tilespmem:s26+$0x18270] =	vst v0  }
0x1b: {  	[tilespmem:s26+$0x18200] =	vst v0  }
0x1c: {  	[tilespmem:s26+$0x18210] =	vst v0  }
0x1d: {  	[tilespmem:s26+$0x18220] =	vst v0  }
0x1e: {  	[tilespmem:s26+$0x18230] =	vst v0  }
0x1f: {  	[tilespmem:s26+$0x18240] =	vst v0  }
0x20: {  	[tilespmem:s26+$0x18250] =	vst v0  }
0x21: {  	[tilespmem:s26+$0x18260] =	vst v0  }
0x22: {  	[spmem:s5] =	stream.linear.scatter [tilespmem:s16], [sflag:$0x2], $0x2800, $0x38;
	[tilespmem:$0x1D200] =	vst v63  }
0x23: {  	_ =	swait.ge [sflag:s17], $0x2800  }
0x24: {  	[sflag:s17] =	ssyncset.done $0x0  }
0x25: {  	[sflag:s17] =	ssyncadd.s32 $0xFFFFD800  }
0x26: {  	[spmem:s6] =	stream.linear.scatter [tilespmem:s16], [sflag:$0x2], $0x2800, $0x38;
	[tilespmem:$0x1D200] =	vst v63  }
0x27: {  	_ =	swait.ge [sflag:s17], $0x2800  }
0x28: {  	[sflag:s17] =	ssyncset.done $0x0  }
0x29: {  	[sflag:s17] =	ssyncadd.s32 $0xFFFFD800  }
0x2a: {  	[spmem:s7] =	stream.linear.scatter [tilespmem:s16], [sflag:$0x2], $0x2800, $0x38;
	[tilespmem:$0x1D200] =	vst v63  }
0x2b: {  	_ =	swait.ge [sflag:s17], $0x2800  }
0x2c: {  	[sflag:s17] =	ssyncset.done $0x0  }
0x2d: {  	[sflag:s17] =	ssyncadd.s32 $0xFFFFD800  }
0x2e: {  	[spmem:s8] =	stream.linear.scatter [tilespmem:s16], [sflag:$0x2], $0x2800, $0x38;
	[tilespmem:$0x1D200] =	vst v63  }
0x2f: {  	_ =	swait.ge [sflag:s17], $0x2800  }
0x30: {  	[sflag:s17] =	ssyncset.done $0x0  }
0x31: {  	[sflag:s17] =	ssyncadd.s32 $0xFFFFD800  }
0x32: {  	[spmem:s9] =	stream.linear.scatter [tilespmem:s16], [sflag:$0x2], $0x2800, $0x38;
	[tilespmem:$0x1D200] =	vst v63  }
0x33: {  	_ =	swait.ge [sflag:s17], $0x2800  }
0x34: {  	[sflag:s17] =	ssyncset.done $0x0  }
0x35: {  	[sflag:s17] =	ssyncadd.s32 $0xFFFFD800  }
0x36: {  	[spmem:s10] =	stream.linear.scatter [tilespmem:s16], [sflag:$0x2], $0x2800, $0x38;
	[tilespmem:$0x1D200] =	vst v63  }
0x37: {  	_ =	swait.ge [sflag:s17], $0x2800  }
0x38: {  	[sflag:s17] =	ssyncset.done $0x0  }
0x39: {  	[sflag:s17] =	ssyncadd.s32 $0xFFFFD800  }
0x3a: {  	[spmem:s11] =	stream.linear.scatter [tilespmem:s16], [sflag:$0x2], $0x2800, $0x38;
	[tilespmem:$0x1D200] =	vst v63  }
0x3b: {  	_ =	swait.ge [sflag:s17], $0x2800  }
0x3c: {  	[sflag:s17] =	ssyncset.done $0x0  }
0x3d: {  	[sflag:s17] =	ssyncadd.s32 $0xFFFFD800  }
0x3e: {  	[spmem:s12] =	stream.linear.scatter [tilespmem:s16], [sflag:$0x2], $0x2800, $0x38;
	[tilespmem:$0x1D200] =	vst v63  }
0x3f: {  	_ =	swait.ge [sflag:s17], $0x2800  }
0x40: {  	[sflag:s17] =	ssyncset.done $0x0  }
0x41: {  	s31 =	simm.s32 $0x0;
	[sflag:s17] =	ssyncadd.s32 $0xFFFFD800  }
0x42: {  	[tilespmem:s18], [sflag:$0x2] =	stream.linear.gather [hbm4b:s13+s31], $0x3E80, $0x38;
	[tilespmem:$0x1D200] =	vst v63  }
0x43: {  	_ =	swait.ge [sflag:s17], $0x3E80  }
0x44: {  	[sflag:s17] =	ssyncset.done $0x0  }
0x45: {  	[sflag:s17] =	ssyncadd.s32 $0xFFFFC180  }
0x46: {  	[bflag:$0x0] =	sbarrier.arrive $0xFFFF  }
0x47: {  	v1 =	vld [tilespmem:$0x14000];
	_ =	sdelay $0x1  }
0x48: {  	v2 =	vld [tilespmem:$0x14010];
	_ =	sdelay $0x1  }
0x49: {  	v3 =	vld [tilespmem:$0x14020]  }
0x4a: {  	v4 =	vand.u32 $0xFFFF, v1  }
0x4b: {  	v63 =	vld [tilespmem:$0x14030];
	v1 =	vshrl.u32 v1, $0x10;
	[tilespmem:$0x18000] =	vst v4  }
0x4c: {  	[tilespmem:$0x18080] =	vst v1;
	v1 =	vand.u32 $0xFFFF, v2  }
0x4d: {  	[tilespmem:$0x18010] =	vst v1;
	v1 =	vshrl.u32 v2, $0x10;
	v2 =	vld [tilespmem:$0x14040]  }
0x4e: {  	[tilespmem:$0x18090] =	vst v1;
	v1 =	vand.u32 $0xFFFF, v3  }
0x4f: {  	[tilespmem:$0x18020] =	vst v1;
	v1 =	vshrl.u32 v3, $0x10  }
0x50: {  	[tilespmem:$0x180A0] =	vst v1;
	v1 =	vand.u32 $0xFFFF, v63  }
0x51: {  	[tilespmem:$0x18030] =	vst v1;
	v1 =	vshrl.u32 v63, $0x10  }
0x52: {  	[tilespmem:$0x180B0] =	vst v1;
	v1 =	vand.u32 $0xFFFF, v2  }
0x53: {  	[tilespmem:$0x18040] =	vst v1;
	v1 =	vshrl.u32 v2, $0x10  }
0x54: {  	[tilespmem:$0x180C0] =	vst v1  }
0x55: {  	[tilespmem:s16], [sflag:$0x1] =	stream.indirect.gather [hbm4b:s0+s19], $0x80, s20, s19, $0xb8;
	[tilespmem:$0x1D200] =	vst v63  }
0x56: {  	_ =	swait.ge [sflag:s21], $0x2800  }
0x57: {  	[sflag:s21] =	ssyncset.done $0x0  }
0x58: {  	s28 =	simm.s32 $0x0;
	[sflag:s21] =	ssyncadd.s32 $0xFFFFD800  }
0x59: {  	v1 =	vld [tilespmem:s28+$0x14080];
	_ =	sdelay $0x4  }
0x5a: {  	v2 =	vand.u32 $0xFFFF, v1  }
0x5b: {  	v1 =	vshrl.u32 v1, $0x10;
	[tilespmem:$0x18100] =	vst v2  }
0x5c: {  	[tilespmem:$0x18180] =	vst v1  }
0x5d: {  	v1 =	vld [tilespmem:s28+$0x14090];
	_ =	sdelay $0x4  }
0x5e: {  	v2 =	vand.u32 $0xFFFF, v1  }
0x5f: {  	v1 =	vshrl.u32 v1, $0x10;
	[tilespmem:$0x18110] =	vst v2  }
0x60: {  	[tilespmem:$0x18190] =	vst v1  }
0x61: {  	v1 =	vld [tilespmem:s28+$0x140A0];
	_ =	sdelay $0x4  }
0x62: {  	v2 =	vand.u32 $0xFFFF, v1  }
0x63: {  	v1 =	vshrl.u32 v1, $0x10;
	[tilespmem:$0x18120] =	vst v2  }
0x64: {  	[tilespmem:$0x181A0] =	vst v1  }
0x65: {  	v1 =	vld [tilespmem:s28+$0x140B0];
	_ =	sdelay $0x4  }
0x66: {  	v2 =	vand.u32 $0xFFFF, v1  }
0x67: {  	v1 =	vshrl.u32 v1, $0x10;
	[tilespmem:$0x18130] =	vst v2  }
0x68: {  	[tilespmem:$0x181B0] =	vst v1  }
0x69: {  	v1 =	vld [tilespmem:s28+$0x140C0];
	_ =	sdelay $0x4  }
0x6a: {  	v2 =	vand.u32 $0xFFFF, v1  }
0x6b: {  	v1 =	vshrl.u32 v1, $0x10;
	[tilespmem:$0x18140] =	vst v2  }
0x6c: {  	[tilespmem:$0x181C0] =	vst v1  }
0x6d: {  	[tilespmem:s23], [sflag:$0x1] =	stream.indirect.gather [hbm4b:s0+s19], $0x80, s22, s19, $0xb8;
	[tilespmem:$0x1D200] =	vst v63  }
0x6e: {  	_ = 	snop  }
0x6f: {  	[spmem:s3] =	stream.indirect.scatter.add.f32 [tilespmem:s16], [sflag:$0x2], $0x80, s24, s19, $0xb8;
	[tilespmem:$0x1D200] =	vst v63  }
0x70: {  	_ =	swait.ge [sflag:s17], $0x2800  }
0x71: {  	[sflag:s17] =	ssyncset.done $0x0  }
0x72: {  	[sflag:s17] =	ssyncadd.s32 $0xFFFFD800  }
0x73: {  	_ =	swait.ge [sflag:s21], $0x2800  }
0x74: {  	[sflag:s21] =	ssyncset.done $0x0  }
0x75: {  	[sflag:s21] =	ssyncadd.s32 $0xFFFFD800  }
0x76: {  	v1 =	vld [tilespmem:s28+$0x14100];
	_ =	sdelay $0x4  }
0x77: {  	v2 =	vand.u32 $0xFFFF, v1  }
0x78: {  	v1 =	vshrl.u32 v1, $0x10;
	[tilespmem:$0x18000] =	vst v2  }
0x79: {  	[tilespmem:$0x18080] =	vst v1  }
0x7a: {  	v1 =	vld [tilespmem:s28+$0x14110];
	_ =	sdelay $0x4  }
0x7b: {  	v2 =	vand.u32 $0xFFFF, v1  }
0x7c: {  	v1 =	vshrl.u32 v1, $0x10;
	[tilespmem:$0x18010] =	vst v2  }
0x7d: {  	[tilespmem:$0x18090] =	vst v1  }
0x7e: {  	v1 =	vld [tilespmem:s28+$0x14120];
	_ =	sdelay $0x4  }
0x7f: {  	v2 =	vand.u32 $0xFFFF, v1  }
0x80: {  	v1 =	vshrl.u32 v1, $0x10;
	[tilespmem:$0x18020] =	vst v2  }
0x81: {  	[tilespmem:$0x180A0] =	vst v1  }
0x82: {  	v1 =	vld [tilespmem:s28+$0x14130];
	_ =	sdelay $0x4  }
0x83: {  	v2 =	vand.u32 $0xFFFF, v1  }
0x84: {  	v1 =	vshrl.u32 v1, $0x10;
	[tilespmem:$0x18030] =	vst v2  }
0x85: {  	[tilespmem:$0x180B0] =	vst v1  }
0x86: {  	s26 =	simm.s32 $0x400;
	v1 =	vld [tilespmem:s28+$0x14140]  }
.LBB2_4:
0x87: {  	_ =	sdelay $0x1  }
0x88: {  	p0 =	sne.s32 s26, $0xF400;
	s28 =	smov.u32 s26;
	s26 =	sadd.s32 $0x400, s26  }
0x89: {  	_ = 	snop  }
0x8a: {  	v2 =	vand.u32 $0xFFFF, v1;
	v1 =	vshrl.u32 v1, $0x10  }
0x8b: {  	[tilespmem:$0x18040] =	vst v2  }
0x8c: {  	[tilespmem:$0x180C0] =	vst v1  }
0x8d: {  	[tilespmem:s16], [sflag:$0x1] =	stream.indirect.gather [hbm4b:s0+s19], $0x80, s20, s19, $0xb8;
	[tilespmem:$0x1D200] =	vst v63  }
0x8e: {  	_ = 	snop  }
0x8f: {  	[spmem:s3] =	stream.indirect.scatter.add.f32 [tilespmem:s23], [sflag:$0x2], $0x80, s25, s19, $0xb8;
	[tilespmem:$0x1D200] =	vst v63  }
0x90: {  	_ =	swait.ge [sflag:s17], $0x2800  }
0x91: {  	[sflag:s17] =	ssyncset.done $0x0  }
0x92: {  	[sflag:s17] =	ssyncadd.s32 $0xFFFFD800  }
0x93: {  	_ =	swait.ge [sflag:s21], $0x2800  }
0x94: {  	[sflag:s21] =	ssyncset.done $0x0  }
0x95: {  	s28 =	sshra.s32 s28, $0x2;
	[sflag:s21] =	ssyncadd.s32 $0xFFFFD800  }
0x96: {  	v1 =	vld [tilespmem:s28+$0x14080];
	_ =	sdelay $0x4  }
0x97: {  	v2 =	vand.u32 $0xFFFF, v1;
	v1 =	vshrl.u32 v1, $0x10  }
0x98: {  	[tilespmem:$0x18100] =	vst v2  }
0x99: {  	[tilespmem:$0x18180] =	vst v1  }
0x9a: {  	v1 =	vld [tilespmem:s28+$0x14090];
	_ =	sdelay $0x4  }
0x9b: {  	v2 =	vand.u32 $0xFFFF, v1;
	v1 =	vshrl.u32 v1, $0x10  }
0x9c: {  	[tilespmem:$0x18110] =	vst v2  }
0x9d: {  	[tilespmem:$0x18190] =	vst v1  }
0x9e: {  	v1 =	vld [tilespmem:s28+$0x140A0];
	_ =	sdelay $0x4  }
0x9f: {  	v2 =	vand.u32 $0xFFFF, v1;
	v1 =	vshrl.u32 v1, $0x10  }
0xa0: {  	[tilespmem:$0x18120] =	vst v2  }
0xa1: {  	[tilespmem:$0x181A0] =	vst v1  }
0xa2: {  	v1 =	vld [tilespmem:s28+$0x140B0];
	_ =	sdelay $0x4  }
0xa3: {  	v2 =	vand.u32 $0xFFFF, v1;
	v1 =	vshrl.u32 v1, $0x10  }
0xa4: {  	[tilespmem:$0x18130] =	vst v2  }
0xa5: {  	[tilespmem:$0x181B0] =	vst v1  }
0xa6: {  	v1 =	vld [tilespmem:s28+$0x140C0];
	_ =	sdelay $0x4  }
0xa7: {  	v2 =	vand.u32 $0xFFFF, v1;
	v1 =	vshrl.u32 v1, $0x10  }
0xa8: {  	[tilespmem:$0x18140] =	vst v2  }
0xa9: {  	[tilespmem:$0x181C0] =	vst v1  }
0xaa: {  	[tilespmem:s23], [sflag:$0x1] =	stream.indirect.gather [hbm4b:s0+s19], $0x80, s22, s19, $0xb8;
	[tilespmem:$0x1D200] =	vst v63  }
0xab: {  	_ = 	snop  }
0xac: {  	[spmem:s3] =	stream.indirect.scatter.add.f32 [tilespmem:s16], [sflag:$0x2], $0x80, s24, s19, $0xb8;
	[tilespmem:$0x1D200] =	vst v63  }
0xad: {  	_ =	swait.ge [sflag:s17], $0x2800  }
0xae: {  	[sflag:s17] =	ssyncset.done $0x0  }
0xaf: {  	[sflag:s17] =	ssyncadd.s32 $0xFFFFD800  }
0xb0: {  	_ =	swait.ge [sflag:s21], $0x2800  }
0xb1: {  	[sflag:s21] =	ssyncset.done $0x0  }
0xb2: {  	[sflag:s21] =	ssyncadd.s32 $0xFFFFD800  }
0xb3: {  	v1 =	vld [tilespmem:s28+$0x14100];
	_ =	sdelay $0x4  }
0xb4: {  	v2 =	vand.u32 $0xFFFF, v1;
	v1 =	vshrl.u32 v1, $0x10  }
0xb5: {  	[tilespmem:$0x18000] =	vst v2  }
0xb6: {  	[tilespmem:$0x18080] =	vst v1  }
0xb7: {  	v1 =	vld [tilespmem:s28+$0x14110];
	_ =	sdelay $0x4  }
0xb8: {  	v2 =	vand.u32 $0xFFFF, v1;
	v1 =	vshrl.u32 v1, $0x10  }
0xb9: {  	[tilespmem:$0x18010] =	vst v2  }
0xba: {  	[tilespmem:$0x18090] =	vst v1  }
0xbb: {  	v1 =	vld [tilespmem:s28+$0x14120];
	_ =	sdelay $0x4  }
0xbc: {  	v2 =	vand.u32 $0xFFFF, v1;
	v1 =	vshrl.u32 v1, $0x10  }
0xbd: {  	[tilespmem:$0x18020] =	vst v2  }
0xbe: {  	[tilespmem:$0x180A0] =	vst v1  }
0xbf: {  	v1 =	vld [tilespmem:s28+$0x14130];
	_ =	sdelay $0x3  }
.Ltmp1:
0xc0: {  	(pc) =	sbr.rel @p0 .LBB2_4-.Ltmp1, $4  }
0xc1: {  	v2 =	vand.u32 $0xFFFF, v1;
	v1 =	vshrl.u32 v1, $0x10  }
0xc2: {  	[tilespmem:$0x18030] =	vst v2  }
0xc3: {  	[tilespmem:$0x180B0] =	vst v1  }
0xc4: {  	v1 =	vld [tilespmem:s28+$0x14140]  }
0xc5: {  	_ =	sdelay $0x3  }
0xc6: {  	v2 =	vand.u32 $0xFFFF, v1  }
0xc7: {  	v1 =	vshrl.u32 v1, $0x10;
	[tilespmem:$0x18040] =	vst v2  }
0xc8: {  	[tilespmem:$0x180C0] =	vst v1  }
0xc9: {  	[tilespmem:s16], [sflag:$0x1] =	stream.indirect.gather [hbm4b:s0+s19], $0x80, s20, s19, $0xb8;
	[tilespmem:$0x1D200] =	vst v63  }
0xca: {  	_ = 	snop  }
0xcb: {  	[spmem:s3] =	stream.indirect.scatter.add.f32 [tilespmem:s23], [sflag:$0x2], $0x80, s25, s19, $0xb8;
	[tilespmem:$0x1D200] =	vst v63  }
0xcc: {  	_ =	swait.ge [sflag:s17], $0x2800  }
0xcd: {  	[sflag:s17] =	ssyncset.done $0x0  }
0xce: {  	[sflag:s17] =	ssyncadd.s32 $0xFFFFD800  }
0xcf: {  	_ =	swait.ge [sflag:s21], $0x2800  }
0xd0: {  	[sflag:s21] =	ssyncset.done $0x0  }
0xd1: {  	[sflag:s21] =	ssyncadd.s32 $0xFFFFD800  }
0xd2: {  	[spmem:s3] =	stream.indirect.scatter.add.f32 [tilespmem:s16], [sflag:$0x2], $0x80, s24, s19, $0xb8;
	[tilespmem:$0x1D200] =	vst v63  }
0xd3: {  	_ =	swait.ge [sflag:s17], $0x2800  }
0xd4: {  	s26 =	sshll.u32 s2, $0x6;
	s4 =	sadd.s32 $0x1, s4;
	[sflag:s17] =	ssyncset.done $0x0  }
0xd5: {  	s28 =	sshrl.u32 s5, $0x3;
	p0 =	sne.s32 s4, s15;
	[sflag:s17] =	ssyncadd.s32 $0xFFFFD800  }
.Ltmp2:
0xd6: {  	s26 =	sor.u32 $0x1C02, s26;
	[bflag:$0x0] =	sbarrier.arrive $0xFFFF;
	(pc) =	sbr.rel @p0 .LBB2_1-.Ltmp2, $4  }
0xd7: {  	[hbm:s14], [sflag:s26] =	dma.local [spmem:s28], $0x2800  }
0xd8: {  	_ =	swait.ge [sflag:s17], $0x2800  }
0xd9: {  	[sflag:s17] =	ssyncset.done $0x0  }
0xda: {  	[sflag:s17] =	ssyncadd.s32 $0xFFFFD800  }
0xdb: {  	_ =	sfence.sel $0x180000  }
0xdc: {  	[bflag:$0x0] =	sbarrier.arrive $0xFFFF  }
0xdd: {  	p0 =	sne.s32 s2, $0x0;
	_ =	strace $0x90000050  }
0xde: {  	s0 =	sadd.s32 @!p0 $0x100000, s1;
	[bflag:$0x2] =	sbarrier.arrive $0xFFFF  }
0xdf: {  	[sflag:s0] =	ssyncadd.tile.s32 @!p0 $0x1;
	_ =	shalt  }
.Lfunc_end2:
_tile_overlayer_lowered:
.L_overlay_start_2:
0xe0: {  	(tag) =	ssettag $0x2  }
0xe1: {  	s0 =	rddreg [dreg:$0x0];
	s2 =	stileid.u32  }
0xe2: {  	s1 =	rddreg [dreg:$0x1];
	p0 =	sne.s32 s2, $0x0  }
0xe3: {  	s3 =	rddreg [dreg:$0x2];
	[bflag:$0x3] =	sbarrier.arrive $0xFFFF;
	s2 =	simm.s32 @!p0 $0x1C02  }
0xe4: {  	[timem:s3], [sflag:s2] =	dma.local @!p0 [hbm:s0], s1  }
0xe5: {  	s0 =	simm.s32 @!p0 $0x2  }
0xe6: {  	_ =	swait.ge @!p0 [sflag:s0], s1  }
0xe7: {  	s1 =	ssub.s32 @!p0 $0x0, s1;
	[sflag:s0] =	ssyncset.done @!p0 $0x0  }
0xe8: {  	[sflag:s0] =	ssyncadd.s32 @!p0 s1  }
0xe9: {  	[bflag:$0x3] =	sbarrier.arrive $0xFFFF  }
0xea: {  	_ =	shalt  }

// kernel: kernel.24.cloned.1.call-start
scs
__scs_entry_jumppad:
0x0: {  	(pc) =	sbr.rel $0x88, $3  }
0x1: {  	(tag) =	ssettag $0x0;
	lr =	simm.s32 $0x1  }
0x2: {  	[smem:$0x3F9B] =	sst lr;
	_ =	strace $0xD0000000  }
0x3: {  	_ = 	snop  }
0x4: {  	_ = 	snop  }
0x5: {  	_ = 	snop  }
0x6: {  	_ = 	snop  }
0x7: {  	_ = 	snop  }
__scs_overlays_trampoline_lowered:
0x8: {  	[smem:$0x3FAA] =	sst s0  }
0x9: {  	[smem:$0x3FAB] =	sst s1  }
0xa: {  	[smem:$0x3FAC] =	sst s2  }
0xb: {  	[smem:$0x3FAD] =	sst s3  }
0xc: {  	[smem:$0x3FAE] =	sst s4  }
0xd: {  	[smem:$0x3FAF] =	sst s5  }
0xe: {  	[smem:$0x3FB0] =	sst s6  }
0xf: {  	[smem:$0x3FB1] =	sst s7  }
0x10: {  	[smem:$0x3FB2] =	sst s8  }
0x11: {  	[smem:$0x3FB3] =	sst s9;
	s0 =	simm.s32 @!p0 $0x0  }
0x12: {  	s1 =	sld [smem:$0x3F99];
	s0 =	simm.s32 @p0 $0x1  }
0x13: {  	[smem:$0x3FB4] =	sst s0;
	s0 =	simm.s32 @!p1 $0x0  }
0x14: {  	s2 =	sld [smem:$0x3F98];
	s0 =	simm.s32 @p1 $0x1  }
0x15: {  	[smem:$0x3FB5] =	sst s0;
	s0 =	simm.s32 @!p2 $0x0  }
0x16: {  	s3 =	sld [smem:$0x3FDB];
	s0 =	simm.s32 @p2 $0x1  }
0x17: {  	s4 =	simm.s32 $0x1BF5;
	[smem:$0x3FB7] =	sst s0  }
0x18: {  	s0 =	sld [smem:$0x3F9A];
	_ =	swait.ge [sflag:s4], $0x0  }
0x19: {  	s7 =	sld [smem:$0x3F9B]  }
0x1a: {  	s8 =	sadd.s32 $0xFFFFE003, lr  }
0x1b: {  	s9 =	sadd.s32 $0xFFFFFEF7, lr;
	s5 =	simm.s32 $0xFFFFFFFF;
	p2 =	slt.u32 s8, $0xFFFFF086  }
0x1c: {  	p1 =	slt.u32 s9, $0xF7A;
	s5 =	simm.s32 @!p2 $0x0  }
0x1d: {  	s5 =	simm.s32 @p1 $0x1;
	p0 =	seq.s32 s7, s2  }
0x1e: {  	s7 =	smul.u32 @!p0 $0xF7A, s2;
	p2 =	seq.s32 @!p0 s5, $0x0  }
0x1f: {  	s9 =	smul.u32 $0xF7A, s1;
	s8 =	simm.s32 @!p0 $0x1BF5;
	p2 =	por !p2, p0  }
0x20: {  	[sflag:s8] =	ssyncset.s32 @!p0 $0xFFFFF086;
	s6 =	sadd.s32 @!p0 s3, s7;
	s7 =	simm.s32 @!p0 $0x108  }
0x21: {  	s3 =	sadd.s32 s3, s9;
	s6 =	sadd.s32 @!p0 $0x88, s6;
	s7 =	simm.s32 @p2 $0x1082  }
0x22: {  	[simem:s7], [sflag:s8] =	dma.local @!p0 [hbm:s6], $0xF7A  }
0x23: {  	s9 =	sor.u32 $0xD0000000, s2;
	s6 =	simm.s32 $0x108;
	_ =	swait.ge @!p0 [sflag:s8], $0x0  }
0x24: {  	s3 =	sadd.s32 $0x88, s3;
	s6 =	simm.s32 @!p1 $0x1082;
	[sflag:s4] =	ssyncset.s32 $0xFFFFF086  }
0x25: {  	[simem:s6], [sflag:s4] =	dma.local [hbm:s3], $0xF7A  }
0x26: {  	[smem:$0x3F9B] =	sst s1;
	(tag) =	ssettag s2;
	_ =	strace s9  }
0x27: {  	s1 =	sld [smem:$0x3FAB]  }
0x28: {  	s2 =	sld [smem:$0x3FAC]  }
0x29: {  	s4 =	sld [smem:$0x3FAE]  }
0x2a: {  	p0 =	seq.s32 s5, $0x0;
	s5 =	sld [smem:$0x3FAF]  }
0x2b: {  	s6 =	sld [smem:$0x3FB0]  }
0x2c: {  	s7 =	sld [smem:$0x3FB1]  }
0x2d: {  	s3 =	simm.s32 $0x108;
	s8 =	sld [smem:$0x3FB2]  }
0x2e: {  	s3 =	simm.s32 @!p0 $0x1082;
	s9 =	sld [smem:$0x3FB3]  }
0x2f: {  	lr =	sadd.s32 s0, s3;
	s0 =	sld [smem:$0x3FAA]  }
0x30: {  	s3 =	sld [smem:$0x3FAD]  }
0x31: {  	[smem:$0x3FB6] =	sst s10  }
0x32: {  	s10 =	sld [smem:$0x3FB4];
	_ =	sdelay $0x3  }
0x33: {  	p0 =	seq.s32 s10, $0x1;
	s10 =	sld [smem:$0x3FB6];
	_ =	sdelay $0x3  }
0x34: {  	[smem:$0x3FB6] =	sst s10  }
0x35: {  	s10 =	sld [smem:$0x3FB5];
	_ =	sdelay $0x3  }
0x36: {  	p1 =	seq.s32 s10, $0x1;
	s10 =	sld [smem:$0x3FB6];
	_ =	sdelay $0x3  }
0x37: {  	[smem:$0x3FB6] =	sst s10  }
0x38: {  	s10 =	sld [smem:$0x3FB7]  }
0x39: {  	_ = 	snop;
	(pc) =	sbr.ind lr, $3  }
0x3a: {  	_ = 	snop  }
0x3b: {  	_ = 	snop  }
0x3c: {  	p2 =	seq.s32 s10, $0x1;
	s10 =	sld [smem:$0x3FB6]  }
0x3d: {  	_ =	shalt  }
0x3e: {  	_ =	shalt  }
0x3f: {  	_ =	shalt  }
0x40: {  	_ =	shalt  }
0x41: {  	_ =	shalt  }
0x42: {  	_ =	shalt  }
0x43: {  	_ =	shalt  }
0x44: {  	_ =	shalt  }
0x45: {  	_ =	shalt  }
0x46: {  	_ =	shalt  }
0x47: {  	_ =	shalt  }
0x48: {  	_ =	shalt  }
0x49: {  	_ =	shalt  }
0x4a: {  	_ =	shalt  }
0x4b: {  	_ =	shalt  }
0x4c: {  	_ =	shalt  }
0x4d: {  	_ =	shalt  }
0x4e: {  	_ =	shalt  }
0x4f: {  	_ =	shalt  }
0x50: {  	_ =	shalt  }
0x51: {  	_ =	shalt  }
0x52: {  	_ =	shalt  }
0x53: {  	_ =	shalt  }
0x54: {  	_ =	shalt  }
0x55: {  	_ =	shalt  }
0x56: {  	_ =	shalt  }
0x57: {  	_ =	shalt  }
0x58: {  	_ =	shalt  }
0x59: {  	_ =	shalt  }
0x5a: {  	_ =	shalt  }
0x5b: {  	_ =	shalt  }
0x5c: {  	_ =	shalt  }
0x5d: {  	_ =	shalt  }
0x5e: {  	_ =	shalt  }
0x5f: {  	_ =	shalt  }
0x60: {  	_ =	shalt  }
0x61: {  	_ =	shalt  }
0x62: {  	_ =	shalt  }
0x63: {  	_ =	shalt  }
0x64: {  	_ =	shalt  }
0x65: {  	_ =	shalt  }
0x66: {  	_ =	shalt  }
0x67: {  	_ =	shalt  }
0x68: {  	_ =	shalt  }
0x69: {  	_ =	shalt  }
0x6a: {  	_ =	shalt  }
0x6b: {  	_ =	shalt  }
0x6c: {  	_ =	shalt  }
0x6d: {  	_ =	shalt  }
0x6e: {  	_ =	shalt  }
0x6f: {  	_ =	shalt  }
0x70: {  	_ =	shalt  }
0x71: {  	_ =	shalt  }
0x72: {  	_ =	shalt  }
0x73: {  	_ =	shalt  }
0x74: {  	_ =	shalt  }
0x75: {  	_ =	shalt  }
0x76: {  	_ =	shalt  }
0x77: {  	_ =	shalt  }
0x78: {  	_ =	shalt  }
0x79: {  	_ =	shalt  }
0x7a: {  	_ =	shalt  }
0x7b: {  	_ =	shalt  }
0x7c: {  	_ =	shalt  }
0x7d: {  	_ =	shalt  }
0x7e: {  	_ =	shalt  }
0x7f: {  	_ =	shalt  }
0x80: {  	_ =	shalt  }
0x81: {  	_ =	shalt  }
0x82: {  	_ =	shalt  }
0x83: {  	_ =	shalt  }
0x84: {  	_ =	shalt  }
0x85: {  	_ =	shalt  }
0x86: {  	_ =	shalt  }
0x87: {  	_ =	shalt  }
.Lfunc_end0:
.L_simem_size_0:
called_computation.4_lowered:
.L_overlay_start_0:
0x88: {  	s2 =	sld [smem:$0x3FD9]  }
0x89: {  	s3 =	sld [smem:$0x3FFE];
	_ =	sdelay $0x1  }
0x8a: {  	s1 =	srdreg.scid  }
0x8b: {  	s0 =	sand.u32 $0x1, s1  }
0x8c: {  	s17 =	sshll.u32 s0, $0xA;
	s2 =	sadd.s32 s3, s2  }
0x8d: {  	s2 =	sadd.s32 s2, s17  }
0x8e: {  	[smem:$0x3FC2] =	sst s2  }
0x8f: {  	_ = 	snop  }
0x90: {  	s2 =	sld [smem:$0x3FD0];
	(tm) =	ssettm $0x1  }
0x91: {  	s18 =	sld [smem:$0x3FFB];
	_ =	sdelay $0x3  }
0x92: {  	_ =	strace s18  }
0x93: {  	s3 =	sld [smem:$0x3FFC];
	_ =	sdelay $0x3  }
0x94: {  	_ =	strace s3  }
0x95: {  	s3 =	sld [smem:$0x3FFD];
	_ =	sdelay $0x3  }
0x96: {  	_ =	strace s3  }
0x97: {  	_ =	strace $0x8FFFFFFF  }
0x98: {  	s19 =	sld [smem:$0x3FDB];
	_ =	sdelay $0x1  }
0x99: {  	s4 =	simm.s32 $_scs_section_size  }
0x9a: {  	s5 =	simm.s32 $_size__tile_overlayer_lowered;
	s6 =	simm.s32 $_tile_overlayer_lowered  }
0x9b: {  	s22 =	simm.s32 $0x1BFF;
	s21 =	sshll.u32 s6, $0x1;
	s3 =	sadd.s32 s4, s19  }
0x9c: {  	s7 =	simm.s32 $0x0;
	s20 =	sshll.u32 s5, $0x1;
	s5 =	sadd.s32 s21, s3  }
0x9d: {  	[timem:s7], [sflag:s22] =	dma.local [hbm:s5], s20  }
0x9e: {  	_ =	swait.ge [sflag:s22], s20  }
0x9f: {  	s4 =	ssub.s32 $0x0, s20;
	[sflag:s22] =	ssyncset.done $0x0  }
0xa0: {  	[sflag:s22] =	ssyncadd.s32 s4;
	_ =	sdelay $0x1  }
0xa1: {  	s23 =	simm.s32 $0x1B8B  }
0xa2: {  	_ =	swait.ge [sflag:s23], $0x1  }
0xa3: {  	[sflag:s23] =	ssyncset.done $0x0  }
0xa4: {  	s25 =	simm.s32 $0x1B8E;
	s24 =	sld [smem:$0x3FFE];
	[sflag:s23] =	ssyncadd.s32 $0xFFFFFFFF  }
0xa5: {  	s26 =	simm.s32 $execute0_lowered;
	[smem:$0x3FD2] =	sst s25  }
0xa6: {  	s5 =	sshll.u32 s26, $0x1;
	_ =	strace $0x80000052;
	[dreg:$0x1] =	wrdreg $0xFFFFFFFF  }
0xa7: {  	s28 =	simm.s32 $_size_execute0_lowered;
	s3 =	sadd.s32 s3, s5;
	[dreg:$0x0] =	wrdreg $0x0  }
0xa8: {  	s5 =	sshll.u32 s28, $0x1;
	[dreg:$0x2] =	wrdreg s3  }
0xa9: {  	[dreg:$0x3] =	wrdreg s5  }
0xaa: {  	[dreg:$0x4] =	wrdreg $0xC0  }
0xab: {  	_ =	task [dreg:s7], $0x5FFFF  }
0xac: {  	[dreg:$0x1] =	wrdreg $0xFFFFFFFF  }
0xad: {  	[dreg:$0x0] =	wrdreg $0x60  }
0xae: {  	[dreg:$0x2] =	wrdreg s2  }
0xaf: {  	[dreg:$0x3] =	wrdreg s24  }
0xb0: {  	[dreg:$0x4] =	wrdreg $0x0  }
0xb1: {  	[dreg:$0x5] =	wrdreg $0x9  }
0xb2: {  	_ =	task.clear_ibuf [dreg:s7], $0x6FFFF;
	_ =	strace $0x90000052  }
0xb3: {  	s29 =	simm.s32 $0x9;
	_ =	strace $0x80000054  }
0xb4: {  	_ =	swait.ge [sflag:s29], $0x1  }
0xb5: {  	[sflag:s29] =	ssyncadd.s32 $0xFFFFFFFF  }
0xb6: {  	_ =	strace $0x90000054  }
0xb7: {  	_ =	sfence  }
0xb8: {  	s30 =	sld [smem:$0x0];
	_ =	sdelay $0x2  }
0xb9: {  	s31 =	sshll.u32 s1, $0xD;
	s1 =	sshrl.u32 s1, $0x2  }
0xba: {  	s3 =	sand.u32 $0x4000, s31;
	s1 =	sadd.s32 s1, s30  }
0xbb: {  	s0 =	sor.u32 s3, s0;
	s1 =	sshll.u32 s1, $0x11  }
0xbc: {  	s0 =	sor.u32 s1, s0  }
0xbd: {  	s0 =	sadd.s32 $0x8F2B, s0  }
0xbe: {  	[sflag:s0] =	ssyncadd.remote.s32 $0x1  }
0xbf: {  	_ =	sfence.sel $0xFFFF  }
0xc0: {  	[dreg:$0x0] =	wrdreg $0xFFFFFFFF;
	(pc) =	sbr.abs _section_cstart, $3  }
0xc1: {  	[dreg:$0x1] =	wrdreg $0xFFFFFFFF  }
0xc2: {  	_ =	task.clear_ibuf [dreg:s7], $0x2FFFF;
	_ =	strace $0x9FFFFFFF  }
0xc3: {  	(tm) =	ssettm $0x7FFFFFFF  }
tec
execute0_lowered:
.L_overlay_start_1:
0x0: {  	(tag) =	ssettag $0x1  }
0x1: {  	s0 =	rddreg [dreg:$0x0]  }
0x2: {  	s6 =	rddreg [dreg:$0x1];
	s1 =	srdreg.scid  }
0x3: {  	s3 =	rddreg [dreg:$0x2];
	s2 =	stileid.u32;
	s4 =	simm.s32 $0x0  }
0x4: {  	s16 =	simm.s32 $0x18200;
	s17 =	simm.s32 $0x2;
	s18 =	simm.s32 $0x14000  }
0x5: {  	s19 =	simm.s32 $0x50;
	s20 =	simm.s32 $0x18000;
	s21 =	simm.s32 $0x1  }
0x6: {  	s22 =	simm.s32 $0x18100;
	s23 =	simm.s32 $0x1AA00;
	s24 =	simm.s32 $0x18080  }
0x7: {  	s9 =	sand.u32 $0x1, s1;
	s1 =	rddreg [dreg:$0x3];
	s7 =	smul.u32 $0x14000, s2  }
0x8: {  	s25 =	simm.s32 $0x18180;
	[smem:$0x7FF] =	sst s4;
	s10 =	smul.u32 $0x50000, s2  }
0x9: {  	s8 =	sshll.u32 s2, $0xB;
	s5 =	smul.u32 $0x140000, s9;
	_ =	strace $0x80000053  }
0xa: {  	s11 =	sadd.s32 s8, s6;
	s28 =	ssub.s32 $0x2, s9;
	s31 =	sshll.u32 s9, $0xF  }
0xb: {  	s29 =	sshrl.u32 s10, $0x2;
	s12 =	sshrl.u32 s28, $0x1;
	s13 =	sadd.s32 s31, s11  }
0xc: {  	s5 =	sadd.s32 s7, s5;
	s15 =	ssub.s32 s28, s12;
	s13 =	sadd.s32 $0x53800, s13  }
0xd: {  	s30 =	sshrl.u32 s5, $0x3;
	s5 =	sadd.s32 s29, s3;
	s15 =	smax.u32 s15, $0x1  }
0xe: {  	s14 =	sadd.s32 s30, s6;
	s6 =	sadd.s32 $0x2800, s5;
	s7 =	sadd.s32 $0x5000, s5  }
0xf: {  	s8 =	sadd.s32 $0x7800, s5;
	s9 =	sadd.s32 $0xA000, s5;
	s10 =	sadd.s32 $0xC800, s5  }
0x10: {  	v0 =	vimm.f32 $0.0e+00;
	s11 =	sadd.s32 $0xF000, s5;
	s12 =	sadd.s32 $0x11800, s5;
	s14 =	sadd.s32 $0x3800, s14  }
.LBB2_1:
0x11: {  	s26 =	simm.s32 $0x0;
	s28 =	simm.s32 $0x200  }
.LBB2_2:
0x12: {  	p0 =	sne.s32 s28, $0x9E00;
	[tilespmem:s26+$0x18270] =	vst v0  }
0x13: {  	[tilespmem:s26+$0x18200] =	vst v0  }
0x14: {  	[tilespmem:s26+$0x18210] =	vst v0  }
.Ltmp0:
0x15: {  	[tilespmem:s26+$0x18220] =	vst v0;
	(pc) =	sbr.rel @p0 .LBB2_2-.Ltmp0, $4  }
0x16: {  	[tilespmem:s26+$0x18230] =	vst v0  }
0x17: {  	[tilespmem:s26+$0x18240] =	vst v0  }
0x18: {  	[tilespmem:s26+$0x18250] =	vst v0  }
0x19: {  	[tilespmem:s26+$0x18260] =	vst v0;
	s26 =	sshra.s32 s28, $0x2;
	s28 =	sadd.s32 $0x200, s28  }
0x1a: {  	[tilespmem:s26+$0x18270] =	vst v0  }
0x1b: {  	[tilespmem:s26+$0x18200] =	vst v0  }
0x1c: {  	[tilespmem:s26+$0x18210] =	vst v0  }
0x1d: {  	[tilespmem:s26+$0x18220] =	vst v0  }
0x1e: {  	[tilespmem:s26+$0x18230] =	vst v0  }
0x1f: {  	[tilespmem:s26+$0x18240] =	vst v0  }
0x20: {  	[tilespmem:s26+$0x18250] =	vst v0  }
0x21: {  	[tilespmem:s26+$0x18260] =	vst v0  }
0x22: {  	[spmem:s5] =	stream.linear.scatter [tilespmem:s16], [sflag:$0x2], $0x2800, $0x38;
	[tilespmem:$0x1D200] =	vst v63  }
0x23: {  	_ =	swait.ge [sflag:s17], $0x2800  }
0x24: {  	[sflag:s17] =	ssyncset.done $0x0  }
0x25: {  	[sflag:s17] =	ssyncadd.s32 $0xFFFFD800  }
0x26: {  	[spmem:s6] =	stream.linear.scatter [tilespmem:s16], [sflag:$0x2], $0x2800, $0x38;
	[tilespmem:$0x1D200] =	vst v63  }
0x27: {  	_ =	swait.ge [sflag:s17], $0x2800  }
0x28: {  	[sflag:s17] =	ssyncset.done $0x0  }
0x29: {  	[sflag:s17] =	ssyncadd.s32 $0xFFFFD800  }
0x2a: {  	[spmem:s7] =	stream.linear.scatter [tilespmem:s16], [sflag:$0x2], $0x2800, $0x38;
	[tilespmem:$0x1D200] =	vst v63  }
0x2b: {  	_ =	swait.ge [sflag:s17], $0x2800  }
0x2c: {  	[sflag:s17] =	ssyncset.done $0x0  }
0x2d: {  	[sflag:s17] =	ssyncadd.s32 $0xFFFFD800  }
0x2e: {  	[spmem:s8] =	stream.linear.scatter [tilespmem:s16], [sflag:$0x2], $0x2800, $0x38;
	[tilespmem:$0x1D200] =	vst v63  }
0x2f: {  	_ =	swait.ge [sflag:s17], $0x2800  }
0x30: {  	[sflag:s17] =	ssyncset.done $0x0  }
0x31: {  	[sflag:s17] =	ssyncadd.s32 $0xFFFFD800  }
0x32: {  	[spmem:s9] =	stream.linear.scatter [tilespmem:s16], [sflag:$0x2], $0x2800, $0x38;
	[tilespmem:$0x1D200] =	vst v63  }
0x33: {  	_ =	swait.ge [sflag:s17], $0x2800  }
0x34: {  	[sflag:s17] =	ssyncset.done $0x0  }
0x35: {  	[sflag:s17] =	ssyncadd.s32 $0xFFFFD800  }
0x36: {  	[spmem:s10] =	stream.linear.scatter [tilespmem:s16], [sflag:$0x2], $0x2800, $0x38;
	[tilespmem:$0x1D200] =	vst v63  }
0x37: {  	_ =	swait.ge [sflag:s17], $0x2800  }
0x38: {  	[sflag:s17] =	ssyncset.done $0x0  }
0x39: {  	[sflag:s17] =	ssyncadd.s32 $0xFFFFD800  }
0x3a: {  	[spmem:s11] =	stream.linear.scatter [tilespmem:s16], [sflag:$0x2], $0x2800, $0x38;
	[tilespmem:$0x1D200] =	vst v63  }
0x3b: {  	_ =	swait.ge [sflag:s17], $0x2800  }
0x3c: {  	[sflag:s17] =	ssyncset.done $0x0  }
0x3d: {  	[sflag:s17] =	ssyncadd.s32 $0xFFFFD800  }
0x3e: {  	[spmem:s12] =	stream.linear.scatter [tilespmem:s16], [sflag:$0x2], $0x2800, $0x38;
	[tilespmem:$0x1D200] =	vst v63  }
0x3f: {  	_ =	swait.ge [sflag:s17], $0x2800  }
0x40: {  	[sflag:s17] =	ssyncset.done $0x0  }
0x41: {  	s31 =	simm.s32 $0x0;
	[sflag:s17] =	ssyncadd.s32 $0xFFFFD800  }
0x42: {  	[tilespmem:s18], [sflag:$0x2] =	stream.linear.gather [hbm4b:s13+s31], $0x3E80, $0x38;
	[tilespmem:$0x1D200] =	vst v63  }
0x43: {  	_ =	swait.ge [sflag:s17], $0x3E80  }
0x44: {  	[sflag:s17] =	ssyncset.done $0x0  }
0x45: {  	[sflag:s17] =	ssyncadd.s32 $0xFFFFC180  }
0x46: {  	[bflag:$0x0] =	sbarrier.arrive $0xFFFF  }
0x47: {  	v1 =	vld [tilespmem:$0x14000];
	_ =	sdelay $0x1  }
0x48: {  	v2 =	vld [tilespmem:$0x14010];
	_ =	sdelay $0x1  }
0x49: {  	v3 =	vld [tilespmem:$0x14020]  }
0x4a: {  	v4 =	vand.u32 $0xFFFF, v1  }
0x4b: {  	v63 =	vld [tilespmem:$0x14030];
	v1 =	vshrl.u32 v1, $0x10;
	[tilespmem:$0x18000] =	vst v4  }
0x4c: {  	[tilespmem:$0x18080] =	vst v1;
	v1 =	vand.u32 $0xFFFF, v2  }
0x4d: {  	[tilespmem:$0x18010] =	vst v1;
	v1 =	vshrl.u32 v2, $0x10;
	v2 =	vld [tilespmem:$0x14040]  }
0x4e: {  	[tilespmem:$0x18090] =	vst v1;
	v1 =	vand.u32 $0xFFFF, v3  }
0x4f: {  	[tilespmem:$0x18020] =	vst v1;
	v1 =	vshrl.u32 v3, $0x10  }
0x50: {  	[tilespmem:$0x180A0] =	vst v1;
	v1 =	vand.u32 $0xFFFF, v63  }
0x51: {  	[tilespmem:$0x18030] =	vst v1;
	v1 =	vshrl.u32 v63, $0x10  }
0x52: {  	[tilespmem:$0x180B0] =	vst v1;
	v1 =	vand.u32 $0xFFFF, v2  }
0x53: {  	[tilespmem:$0x18040] =	vst v1;
	v1 =	vshrl.u32 v2, $0x10  }
0x54: {  	[tilespmem:$0x180C0] =	vst v1  }
0x55: {  	[tilespmem:s16], [sflag:$0x1] =	stream.indirect.gather [hbm4b:s0+s19], $0x80, s20, s19, $0xb8;
	[tilespmem:$0x1D200] =	vst v63  }
0x56: {  	_ =	swait.ge [sflag:s21], $0x2800  }
0x57: {  	[sflag:s21] =	ssyncset.done $0x0  }
0x58: {  	s28 =	simm.s32 $0x0;
	[sflag:s21] =	ssyncadd.s32 $0xFFFFD800  }
0x59: {  	v1 =	vld [tilespmem:s28+$0x14080];
	_ =	sdelay $0x4  }
0x5a: {  	v2 =	vand.u32 $0xFFFF, v1  }
0x5b: {  	v1 =	vshrl.u32 v1, $0x10;
	[tilespmem:$0x18100] =	vst v2  }
0x5c: {  	[tilespmem:$0x18180] =	vst v1  }
0x5d: {  	v1 =	vld [tilespmem:s28+$0x14090];
	_ =	sdelay $0x4  }
0x5e: {  	v2 =	vand.u32 $0xFFFF, v1  }
0x5f: {  	v1 =	vshrl.u32 v1, $0x10;
	[tilespmem:$0x18110] =	vst v2  }
0x60: {  	[tilespmem:$0x18190] =	vst v1  }
0x61: {  	v1 =	vld [tilespmem:s28+$0x140A0];
	_ =	sdelay $0x4  }
0x62: {  	v2 =	vand.u32 $0xFFFF, v1  }
0x63: {  	v1 =	vshrl.u32 v1, $0x10;
	[tilespmem:$0x18120] =	vst v2  }
0x64: {  	[tilespmem:$0x181A0] =	vst v1  }
0x65: {  	v1 =	vld [tilespmem:s28+$0x140B0];
	_ =	sdelay $0x4  }
0x66: {  	v2 =	vand.u32 $0xFFFF, v1  }
0x67: {  	v1 =	vshrl.u32 v1, $0x10;
	[tilespmem:$0x18130] =	vst v2  }
0x68: {  	[tilespmem:$0x181B0] =	vst v1  }
0x69: {  	v1 =	vld [tilespmem:s28+$0x140C0];
	_ =	sdelay $0x4  }
0x6a: {  	v2 =	vand.u32 $0xFFFF, v1  }
0x6b: {  	v1 =	vshrl.u32 v1, $0x10;
	[tilespmem:$0x18140] =	vst v2  }
0x6c: {  	[tilespmem:$0x181C0] =	vst v1  }
0x6d: {  	[tilespmem:s23], [sflag:$0x1] =	stream.indirect.gather [hbm4b:s0+s19], $0x80, s22, s19, $0xb8;
	[tilespmem:$0x1D200] =	vst v63  }
0x6e: {  	_ = 	snop  }
0x6f: {  	[spmem:s3] =	stream.indirect.scatter.add.f32 [tilespmem:s16], [sflag:$0x2], $0x80, s24, s19, $0xb8;
	[tilespmem:$0x1D200] =	vst v63  }
0x70: {  	_ =	swait.ge [sflag:s17], $0x2800  }
0x71: {  	[sflag:s17] =	ssyncset.done $0x0  }
0x72: {  	[sflag:s17] =	ssyncadd.s32 $0xFFFFD800  }
0x73: {  	_ =	swait.ge [sflag:s21], $0x2800  }
0x74: {  	[sflag:s21] =	ssyncset.done $0x0  }
0x75: {  	[sflag:s21] =	ssyncadd.s32 $0xFFFFD800  }
0x76: {  	v1 =	vld [tilespmem:s28+$0x14100];
	_ =	sdelay $0x4  }
0x77: {  	v2 =	vand.u32 $0xFFFF, v1  }
0x78: {  	v1 =	vshrl.u32 v1, $0x10;
	[tilespmem:$0x18000] =	vst v2  }
0x79: {  	[tilespmem:$0x18080] =	vst v1  }
0x7a: {  	v1 =	vld [tilespmem:s28+$0x14110];
	_ =	sdelay $0x4  }
0x7b: {  	v2 =	vand.u32 $0xFFFF, v1  }
0x7c: {  	v1 =	vshrl.u32 v1, $0x10;
	[tilespmem:$0x18010] =	vst v2  }
0x7d: {  	[tilespmem:$0x18090] =	vst v1  }
0x7e: {  	v1 =	vld [tilespmem:s28+$0x14120];
	_ =	sdelay $0x4  }
0x7f: {  	v2 =	vand.u32 $0xFFFF, v1  }
0x80: {  	v1 =	vshrl.u32 v1, $0x10;
	[tilespmem:$0x18020] =	vst v2  }
0x81: {  	[tilespmem:$0x180A0] =	vst v1  }
0x82: {  	v1 =	vld [tilespmem:s28+$0x14130];
	_ =	sdelay $0x4  }
0x83: {  	v2 =	vand.u32 $0xFFFF, v1  }
0x84: {  	v1 =	vshrl.u32 v1, $0x10;
	[tilespmem:$0x18030] =	vst v2  }
0x85: {  	[tilespmem:$0x180B0] =	vst v1  }
0x86: {  	s26 =	simm.s32 $0x400;
	v1 =	vld [tilespmem:s28+$0x14140]  }
.LBB2_4:
0x87: {  	_ =	sdelay $0x1  }
0x88: {  	p0 =	sne.s32 s26, $0xF400;
	s28 =	smov.u32 s26;
	s26 =	sadd.s32 $0x400, s26  }
0x89: {  	_ = 	snop  }
0x8a: {  	v2 =	vand.u32 $0xFFFF, v1;
	v1 =	vshrl.u32 v1, $0x10  }
0x8b: {  	[tilespmem:$0x18040] =	vst v2  }
0x8c: {  	[tilespmem:$0x180C0] =	vst v1  }
0x8d: {  	[tilespmem:s16], [sflag:$0x1] =	stream.indirect.gather [hbm4b:s0+s19], $0x80, s20, s19, $0xb8;
	[tilespmem:$0x1D200] =	vst v63  }
0x8e: {  	_ = 	snop  }
0x8f: {  	[spmem:s3] =	stream.indirect.scatter.add.f32 [tilespmem:s23], [sflag:$0x2], $0x80, s25, s19, $0xb8;
	[tilespmem:$0x1D200] =	vst v63  }
0x90: {  	_ =	swait.ge [sflag:s17], $0x2800  }
0x91: {  	[sflag:s17] =	ssyncset.done $0x0  }
0x92: {  	[sflag:s17] =	ssyncadd.s32 $0xFFFFD800  }
0x93: {  	_ =	swait.ge [sflag:s21], $0x2800  }
0x94: {  	[sflag:s21] =	ssyncset.done $0x0  }
0x95: {  	s28 =	sshra.s32 s28, $0x2;
	[sflag:s21] =	ssyncadd.s32 $0xFFFFD800  }
0x96: {  	v1 =	vld [tilespmem:s28+$0x14080];
	_ =	sdelay $0x4  }
0x97: {  	v2 =	vand.u32 $0xFFFF, v1;
	v1 =	vshrl.u32 v1, $0x10  }
0x98: {  	[tilespmem:$0x18100] =	vst v2  }
0x99: {  	[tilespmem:$0x18180] =	vst v1  }
0x9a: {  	v1 =	vld [tilespmem:s28+$0x14090];
	_ =	sdelay $0x4  }
0x9b: {  	v2 =	vand.u32 $0xFFFF, v1;
	v1 =	vshrl.u32 v1, $0x10  }
0x9c: {  	[tilespmem:$0x18110] =	vst v2  }
0x9d: {  	[tilespmem:$0x18190] =	vst v1  }
0x9e: {  	v1 =	vld [tilespmem:s28+$0x140A0];
	_ =	sdelay $0x4  }
0x9f: {  	v2 =	vand.u32 $0xFFFF, v1;
	v1 =	vshrl.u32 v1, $0x10  }
0xa0: {  	[tilespmem:$0x18120] =	vst v2  }
0xa1: {  	[tilespmem:$0x181A0] =	vst v1  }
0xa2: {  	v1 =	vld [tilespmem:s28+$0x140B0];
	_ =	sdelay $0x4  }
0xa3: {  	v2 =	vand.u32 $0xFFFF, v1;
	v1 =	vshrl.u32 v1, $0x10  }
0xa4: {  	[tilespmem:$0x18130] =	vst v2  }
0xa5: {  	[tilespmem:$0x181B0] =	vst v1  }
0xa6: {  	v1 =	vld [tilespmem:s28+$0x140C0];
	_ =	sdelay $0x4  }
0xa7: {  	v2 =	vand.u32 $0xFFFF, v1;
	v1 =	vshrl.u32 v1, $0x10  }
0xa8: {  	[tilespmem:$0x18140] =	vst v2  }
0xa9: {  	[tilespmem:$0x181C0] =	vst v1  }
0xaa: {  	[tilespmem:s23], [sflag:$0x1] =	stream.indirect.gather [hbm4b:s0+s19], $0x80, s22, s19, $0xb8;
	[tilespmem:$0x1D200] =	vst v63  }
0xab: {  	_ = 	snop  }
0xac: {  	[spmem:s3] =	stream.indirect.scatter.add.f32 [tilespmem:s16], [sflag:$0x2], $0x80, s24, s19, $0xb8;
	[tilespmem:$0x1D200] =	vst v63  }
0xad: {  	_ =	swait.ge [sflag:s17], $0x2800  }
0xae: {  	[sflag:s17] =	ssyncset.done $0x0  }
0xaf: {  	[sflag:s17] =	ssyncadd.s32 $0xFFFFD800  }
0xb0: {  	_ =	swait.ge [sflag:s21], $0x2800  }
0xb1: {  	[sflag:s21] =	ssyncset.done $0x0  }
0xb2: {  	[sflag:s21] =	ssyncadd.s32 $0xFFFFD800  }
0xb3: {  	v1 =	vld [tilespmem:s28+$0x14100];
	_ =	sdelay $0x4  }
0xb4: {  	v2 =	vand.u32 $0xFFFF, v1;
	v1 =	vshrl.u32 v1, $0x10  }
0xb5: {  	[tilespmem:$0x18000] =	vst v2  }
0xb6: {  	[tilespmem:$0x18080] =	vst v1  }
0xb7: {  	v1 =	vld [tilespmem:s28+$0x14110];
	_ =	sdelay $0x4  }
0xb8: {  	v2 =	vand.u32 $0xFFFF, v1;
	v1 =	vshrl.u32 v1, $0x10  }
0xb9: {  	[tilespmem:$0x18010] =	vst v2  }
0xba: {  	[tilespmem:$0x18090] =	vst v1  }
0xbb: {  	v1 =	vld [tilespmem:s28+$0x14120];
	_ =	sdelay $0x4  }
0xbc: {  	v2 =	vand.u32 $0xFFFF, v1;
	v1 =	vshrl.u32 v1, $0x10  }
0xbd: {  	[tilespmem:$0x18020] =	vst v2  }
0xbe: {  	[tilespmem:$0x180A0] =	vst v1  }
0xbf: {  	v1 =	vld [tilespmem:s28+$0x14130];
	_ =	sdelay $0x3  }
.Ltmp1:
0xc0: {  	(pc) =	sbr.rel @p0 .LBB2_4-.Ltmp1, $4  }
0xc1: {  	v2 =	vand.u32 $0xFFFF, v1;
	v1 =	vshrl.u32 v1, $0x10  }
0xc2: {  	[tilespmem:$0x18030] =	vst v2  }
0xc3: {  	[tilespmem:$0x180B0] =	vst v1  }
0xc4: {  	v1 =	vld [tilespmem:s28+$0x14140]  }
0xc5: {  	_ =	sdelay $0x3  }
0xc6: {  	v2 =	vand.u32 $0xFFFF, v1  }
0xc7: {  	v1 =	vshrl.u32 v1, $0x10;
	[tilespmem:$0x18040] =	vst v2  }
0xc8: {  	[tilespmem:$0x180C0] =	vst v1  }
0xc9: {  	[tilespmem:s16], [sflag:$0x1] =	stream.indirect.gather [hbm4b:s0+s19], $0x80, s20, s19, $0xb8;
	[tilespmem:$0x1D200] =	vst v63  }
0xca: {  	_ = 	snop  }
0xcb: {  	[spmem:s3] =	stream.indirect.scatter.add.f32 [tilespmem:s23], [sflag:$0x2], $0x80, s25, s19, $0xb8;
	[tilespmem:$0x1D200] =	vst v63  }
0xcc: {  	_ =	swait.ge [sflag:s17], $0x2800  }
0xcd: {  	[sflag:s17] =	ssyncset.done $0x0  }
0xce: {  	[sflag:s17] =	ssyncadd.s32 $0xFFFFD800  }
0xcf: {  	_ =	swait.ge [sflag:s21], $0x2800  }
0xd0: {  	[sflag:s21] =	ssyncset.done $0x0  }
0xd1: {  	[sflag:s21] =	ssyncadd.s32 $0xFFFFD800  }
0xd2: {  	[spmem:s3] =	stream.indirect.scatter.add.f32 [tilespmem:s16], [sflag:$0x2], $0x80, s24, s19, $0xb8;
	[tilespmem:$0x1D200] =	vst v63  }
0xd3: {  	_ =	swait.ge [sflag:s17], $0x2800  }
0xd4: {  	s26 =	sshll.u32 s2, $0x6;
	s4 =	sadd.s32 $0x1, s4;
	[sflag:s17] =	ssyncset.done $0x0  }
0xd5: {  	s28 =	sshrl.u32 s5, $0x3;
	p0 =	sne.s32 s4, s15;
	[sflag:s17] =	ssyncadd.s32 $0xFFFFD800  }
.Ltmp2:
0xd6: {  	s26 =	sor.u32 $0x1C02, s26;
	[bflag:$0x0] =	sbarrier.arrive $0xFFFF;
	(pc) =	sbr.rel @p0 .LBB2_1-.Ltmp2, $4  }
0xd7: {  	[hbm:s14], [sflag:s26] =	dma.local [spmem:s28], $0x2800  }
0xd8: {  	_ =	swait.ge [sflag:s17], $0x2800  }
0xd9: {  	[sflag:s17] =	ssyncset.done $0x0  }
0xda: {  	[sflag:s17] =	ssyncadd.s32 $0xFFFFD800  }
0xdb: {  	_ =	sfence.sel $0x180000  }
0xdc: {  	[bflag:$0x0] =	sbarrier.arrive $0xFFFF  }
0xdd: {  	p0 =	sne.s32 s2, $0x0;
	_ =	strace $0x90000053  }
0xde: {  	s0 =	sadd.s32 @!p0 $0x100000, s1;
	[bflag:$0x2] =	sbarrier.arrive $0xFFFF  }
0xdf: {  	[sflag:s0] =	ssyncadd.tile.s32 @!p0 $0x1;
	_ =	shalt  }
.Lfunc_end2:
_tile_overlayer_lowered:
.L_overlay_start_2:
0xe0: {  	(tag) =	ssettag $0x2  }
0xe1: {  	s0 =	rddreg [dreg:$0x0];
	s2 =	stileid.u32  }
0xe2: {  	s1 =	rddreg [dreg:$0x1];
	p0 =	sne.s32 s2, $0x0  }
0xe3: {  	s3 =	rddreg [dreg:$0x2];
	[bflag:$0x3] =	sbarrier.arrive $0xFFFF;
	s2 =	simm.s32 @!p0 $0x1C02  }
0xe4: {  	[timem:s3], [sflag:s2] =	dma.local @!p0 [hbm:s0], s1  }
0xe5: {  	s0 =	simm.s32 @!p0 $0x2  }
0xe6: {  	_ =	swait.ge @!p0 [sflag:s0], s1  }
0xe7: {  	s1 =	ssub.s32 @!p0 $0x0, s1;
	[sflag:s0] =	ssyncset.done @!p0 $0x0  }
0xe8: {  	[sflag:s0] =	ssyncadd.s32 @!p0 s1  }
0xe9: {  	[bflag:$0x3] =	sbarrier.arrive $0xFFFF  }
0xea: {  	_ =	shalt  }

</sc_bundles>
